<compile_context>
chip_gen: v7x
topology: tpu7x:2x2x1
jax: 0.10.2.dev20260603
libtpu: 0.0.44.dev20260713+nightly
codegen_flags: <defaults>
</compile_context>

<pallas_src>
import jax
import jax.numpy as jnp
from jax import lax
from jax.experimental import pallas as pl
from jax.experimental.pallas import tpu as pltpu
from jax.experimental.pallas import tpu_sc as plsc

N = 10000
E = 320000
ATT_DIM = 128
H1 = 96

NSC = 2
NTILE = 16
EPT = E // NTILE
C = 96
BN = C * N
NBUCKET = -(-N // C)
B_PER_CORE = 53
NU = 4
HSZ = (NBUCKET + 2) * 16
DUMPBASE = BN
NSLOT = BN + 512
CHUNK = 256
SB = 2000
LSZ = EPT + HSZ + CHUNK
VSZ = EPT + CHUNK
NP = 10240


def _scores_body(x_ref, w1_ref, b1_ref, w2t_ref, b2_ref, attw_ref, eemb_ref,
                 scores_ref, aux_ref):
  h = jnp.dot(x_ref[...], w1_ref[...], preferred_element_type=jnp.float32)
  h = h + b1_ref[...]
  h = jnp.where(h >= 0.0, h, 0.2 * h)
  sc = jnp.sum(h * w2t_ref[...], axis=1, keepdims=True) + b2_ref[0, 0]
  scores_ref[...] = sc
  spart = jnp.sum(sc)
  lanei = lax.broadcasted_iota(jnp.int32, (1, 16), 1)
  i = pl.program_id(0)

  @pl.when(i == 0)
  def _():
    a = attw_ref[0, 0]
    b = attw_ref[0, 21]
    cc = jnp.sum(attw_ref[0, 1:21] * eemb_ref[0, :])
    aux_ref[...] = (jnp.where(lanei == 0, spart, 0.0)
                    + jnp.where(lanei == 1, a, 0.0)
                    + jnp.where(lanei == 2, b, 0.0)
                    + jnp.where(lanei == 3, cc, 0.0))

  @pl.when(i > 0)
  def _():
    aux_ref[...] = aux_ref[...] + jnp.where(lanei == 0, spart, 0.0)


def _scores_call(x, w1, b1r, w2t, b2r, attwt, eemb):
  grid = 5
  r = N // grid
  return pl.pallas_call(
      _scores_body,
      grid=(grid,),
      in_specs=[
          pl.BlockSpec((r, ATT_DIM), lambda i: (i, 0)),
          pl.BlockSpec((ATT_DIM, H1), lambda i: (0, 0)),
          pl.BlockSpec((1, H1), lambda i: (0, 0)),
          pl.BlockSpec((1, H1), lambda i: (0, 0)),
          pl.BlockSpec((1, 1), lambda i: (0, 0)),
          pl.BlockSpec((1, 22), lambda i: (0, 0)),
          pl.BlockSpec((1, 20), lambda i: (0, 0)),
      ],
      out_specs=[
          pl.BlockSpec((r, 1), lambda i: (i, 0)),
          pl.BlockSpec((1, 16), lambda i: (0, 0)),
      ],
      out_shape=[
          jax.ShapeDtypeStruct((N, 1), jnp.float32),
          jax.ShapeDtypeStruct((1, 16), jnp.float32),
      ],
  )(x, w1, b1r, w2t, b2r, attwt, eemb)


def _edge_body(src_hbm, dst_hbm, scores_hbm, aux_hbm,
               num_hbm, den_hbm,
               sc_scores, sbuf, dbuf, sorted_k, v_l, bases,
               ctr0, ctr1, ctr2, ctr3, aux_v,
               zeros_c, ones_c, vm_c, srci_c, wnum_c, wden_c, att_c, tail_s,
               nd_sem1, nd_sem2,
               table, num_s, den_s):
  c = lax.axis_index("c")
  s = lax.axis_index("s")
  lane = lax.iota(jnp.int32, 16)
  lane15 = jnp.full((16, 1), 15, jnp.int32)
  gdn = lax.GatherDimensionNumbers(offset_dims=(), collapsed_slice_dims=(0,),
                                   start_index_map=(0,))

  def _splat_last(v):
    return lax.gather(v, lane15, gdn, (1,),
                      mode=lax.GatherScatterMode.PROMISE_IN_BOUNDS)

  pltpu.sync_copy(scores_hbm, sc_scores)
  pltpu.sync_copy(aux_hbm, aux_v)
  auxvec = aux_v[pl.ds(0, 16)]
  a_c = auxvec[1]
  b_c = auxvec[2]
  c_c = auxvec[3]

  base_e = s * EPT

  def _zsmall(i, _):
    sl = pl.ds(i * 16, 16)
    zeros_c[sl] = jnp.zeros((16,), jnp.float32)
    ones_c[sl] = jnp.ones((16,), jnp.float32)
    return 0

  lax.fori_loop(0, CHUNK // 16, _zsmall, 0, unroll=False)

  ctrs = (ctr0, ctr1, ctr2, ctr3)

  def _zh(i, _):
    sl = pl.ds(i * 16, 16)
    z = jnp.zeros((16,), jnp.int32)
    ctr0[sl] = z
    ctr1[sl] = z
    ctr2[sl] = z
    ctr3[sl] = z
    return 0

  lax.fori_loop(0, HSZ // 16, _zh, 0, unroll=False)

  def _histc(cb, _):
    pltpu.sync_copy(dst_hbm.at[pl.ds(base_e + cb * SB, SB)], dbuf)

    def _hist(i, _):
      for u in range(NU):
        sl = pl.ds(i * (16 * NU) + u * 16, 16)
        cell = (dbuf[sl] // C) * 16 + lane
        old = plsc.load_gather(ctrs[u], [cell])
        plsc.store_scatter(ctrs[u], [cell], old + 1)
      return 0

    lax.fori_loop(0, SB // (16 * NU), _hist, 0, unroll=False)

    def _htail(i, _):
      sl = pl.ds((SB // (16 * NU)) * (16 * NU) + i * 16, 16)
      cell = (dbuf[sl] // C) * 16 + lane
      old = plsc.load_gather(ctr0, [cell])
      plsc.store_scatter(ctr0, [cell], old + 1)
      return 0

    lax.fori_loop(0, (SB % (16 * NU)) // 16, _htail, 0, unroll=False)
    return 0

  lax.fori_loop(0, EPT // SB, _histc, 0, unroll=False)

  def _prefix(bb, carry):
    carry = (carry + 15) & jnp.int32(-16)
    sl = pl.ds(bb * 16, 16)
    for u in range(NU):
      h = ctrs[u][sl]
      incl = plsc.cumsum(h)
      excl = carry + incl - h
      if u == 0:
        bases[sl] = excl
      ctrs[u][sl] = excl
      carry = carry + _splat_last(incl)
    return carry

  lax.fori_loop(0, HSZ // 16, _prefix, jnp.zeros((16,), jnp.int32),
                unroll=False)

  def _scatc(cb, _):
    pltpu.sync_copy(src_hbm.at[pl.ds(base_e + cb * SB, SB)], sbuf)
    pltpu.sync_copy(dst_hbm.at[pl.ds(base_e + cb * SB, SB)], dbuf)

    def _scat1(sl, cu):
      sv = sbuf[sl]
      dv = dbuf[sl]
      b = dv // C
      cell = b * 16 + lane
      pos = plsc.load_gather(cu, [cell])
      plsc.store_scatter(cu, [cell], pos + 1)
      plsc.store_scatter(sorted_k, [pos], (dv - b * C) * N + sv)

    def _scat(i, _):
      for u in range(NU):
        _scat1(pl.ds(i * (16 * NU) + u * 16, 16), ctrs[u])
      return 0

    lax.fori_loop(0, SB // (16 * NU), _scat, 0, unroll=False)

    def _stail(i, _):
      _scat1(pl.ds((SB // (16 * NU)) * (16 * NU) + i * 16, 16), ctr0)
      return 0

    lax.fori_loop(0, (SB % (16 * NU)) // 16, _stail, 0, unroll=False)
    return 0

  lax.fori_loop(0, EPT // SB, _scatc, 0, unroll=False)

  def _znd(j, _):
    k = s + j * 16

    @pl.when(k < NP // CHUNK)
    def _():
      pltpu.sync_copy(zeros_c, num_s.at[pl.ds(k * CHUNK, CHUNK)])
      pltpu.sync_copy(zeros_c, den_s.at[pl.ds(k * CHUNK, CHUNK)])
    return 0

  lax.fori_loop(0, -(-(NP // CHUNK) // 16), _znd, 0, unroll=False)

  plsc.subcore_barrier()

  def _bucket(b_i, _):
    bkt = c * B_PER_CORE + b_i
    base_dst = bkt * C
    start = pl.multiple_of(bases[pl.ds(bkt * 16, 16)][0], 16)
    end = ctr3[pl.ds(bkt * 16, 16)][15]
    cnt = end - start
    nfull = cnt // CHUNK
    rem = cnt - nfull * CHUNK

    @pl.when(rem > 0)
    def _():
      def _tl(j, _):
        p = j * 16 + lane
        v = sorted_k[pl.ds(start + nfull * CHUNK + j * 16, 16)]
        valid = (nfull * CHUNK + p) < cnt
        tail_s[pl.ds(j * 16, 16)] = jnp.where(valid, v, DUMPBASE + p)
        return 0
      lax.fori_loop(0, CHUNK // 16, _tl, 0, unroll=False)

    def _att_into(slot):
      isdump = slot >= DUMPBASE
      srcv = slot % N
      dstv = jnp.where(isdump, 0, base_dst + slot // N)
      ssrc = plsc.load_gather(sc_scores, [srcv])
      sdst = plsc.load_gather(sc_scores, [dstv])
      return jnp.where(isdump, 0.0, a_c * ssrc + b_c * sdst + c_c)

    def _p1(k, _):
      pltpu.sync_copy(zeros_c, table.at[sorted_k.at[pl.ds(start + k * CHUNK,
                                                          CHUNK)]])
      return 0
    lax.fori_loop(0, nfull, _p1, 0, unroll=False)

    @pl.when(rem > 0)
    def _():
      pltpu.sync_copy(zeros_c, table.at[tail_s])
    plsc.subcore_barrier()

    def _p2(k, _):
      def _a(j, _):
        att_c[pl.ds(j * 16, 16)] = _att_into(
            sorted_k[pl.ds(start + k * CHUNK + j * 16, 16)])
        return 0
      lax.fori_loop(0, CHUNK // 16, _a, 0, unroll=False)
      pltpu.sync_copy(att_c, table.at[sorted_k.at[pl.ds(start + k * CHUNK,
                                                        CHUNK)]], add=True)
      return 0
    lax.fori_loop(0, nfull, _p2, 0, unroll=False)

    @pl.when(rem > 0)
    def _():
      def _a(j, _):
        att_c[pl.ds(j * 16, 16)] = _att_into(tail_s[pl.ds(j * 16, 16)])
        return 0
      lax.fori_loop(0, CHUNK // 16, _a, 0, unroll=False)
      pltpu.sync_copy(att_c, table.at[tail_s], add=True)
    plsc.subcore_barrier()

    def _p3(k, _):
      pltpu.sync_copy(table.at[sorted_k.at[pl.ds(start + k * CHUNK, CHUNK)]],
                      v_l.at[pl.ds(k * CHUNK, CHUNK)])
      return 0
    lax.fori_loop(0, nfull, _p3, 0, unroll=False)

    @pl.when(rem > 0)
    def _():
      pltpu.sync_copy(table.at[tail_s], v_l.at[pl.ds(nfull * CHUNK, CHUNK)])
    plsc.subcore_barrier()

    def _p4(k, _):
      pltpu.sync_copy(ones_c, table.at[sorted_k.at[pl.ds(start + k * CHUNK,
                                                         CHUNK)]], add=True)
      return 0
    lax.fori_loop(0, nfull, _p4, 0, unroll=False)

    @pl.when(rem > 0)
    def _():
      pltpu.sync_copy(ones_c, table.at[tail_s], add=True)
    plsc.subcore_barrier()

    def _p56_chunk(k, is_tail):
      if is_tail:
        pltpu.sync_copy(table.at[tail_s], vm_c)
      else:
        pltpu.sync_copy(table.at[sorted_k.at[pl.ds(start + k * CHUNK, CHUNK)]],
                        vm_c)

      def _inner(j, _):
        slc = pl.ds(j * 16, 16)
        if is_tail:
          slot = tail_s[slc]
          v = v_l[pl.ds(nfull * CHUNK + j * 16, 16)]
        else:
          slot = sorted_k[pl.ds(start + k * CHUNK + j * 16, 16)]
          v = v_l[pl.ds(k * CHUNK + j * 16, 16)]
        vm = vm_c[slc]
        mult = jnp.maximum((vm - v + 0.5).astype(jnp.int32)
                           .astype(jnp.float32), 1.0)
        lrel = jnp.where(v >= 0.0, v, 0.2 * v)
        w = (jnp.exp(lrel) - 1.0) / mult
        isdump = slot >= DUMPBASE
        srcv = slot % N
        dstv = jnp.where(isdump, 0, base_dst + slot // N)
        w = jnp.where(isdump, 0.0, w)
        sdst = plsc.load_gather(sc_scores, [dstv])
        srci_c[slc] = jnp.where(isdump, N + (slot - DUMPBASE) % 128, srcv)
        wnum_c[slc] = w * sdst
        wden_c[slc] = w
        return 0

      lax.fori_loop(0, CHUNK // 16, _inner, 0, unroll=False)
      d1 = pltpu.async_copy(wnum_c, num_s.at[srci_c], nd_sem1, add=True)
      d2 = pltpu.async_copy(wden_c, den_s.at[srci_c], nd_sem2, add=True)
      d1.wait()
      d2.wait()

    def _p56(k, _):
      _p56_chunk(k, False)
      return 0
    lax.fori_loop(0, nfull, _p56, 0, unroll=False)

    @pl.when(rem > 0)
    def _():
      _p56_chunk(0, True)
    plsc.subcore_barrier()
    return 0

  lax.fori_loop(0, B_PER_CORE, _bucket, 0, unroll=False)

  plsc.subcore_barrier()

  @pl.when(s == 0)
  def _():
    pltpu.sync_copy(num_s, num_hbm.at[c])
    pltpu.sync_copy(den_s, den_hbm.at[c])


def _edge_call(src, dst, scores, aux):
  mesh = plsc.VectorSubcoreMesh(core_axis_name="c", subcore_axis_name="s")
  f = pl.kernel(
      _edge_body,
      out_type=[
          jax.ShapeDtypeStruct((NSC, NP), jnp.float32),
          jax.ShapeDtypeStruct((NSC, NP), jnp.float32),
      ],
      mesh=mesh,
      compiler_params=pltpu.CompilerParams(use_tc_tiling_on_sc=False,
                                           needs_layout_passes=False),
      scratch_types=[
          pltpu.VMEM((N,), jnp.float32),
          pltpu.VMEM((SB,), jnp.int32),
          pltpu.VMEM((SB,), jnp.int32),
          pltpu.VMEM((LSZ,), jnp.int32),
          pltpu.VMEM((VSZ,), jnp.float32),
          pltpu.VMEM((HSZ,), jnp.int32),
          pltpu.VMEM((HSZ,), jnp.int32),
          pltpu.VMEM((HSZ,), jnp.int32),
          pltpu.VMEM((HSZ,), jnp.int32),
          pltpu.VMEM((HSZ,), jnp.int32),
          pltpu.VMEM((16,), jnp.float32),
          pltpu.VMEM((CHUNK,), jnp.float32),
          pltpu.VMEM((CHUNK,), jnp.float32),
          pltpu.VMEM((CHUNK,), jnp.float32),
          pltpu.VMEM((CHUNK,), jnp.int32),
          pltpu.VMEM((CHUNK,), jnp.float32),
          pltpu.VMEM((CHUNK,), jnp.float32),
          pltpu.VMEM((CHUNK,), jnp.float32),
          pltpu.VMEM((CHUNK,), jnp.int32),
          pltpu.SemaphoreType.DMA,
          pltpu.SemaphoreType.DMA,
          pltpu.VMEM_SHARED((NSLOT,), jnp.float32),
          pltpu.VMEM_SHARED((NP,), jnp.float32),
          pltpu.VMEM_SHARED((NP,), jnp.float32),
      ],
  )
  return f(src, dst, scores, aux)


def _final_body(num_ref, den_ref, aux_ref, out_ref):
  s_tot = aux_ref[0, 0]
  nsum = num_ref[0, :] + num_ref[1, :]
  dsum = den_ref[0, :] + den_ref[1, :]
  res = (s_tot + nsum) / (jnp.float32(N) + dsum)
  out_ref[...] = res[:, None]


def _final_call(num, den, aux):
  grid = 5
  r = NP // grid
  return pl.pallas_call(
      _final_body,
      grid=(grid,),
      in_specs=[
          pl.BlockSpec((2, r), lambda i: (0, i)),
          pl.BlockSpec((2, r), lambda i: (0, i)),
          pl.BlockSpec((1, 16), lambda i: (0, 0)),
      ],
      out_specs=pl.BlockSpec((r, 1), lambda i: (i, 0)),
      out_shape=jax.ShapeDtypeStruct((NP, 1), jnp.float32),
  )(num, den, aux)


@jax.jit
def kernel(x, edge_index, deg, W1, b1, W2, b2, edge_emb, att_w, gamma, beta):
  del deg, gamma, beta
  b1r = b1.reshape(1, H1)
  w2t = W2.reshape(1, H1)
  b2r = b2.reshape(1, 1)
  attwt = att_w.reshape(1, 22)
  scores2d, aux = _scores_call(x, W1, b1r, w2t, b2r, attwt, edge_emb)
  scores = scores2d.reshape(N)
  num, den = _edge_call(edge_index[0], edge_index[1], scores,
                        aux.reshape(16))
  return _final_call(num, den, aux)[:N]

# --- scband reference (transcript-rebuilt; emitter-appended) ---
"""Pipeline reference for scband-geni-4045859193726 (READ-ONLY COPY).

The authoritative reference and input builder live on the scoring server;
editing this copy changes nothing except your own understanding.
"""

import jax, jax.numpy as jnp
import numpy as np

N = 10000
E = 320000
ATT_DIM = 128
EDGE_EMB_DIM = 20
H1 = int(ATT_DIM * 0.75)


def _leaky_relu(v, s=0.2):
    return jnp.where(v >= 0, v, s * v)


def setup_inputs(seed: int = 0):
    key = jax.random.key(seed)
    ks = jax.random.split(key, 12)
    x = jax.random.normal(ks[0], (N, ATT_DIM), dtype=jnp.float32)
    edge_index = jax.random.randint(ks[1], (2, E), 0, N, dtype=jnp.int32)
    deg = jax.random.uniform(ks[2], (N, 1), dtype=jnp.float32, minval=1.0, maxval=64.0)
    W1 = jax.random.normal(ks[3], (ATT_DIM, H1), dtype=jnp.float32) * np.sqrt(2.0 / (ATT_DIM + H1))
    b1 = jnp.zeros((H1,), jnp.float32)
    W2 = jax.random.normal(ks[4], (H1, 1), dtype=jnp.float32) * np.sqrt(2.0 / (H1 + 1))
    b2 = jnp.zeros((1,), jnp.float32)
    edge_emb = jax.random.normal(ks[5], (1, EDGE_EMB_DIM), dtype=jnp.float32) * np.sqrt(2.0 / (1 + EDGE_EMB_DIM))
    att_w = jax.random.normal(ks[6], (EDGE_EMB_DIM + 2, 1), dtype=jnp.float32) * np.sqrt(2.0 / (EDGE_EMB_DIM + 3))
    gamma = jnp.ones((1,), jnp.float32)
    beta = jnp.zeros((1,), jnp.float32)
    return {"x": x, "edge_index": edge_index, "deg": deg, "W1": W1, "b1": b1,
            "W2": W2, "b2": b2, "edge_emb": edge_emb, "att_w": att_w,
            "gamma": gamma, "beta": beta}


def reference(x, edge_index, deg, W1, b1, W2, b2, edge_emb, att_w, gamma, beta):
    # ScoringNetwork: linear2(leaky_relu(linear1(input)))
    scores = _leaky_relu(x @ W1 + b1) @ W2 + b2  # [N, 1]
    src = edge_index[0]
    dst = edge_index[1]
    # ScoreAggregation with num_agg_layer=1, num_head_attentions=1, single edge type
    et = jnp.broadcast_to(edge_emb[0], (src.shape[0], EDGE_EMB_DIM))  # [E, 20]
    cat = jnp.concatenate([scores[src], et, scores[dst]], axis=-1)  # [E, 22]
    att_i = (cat @ att_w)[:, 0]  # [E]
    sum_att = jnp.zeros((N, N), jnp.float32).at[src, dst].add(att_i)
    att = _leaky_relu(sum_att)
    att = jax.nn.softmax(att, axis=-1)
    new_scores = att @ scores  # [N, 1]
    output_score = new_scores  # sum over 1 head / 1
    # CentralityAdjustment computes but returns its input unchanged (dead code in original)
    centrality = jnp.log(deg + 1e-10)
    _flex = gamma * centrality + beta
    _final = jax.nn.relu(_flex * output_score)
    return output_score

if __name__ == "__main__":
    import jax
    _d = setup_inputs()
    print(jax.jit(kernel)(*tuple(_d.values())))

</pallas_src>

<mosaic_0001>
#map = affine_map<(d0, d1) -> (0)>
#map1 = affine_map<(d0, d1) -> (0, 0)>
module attributes {stable_mosaic.version = 14 : i64} {
  func.func @_edge_body(%arg0: i32, %arg1: i32, %arg2: memref<320000xi32, #tpu.memory_space<hbm>>, %arg3: memref<320000xi32, #tpu.memory_space<hbm>>, %arg4: memref<10000xf32, #tpu.memory_space<hbm>>, %arg5: memref<16xf32, #tpu.memory_space<hbm>>, %arg6: memref<2x10240xf32, #tpu.memory_space<hbm>>, %arg7: memref<2x10240xf32, #tpu.memory_space<hbm>>, %arg8: memref<10000xf32, #tpu.memory_space<vmem>>, %arg9: memref<2000xi32, #tpu.memory_space<vmem>>, %arg10: memref<2000xi32, #tpu.memory_space<vmem>>, %arg11: memref<21968xi32, #tpu.memory_space<vmem>>, %arg12: memref<20256xf32, #tpu.memory_space<vmem>>, %arg13: memref<1712xi32, #tpu.memory_space<vmem>>, %arg14: memref<1712xi32, #tpu.memory_space<vmem>>, %arg15: memref<1712xi32, #tpu.memory_space<vmem>>, %arg16: memref<1712xi32, #tpu.memory_space<vmem>>, %arg17: memref<1712xi32, #tpu.memory_space<vmem>>, %arg18: memref<16xf32, #tpu.memory_space<vmem>>, %arg19: memref<256xf32, #tpu.memory_space<vmem>>, %arg20: memref<256xf32, #tpu.memory_space<vmem>>, %arg21: memref<256xf32, #tpu.memory_space<vmem>>, %arg22: memref<256xi32, #tpu.memory_space<vmem>>, %arg23: memref<256xf32, #tpu.memory_space<vmem>>, %arg24: memref<256xf32, #tpu.memory_space<vmem>>, %arg25: memref<256xf32, #tpu.memory_space<vmem>>, %arg26: memref<256xi32, #tpu.memory_space<vmem>>, %arg27: memref<!tpu.dma_semaphore, #tpu.memory_space<semaphore_mem>>, %arg28: memref<!tpu.dma_semaphore, #tpu.memory_space<semaphore_mem>>, %arg29: memref<960512xf32, #tpu.memory_space<vmem_shared>>, %arg30: memref<10240xf32, #tpu.memory_space<vmem_shared>>, %arg31: memref<10240xf32, #tpu.memory_space<vmem_shared>>) attributes {dimension_semantics = [#tpu.dimension_semantics<core_parallel>, #tpu.dimension_semantics<subcore_parallel>], iteration_bounds = array<i64: 2, 16>, scalar_prefetch = 0 : i64, scratch_operands = 24 : i64, tpu.core_type = #tpu.core_type<sc_vector_subcore>, window_params = [{transform_indices = #map}, {transform_indices = #map}, {transform_indices = #map}, {transform_indices = #map}, {transform_indices = #map1}, {transform_indices = #map1}]} {
    %iota3A = tpu.iota {dimensions = array<i32: 0>} : vector<16xi32>
    %broadcast_in_dim3A = arith.constant 15 : i32
    %broadcast_in_dim3A_0 = vector.broadcast %broadcast_in_dim3A : i32 to vector<16x1xi32>
    "tpu.region"() ({
      %run_scoped3A = tpu.sem_alloc : memref<!tpu.dma_semaphore, #tpu.memory_space<semaphore_mem>>
      tpu.enqueue_dma source(%arg4 : memref<10000xf32, #tpu.memory_space<hbm>>) target(%arg8 : memref<10000xf32, #tpu.memory_space<vmem>>) target_semaphore(%run_scoped3A : memref<!tpu.dma_semaphore, #tpu.memory_space<semaphore_mem>>)
      tpu.wait_dma2 semaphore(%run_scoped3A : memref<!tpu.dma_semaphore, #tpu.memory_space<semaphore_mem>>) src(%arg4 : memref<10000xf32, #tpu.memory_space<hbm>>) dst(%arg8 : memref<10000xf32, #tpu.memory_space<vmem>>)
      tpu.yield
    }) : () -> ()
    "tpu.region"() ({
      %run_scoped3A = tpu.sem_alloc : memref<!tpu.dma_semaphore, #tpu.memory_space<semaphore_mem>>
      tpu.enqueue_dma source(%arg5 : memref<16xf32, #tpu.memory_space<hbm>>) target(%arg18 : memref<16xf32, #tpu.memory_space<vmem>>) target_semaphore(%run_scoped3A : memref<!tpu.dma_semaphore, #tpu.memory_space<semaphore_mem>>)
      tpu.wait_dma2 semaphore(%run_scoped3A : memref<!tpu.dma_semaphore, #tpu.memory_space<semaphore_mem>>) src(%arg5 : memref<16xf32, #tpu.memory_space<hbm>>) dst(%arg18 : memref<16xf32, #tpu.memory_space<vmem>>)
      tpu.yield
    }) : () -> ()
    %get3A = arith.constant 0 : index
    %get3A_1 = tpu.vector_load %arg18[%get3A] {strides = array<i32>} : memref<16xf32, #tpu.memory_space<vmem>>, vector<16xf32>,
    %slice3A = vector.extract_strided_slice %get3A_1 {offsets = [1], sizes = [1], strides = [1]} : vector<16xf32> to vector<1xf32>
    %squeeze3A = vector.extract %slice3A[0] : f32 from vector<1xf32>
    %slice3A_2 = vector.extract_strided_slice %get3A_1 {offsets = [2], sizes = [1], strides = [1]} : vector<16xf32> to vector<1xf32>
    %squeeze3A_3 = vector.extract %slice3A_2[0] : f32 from vector<1xf32>
    %slice3A_4 = vector.extract_strided_slice %get3A_1 {offsets = [3], sizes = [1], strides = [1]} : vector<16xf32> to vector<1xf32>
    %squeeze3A_5 = vector.extract %slice3A_4[0] : f32 from vector<1xf32>
    %mul3A = arith.constant 20000 : i32
    %mul3A_6 = arith.muli %arg1, %mul3A : i32
    %scan3A = arith.constant 0 : i32
    %scan3A_7 = arith.constant 0 : i32
    %scan3A_8 = arith.constant 16 : i32
    %scan3A_9 = arith.addi %scan3A_7, %scan3A_8 : i32
    %scan3A_10 = arith.constant 1 : i32
    %scan3A_11 = scf.for %scan3A_59 = %scan3A_7 to %scan3A_9 step %scan3A_10 iter_args(%scan3A_60 = %scan3A) -> (i32)  : i32 {
      %mul3A_61 = arith.constant 16 : i32
      %mul3A_62 = arith.muli %scan3A_59, %mul3A_61 : i32
      %broadcast_in_dim3A_63 = arith.constant 0.000000e+00 : f32
      %broadcast_in_dim3A_64 = vector.broadcast %broadcast_in_dim3A_63 : f32 to vector<16xf32>
      %swap3A = arith.index_cast %mul3A_62 : i32 to index
      %swap3A_65 = tpu.vector_load %arg19[%swap3A] {strides = array<i32>} : memref<256xf32, #tpu.memory_space<vmem>>, vector<16xf32>,
      tpu.vector_store %arg19[%swap3A], %broadcast_in_dim3A_64 {strides = array<i32>} : memref<256xf32, #tpu.memory_space<vmem>>, vector<16xf32>,
      %broadcast_in_dim3A_66 = arith.constant 1.000000e+00 : f32
      %broadcast_in_dim3A_67 = vector.broadcast %broadcast_in_dim3A_66 : f32 to vector<16xf32>
      %swap3A_68 = arith.index_cast %mul3A_62 : i32 to index
      %swap3A_69 = tpu.vector_load %arg20[%swap3A_68] {strides = array<i32>} : memref<256xf32, #tpu.memory_space<vmem>>, vector<16xf32>,
      tpu.vector_store %arg20[%swap3A_68], %broadcast_in_dim3A_67 {strides = array<i32>} : memref<256xf32, #tpu.memory_space<vmem>>, vector<16xf32>,
      %scan3A_70 = arith.constant 0 : i32
      scf.yield %scan3A_70 : i32
    }
    %scan3A_12 = arith.constant 16 : i32
    %scan3A_13 = arith.constant 0 : i32
    %scan3A_14 = arith.constant 0 : i32
    %scan3A_15 = arith.constant 107 : i32
    %scan3A_16 = arith.addi %scan3A_14, %scan3A_15 : i32
    %scan3A_17 = arith.constant 1 : i32
    %scan3A_18 = scf.for %scan3A_59 = %scan3A_14 to %scan3A_16 step %scan3A_17 iter_args(%scan3A_60 = %scan3A_13) -> (i32)  : i32 {
      %mul3A_61 = arith.constant 16 : i32
      %mul3A_62 = arith.muli %scan3A_59, %mul3A_61 : i32
      %broadcast_in_dim3A_63 = arith.constant 0 : i32
      %broadcast_in_dim3A_64 = vector.broadcast %broadcast_in_dim3A_63 : i32 to vector<16xi32>
      %swap3A = arith.index_cast %mul3A_62 : i32 to index
      %swap3A_65 = tpu.vector_load %arg14[%swap3A] {strides = array<i32>} : memref<1712xi32, #tpu.memory_space<vmem>>, vector<16xi32>,
      tpu.vector_store %arg14[%swap3A], %broadcast_in_dim3A_64 {strides = array<i32>} : memref<1712xi32, #tpu.memory_space<vmem>>, vector<16xi32>,
      %swap3A_66 = arith.index_cast %mul3A_62 : i32 to index
      %swap3A_67 = tpu.vector_load %arg15[%swap3A_66] {strides = array<i32>} : memref<1712xi32, #tpu.memory_space<vmem>>, vector<16xi32>,
      tpu.vector_store %arg15[%swap3A_66], %broadcast_in_dim3A_64 {strides = array<i32>} : memref<1712xi32, #tpu.memory_space<vmem>>, vector<16xi32>,
      %swap3A_68 = arith.index_cast %mul3A_62 : i32 to index
      %swap3A_69 = tpu.vector_load %arg16[%swap3A_68] {strides = array<i32>} : memref<1712xi32, #tpu.memory_space<vmem>>, vector<16xi32>,
      tpu.vector_store %arg16[%swap3A_68], %broadcast_in_dim3A_64 {strides = array<i32>} : memref<1712xi32, #tpu.memory_space<vmem>>, vector<16xi32>,
      %swap3A_70 = arith.index_cast %mul3A_62 : i32 to index
      %swap3A_71 = tpu.vector_load %arg17[%swap3A_70] {strides = array<i32>} : memref<1712xi32, #tpu.memory_space<vmem>>, vector<16xi32>,
      tpu.vector_store %arg17[%swap3A_70], %broadcast_in_dim3A_64 {strides = array<i32>} : memref<1712xi32, #tpu.memory_space<vmem>>, vector<16xi32>,
      %scan3A_72 = arith.constant 0 : i32
      scf.yield %scan3A_72 : i32
    }
    %scan3A_19 = arith.constant 107 : i32
    %scan3A_20 = arith.constant 0 : i32
    %scan3A_21 = arith.constant 0 : i32
    %scan3A_22 = arith.constant 10 : i32
    %scan3A_23 = arith.addi %scan3A_21, %scan3A_22 : i32
    %scan3A_24 = arith.constant 1 : i32
    %scan3A_25 = scf.for %scan3A_59 = %scan3A_21 to %scan3A_23 step %scan3A_24 iter_args(%scan3A_60 = %scan3A_20) -> (i32)  : i32 {
      %mul3A_61 = arith.constant 2000 : i32
      %mul3A_62 = arith.muli %scan3A_59, %mul3A_61 : i32
      %add3A = arith.addi %mul3A_6, %mul3A_62 : i32
      "tpu.region"() ({
        %run_scoped3A = tpu.sem_alloc : memref<!tpu.dma_semaphore, #tpu.memory_space<semaphore_mem>>
        %dma_start3A = tpu.memref_slice %arg3[%add3A] : memref<320000xi32, #tpu.memory_space<hbm>> -> memref<2000xi32, #tpu.memory_space<hbm>>
        %dma_start3A_111 = tpu.memref_slice %arg3[%add3A] : memref<320000xi32, #tpu.memory_space<hbm>> -> memref<2000xi32, #tpu.memory_space<hbm>>
        tpu.enqueue_dma source(%dma_start3A_111 : memref<2000xi32, #tpu.memory_space<hbm>>) target(%arg10 : memref<2000xi32, #tpu.memory_space<vmem>>) target_semaphore(%run_scoped3A : memref<!tpu.dma_semaphore, #tpu.memory_space<semaphore_mem>>)
        %dma_wait3A = tpu.memref_slice %arg3[%add3A] : memref<320000xi32, #tpu.memory_space<hbm>> -> memref<2000xi32, #tpu.memory_space<hbm>>
        %dma_wait3A_112 = tpu.memref_slice %arg3[%add3A] : memref<320000xi32, #tpu.memory_space<hbm>> -> memref<2000xi32, #tpu.memory_space<hbm>>
        tpu.wait_dma2 semaphore(%run_scoped3A : memref<!tpu.dma_semaphore, #tpu.memory_space<semaphore_mem>>) src(%dma_wait3A_112 : memref<2000xi32, #tpu.memory_space<hbm>>) dst(%arg10 : memref<2000xi32, #tpu.memory_space<vmem>>)
        tpu.yield
      }) : () -> ()
      %scan3A_63 = arith.constant 0 : i32
      %scan3A_64 = arith.constant 0 : i32
      %scan3A_65 = arith.constant 31 : i32
      %scan3A_66 = arith.addi %scan3A_64, %scan3A_65 : i32
      %scan3A_67 = arith.constant 1 : i32
      %scan3A_68 = scf.for %scan3A_111 = %scan3A_64 to %scan3A_66 step %scan3A_67 iter_args(%scan3A_112 = %scan3A_63) -> (i32)  : i32 {
        %mul3A_113 = arith.constant 64 : i32
        %mul3A_114 = arith.muli %scan3A_111, %mul3A_113 : i32
        %add3A_115 = arith.constant 0 : i32
        %add3A_116 = arith.addi %mul3A_114, %add3A_115 : i32
        %get3A_117 = arith.index_cast %add3A_116 : i32 to index
        %get3A_118 = tpu.vector_load %arg10[%get3A_117] {strides = array<i32>} : memref<2000xi32, #tpu.memory_space<vmem>>, vector<16xi32>,
        %jit3A_119 = arith.constant 96 : i32
        %div3A_120 = vector.broadcast %jit3A_119 : i32 to vector<16xi32>
        %div3A_121 = arith.divsi %get3A_118, %div3A_120 : vector<16xi32>
        %sign3A_122 = arith.constant 0 : i32
        %sign3A_123 = vector.broadcast %sign3A_122 : i32 to vector<16xi32>
        %sign3A_124 = arith.cmpi sgt, %get3A_118, %sign3A_123 : vector<16xi32>
        %sign3A_125 = arith.extui %sign3A_124 : vector<16xi1> to vector<16xi32>
        %sign3A_126 = arith.constant 0 : i32
        %sign3A_127 = vector.broadcast %sign3A_126 : i32 to vector<16xi32>
        %sign3A_128 = arith.cmpi slt, %get3A_118, %sign3A_127 : vector<16xi32>
        %sign3A_129 = arith.extui %sign3A_128 : vector<16xi1> to vector<16xi32>
        %sign3A_130 = arith.subi %sign3A_125, %sign3A_129 : vector<16xi32>
        %sign3A_131 = arith.constant 0 : i32
        %sign3A_132 = arith.cmpi sgt, %jit3A_119, %sign3A_131 : i32
        %sign3A_133 = arith.extui %sign3A_132 : i1 to i32
        %sign3A_134 = arith.constant 0 : i32
        %sign3A_135 = arith.cmpi slt, %jit3A_119, %sign3A_134 : i32
        %sign3A_136 = arith.extui %sign3A_135 : i1 to i32
        %sign3A_137 = arith.subi %sign3A_133, %sign3A_136 : i32
        %ne3A_138 = vector.broadcast %sign3A_137 : i32 to vector<16xi32>
        %ne3A_139 = arith.cmpi ne, %sign3A_130, %ne3A_138 : vector<16xi32>
        %rem3A_140 = vector.broadcast %jit3A_119 : i32 to vector<16xi32>
        %rem3A_141 = arith.remsi %get3A_118, %rem3A_140 : vector<16xi32>
        %ne3A_142 = arith.constant 0 : i32
        %ne3A_143 = vector.broadcast %ne3A_142 : i32 to vector<16xi32>
        %ne3A_144 = arith.cmpi ne, %rem3A_141, %ne3A_143 : vector<16xi32>
        %and3A_145 = arith.andi %ne3A_139, %ne3A_144 : vector<16xi1>
        %sub3A_146 = arith.constant 1 : i32
        %sub3A_147 = vector.broadcast %sub3A_146 : i32 to vector<16xi32>
        %sub3A_148 = arith.subi %div3A_121, %sub3A_147 : vector<16xi32>
        %select_n3A_149 = arith.select %and3A_145, %sub3A_148, %div3A_121 : vector<16xi1>, vector<16xi32>
        %mul3A_150 = arith.constant 16 : i32
        %mul3A_151 = vector.broadcast %mul3A_150 : i32 to vector<16xi32>
        %mul3A_152 = arith.muli %select_n3A_149, %mul3A_151 : vector<16xi32>
        %add3A_153 = arith.addi %mul3A_152, %iota3A : vector<16xi32>
        %gather3A_154 = tpu.vector_load_idx %arg14[%add3A_153] : memref<1712xi32, #tpu.memory_space<vmem>>[vector<16xi32>], vector<16xi32>,
        %add3A_155 = arith.constant 1 : i32
        %add3A_156 = vector.broadcast %add3A_155 : i32 to vector<16xi32>
        %add3A_157 = arith.addi %gather3A_154, %add3A_156 : vector<16xi32>
        tpu.vector_store_idx %arg14[%add3A_153], %add3A_157 : memref<1712xi32, #tpu.memory_space<vmem>>[vector<16xi32>], vector<16xi32>,
        %mul3A_158 = arith.constant 64 : i32
        %mul3A_159 = arith.muli %scan3A_111, %mul3A_158 : i32
        %add3A_160 = arith.constant 16 : i32
        %add3A_161 = arith.addi %mul3A_159, %add3A_160 : i32
        %get3A_162 = arith.index_cast %add3A_161 : i32 to index
        %get3A_163 = tpu.vector_load %arg10[%get3A_162] {strides = array<i32>} : memref<2000xi32, #tpu.memory_space<vmem>>, vector<16xi32>,
        %jit3A_164 = arith.constant 96 : i32
        %div3A_165 = vector.broadcast %jit3A_164 : i32 to vector<16xi32>
        %div3A_166 = arith.divsi %get3A_163, %div3A_165 : vector<16xi32>
        %sign3A_167 = arith.constant 0 : i32
        %sign3A_168 = vector.broadcast %sign3A_167 : i32 to vector<16xi32>
        %sign3A_169 = arith.cmpi sgt, %get3A_163, %sign3A_168 : vector<16xi32>
        %sign3A_170 = arith.extui %sign3A_169 : vector<16xi1> to vector<16xi32>
        %sign3A_171 = arith.constant 0 : i32
        %sign3A_172 = vector.broadcast %sign3A_171 : i32 to vector<16xi32>
        %sign3A_173 = arith.cmpi slt, %get3A_163, %sign3A_172 : vector<16xi32>
        %sign3A_174 = arith.extui %sign3A_173 : vector<16xi1> to vector<16xi32>
        %sign3A_175 = arith.subi %sign3A_170, %sign3A_174 : vector<16xi32>
        %sign3A_176 = arith.constant 0 : i32
        %sign3A_177 = arith.cmpi sgt, %jit3A_164, %sign3A_176 : i32
        %sign3A_178 = arith.extui %sign3A_177 : i1 to i32
        %sign3A_179 = arith.constant 0 : i32
        %sign3A_180 = arith.cmpi slt, %jit3A_164, %sign3A_179 : i32
        %sign3A_181 = arith.extui %sign3A_180 : i1 to i32
        %sign3A_182 = arith.subi %sign3A_178, %sign3A_181 : i32
        %ne3A_183 = vector.broadcast %sign3A_182 : i32 to vector<16xi32>
        %ne3A_184 = arith.cmpi ne, %sign3A_175, %ne3A_183 : vector<16xi32>
        %rem3A_185 = vector.broadcast %jit3A_164 : i32 to vector<16xi32>
        %rem3A_186 = arith.remsi %get3A_163, %rem3A_185 : vector<16xi32>
        %ne3A_187 = arith.constant 0 : i32
        %ne3A_188 = vector.broadcast %ne3A_187 : i32 to vector<16xi32>
        %ne3A_189 = arith.cmpi ne, %rem3A_186, %ne3A_188 : vector<16xi32>
        %and3A_190 = arith.andi %ne3A_184, %ne3A_189 : vector<16xi1>
        %sub3A_191 = arith.constant 1 : i32
        %sub3A_192 = vector.broadcast %sub3A_191 : i32 to vector<16xi32>
        %sub3A_193 = arith.subi %div3A_166, %sub3A_192 : vector<16xi32>
        %select_n3A_194 = arith.select %and3A_190, %sub3A_193, %div3A_166 : vector<16xi1>, vector<16xi32>
        %mul3A_195 = arith.constant 16 : i32
        %mul3A_196 = vector.broadcast %mul3A_195 : i32 to vector<16xi32>
        %mul3A_197 = arith.muli %select_n3A_194, %mul3A_196 : vector<16xi32>
        %add3A_198 = arith.addi %mul3A_197, %iota3A : vector<16xi32>
        %gather3A_199 = tpu.vector_load_idx %arg15[%add3A_198] : memref<1712xi32, #tpu.memory_space<vmem>>[vector<16xi32>], vector<16xi32>,
        %add3A_200 = arith.constant 1 : i32
        %add3A_201 = vector.broadcast %add3A_200 : i32 to vector<16xi32>
        %add3A_202 = arith.addi %gather3A_199, %add3A_201 : vector<16xi32>
        tpu.vector_store_idx %arg15[%add3A_198], %add3A_202 : memref<1712xi32, #tpu.memory_space<vmem>>[vector<16xi32>], vector<16xi32>,
        %mul3A_203 = arith.constant 64 : i32
        %mul3A_204 = arith.muli %scan3A_111, %mul3A_203 : i32
        %add3A_205 = arith.constant 32 : i32
        %add3A_206 = arith.addi %mul3A_204, %add3A_205 : i32
        %get3A_207 = arith.index_cast %add3A_206 : i32 to index
        %get3A_208 = tpu.vector_load %arg10[%get3A_207] {strides = array<i32>} : memref<2000xi32, #tpu.memory_space<vmem>>, vector<16xi32>,
        %jit3A_209 = arith.constant 96 : i32
        %div3A_210 = vector.broadcast %jit3A_209 : i32 to vector<16xi32>
        %div3A_211 = arith.divsi %get3A_208, %div3A_210 : vector<16xi32>
        %sign3A_212 = arith.constant 0 : i32
        %sign3A_213 = vector.broadcast %sign3A_212 : i32 to vector<16xi32>
        %sign3A_214 = arith.cmpi sgt, %get3A_208, %sign3A_213 : vector<16xi32>
        %sign3A_215 = arith.extui %sign3A_214 : vector<16xi1> to vector<16xi32>
        %sign3A_216 = arith.constant 0 : i32
        %sign3A_217 = vector.broadcast %sign3A_216 : i32 to vector<16xi32>
        %sign3A_218 = arith.cmpi slt, %get3A_208, %sign3A_217 : vector<16xi32>
        %sign3A_219 = arith.extui %sign3A_218 : vector<16xi1> to vector<16xi32>
        %sign3A_220 = arith.subi %sign3A_215, %sign3A_219 : vector<16xi32>
        %sign3A_221 = arith.constant 0 : i32
        %sign3A_222 = arith.cmpi sgt, %jit3A_209, %sign3A_221 : i32
        %sign3A_223 = arith.extui %sign3A_222 : i1 to i32
        %sign3A_224 = arith.constant 0 : i32
        %sign3A_225 = arith.cmpi slt, %jit3A_209, %sign3A_224 : i32
        %sign3A_226 = arith.extui %sign3A_225 : i1 to i32
        %sign3A_227 = arith.subi %sign3A_223, %sign3A_226 : i32
        %ne3A_228 = vector.broadcast %sign3A_227 : i32 to vector<16xi32>
        %ne3A_229 = arith.cmpi ne, %sign3A_220, %ne3A_228 : vector<16xi32>
        %rem3A_230 = vector.broadcast %jit3A_209 : i32 to vector<16xi32>
        %rem3A_231 = arith.remsi %get3A_208, %rem3A_230 : vector<16xi32>
        %ne3A_232 = arith.constant 0 : i32
        %ne3A_233 = vector.broadcast %ne3A_232 : i32 to vector<16xi32>
        %ne3A_234 = arith.cmpi ne, %rem3A_231, %ne3A_233 : vector<16xi32>
        %and3A_235 = arith.andi %ne3A_229, %ne3A_234 : vector<16xi1>
        %sub3A_236 = arith.constant 1 : i32
        %sub3A_237 = vector.broadcast %sub3A_236 : i32 to vector<16xi32>
        %sub3A_238 = arith.subi %div3A_211, %sub3A_237 : vector<16xi32>
        %select_n3A_239 = arith.select %and3A_235, %sub3A_238, %div3A_211 : vector<16xi1>, vector<16xi32>
        %mul3A_240 = arith.constant 16 : i32
        %mul3A_241 = vector.broadcast %mul3A_240 : i32 to vector<16xi32>
        %mul3A_242 = arith.muli %select_n3A_239, %mul3A_241 : vector<16xi32>
        %add3A_243 = arith.addi %mul3A_242, %iota3A : vector<16xi32>
        %gather3A_244 = tpu.vector_load_idx %arg16[%add3A_243] : memref<1712xi32, #tpu.memory_space<vmem>>[vector<16xi32>], vector<16xi32>,
        %add3A_245 = arith.constant 1 : i32
        %add3A_246 = vector.broadcast %add3A_245 : i32 to vector<16xi32>
        %add3A_247 = arith.addi %gather3A_244, %add3A_246 : vector<16xi32>
        tpu.vector_store_idx %arg16[%add3A_243], %add3A_247 : memref<1712xi32, #tpu.memory_space<vmem>>[vector<16xi32>], vector<16xi32>,
        %mul3A_248 = arith.constant 64 : i32
        %mul3A_249 = arith.muli %scan3A_111, %mul3A_248 : i32
        %add3A_250 = arith.constant 48 : i32
        %add3A_251 = arith.addi %mul3A_249, %add3A_250 : i32
        %get3A_252 = arith.index_cast %add3A_251 : i32 to index
        %get3A_253 = tpu.vector_load %arg10[%get3A_252] {strides = array<i32>} : memref<2000xi32, #tpu.memory_space<vmem>>, vector<16xi32>,
        %jit3A_254 = arith.constant 96 : i32
        %div3A_255 = vector.broadcast %jit3A_254 : i32 to vector<16xi32>
        %div3A_256 = arith.divsi %get3A_253, %div3A_255 : vector<16xi32>
        %sign3A_257 = arith.constant 0 : i32
        %sign3A_258 = vector.broadcast %sign3A_257 : i32 to vector<16xi32>
        %sign3A_259 = arith.cmpi sgt, %get3A_253, %sign3A_258 : vector<16xi32>
        %sign3A_260 = arith.extui %sign3A_259 : vector<16xi1> to vector<16xi32>
        %sign3A_261 = arith.constant 0 : i32
        %sign3A_262 = vector.broadcast %sign3A_261 : i32 to vector<16xi32>
        %sign3A_263 = arith.cmpi slt, %get3A_253, %sign3A_262 : vector<16xi32>
        %sign3A_264 = arith.extui %sign3A_263 : vector<16xi1> to vector<16xi32>
        %sign3A_265 = arith.subi %sign3A_260, %sign3A_264 : vector<16xi32>
        %sign3A_266 = arith.constant 0 : i32
        %sign3A_267 = arith.cmpi sgt, %jit3A_254, %sign3A_266 : i32
        %sign3A_268 = arith.extui %sign3A_267 : i1 to i32
        %sign3A_269 = arith.constant 0 : i32
        %sign3A_270 = arith.cmpi slt, %jit3A_254, %sign3A_269 : i32
        %sign3A_271 = arith.extui %sign3A_270 : i1 to i32
        %sign3A_272 = arith.subi %sign3A_268, %sign3A_271 : i32
        %ne3A_273 = vector.broadcast %sign3A_272 : i32 to vector<16xi32>
        %ne3A_274 = arith.cmpi ne, %sign3A_265, %ne3A_273 : vector<16xi32>
        %rem3A_275 = vector.broadcast %jit3A_254 : i32 to vector<16xi32>
        %rem3A_276 = arith.remsi %get3A_253, %rem3A_275 : vector<16xi32>
        %ne3A_277 = arith.constant 0 : i32
        %ne3A_278 = vector.broadcast %ne3A_277 : i32 to vector<16xi32>
        %ne3A_279 = arith.cmpi ne, %rem3A_276, %ne3A_278 : vector<16xi32>
        %and3A_280 = arith.andi %ne3A_274, %ne3A_279 : vector<16xi1>
        %sub3A_281 = arith.constant 1 : i32
        %sub3A_282 = vector.broadcast %sub3A_281 : i32 to vector<16xi32>
        %sub3A_283 = arith.subi %div3A_256, %sub3A_282 : vector<16xi32>
        %select_n3A_284 = arith.select %and3A_280, %sub3A_283, %div3A_256 : vector<16xi1>, vector<16xi32>
        %mul3A_285 = arith.constant 16 : i32
        %mul3A_286 = vector.broadcast %mul3A_285 : i32 to vector<16xi32>
        %mul3A_287 = arith.muli %select_n3A_284, %mul3A_286 : vector<16xi32>
        %add3A_288 = arith.addi %mul3A_287, %iota3A : vector<16xi32>
        %gather3A_289 = tpu.vector_load_idx %arg17[%add3A_288] : memref<1712xi32, #tpu.memory_space<vmem>>[vector<16xi32>], vector<16xi32>,
        %add3A_290 = arith.constant 1 : i32
        %add3A_291 = vector.broadcast %add3A_290 : i32 to vector<16xi32>
        %add3A_292 = arith.addi %gather3A_289, %add3A_291 : vector<16xi32>
        tpu.vector_store_idx %arg17[%add3A_288], %add3A_292 : memref<1712xi32, #tpu.memory_space<vmem>>[vector<16xi32>], vector<16xi32>,
        %scan3A_293 = arith.constant 0 : i32
        scf.yield %scan3A_293 : i32
      }
      %scan3A_69 = arith.constant 31 : i32
      %scan3A_70 = arith.constant 0 : i32
      %scan3A_71 = arith.constant 0 : i32
      %mul3A_72 = arith.constant 16 : i32
      %mul3A_73 = arith.muli %scan3A_71, %mul3A_72 : i32
      %add3A_74 = arith.constant 1984 : i32
      %add3A_75 = arith.addi %add3A_74, %mul3A_73 : i32
      %get3A_76 = arith.index_cast %add3A_75 : i32 to index
      %get3A_77 = tpu.vector_load %arg10[%get3A_76] {strides = array<i32>} : memref<2000xi32, #tpu.memory_space<vmem>>, vector<16xi32>,
      %jit3A = arith.constant 96 : i32
      %div3A = vector.broadcast %jit3A : i32 to vector<16xi32>
      %div3A_78 = arith.divsi %get3A_77, %div3A : vector<16xi32>
      %sign3A = arith.constant 0 : i32
      %sign3A_79 = vector.broadcast %sign3A : i32 to vector<16xi32>
      %sign3A_80 = arith.cmpi sgt, %get3A_77, %sign3A_79 : vector<16xi32>
      %sign3A_81 = arith.extui %sign3A_80 : vector<16xi1> to vector<16xi32>
      %sign3A_82 = arith.constant 0 : i32
      %sign3A_83 = vector.broadcast %sign3A_82 : i32 to vector<16xi32>
      %sign3A_84 = arith.cmpi slt, %get3A_77, %sign3A_83 : vector<16xi32>
      %sign3A_85 = arith.extui %sign3A_84 : vector<16xi1> to vector<16xi32>
      %sign3A_86 = arith.subi %sign3A_81, %sign3A_85 : vector<16xi32>
      %sign3A_87 = arith.constant 0 : i32
      %sign3A_88 = arith.cmpi sgt, %jit3A, %sign3A_87 : i32
      %sign3A_89 = arith.extui %sign3A_88 : i1 to i32
      %sign3A_90 = arith.constant 0 : i32
      %sign3A_91 = arith.cmpi slt, %jit3A, %sign3A_90 : i32
      %sign3A_92 = arith.extui %sign3A_91 : i1 to i32
      %sign3A_93 = arith.subi %sign3A_89, %sign3A_92 : i32
      %ne3A = vector.broadcast %sign3A_93 : i32 to vector<16xi32>
      %ne3A_94 = arith.cmpi ne, %sign3A_86, %ne3A : vector<16xi32>
      %rem3A = vector.broadcast %jit3A : i32 to vector<16xi32>
      %rem3A_95 = arith.remsi %get3A_77, %rem3A : vector<16xi32>
      %ne3A_96 = arith.constant 0 : i32
      %ne3A_97 = vector.broadcast %ne3A_96 : i32 to vector<16xi32>
      %ne3A_98 = arith.cmpi ne, %rem3A_95, %ne3A_97 : vector<16xi32>
      %and3A = arith.andi %ne3A_94, %ne3A_98 : vector<16xi1>
      %sub3A = arith.constant 1 : i32
      %sub3A_99 = vector.broadcast %sub3A : i32 to vector<16xi32>
      %sub3A_100 = arith.subi %div3A_78, %sub3A_99 : vector<16xi32>
      %select_n3A = arith.select %and3A, %sub3A_100, %div3A_78 : vector<16xi1>, vector<16xi32>
      %mul3A_101 = arith.constant 16 : i32
      %mul3A_102 = vector.broadcast %mul3A_101 : i32 to vector<16xi32>
      %mul3A_103 = arith.muli %select_n3A, %mul3A_102 : vector<16xi32>
      %add3A_104 = arith.addi %mul3A_103, %iota3A : vector<16xi32>
      %gather3A = tpu.vector_load_idx %arg14[%add3A_104] : memref<1712xi32, #tpu.memory_space<vmem>>[vector<16xi32>], vector<16xi32>,
      %add3A_105 = arith.constant 1 : i32
      %add3A_106 = vector.broadcast %add3A_105 : i32 to vector<16xi32>
      %add3A_107 = arith.addi %gather3A, %add3A_106 : vector<16xi32>
      tpu.vector_store_idx %arg14[%add3A_104], %add3A_107 : memref<1712xi32, #tpu.memory_space<vmem>>[vector<16xi32>], vector<16xi32>,
      %scan3A_108 = arith.constant 0 : i32
      %scan3A_109 = arith.constant 1 : i32
      %scan3A_110 = arith.constant 0 : i32
      scf.yield %scan3A_110 : i32
    }
    %scan3A_26 = arith.constant 10 : i32
    %broadcast_in_dim3A_27 = arith.constant 0 : i32
    %broadcast_in_dim3A_28 = vector.broadcast %broadcast_in_dim3A_27 : i32 to vector<16xi32>
    %scan3A_29 = arith.constant 0 : i32
    %scan3A_30 = arith.constant 107 : i32
    %scan3A_31 = arith.addi %scan3A_29, %scan3A_30 : i32
    %scan3A_32 = arith.constant 1 : i32
    %scan3A_33 = scf.for %scan3A_59 = %scan3A_29 to %scan3A_31 step %scan3A_32 iter_args(%scan3A_60 = %broadcast_in_dim3A_28) -> (vector<16xi32>)  : i32 {
      %add3A = arith.constant 15 : i32
      %add3A_61 = vector.broadcast %add3A : i32 to vector<16xi32>
      %add3A_62 = arith.addi %scan3A_60, %add3A_61 : vector<16xi32>
      %and3A = arith.constant -16 : i32
      %and3A_63 = vector.broadcast %and3A : i32 to vector<16xi32>
      %and3A_64 = arith.andi %add3A_62, %and3A_63 : vector<16xi32>
      %mul3A_65 = arith.constant 16 : i32
      %mul3A_66 = arith.muli %scan3A_59, %mul3A_65 : i32
      %get3A_67 = arith.index_cast %mul3A_66 : i32 to index
      %get3A_68 = tpu.vector_load %arg14[%get3A_67] {strides = array<i32>} : memref<1712xi32, #tpu.memory_space<vmem>>, vector<16xi32>,
      %broadcast_in_dim3A_69 = arith.constant true
      %broadcast_in_dim3A_70 = vector.broadcast %broadcast_in_dim3A_69 : i1 to vector<16xi1>
      %masked_cumsum3A = tpu.scan <sum>, %get3A_68 masked %broadcast_in_dim3A_70 : vector<16xi32>, vector<16xi1> -> vector<16xi32>
      %add3A_71 = arith.addi %and3A_64, %masked_cumsum3A : vector<16xi32>
      %sub3A = arith.subi %add3A_71, %get3A_68 : vector<16xi32>
      %swap3A = arith.index_cast %mul3A_66 : i32 to index
      %swap3A_72 = tpu.vector_load %arg13[%swap3A] {strides = array<i32>} : memref<1712xi32, #tpu.memory_space<vmem>>, vector<16xi32>,
      tpu.vector_store %arg13[%swap3A], %sub3A {strides = array<i32>} : memref<1712xi32, #tpu.memory_space<vmem>>, vector<16xi32>,
      %swap3A_73 = arith.index_cast %mul3A_66 : i32 to index
      %swap3A_74 = tpu.vector_load %arg14[%swap3A_73] {strides = array<i32>} : memref<1712xi32, #tpu.memory_space<vmem>>, vector<16xi32>,
      tpu.vector_store %arg14[%swap3A_73], %sub3A {strides = array<i32>} : memref<1712xi32, #tpu.memory_space<vmem>>, vector<16xi32>,
      %gather3A = vector.shape_cast %broadcast_in_dim3A_0 : vector<16x1xi32> to vector<16xi32>
      %gather3A_75 = tpu.dynamic_gather %masked_cumsum3A[%gather3A] in [0] : vector<16xi32>, vector<16xi32> -> vector<16xi32>
      %add3A_76 = arith.addi %and3A_64, %gather3A_75 : vector<16xi32>
      %get3A_77 = arith.index_cast %mul3A_66 : i32 to index
      %get3A_78 = tpu.vector_load %arg15[%get3A_77] {strides = array<i32>} : memref<1712xi32, #tpu.memory_space<vmem>>, vector<16xi32>,
      %broadcast_in_dim3A_79 = arith.constant true
      %broadcast_in_dim3A_80 = vector.broadcast %broadcast_in_dim3A_79 : i1 to vector<16xi1>
      %masked_cumsum3A_81 = tpu.scan <sum>, %get3A_78 masked %broadcast_in_dim3A_80 : vector<16xi32>, vector<16xi1> -> vector<16xi32>
      %add3A_82 = arith.addi %add3A_76, %masked_cumsum3A_81 : vector<16xi32>
      %sub3A_83 = arith.subi %add3A_82, %get3A_78 : vector<16xi32>
      %swap3A_84 = arith.index_cast %mul3A_66 : i32 to index
      %swap3A_85 = tpu.vector_load %arg15[%swap3A_84] {strides = array<i32>} : memref<1712xi32, #tpu.memory_space<vmem>>, vector<16xi32>,
      tpu.vector_store %arg15[%swap3A_84], %sub3A_83 {strides = array<i32>} : memref<1712xi32, #tpu.memory_space<vmem>>, vector<16xi32>,
      %gather3A_86 = vector.shape_cast %broadcast_in_dim3A_0 : vector<16x1xi32> to vector<16xi32>
      %gather3A_87 = tpu.dynamic_gather %masked_cumsum3A_81[%gather3A_86] in [0] : vector<16xi32>, vector<16xi32> -> vector<16xi32>
      %add3A_88 = arith.addi %add3A_76, %gather3A_87 : vector<16xi32>
      %get3A_89 = arith.index_cast %mul3A_66 : i32 to index
      %get3A_90 = tpu.vector_load %arg16[%get3A_89] {strides = array<i32>} : memref<1712xi32, #tpu.memory_space<vmem>>, vector<16xi32>,
      %broadcast_in_dim3A_91 = arith.constant true
      %broadcast_in_dim3A_92 = vector.broadcast %broadcast_in_dim3A_91 : i1 to vector<16xi1>
      %masked_cumsum3A_93 = tpu.scan <sum>, %get3A_90 masked %broadcast_in_dim3A_92 : vector<16xi32>, vector<16xi1> -> vector<16xi32>
      %add3A_94 = arith.addi %add3A_88, %masked_cumsum3A_93 : vector<16xi32>
      %sub3A_95 = arith.subi %add3A_94, %get3A_90 : vector<16xi32>
      %swap3A_96 = arith.index_cast %mul3A_66 : i32 to index
      %swap3A_97 = tpu.vector_load %arg16[%swap3A_96] {strides = array<i32>} : memref<1712xi32, #tpu.memory_space<vmem>>, vector<16xi32>,
      tpu.vector_store %arg16[%swap3A_96], %sub3A_95 {strides = array<i32>} : memref<1712xi32, #tpu.memory_space<vmem>>, vector<16xi32>,
      %gather3A_98 = vector.shape_cast %broadcast_in_dim3A_0 : vector<16x1xi32> to vector<16xi32>
      %gather3A_99 = tpu.dynamic_gather %masked_cumsum3A_93[%gather3A_98] in [0] : vector<16xi32>, vector<16xi32> -> vector<16xi32>
      %add3A_100 = arith.addi %add3A_88, %gather3A_99 : vector<16xi32>
      %get3A_101 = arith.index_cast %mul3A_66 : i32 to index
      %get3A_102 = tpu.vector_load %arg17[%get3A_101] {strides = array<i32>} : memref<1712xi32, #tpu.memory_space<vmem>>, vector<16xi32>,
      %broadcast_in_dim3A_103 = arith.constant true
      %broadcast_in_dim3A_104 = vector.broadcast %broadcast_in_dim3A_103 : i1 to vector<16xi1>
      %masked_cumsum3A_105 = tpu.scan <sum>, %get3A_102 masked %broadcast_in_dim3A_104 : vector<16xi32>, vector<16xi1> -> vector<16xi32>
      %add3A_106 = arith.addi %add3A_100, %masked_cumsum3A_105 : vector<16xi32>
      %sub3A_107 = arith.subi %add3A_106, %get3A_102 : vector<16xi32>
      %swap3A_108 = arith.index_cast %mul3A_66 : i32 to index
      %swap3A_109 = tpu.vector_load %arg17[%swap3A_108] {strides = array<i32>} : memref<1712xi32, #tpu.memory_space<vmem>>, vector<16xi32>,
      tpu.vector_store %arg17[%swap3A_108], %sub3A_107 {strides = array<i32>} : memref<1712xi32, #tpu.memory_space<vmem>>, vector<16xi32>,
      %gather3A_110 = vector.shape_cast %broadcast_in_dim3A_0 : vector<16x1xi32> to vector<16xi32>
      %gather3A_111 = tpu.dynamic_gather %masked_cumsum3A_105[%gather3A_110] in [0] : vector<16xi32>, vector<16xi32> -> vector<16xi32>
      %add3A_112 = arith.addi %add3A_100, %gather3A_111 : vector<16xi32>
      scf.yield %add3A_112 : vector<16xi32>
    }
    %scan3A_34 = arith.constant 107 : i32
    %scan3A_35 = arith.constant 0 : i32
    %scan3A_36 = arith.constant 0 : i32
    %scan3A_37 = arith.constant 10 : i32
    %scan3A_38 = arith.addi %scan3A_36, %scan3A_37 : i32
    %scan3A_39 = arith.constant 1 : i32
    %scan3A_40 = scf.for %scan3A_59 = %scan3A_36 to %scan3A_38 step %scan3A_39 iter_args(%scan3A_60 = %scan3A_35) -> (i32)  : i32 {
      %mul3A_61 = arith.constant 2000 : i32
      %mul3A_62 = arith.muli %scan3A_59, %mul3A_61 : i32
      %add3A = arith.addi %mul3A_6, %mul3A_62 : i32
      "tpu.region"() ({
        %run_scoped3A = tpu.sem_alloc : memref<!tpu.dma_semaphore, #tpu.memory_space<semaphore_mem>>
        %dma_start3A = tpu.memref_slice %arg2[%add3A] : memref<320000xi32, #tpu.memory_space<hbm>> -> memref<2000xi32, #tpu.memory_space<hbm>>
        %dma_start3A_124 = tpu.memref_slice %arg2[%add3A] : memref<320000xi32, #tpu.memory_space<hbm>> -> memref<2000xi32, #tpu.memory_space<hbm>>
        tpu.enqueue_dma source(%dma_start3A_124 : memref<2000xi32, #tpu.memory_space<hbm>>) target(%arg9 : memref<2000xi32, #tpu.memory_space<vmem>>) target_semaphore(%run_scoped3A : memref<!tpu.dma_semaphore, #tpu.memory_space<semaphore_mem>>)
        %dma_wait3A = tpu.memref_slice %arg2[%add3A] : memref<320000xi32, #tpu.memory_space<hbm>> -> memref<2000xi32, #tpu.memory_space<hbm>>
        %dma_wait3A_125 = tpu.memref_slice %arg2[%add3A] : memref<320000xi32, #tpu.memory_space<hbm>> -> memref<2000xi32, #tpu.memory_space<hbm>>
        tpu.wait_dma2 semaphore(%run_scoped3A : memref<!tpu.dma_semaphore, #tpu.memory_space<semaphore_mem>>) src(%dma_wait3A_125 : memref<2000xi32, #tpu.memory_space<hbm>>) dst(%arg9 : memref<2000xi32, #tpu.memory_space<vmem>>)
        tpu.yield
      }) : () -> ()
      %mul3A_63 = arith.constant 2000 : i32
      %mul3A_64 = arith.muli %scan3A_59, %mul3A_63 : i32
      %add3A_65 = arith.addi %mul3A_6, %mul3A_64 : i32
      "tpu.region"() ({
        %run_scoped3A = tpu.sem_alloc : memref<!tpu.dma_semaphore, #tpu.memory_space<semaphore_mem>>
        %dma_start3A = tpu.memref_slice %arg3[%add3A_65] : memref<320000xi32, #tpu.memory_space<hbm>> -> memref<2000xi32, #tpu.memory_space<hbm>>
        %dma_start3A_124 = tpu.memref_slice %arg3[%add3A_65] : memref<320000xi32, #tpu.memory_space<hbm>> -> memref<2000xi32, #tpu.memory_space<hbm>>
        tpu.enqueue_dma source(%dma_start3A_124 : memref<2000xi32, #tpu.memory_space<hbm>>) target(%arg10 : memref<2000xi32, #tpu.memory_space<vmem>>) target_semaphore(%run_scoped3A : memref<!tpu.dma_semaphore, #tpu.memory_space<semaphore_mem>>)
        %dma_wait3A = tpu.memref_slice %arg3[%add3A_65] : memref<320000xi32, #tpu.memory_space<hbm>> -> memref<2000xi32, #tpu.memory_space<hbm>>
        %dma_wait3A_125 = tpu.memref_slice %arg3[%add3A_65] : memref<320000xi32, #tpu.memory_space<hbm>> -> memref<2000xi32, #tpu.memory_space<hbm>>
        tpu.wait_dma2 semaphore(%run_scoped3A : memref<!tpu.dma_semaphore, #tpu.memory_space<semaphore_mem>>) src(%dma_wait3A_125 : memref<2000xi32, #tpu.memory_space<hbm>>) dst(%arg10 : memref<2000xi32, #tpu.memory_space<vmem>>)
        tpu.yield
      }) : () -> ()
      %scan3A_66 = arith.constant 0 : i32
      %scan3A_67 = arith.constant 0 : i32
      %scan3A_68 = arith.constant 31 : i32
      %scan3A_69 = arith.addi %scan3A_67, %scan3A_68 : i32
      %scan3A_70 = arith.constant 1 : i32
      %scan3A_71 = scf.for %scan3A_124 = %scan3A_67 to %scan3A_69 step %scan3A_70 iter_args(%scan3A_125 = %scan3A_66) -> (i32)  : i32 {
        %mul3A_126 = arith.constant 64 : i32
        %mul3A_127 = arith.muli %scan3A_124, %mul3A_126 : i32
        %add3A_128 = arith.constant 0 : i32
        %add3A_129 = arith.addi %mul3A_127, %add3A_128 : i32
        %get3A_130 = arith.index_cast %add3A_129 : i32 to index
        %get3A_131 = tpu.vector_load %arg9[%get3A_130] {strides = array<i32>} : memref<2000xi32, #tpu.memory_space<vmem>>, vector<16xi32>,
        %get3A_132 = arith.index_cast %add3A_129 : i32 to index
        %get3A_133 = tpu.vector_load %arg10[%get3A_132] {strides = array<i32>} : memref<2000xi32, #tpu.memory_space<vmem>>, vector<16xi32>,
        %jit3A_134 = arith.constant 96 : i32
        %div3A_135 = vector.broadcast %jit3A_134 : i32 to vector<16xi32>
        %div3A_136 = arith.divsi %get3A_133, %div3A_135 : vector<16xi32>
        %sign3A_137 = arith.constant 0 : i32
        %sign3A_138 = vector.broadcast %sign3A_137 : i32 to vector<16xi32>
        %sign3A_139 = arith.cmpi sgt, %get3A_133, %sign3A_138 : vector<16xi32>
        %sign3A_140 = arith.extui %sign3A_139 : vector<16xi1> to vector<16xi32>
        %sign3A_141 = arith.constant 0 : i32
        %sign3A_142 = vector.broadcast %sign3A_141 : i32 to vector<16xi32>
        %sign3A_143 = arith.cmpi slt, %get3A_133, %sign3A_142 : vector<16xi32>
        %sign3A_144 = arith.extui %sign3A_143 : vector<16xi1> to vector<16xi32>
        %sign3A_145 = arith.subi %sign3A_140, %sign3A_144 : vector<16xi32>
        %sign3A_146 = arith.constant 0 : i32
        %sign3A_147 = arith.cmpi sgt, %jit3A_134, %sign3A_146 : i32
        %sign3A_148 = arith.extui %sign3A_147 : i1 to i32
        %sign3A_149 = arith.constant 0 : i32
        %sign3A_150 = arith.cmpi slt, %jit3A_134, %sign3A_149 : i32
        %sign3A_151 = arith.extui %sign3A_150 : i1 to i32
        %sign3A_152 = arith.subi %sign3A_148, %sign3A_151 : i32
        %ne3A_153 = vector.broadcast %sign3A_152 : i32 to vector<16xi32>
        %ne3A_154 = arith.cmpi ne, %sign3A_145, %ne3A_153 : vector<16xi32>
        %rem3A_155 = vector.broadcast %jit3A_134 : i32 to vector<16xi32>
        %rem3A_156 = arith.remsi %get3A_133, %rem3A_155 : vector<16xi32>
        %ne3A_157 = arith.constant 0 : i32
        %ne3A_158 = vector.broadcast %ne3A_157 : i32 to vector<16xi32>
        %ne3A_159 = arith.cmpi ne, %rem3A_156, %ne3A_158 : vector<16xi32>
        %and3A_160 = arith.andi %ne3A_154, %ne3A_159 : vector<16xi1>
        %sub3A_161 = arith.constant 1 : i32
        %sub3A_162 = vector.broadcast %sub3A_161 : i32 to vector<16xi32>
        %sub3A_163 = arith.subi %div3A_136, %sub3A_162 : vector<16xi32>
        %select_n3A_164 = arith.select %and3A_160, %sub3A_163, %div3A_136 : vector<16xi1>, vector<16xi32>
        %mul3A_165 = arith.constant 16 : i32
        %mul3A_166 = vector.broadcast %mul3A_165 : i32 to vector<16xi32>
        %mul3A_167 = arith.muli %select_n3A_164, %mul3A_166 : vector<16xi32>
        %add3A_168 = arith.addi %mul3A_167, %iota3A : vector<16xi32>
        %gather3A_169 = tpu.vector_load_idx %arg14[%add3A_168] : memref<1712xi32, #tpu.memory_space<vmem>>[vector<16xi32>], vector<16xi32>,
        %add3A_170 = arith.constant 1 : i32
        %add3A_171 = vector.broadcast %add3A_170 : i32 to vector<16xi32>
        %add3A_172 = arith.addi %gather3A_169, %add3A_171 : vector<16xi32>
        tpu.vector_store_idx %arg14[%add3A_168], %add3A_172 : memref<1712xi32, #tpu.memory_space<vmem>>[vector<16xi32>], vector<16xi32>,
        %mul3A_173 = arith.constant 96 : i32
        %mul3A_174 = vector.broadcast %mul3A_173 : i32 to vector<16xi32>
        %mul3A_175 = arith.muli %select_n3A_164, %mul3A_174 : vector<16xi32>
        %sub3A_176 = arith.subi %get3A_133, %mul3A_175 : vector<16xi32>
        %mul3A_177 = arith.constant 10000 : i32
        %mul3A_178 = vector.broadcast %mul3A_177 : i32 to vector<16xi32>
        %mul3A_179 = arith.muli %sub3A_176, %mul3A_178 : vector<16xi32>
        %add3A_180 = arith.addi %mul3A_179, %get3A_131 : vector<16xi32>
        tpu.vector_store_idx %arg11[%gather3A_169], %add3A_180 : memref<21968xi32, #tpu.memory_space<vmem>>[vector<16xi32>], vector<16xi32>,
        %mul3A_181 = arith.constant 64 : i32
        %mul3A_182 = arith.muli %scan3A_124, %mul3A_181 : i32
        %add3A_183 = arith.constant 16 : i32
        %add3A_184 = arith.addi %mul3A_182, %add3A_183 : i32
        %get3A_185 = arith.index_cast %add3A_184 : i32 to index
        %get3A_186 = tpu.vector_load %arg9[%get3A_185] {strides = array<i32>} : memref<2000xi32, #tpu.memory_space<vmem>>, vector<16xi32>,
        %get3A_187 = arith.index_cast %add3A_184 : i32 to index
        %get3A_188 = tpu.vector_load %arg10[%get3A_187] {strides = array<i32>} : memref<2000xi32, #tpu.memory_space<vmem>>, vector<16xi32>,
        %jit3A_189 = arith.constant 96 : i32
        %div3A_190 = vector.broadcast %jit3A_189 : i32 to vector<16xi32>
        %div3A_191 = arith.divsi %get3A_188, %div3A_190 : vector<16xi32>
        %sign3A_192 = arith.constant 0 : i32
        %sign3A_193 = vector.broadcast %sign3A_192 : i32 to vector<16xi32>
        %sign3A_194 = arith.cmpi sgt, %get3A_188, %sign3A_193 : vector<16xi32>
        %sign3A_195 = arith.extui %sign3A_194 : vector<16xi1> to vector<16xi32>
        %sign3A_196 = arith.constant 0 : i32
        %sign3A_197 = vector.broadcast %sign3A_196 : i32 to vector<16xi32>
        %sign3A_198 = arith.cmpi slt, %get3A_188, %sign3A_197 : vector<16xi32>
        %sign3A_199 = arith.extui %sign3A_198 : vector<16xi1> to vector<16xi32>
        %sign3A_200 = arith.subi %sign3A_195, %sign3A_199 : vector<16xi32>
        %sign3A_201 = arith.constant 0 : i32
        %sign3A_202 = arith.cmpi sgt, %jit3A_189, %sign3A_201 : i32
        %sign3A_203 = arith.extui %sign3A_202 : i1 to i32
        %sign3A_204 = arith.constant 0 : i32
        %sign3A_205 = arith.cmpi slt, %jit3A_189, %sign3A_204 : i32
        %sign3A_206 = arith.extui %sign3A_205 : i1 to i32
        %sign3A_207 = arith.subi %sign3A_203, %sign3A_206 : i32
        %ne3A_208 = vector.broadcast %sign3A_207 : i32 to vector<16xi32>
        %ne3A_209 = arith.cmpi ne, %sign3A_200, %ne3A_208 : vector<16xi32>
        %rem3A_210 = vector.broadcast %jit3A_189 : i32 to vector<16xi32>
        %rem3A_211 = arith.remsi %get3A_188, %rem3A_210 : vector<16xi32>
        %ne3A_212 = arith.constant 0 : i32
        %ne3A_213 = vector.broadcast %ne3A_212 : i32 to vector<16xi32>
        %ne3A_214 = arith.cmpi ne, %rem3A_211, %ne3A_213 : vector<16xi32>
        %and3A_215 = arith.andi %ne3A_209, %ne3A_214 : vector<16xi1>
        %sub3A_216 = arith.constant 1 : i32
        %sub3A_217 = vector.broadcast %sub3A_216 : i32 to vector<16xi32>
        %sub3A_218 = arith.subi %div3A_191, %sub3A_217 : vector<16xi32>
        %select_n3A_219 = arith.select %and3A_215, %sub3A_218, %div3A_191 : vector<16xi1>, vector<16xi32>
        %mul3A_220 = arith.constant 16 : i32
        %mul3A_221 = vector.broadcast %mul3A_220 : i32 to vector<16xi32>
        %mul3A_222 = arith.muli %select_n3A_219, %mul3A_221 : vector<16xi32>
        %add3A_223 = arith.addi %mul3A_222, %iota3A : vector<16xi32>
        %gather3A_224 = tpu.vector_load_idx %arg15[%add3A_223] : memref<1712xi32, #tpu.memory_space<vmem>>[vector<16xi32>], vector<16xi32>,
        %add3A_225 = arith.constant 1 : i32
        %add3A_226 = vector.broadcast %add3A_225 : i32 to vector<16xi32>
        %add3A_227 = arith.addi %gather3A_224, %add3A_226 : vector<16xi32>
        tpu.vector_store_idx %arg15[%add3A_223], %add3A_227 : memref<1712xi32, #tpu.memory_space<vmem>>[vector<16xi32>], vector<16xi32>,
        %mul3A_228 = arith.constant 96 : i32
        %mul3A_229 = vector.broadcast %mul3A_228 : i32 to vector<16xi32>
        %mul3A_230 = arith.muli %select_n3A_219, %mul3A_229 : vector<16xi32>
        %sub3A_231 = arith.subi %get3A_188, %mul3A_230 : vector<16xi32>
        %mul3A_232 = arith.constant 10000 : i32
        %mul3A_233 = vector.broadcast %mul3A_232 : i32 to vector<16xi32>
        %mul3A_234 = arith.muli %sub3A_231, %mul3A_233 : vector<16xi32>
        %add3A_235 = arith.addi %mul3A_234, %get3A_186 : vector<16xi32>
        tpu.vector_store_idx %arg11[%gather3A_224], %add3A_235 : memref<21968xi32, #tpu.memory_space<vmem>>[vector<16xi32>], vector<16xi32>,
        %mul3A_236 = arith.constant 64 : i32
        %mul3A_237 = arith.muli %scan3A_124, %mul3A_236 : i32
        %add3A_238 = arith.constant 32 : i32
        %add3A_239 = arith.addi %mul3A_237, %add3A_238 : i32
        %get3A_240 = arith.index_cast %add3A_239 : i32 to index
        %get3A_241 = tpu.vector_load %arg9[%get3A_240] {strides = array<i32>} : memref<2000xi32, #tpu.memory_space<vmem>>, vector<16xi32>,
        %get3A_242 = arith.index_cast %add3A_239 : i32 to index
        %get3A_243 = tpu.vector_load %arg10[%get3A_242] {strides = array<i32>} : memref<2000xi32, #tpu.memory_space<vmem>>, vector<16xi32>,
        %jit3A_244 = arith.constant 96 : i32
        %div3A_245 = vector.broadcast %jit3A_244 : i32 to vector<16xi32>
        %div3A_246 = arith.divsi %get3A_243, %div3A_245 : vector<16xi32>
        %sign3A_247 = arith.constant 0 : i32
        %sign3A_248 = vector.broadcast %sign3A_247 : i32 to vector<16xi32>
        %sign3A_249 = arith.cmpi sgt, %get3A_243, %sign3A_248 : vector<16xi32>
        %sign3A_250 = arith.extui %sign3A_249 : vector<16xi1> to vector<16xi32>
        %sign3A_251 = arith.constant 0 : i32
        %sign3A_252 = vector.broadcast %sign3A_251 : i32 to vector<16xi32>
        %sign3A_253 = arith.cmpi slt, %get3A_243, %sign3A_252 : vector<16xi32>
        %sign3A_254 = arith.extui %sign3A_253 : vector<16xi1> to vector<16xi32>
        %sign3A_255 = arith.subi %sign3A_250, %sign3A_254 : vector<16xi32>
        %sign3A_256 = arith.constant 0 : i32
        %sign3A_257 = arith.cmpi sgt, %jit3A_244, %sign3A_256 : i32
        %sign3A_258 = arith.extui %sign3A_257 : i1 to i32
        %sign3A_259 = arith.constant 0 : i32
        %sign3A_260 = arith.cmpi slt, %jit3A_244, %sign3A_259 : i32
        %sign3A_261 = arith.extui %sign3A_260 : i1 to i32
        %sign3A_262 = arith.subi %sign3A_258, %sign3A_261 : i32
        %ne3A_263 = vector.broadcast %sign3A_262 : i32 to vector<16xi32>
        %ne3A_264 = arith.cmpi ne, %sign3A_255, %ne3A_263 : vector<16xi32>
        %rem3A_265 = vector.broadcast %jit3A_244 : i32 to vector<16xi32>
        %rem3A_266 = arith.remsi %get3A_243, %rem3A_265 : vector<16xi32>
        %ne3A_267 = arith.constant 0 : i32
        %ne3A_268 = vector.broadcast %ne3A_267 : i32 to vector<16xi32>
        %ne3A_269 = arith.cmpi ne, %rem3A_266, %ne3A_268 : vector<16xi32>
        %and3A_270 = arith.andi %ne3A_264, %ne3A_269 : vector<16xi1>
        %sub3A_271 = arith.constant 1 : i32
        %sub3A_272 = vector.broadcast %sub3A_271 : i32 to vector<16xi32>
        %sub3A_273 = arith.subi %div3A_246, %sub3A_272 : vector<16xi32>
        %select_n3A_274 = arith.select %and3A_270, %sub3A_273, %div3A_246 : vector<16xi1>, vector<16xi32>
        %mul3A_275 = arith.constant 16 : i32
        %mul3A_276 = vector.broadcast %mul3A_275 : i32 to vector<16xi32>
        %mul3A_277 = arith.muli %select_n3A_274, %mul3A_276 : vector<16xi32>
        %add3A_278 = arith.addi %mul3A_277, %iota3A : vector<16xi32>
        %gather3A_279 = tpu.vector_load_idx %arg16[%add3A_278] : memref<1712xi32, #tpu.memory_space<vmem>>[vector<16xi32>], vector<16xi32>,
        %add3A_280 = arith.constant 1 : i32
        %add3A_281 = vector.broadcast %add3A_280 : i32 to vector<16xi32>
        %add3A_282 = arith.addi %gather3A_279, %add3A_281 : vector<16xi32>
        tpu.vector_store_idx %arg16[%add3A_278], %add3A_282 : memref<1712xi32, #tpu.memory_space<vmem>>[vector<16xi32>], vector<16xi32>,
        %mul3A_283 = arith.constant 96 : i32
        %mul3A_284 = vector.broadcast %mul3A_283 : i32 to vector<16xi32>
        %mul3A_285 = arith.muli %select_n3A_274, %mul3A_284 : vector<16xi32>
        %sub3A_286 = arith.subi %get3A_243, %mul3A_285 : vector<16xi32>
        %mul3A_287 = arith.constant 10000 : i32
        %mul3A_288 = vector.broadcast %mul3A_287 : i32 to vector<16xi32>
        %mul3A_289 = arith.muli %sub3A_286, %mul3A_288 : vector<16xi32>
        %add3A_290 = arith.addi %mul3A_289, %get3A_241 : vector<16xi32>
        tpu.vector_store_idx %arg11[%gather3A_279], %add3A_290 : memref<21968xi32, #tpu.memory_space<vmem>>[vector<16xi32>], vector<16xi32>,
        %mul3A_291 = arith.constant 64 : i32
        %mul3A_292 = arith.muli %scan3A_124, %mul3A_291 : i32
        %add3A_293 = arith.constant 48 : i32
        %add3A_294 = arith.addi %mul3A_292, %add3A_293 : i32
        %get3A_295 = arith.index_cast %add3A_294 : i32 to index
        %get3A_296 = tpu.vector_load %arg9[%get3A_295] {strides = array<i32>} : memref<2000xi32, #tpu.memory_space<vmem>>, vector<16xi32>,
        %get3A_297 = arith.index_cast %add3A_294 : i32 to index
        %get3A_298 = tpu.vector_load %arg10[%get3A_297] {strides = array<i32>} : memref<2000xi32, #tpu.memory_space<vmem>>, vector<16xi32>,
        %jit3A_299 = arith.constant 96 : i32
        %div3A_300 = vector.broadcast %jit3A_299 : i32 to vector<16xi32>
        %div3A_301 = arith.divsi %get3A_298, %div3A_300 : vector<16xi32>
        %sign3A_302 = arith.constant 0 : i32
        %sign3A_303 = vector.broadcast %sign3A_302 : i32 to vector<16xi32>
        %sign3A_304 = arith.cmpi sgt, %get3A_298, %sign3A_303 : vector<16xi32>
        %sign3A_305 = arith.extui %sign3A_304 : vector<16xi1> to vector<16xi32>
        %sign3A_306 = arith.constant 0 : i32
        %sign3A_307 = vector.broadcast %sign3A_306 : i32 to vector<16xi32>
        %sign3A_308 = arith.cmpi slt, %get3A_298, %sign3A_307 : vector<16xi32>
        %sign3A_309 = arith.extui %sign3A_308 : vector<16xi1> to vector<16xi32>
        %sign3A_310 = arith.subi %sign3A_305, %sign3A_309 : vector<16xi32>
        %sign3A_311 = arith.constant 0 : i32
        %sign3A_312 = arith.cmpi sgt, %jit3A_299, %sign3A_311 : i32
        %sign3A_313 = arith.extui %sign3A_312 : i1 to i32
        %sign3A_314 = arith.constant 0 : i32
        %sign3A_315 = arith.cmpi slt, %jit3A_299, %sign3A_314 : i32
        %sign3A_316 = arith.extui %sign3A_315 : i1 to i32
        %sign3A_317 = arith.subi %sign3A_313, %sign3A_316 : i32
        %ne3A_318 = vector.broadcast %sign3A_317 : i32 to vector<16xi32>
        %ne3A_319 = arith.cmpi ne, %sign3A_310, %ne3A_318 : vector<16xi32>
        %rem3A_320 = vector.broadcast %jit3A_299 : i32 to vector<16xi32>
        %rem3A_321 = arith.remsi %get3A_298, %rem3A_320 : vector<16xi32>
        %ne3A_322 = arith.constant 0 : i32
        %ne3A_323 = vector.broadcast %ne3A_322 : i32 to vector<16xi32>
        %ne3A_324 = arith.cmpi ne, %rem3A_321, %ne3A_323 : vector<16xi32>
        %and3A_325 = arith.andi %ne3A_319, %ne3A_324 : vector<16xi1>
        %sub3A_326 = arith.constant 1 : i32
        %sub3A_327 = vector.broadcast %sub3A_326 : i32 to vector<16xi32>
        %sub3A_328 = arith.subi %div3A_301, %sub3A_327 : vector<16xi32>
        %select_n3A_329 = arith.select %and3A_325, %sub3A_328, %div3A_301 : vector<16xi1>, vector<16xi32>
        %mul3A_330 = arith.constant 16 : i32
        %mul3A_331 = vector.broadcast %mul3A_330 : i32 to vector<16xi32>
        %mul3A_332 = arith.muli %select_n3A_329, %mul3A_331 : vector<16xi32>
        %add3A_333 = arith.addi %mul3A_332, %iota3A : vector<16xi32>
        %gather3A_334 = tpu.vector_load_idx %arg17[%add3A_333] : memref<1712xi32, #tpu.memory_space<vmem>>[vector<16xi32>], vector<16xi32>,
        %add3A_335 = arith.constant 1 : i32
        %add3A_336 = vector.broadcast %add3A_335 : i32 to vector<16xi32>
        %add3A_337 = arith.addi %gather3A_334, %add3A_336 : vector<16xi32>
        tpu.vector_store_idx %arg17[%add3A_333], %add3A_337 : memref<1712xi32, #tpu.memory_space<vmem>>[vector<16xi32>], vector<16xi32>,
        %mul3A_338 = arith.constant 96 : i32
        %mul3A_339 = vector.broadcast %mul3A_338 : i32 to vector<16xi32>
        %mul3A_340 = arith.muli %select_n3A_329, %mul3A_339 : vector<16xi32>
        %sub3A_341 = arith.subi %get3A_298, %mul3A_340 : vector<16xi32>
        %mul3A_342 = arith.constant 10000 : i32
        %mul3A_343 = vector.broadcast %mul3A_342 : i32 to vector<16xi32>
        %mul3A_344 = arith.muli %sub3A_341, %mul3A_343 : vector<16xi32>
        %add3A_345 = arith.addi %mul3A_344, %get3A_296 : vector<16xi32>
        tpu.vector_store_idx %arg11[%gather3A_334], %add3A_345 : memref<21968xi32, #tpu.memory_space<vmem>>[vector<16xi32>], vector<16xi32>,
        %scan3A_346 = arith.constant 0 : i32
        scf.yield %scan3A_346 : i32
      }
      %scan3A_72 = arith.constant 31 : i32
      %scan3A_73 = arith.constant 0 : i32
      %scan3A_74 = arith.constant 0 : i32
      %mul3A_75 = arith.constant 16 : i32
      %mul3A_76 = arith.muli %scan3A_74, %mul3A_75 : i32
      %add3A_77 = arith.constant 1984 : i32
      %add3A_78 = arith.addi %add3A_77, %mul3A_76 : i32
      %get3A_79 = arith.index_cast %add3A_78 : i32 to index
      %get3A_80 = tpu.vector_load %arg9[%get3A_79] {strides = array<i32>} : memref<2000xi32, #tpu.memory_space<vmem>>, vector<16xi32>,
      %get3A_81 = arith.index_cast %add3A_78 : i32 to index
      %get3A_82 = tpu.vector_load %arg10[%get3A_81] {strides = array<i32>} : memref<2000xi32, #tpu.memory_space<vmem>>, vector<16xi32>,
      %jit3A = arith.constant 96 : i32
      %div3A = vector.broadcast %jit3A : i32 to vector<16xi32>
      %div3A_83 = arith.divsi %get3A_82, %div3A : vector<16xi32>
      %sign3A = arith.constant 0 : i32
      %sign3A_84 = vector.broadcast %sign3A : i32 to vector<16xi32>
      %sign3A_85 = arith.cmpi sgt, %get3A_82, %sign3A_84 : vector<16xi32>
      %sign3A_86 = arith.extui %sign3A_85 : vector<16xi1> to vector<16xi32>
      %sign3A_87 = arith.constant 0 : i32
      %sign3A_88 = vector.broadcast %sign3A_87 : i32 to vector<16xi32>
      %sign3A_89 = arith.cmpi slt, %get3A_82, %sign3A_88 : vector<16xi32>
      %sign3A_90 = arith.extui %sign3A_89 : vector<16xi1> to vector<16xi32>
      %sign3A_91 = arith.subi %sign3A_86, %sign3A_90 : vector<16xi32>
      %sign3A_92 = arith.constant 0 : i32
      %sign3A_93 = arith.cmpi sgt, %jit3A, %sign3A_92 : i32
      %sign3A_94 = arith.extui %sign3A_93 : i1 to i32
      %sign3A_95 = arith.constant 0 : i32
      %sign3A_96 = arith.cmpi slt, %jit3A, %sign3A_95 : i32
      %sign3A_97 = arith.extui %sign3A_96 : i1 to i32
      %sign3A_98 = arith.subi %sign3A_94, %sign3A_97 : i32
      %ne3A = vector.broadcast %sign3A_98 : i32 to vector<16xi32>
      %ne3A_99 = arith.cmpi ne, %sign3A_91, %ne3A : vector<16xi32>
      %rem3A = vector.broadcast %jit3A : i32 to vector<16xi32>
      %rem3A_100 = arith.remsi %get3A_82, %rem3A : vector<16xi32>
      %ne3A_101 = arith.constant 0 : i32
      %ne3A_102 = vector.broadcast %ne3A_101 : i32 to vector<16xi32>
      %ne3A_103 = arith.cmpi ne, %rem3A_100, %ne3A_102 : vector<16xi32>
      %and3A = arith.andi %ne3A_99, %ne3A_103 : vector<16xi1>
      %sub3A = arith.constant 1 : i32
      %sub3A_104 = vector.broadcast %sub3A : i32 to vector<16xi32>
      %sub3A_105 = arith.subi %div3A_83, %sub3A_104 : vector<16xi32>
      %select_n3A = arith.select %and3A, %sub3A_105, %div3A_83 : vector<16xi1>, vector<16xi32>
      %mul3A_106 = arith.constant 16 : i32
      %mul3A_107 = vector.broadcast %mul3A_106 : i32 to vector<16xi32>
      %mul3A_108 = arith.muli %select_n3A, %mul3A_107 : vector<16xi32>
      %add3A_109 = arith.addi %mul3A_108, %iota3A : vector<16xi32>
      %gather3A = tpu.vector_load_idx %arg14[%add3A_109] : memref<1712xi32, #tpu.memory_space<vmem>>[vector<16xi32>], vector<16xi32>,
      %add3A_110 = arith.constant 1 : i32
      %add3A_111 = vector.broadcast %add3A_110 : i32 to vector<16xi32>
      %add3A_112 = arith.addi %gather3A, %add3A_111 : vector<16xi32>
      tpu.vector_store_idx %arg14[%add3A_109], %add3A_112 : memref<1712xi32, #tpu.memory_space<vmem>>[vector<16xi32>], vector<16xi32>,
      %mul3A_113 = arith.constant 96 : i32
      %mul3A_114 = vector.broadcast %mul3A_113 : i32 to vector<16xi32>
      %mul3A_115 = arith.muli %select_n3A, %mul3A_114 : vector<16xi32>
      %sub3A_116 = arith.subi %get3A_82, %mul3A_115 : vector<16xi32>
      %mul3A_117 = arith.constant 10000 : i32
      %mul3A_118 = vector.broadcast %mul3A_117 : i32 to vector<16xi32>
      %mul3A_119 = arith.muli %sub3A_116, %mul3A_118 : vector<16xi32>
      %add3A_120 = arith.addi %mul3A_119, %get3A_80 : vector<16xi32>
      tpu.vector_store_idx %arg11[%gather3A], %add3A_120 : memref<21968xi32, #tpu.memory_space<vmem>>[vector<16xi32>], vector<16xi32>,
      %scan3A_121 = arith.constant 0 : i32
      %scan3A_122 = arith.constant 1 : i32
      %scan3A_123 = arith.constant 0 : i32
      scf.yield %scan3A_123 : i32
    }
    %scan3A_41 = arith.constant 10 : i32
    %scan3A_42 = arith.constant 0 : i32
    %scan3A_43 = arith.constant 0 : i32
    %scan3A_44 = arith.constant 3 : i32
    %scan3A_45 = arith.addi %scan3A_43, %scan3A_44 : i32
    %scan3A_46 = arith.constant 1 : i32
    %scan3A_47 = scf.for %scan3A_59 = %scan3A_43 to %scan3A_45 step %scan3A_46 iter_args(%scan3A_60 = %scan3A_42) -> (i32)  : i32 {
      %mul3A_61 = arith.constant 16 : i32
      %mul3A_62 = arith.muli %scan3A_59, %mul3A_61 : i32
      %add3A = arith.addi %arg1, %mul3A_62 : i32
      %lt3A = arith.constant 40 : i32
      %lt3A_63 = arith.cmpi slt, %add3A, %lt3A : i32
      %convert_element_type3A_64 = arith.extui %lt3A_63 : i1 to i32
      %cond3A_65 = arith.constant 0 : i32
      %cond3A_66 = arith.cmpi ne, %convert_element_type3A_64, %cond3A_65 : i32
      scf.if %cond3A_66 {
        %mul3A_68 = arith.constant 256 : i32
        %mul3A_69 = arith.muli %add3A, %mul3A_68 : i32
        "tpu.region"() ({
          %run_scoped3A = tpu.sem_alloc : memref<!tpu.dma_semaphore, #tpu.memory_space<semaphore_mem>>
          %dma_start3A = tpu.memref_slice %arg30[%mul3A_69] : memref<10240xf32, #tpu.memory_space<vmem_shared>> -> memref<256xf32, #tpu.memory_space<vmem_shared>>
          %dma_start3A_72 = tpu.memref_slice %arg30[%mul3A_69] : memref<10240xf32, #tpu.memory_space<vmem_shared>> -> memref<256xf32, #tpu.memory_space<vmem_shared>>
          tpu.enqueue_dma source(%arg19 : memref<256xf32, #tpu.memory_space<vmem>>) target(%dma_start3A_72 : memref<256xf32, #tpu.memory_space<vmem_shared>>) target_semaphore(%run_scoped3A : memref<!tpu.dma_semaphore, #tpu.memory_space<semaphore_mem>>)
          %dma_wait3A = tpu.memref_slice %arg30[%mul3A_69] : memref<10240xf32, #tpu.memory_space<vmem_shared>> -> memref<256xf32, #tpu.memory_space<vmem_shared>>
          %dma_wait3A_73 = tpu.memref_slice %arg30[%mul3A_69] : memref<10240xf32, #tpu.memory_space<vmem_shared>> -> memref<256xf32, #tpu.memory_space<vmem_shared>>
          tpu.wait_dma2 semaphore(%run_scoped3A : memref<!tpu.dma_semaphore, #tpu.memory_space<semaphore_mem>>) src(%arg19 : memref<256xf32, #tpu.memory_space<vmem>>) dst(%dma_wait3A_73 : memref<256xf32, #tpu.memory_space<vmem_shared>>)
          tpu.yield
        }) : () -> ()
        %mul3A_70 = arith.constant 256 : i32
        %mul3A_71 = arith.muli %add3A, %mul3A_70 : i32
        "tpu.region"() ({
          %run_scoped3A = tpu.sem_alloc : memref<!tpu.dma_semaphore, #tpu.memory_space<semaphore_mem>>
          %dma_start3A = tpu.memref_slice %arg31[%mul3A_71] : memref<10240xf32, #tpu.memory_space<vmem_shared>> -> memref<256xf32, #tpu.memory_space<vmem_shared>>
          %dma_start3A_72 = tpu.memref_slice %arg31[%mul3A_71] : memref<10240xf32, #tpu.memory_space<vmem_shared>> -> memref<256xf32, #tpu.memory_space<vmem_shared>>
          tpu.enqueue_dma source(%arg19 : memref<256xf32, #tpu.memory_space<vmem>>) target(%dma_start3A_72 : memref<256xf32, #tpu.memory_space<vmem_shared>>) target_semaphore(%run_scoped3A : memref<!tpu.dma_semaphore, #tpu.memory_space<semaphore_mem>>)
          %dma_wait3A = tpu.memref_slice %arg31[%mul3A_71] : memref<10240xf32, #tpu.memory_space<vmem_shared>> -> memref<256xf32, #tpu.memory_space<vmem_shared>>
          %dma_wait3A_73 = tpu.memref_slice %arg31[%mul3A_71] : memref<10240xf32, #tpu.memory_space<vmem_shared>> -> memref<256xf32, #tpu.memory_space<vmem_shared>>
          tpu.wait_dma2 semaphore(%run_scoped3A : memref<!tpu.dma_semaphore, #tpu.memory_space<semaphore_mem>>) src(%arg19 : memref<256xf32, #tpu.memory_space<vmem>>) dst(%dma_wait3A_73 : memref<256xf32, #tpu.memory_space<vmem_shared>>)
          tpu.yield
        }) : () -> ()
      } else {
      }
      %scan3A_67 = arith.constant 0 : i32
      scf.yield %scan3A_67 : i32
    }
    %scan3A_48 = arith.constant 3 : i32
    %barrier3A = arith.constant 0 : index
    tpu.barrier barrier_id(%barrier3A)
    %scan3A_49 = arith.constant 0 : i32
    %scan3A_50 = arith.constant 0 : i32
    %scan3A_51 = arith.constant 53 : i32
    %scan3A_52 = arith.addi %scan3A_50, %scan3A_51 : i32
    %scan3A_53 = arith.constant 1 : i32
    %scan3A_54 = scf.for %scan3A_59 = %scan3A_50 to %scan3A_52 step %scan3A_53 iter_args(%scan3A_60 = %scan3A_49) -> (i32)  : i32 {
      %mul3A_61 = arith.constant 53 : i32
      %mul3A_62 = arith.muli %arg0, %mul3A_61 : i32
      %add3A = arith.addi %mul3A_62, %scan3A_59 : i32
      %mul3A_63 = arith.constant 96 : i32
      %mul3A_64 = arith.muli %add3A, %mul3A_63 : i32
      %mul3A_65 = arith.constant 16 : i32
      %mul3A_66 = arith.muli %add3A, %mul3A_65 : i32
      %get3A_67 = arith.index_cast %mul3A_66 : i32 to index
      %get3A_68 = tpu.vector_load %arg13[%get3A_67] {strides = array<i32>} : memref<1712xi32, #tpu.memory_space<vmem>>, vector<16xi32>,
      %slice3A_69 = vector.extract_strided_slice %get3A_68 {offsets = [0], sizes = [1], strides = [1]} : vector<16xi32> to vector<1xi32>
      %squeeze3A_70 = vector.extract %slice3A_69[0] : i32 from vector<1xi32>
      %multiple_of3A = tpu.assume_multiple %squeeze3A_70, 16 : i32
      %mul3A_71 = arith.constant 16 : i32
      %mul3A_72 = arith.muli %add3A, %mul3A_71 : i32
      %get3A_73 = arith.index_cast %mul3A_72 : i32 to index
      %get3A_74 = tpu.vector_load %arg17[%get3A_73] {strides = array<i32>} : memref<1712xi32, #tpu.memory_space<vmem>>, vector<16xi32>,
      %slice3A_75 = vector.extract_strided_slice %get3A_74 {offsets = [15], sizes = [1], strides = [1]} : vector<16xi32> to vector<1xi32>
      %squeeze3A_76 = vector.extract %slice3A_75[0] : i32 from vector<1xi32>
      %sub3A = arith.subi %squeeze3A_76, %multiple_of3A : i32
      %jit3A = arith.constant 256 : i32
      %div3A = arith.divsi %sub3A, %jit3A : i32
      %sign3A = arith.constant 0 : i32
      %sign3A_77 = arith.cmpi sgt, %sub3A, %sign3A : i32
      %sign3A_78 = arith.extui %sign3A_77 : i1 to i32
      %sign3A_79 = arith.constant 0 : i32
      %sign3A_80 = arith.cmpi slt, %sub3A, %sign3A_79 : i32
      %sign3A_81 = arith.extui %sign3A_80 : i1 to i32
      %sign3A_82 = arith.subi %sign3A_78, %sign3A_81 : i32
      %sign3A_83 = arith.constant 0 : i32
      %sign3A_84 = arith.cmpi sgt, %jit3A, %sign3A_83 : i32
      %sign3A_85 = arith.extui %sign3A_84 : i1 to i32
      %sign3A_86 = arith.constant 0 : i32
      %sign3A_87 = arith.cmpi slt, %jit3A, %sign3A_86 : i32
      %sign3A_88 = arith.extui %sign3A_87 : i1 to i32
      %sign3A_89 = arith.subi %sign3A_85, %sign3A_88 : i32
      %ne3A = arith.cmpi ne, %sign3A_82, %sign3A_89 : i32
      %rem3A = arith.remsi %sub3A, %jit3A : i32
      %ne3A_90 = arith.constant 0 : i32
      %ne3A_91 = arith.cmpi ne, %rem3A, %ne3A_90 : i32
      %and3A = arith.andi %ne3A, %ne3A_91 : i1
      %sub3A_92 = arith.constant 1 : i32
      %sub3A_93 = arith.subi %div3A, %sub3A_92 : i32
      %select_n3A = arith.select %and3A, %sub3A_93, %div3A : i32
      %mul3A_94 = arith.constant 256 : i32
      %mul3A_95 = arith.muli %select_n3A, %mul3A_94 : i32
      %sub3A_96 = arith.subi %sub3A, %mul3A_95 : i32
      %gt3A = arith.constant 0 : i32
      %gt3A_97 = arith.cmpi sgt, %sub3A_96, %gt3A : i32
      %convert_element_type3A_98 = arith.extui %gt3A_97 : i1 to i32
      %cond3A_99 = arith.constant 0 : i32
      %cond3A_100 = arith.cmpi ne, %convert_element_type3A_98, %cond3A_99 : i32
      scf.if %cond3A_100 {
        %scan3A_191 = arith.constant 0 : i32
        %scan3A_192 = arith.constant 0 : i32
        %scan3A_193 = arith.constant 16 : i32
        %scan3A_194 = arith.addi %scan3A_192, %scan3A_193 : i32
        %scan3A_195 = arith.constant 1 : i32
        %scan3A_196 = scf.for %scan3A_198 = %scan3A_192 to %scan3A_194 step %scan3A_195 iter_args(%scan3A_199 = %scan3A_191) -> (i32)  : i32 {
          %mul3A_200 = arith.constant 16 : i32
          %mul3A_201 = arith.muli %scan3A_198, %mul3A_200 : i32
          %add3A_202 = vector.broadcast %mul3A_201 : i32 to vector<16xi32>
          %add3A_203 = arith.addi %add3A_202, %iota3A : vector<16xi32>
          %mul3A_204 = arith.constant 256 : i32
          %mul3A_205 = arith.muli %select_n3A, %mul3A_204 : i32
          %add3A_206 = arith.addi %multiple_of3A, %mul3A_205 : i32
          %mul3A_207 = arith.constant 16 : i32
          %mul3A_208 = arith.muli %scan3A_198, %mul3A_207 : i32
          %add3A_209 = arith.addi %add3A_206, %mul3A_208 : i32
          %get3A_210 = arith.index_cast %add3A_209 : i32 to index
          %get3A_211 = tpu.vector_load %arg11[%get3A_210] {strides = array<i32>} : memref<21968xi32, #tpu.memory_space<vmem>>, vector<16xi32>,
          %mul3A_212 = arith.constant 256 : i32
          %mul3A_213 = arith.muli %select_n3A, %mul3A_212 : i32
          %add3A_214 = vector.broadcast %mul3A_213 : i32 to vector<16xi32>
          %add3A_215 = arith.addi %add3A_214, %add3A_203 : vector<16xi32>
          %lt3A = vector.broadcast %sub3A : i32 to vector<16xi32>
          %lt3A_216 = arith.cmpi slt, %add3A_215, %lt3A : vector<16xi32>
          %add3A_217 = arith.constant 960000 : i32
          %add3A_218 = vector.broadcast %add3A_217 : i32 to vector<16xi32>
          %add3A_219 = arith.addi %add3A_218, %add3A_203 : vector<16xi32>
          %select_n3A_220 = arith.select %lt3A_216, %get3A_211, %add3A_219 : vector<16xi1>, vector<16xi32>
          %mul3A_221 = arith.constant 16 : i32
          %mul3A_222 = arith.muli %scan3A_198, %mul3A_221 : i32
          %swap3A = arith.index_cast %mul3A_222 : i32 to index
          %swap3A_223 = tpu.vector_load %arg26[%swap3A] {strides = array<i32>} : memref<256xi32, #tpu.memory_space<vmem>>, vector<16xi32>,
          tpu.vector_store %arg26[%swap3A], %select_n3A_220 {strides = array<i32>} : memref<256xi32, #tpu.memory_space<vmem>>, vector<16xi32>,
          %scan3A_224 = arith.constant 0 : i32
          scf.yield %scan3A_224 : i32
        }
        %scan3A_197 = arith.constant 16 : i32
      } else {
      }
      %while3A = arith.constant 0 : i32
      %while3A_101 = arith.constant 0 : i32
      %while3A_102 = arith.subi %select_n3A, %while3A : i32
      %while3A_103 = arith.addi %while3A, %while3A_102 : i32
      %while3A_104 = arith.constant 1 : i32
      %while3A_105 = arith.divsi %while3A_102, %while3A_104 : i32
      %while3A_106 = arith.muli %while3A_105, %while3A_104 : i32
      %while3A_107 = arith.addi %while3A, %while3A_106 : i32
      %while3A_108 = arith.constant 1 : i32
      %while3A_109 = scf.for %while3A_191 = %while3A to %while3A_107 step %while3A_108 iter_args(%while3A_192 = %while3A_101) -> (i32)  : i32 {
        %mul3A_193 = arith.constant 256 : i32
        %mul3A_194 = arith.muli %while3A_191, %mul3A_193 : i32
        %add3A_195 = arith.addi %multiple_of3A, %mul3A_194 : i32
        "tpu.region"() ({
          %run_scoped3A = tpu.sem_alloc : memref<!tpu.dma_semaphore, #tpu.memory_space<semaphore_mem>>
          %dma_start3A = tpu.memref_slice %arg11[%add3A_195] : memref<21968xi32, #tpu.memory_space<vmem>> -> memref<256xi32, #tpu.memory_space<vmem>>
          %dma_start3A_197 = arith.constant 0 : i32
          %dma_start3A_198 = tpu.memref_slice %arg29[%dma_start3A_197] : memref<960512xf32, #tpu.memory_space<vmem_shared>> -> memref<960512xf32, #tpu.memory_space<vmem_shared>>
          tpu.enqueue_indirect_dma source(%arg19 : memref<256xf32, #tpu.memory_space<vmem>>) target(%dma_start3A_198 : memref<960512xf32, #tpu.memory_space<vmem_shared>>) offsets(%dma_start3A : memref<256xi32, #tpu.memory_space<vmem>>) semaphore(%run_scoped3A : memref<!tpu.dma_semaphore, #tpu.memory_space<semaphore_mem>>)
          %dma_wait3A = tpu.memref_slice %arg11[%add3A_195] : memref<21968xi32, #tpu.memory_space<vmem>> -> memref<256xi32, #tpu.memory_space<vmem>>
          %dma_wait3A_199 = arith.constant 0 : i32
          %dma_wait3A_200 = tpu.memref_slice %arg29[%dma_wait3A_199] : memref<960512xf32, #tpu.memory_space<vmem_shared>> -> memref<960512xf32, #tpu.memory_space<vmem_shared>>
          tpu.wait_indirect_dma semaphore(%run_scoped3A : memref<!tpu.dma_semaphore, #tpu.memory_space<semaphore_mem>>) src(%arg19 : memref<256xf32, #tpu.memory_space<vmem>>) dst(%dma_wait3A_200 : memref<960512xf32, #tpu.memory_space<vmem_shared>>)
          tpu.yield
        }) : () -> ()
        %while3A_196 = arith.constant 0 : i32
        scf.yield %while3A_196 : i32
      }
      %while3A_110 = arith.constant 1 : i32
      %while3A_111 = scf.for %while3A_191 = %while3A_107 to %while3A_103 step %while3A_110 iter_args(%while3A_192 = %while3A_109) -> (i32)  : i32 {
        %mul3A_193 = arith.constant 256 : i32
        %mul3A_194 = arith.muli %while3A_191, %mul3A_193 : i32
        %add3A_195 = arith.addi %multiple_of3A, %mul3A_194 : i32
        "tpu.region"() ({
          %run_scoped3A = tpu.sem_alloc : memref<!tpu.dma_semaphore, #tpu.memory_space<semaphore_mem>>
          %dma_start3A = tpu.memref_slice %arg11[%add3A_195] : memref<21968xi32, #tpu.memory_space<vmem>> -> memref<256xi32, #tpu.memory_space<vmem>>
          %dma_start3A_197 = arith.constant 0 : i32
          %dma_start3A_198 = tpu.memref_slice %arg29[%dma_start3A_197] : memref<960512xf32, #tpu.memory_space<vmem_shared>> -> memref<960512xf32, #tpu.memory_space<vmem_shared>>
          tpu.enqueue_indirect_dma source(%arg19 : memref<256xf32, #tpu.memory_space<vmem>>) target(%dma_start3A_198 : memref<960512xf32, #tpu.memory_space<vmem_shared>>) offsets(%dma_start3A : memref<256xi32, #tpu.memory_space<vmem>>) semaphore(%run_scoped3A : memref<!tpu.dma_semaphore, #tpu.memory_space<semaphore_mem>>)
          %dma_wait3A = tpu.memref_slice %arg11[%add3A_195] : memref<21968xi32, #tpu.memory_space<vmem>> -> memref<256xi32, #tpu.memory_space<vmem>>
          %dma_wait3A_199 = arith.constant 0 : i32
          %dma_wait3A_200 = tpu.memref_slice %arg29[%dma_wait3A_199] : memref<960512xf32, #tpu.memory_space<vmem_shared>> -> memref<960512xf32, #tpu.memory_space<vmem_shared>>
          tpu.wait_indirect_dma semaphore(%run_scoped3A : memref<!tpu.dma_semaphore, #tpu.memory_space<semaphore_mem>>) src(%arg19 : memref<256xf32, #tpu.memory_space<vmem>>) dst(%dma_wait3A_200 : memref<960512xf32, #tpu.memory_space<vmem_shared>>)
          tpu.yield
        }) : () -> ()
        %while3A_196 = arith.constant 0 : i32
        scf.yield %while3A_196 : i32
      }
      %gt3A_112 = arith.constant 0 : i32
      %gt3A_113 = arith.cmpi sgt, %sub3A_96, %gt3A_112 : i32
      %convert_element_type3A_114 = arith.extui %gt3A_113 : i1 to i32
      %cond3A_115 = arith.constant 0 : i32
      %cond3A_116 = arith.cmpi ne, %convert_element_type3A_114, %cond3A_115 : i32
      scf.if %cond3A_116 {
        "tpu.region"() ({
          %run_scoped3A = tpu.sem_alloc : memref<!tpu.dma_semaphore, #tpu.memory_space<semaphore_mem>>
          %dma_start3A = arith.constant 0 : i32
          %dma_start3A_191 = tpu.memref_slice %arg29[%dma_start3A] : memref<960512xf32, #tpu.memory_space<vmem_shared>> -> memref<960512xf32, #tpu.memory_space<vmem_shared>>
          tpu.enqueue_indirect_dma source(%arg19 : memref<256xf32, #tpu.memory_space<vmem>>) target(%dma_start3A_191 : memref<960512xf32, #tpu.memory_space<vmem_shared>>) offsets(%arg26 : memref<256xi32, #tpu.memory_space<vmem>>) semaphore(%run_scoped3A : memref<!tpu.dma_semaphore, #tpu.memory_space<semaphore_mem>>)
          %dma_wait3A = arith.constant 0 : i32
          %dma_wait3A_192 = tpu.memref_slice %arg29[%dma_wait3A] : memref<960512xf32, #tpu.memory_space<vmem_shared>> -> memref<960512xf32, #tpu.memory_space<vmem_shared>>
          tpu.wait_indirect_dma semaphore(%run_scoped3A : memref<!tpu.dma_semaphore, #tpu.memory_space<semaphore_mem>>) src(%arg19 : memref<256xf32, #tpu.memory_space<vmem>>) dst(%dma_wait3A_192 : memref<960512xf32, #tpu.memory_space<vmem_shared>>)
          tpu.yield
        }) : () -> ()
      } else {
      }
      %barrier3A_117 = arith.constant 0 : index
      tpu.barrier barrier_id(%barrier3A_117)
      %while3A_118 = arith.constant 0 : i32
      %while3A_119 = arith.constant 0 : i32
      %while3A_120 = arith.subi %select_n3A, %while3A_118 : i32
      %while3A_121 = arith.addi %while3A_118, %while3A_120 : i32
      %while3A_122 = arith.constant 1 : i32
      %while3A_123 = arith.divsi %while3A_120, %while3A_122 : i32
      %while3A_124 = arith.muli %while3A_123, %while3A_122 : i32
      %while3A_125 = arith.addi %while3A_118, %while3A_124 : i32
      %while3A_126 = arith.constant 1 : i32
      %while3A_127 = scf.for %while3A_191 = %while3A_118 to %while3A_125 step %while3A_126 iter_args(%while3A_192 = %while3A_119) -> (i32)  : i32 {
        %scan3A_193 = arith.constant 0 : i32
        %scan3A_194 = arith.constant 0 : i32
        %scan3A_195 = arith.constant 16 : i32
        %scan3A_196 = arith.addi %scan3A_194, %scan3A_195 : i32
        %scan3A_197 = arith.constant 1 : i32
        %scan3A_198 = scf.for %scan3A_204 = %scan3A_194 to %scan3A_196 step %scan3A_197 iter_args(%scan3A_205 = %scan3A_193) -> (i32)  : i32 {
          %mul3A_206 = arith.constant 256 : i32
          %mul3A_207 = arith.muli %while3A_191, %mul3A_206 : i32
          %add3A_208 = arith.addi %multiple_of3A, %mul3A_207 : i32
          %mul3A_209 = arith.constant 16 : i32
          %mul3A_210 = arith.muli %scan3A_204, %mul3A_209 : i32
          %add3A_211 = arith.addi %add3A_208, %mul3A_210 : i32
          %get3A_212 = arith.index_cast %add3A_211 : i32 to index
          %get3A_213 = tpu.vector_load %arg11[%get3A_212] {strides = array<i32>} : memref<21968xi32, #tpu.memory_space<vmem>>, vector<16xi32>,
          %ge3A = arith.constant 960000 : i32
          %ge3A_214 = vector.broadcast %ge3A : i32 to vector<16xi32>
          %ge3A_215 = arith.cmpi sge, %get3A_213, %ge3A_214 : vector<16xi32>
          %jit3A_216 = arith.constant 10000 : i32
          %eq3A_217 = arith.constant 0 : i32
          %eq3A_218 = arith.cmpi eq, %jit3A_216, %eq3A_217 : i32
          %jit3A_219 = arith.constant 1 : i32
          %select_n3A_220 = arith.select %eq3A_218, %jit3A_219, %jit3A_216 : i32
          %rem3A_221 = vector.broadcast %select_n3A_220 : i32 to vector<16xi32>
          %rem3A_222 = arith.remsi %get3A_213, %rem3A_221 : vector<16xi32>
          %ne3A_223 = arith.constant 0 : i32
          %ne3A_224 = vector.broadcast %ne3A_223 : i32 to vector<16xi32>
          %ne3A_225 = arith.cmpi ne, %rem3A_222, %ne3A_224 : vector<16xi32>
          %lt3A = arith.constant 0 : i32
          %lt3A_226 = vector.broadcast %lt3A : i32 to vector<16xi32>
          %lt3A_227 = arith.cmpi slt, %rem3A_222, %lt3A_226 : vector<16xi32>
          %lt3A_228 = arith.constant 0 : i32
          %lt3A_229 = arith.cmpi slt, %select_n3A_220, %lt3A_228 : i32
          %ne3A_230 = vector.broadcast %lt3A_229 : i1 to vector<16xi1>
          %ne3A_231 = vector.broadcast %ne3A_230 : vector<16xi1> to vector<16xi1>
          %ne3A_232 = arith.xori %lt3A_227, %ne3A_231 : vector<16xi1>
          %and3A_233 = arith.andi %ne3A_232, %ne3A_225 : vector<16xi1>
          %add3A_234 = vector.broadcast %select_n3A_220 : i32 to vector<16xi32>
          %add3A_235 = arith.addi %rem3A_222, %add3A_234 : vector<16xi32>
          %select_n3A_236 = arith.select %and3A_233, %add3A_235, %rem3A_222 : vector<16xi1>, vector<16xi32>
          %jit3A_237 = arith.constant 10000 : i32
          %div3A_238 = vector.broadcast %jit3A_237 : i32 to vector<16xi32>
          %div3A_239 = arith.divsi %get3A_213, %div3A_238 : vector<16xi32>
          %sign3A_240 = arith.constant 0 : i32
          %sign3A_241 = vector.broadcast %sign3A_240 : i32 to vector<16xi32>
          %sign3A_242 = arith.cmpi sgt, %get3A_213, %sign3A_241 : vector<16xi32>
          %sign3A_243 = arith.extui %sign3A_242 : vector<16xi1> to vector<16xi32>
          %sign3A_244 = arith.constant 0 : i32
          %sign3A_245 = vector.broadcast %sign3A_244 : i32 to vector<16xi32>
          %sign3A_246 = arith.cmpi slt, %get3A_213, %sign3A_245 : vector<16xi32>
          %sign3A_247 = arith.extui %sign3A_246 : vector<16xi1> to vector<16xi32>
          %sign3A_248 = arith.subi %sign3A_243, %sign3A_247 : vector<16xi32>
          %sign3A_249 = arith.constant 0 : i32
          %sign3A_250 = arith.cmpi sgt, %jit3A_237, %sign3A_249 : i32
          %sign3A_251 = arith.extui %sign3A_250 : i1 to i32
          %sign3A_252 = arith.constant 0 : i32
          %sign3A_253 = arith.cmpi slt, %jit3A_237, %sign3A_252 : i32
          %sign3A_254 = arith.extui %sign3A_253 : i1 to i32
          %sign3A_255 = arith.subi %sign3A_251, %sign3A_254 : i32
          %ne3A_256 = vector.broadcast %sign3A_255 : i32 to vector<16xi32>
          %ne3A_257 = arith.cmpi ne, %sign3A_248, %ne3A_256 : vector<16xi32>
          %rem3A_258 = vector.broadcast %jit3A_237 : i32 to vector<16xi32>
          %rem3A_259 = arith.remsi %get3A_213, %rem3A_258 : vector<16xi32>
          %ne3A_260 = arith.constant 0 : i32
          %ne3A_261 = vector.broadcast %ne3A_260 : i32 to vector<16xi32>
          %ne3A_262 = arith.cmpi ne, %rem3A_259, %ne3A_261 : vector<16xi32>
          %and3A_263 = arith.andi %ne3A_257, %ne3A_262 : vector<16xi1>
          %sub3A_264 = arith.constant 1 : i32
          %sub3A_265 = vector.broadcast %sub3A_264 : i32 to vector<16xi32>
          %sub3A_266 = arith.subi %div3A_239, %sub3A_265 : vector<16xi32>
          %select_n3A_267 = arith.select %and3A_263, %sub3A_266, %div3A_239 : vector<16xi1>, vector<16xi32>
          %add3A_268 = vector.broadcast %mul3A_64 : i32 to vector<16xi32>
          %add3A_269 = arith.addi %add3A_268, %select_n3A_267 : vector<16xi32>
          %jit3A_270 = arith.constant 0 : i32
          %broadcast_in_dim3A_271 = vector.broadcast %jit3A_270 : i32 to vector<16xi32>
          %select_n3A_272 = arith.select %ge3A_215, %broadcast_in_dim3A_271, %add3A_269 : vector<16xi1>, vector<16xi32>
          %gather3A = tpu.vector_load_idx %arg8[%select_n3A_236] : memref<10000xf32, #tpu.memory_space<vmem>>[vector<16xi32>], vector<16xf32>,
          %gather3A_273 = tpu.vector_load_idx %arg8[%select_n3A_272] : memref<10000xf32, #tpu.memory_space<vmem>>[vector<16xi32>], vector<16xf32>,
          %mul3A_274 = vector.broadcast %squeeze3A : f32 to vector<16xf32>
          %mul3A_275 = arith.mulf %mul3A_274, %gather3A : vector<16xf32>
          %mul3A_276 = vector.broadcast %squeeze3A_3 : f32 to vector<16xf32>
          %mul3A_277 = arith.mulf %mul3A_276, %gather3A_273 : vector<16xf32>
          %add3A_278 = arith.addf %mul3A_275, %mul3A_277 : vector<16xf32>
          %add3A_279 = vector.broadcast %squeeze3A_5 : f32 to vector<16xf32>
          %add3A_280 = arith.addf %add3A_278, %add3A_279 : vector<16xf32>
          %jit3A_281 = arith.constant 0.000000e+00 : f32
          %broadcast_in_dim3A_282 = vector.broadcast %jit3A_281 : f32 to vector<16xf32>
          %select_n3A_283 = arith.select %ge3A_215, %broadcast_in_dim3A_282, %add3A_280 : vector<16xi1>, vector<16xf32>
          %mul3A_284 = arith.constant 16 : i32
          %mul3A_285 = arith.muli %scan3A_204, %mul3A_284 : i32
          %swap3A = arith.index_cast %mul3A_285 : i32 to index
          %swap3A_286 = tpu.vector_load %arg25[%swap3A] {strides = array<i32>} : memref<256xf32, #tpu.memory_space<vmem>>, vector<16xf32>,
          tpu.vector_store %arg25[%swap3A], %select_n3A_283 {strides = array<i32>} : memref<256xf32, #tpu.memory_space<vmem>>, vector<16xf32>,
          %scan3A_287 = arith.constant 0 : i32
          scf.yield %scan3A_287 : i32
        }
        %scan3A_199 = arith.constant 16 : i32
        %mul3A_200 = arith.constant 256 : i32
        %mul3A_201 = arith.muli %while3A_191, %mul3A_200 : i32
        %add3A_202 = arith.addi %multiple_of3A, %mul3A_201 : i32
        "tpu.region"() ({
          %run_scoped3A = tpu.sem_alloc : memref<!tpu.dma_semaphore, #tpu.memory_space<semaphore_mem>>
          %dma_start3A = tpu.memref_slice %arg11[%add3A_202] : memref<21968xi32, #tpu.memory_space<vmem>> -> memref<256xi32, #tpu.memory_space<vmem>>
          %dma_start3A_204 = arith.constant 0 : i32
          %dma_start3A_205 = tpu.memref_slice %arg29[%dma_start3A_204] : memref<960512xf32, #tpu.memory_space<vmem_shared>> -> memref<960512xf32, #tpu.memory_space<vmem_shared>>
          tpu.enqueue_indirect_dma source(%arg25 : memref<256xf32, #tpu.memory_space<vmem>>) target(%dma_start3A_205 : memref<960512xf32, #tpu.memory_space<vmem_shared>>) offsets(%dma_start3A : memref<256xi32, #tpu.memory_space<vmem>>) semaphore(%run_scoped3A : memref<!tpu.dma_semaphore, #tpu.memory_space<semaphore_mem>>) {add = true}
          %dma_wait3A = tpu.memref_slice %arg11[%add3A_202] : memref<21968xi32, #tpu.memory_space<vmem>> -> memref<256xi32, #tpu.memory_space<vmem>>
          %dma_wait3A_206 = arith.constant 0 : i32
          %dma_wait3A_207 = tpu.memref_slice %arg29[%dma_wait3A_206] : memref<960512xf32, #tpu.memory_space<vmem_shared>> -> memref<960512xf32, #tpu.memory_space<vmem_shared>>
          tpu.wait_indirect_dma semaphore(%run_scoped3A : memref<!tpu.dma_semaphore, #tpu.memory_space<semaphore_mem>>) src(%arg25 : memref<256xf32, #tpu.memory_space<vmem>>) dst(%dma_wait3A_207 : memref<960512xf32, #tpu.memory_space<vmem_shared>>)
          tpu.yield
        }) : () -> ()
        %while3A_203 = arith.constant 0 : i32
        scf.yield %while3A_203 : i32
      }
      %while3A_128 = arith.constant 1 : i32
      %while3A_129 = scf.for %while3A_191 = %while3A_125 to %while3A_121 step %while3A_128 iter_args(%while3A_192 = %while3A_127) -> (i32)  : i32 {
        %scan3A_193 = arith.constant 0 : i32
        %scan3A_194 = arith.constant 0 : i32
        %scan3A_195 = arith.constant 16 : i32
        %scan3A_196 = arith.addi %scan3A_194, %scan3A_195 : i32
        %scan3A_197 = arith.constant 1 : i32
        %scan3A_198 = scf.for %scan3A_204 = %scan3A_194 to %scan3A_196 step %scan3A_197 iter_args(%scan3A_205 = %scan3A_193) -> (i32)  : i32 {
          %mul3A_206 = arith.constant 256 : i32
          %mul3A_207 = arith.muli %while3A_191, %mul3A_206 : i32
          %add3A_208 = arith.addi %multiple_of3A, %mul3A_207 : i32
          %mul3A_209 = arith.constant 16 : i32
          %mul3A_210 = arith.muli %scan3A_204, %mul3A_209 : i32
          %add3A_211 = arith.addi %add3A_208, %mul3A_210 : i32
          %get3A_212 = arith.index_cast %add3A_211 : i32 to index
          %get3A_213 = tpu.vector_load %arg11[%get3A_212] {strides = array<i32>} : memref<21968xi32, #tpu.memory_space<vmem>>, vector<16xi32>,
          %ge3A = arith.constant 960000 : i32
          %ge3A_214 = vector.broadcast %ge3A : i32 to vector<16xi32>
          %ge3A_215 = arith.cmpi sge, %get3A_213, %ge3A_214 : vector<16xi32>
          %jit3A_216 = arith.constant 10000 : i32
          %eq3A_217 = arith.constant 0 : i32
          %eq3A_218 = arith.cmpi eq, %jit3A_216, %eq3A_217 : i32
          %jit3A_219 = arith.constant 1 : i32
          %select_n3A_220 = arith.select %eq3A_218, %jit3A_219, %jit3A_216 : i32
          %rem3A_221 = vector.broadcast %select_n3A_220 : i32 to vector<16xi32>
          %rem3A_222 = arith.remsi %get3A_213, %rem3A_221 : vector<16xi32>
          %ne3A_223 = arith.constant 0 : i32
          %ne3A_224 = vector.broadcast %ne3A_223 : i32 to vector<16xi32>
          %ne3A_225 = arith.cmpi ne, %rem3A_222, %ne3A_224 : vector<16xi32>
          %lt3A = arith.constant 0 : i32
          %lt3A_226 = vector.broadcast %lt3A : i32 to vector<16xi32>
          %lt3A_227 = arith.cmpi slt, %rem3A_222, %lt3A_226 : vector<16xi32>
          %lt3A_228 = arith.constant 0 : i32
          %lt3A_229 = arith.cmpi slt, %select_n3A_220, %lt3A_228 : i32
          %ne3A_230 = vector.broadcast %lt3A_229 : i1 to vector<16xi1>
          %ne3A_231 = vector.broadcast %ne3A_230 : vector<16xi1> to vector<16xi1>
          %ne3A_232 = arith.xori %lt3A_227, %ne3A_231 : vector<16xi1>
          %and3A_233 = arith.andi %ne3A_232, %ne3A_225 : vector<16xi1>
          %add3A_234 = vector.broadcast %select_n3A_220 : i32 to vector<16xi32>
          %add3A_235 = arith.addi %rem3A_222, %add3A_234 : vector<16xi32>
          %select_n3A_236 = arith.select %and3A_233, %add3A_235, %rem3A_222 : vector<16xi1>, vector<16xi32>
          %jit3A_237 = arith.constant 10000 : i32
          %div3A_238 = vector.broadcast %jit3A_237 : i32 to vector<16xi32>
          %div3A_239 = arith.divsi %get3A_213, %div3A_238 : vector<16xi32>
          %sign3A_240 = arith.constant 0 : i32
          %sign3A_241 = vector.broadcast %sign3A_240 : i32 to vector<16xi32>
          %sign3A_242 = arith.cmpi sgt, %get3A_213, %sign3A_241 : vector<16xi32>
          %sign3A_243 = arith.extui %sign3A_242 : vector<16xi1> to vector<16xi32>
          %sign3A_244 = arith.constant 0 : i32
          %sign3A_245 = vector.broadcast %sign3A_244 : i32 to vector<16xi32>
          %sign3A_246 = arith.cmpi slt, %get3A_213, %sign3A_245 : vector<16xi32>
          %sign3A_247 = arith.extui %sign3A_246 : vector<16xi1> to vector<16xi32>
          %sign3A_248 = arith.subi %sign3A_243, %sign3A_247 : vector<16xi32>
          %sign3A_249 = arith.constant 0 : i32
          %sign3A_250 = arith.cmpi sgt, %jit3A_237, %sign3A_249 : i32
          %sign3A_251 = arith.extui %sign3A_250 : i1 to i32
          %sign3A_252 = arith.constant 0 : i32
          %sign3A_253 = arith.cmpi slt, %jit3A_237, %sign3A_252 : i32
          %sign3A_254 = arith.extui %sign3A_253 : i1 to i32
          %sign3A_255 = arith.subi %sign3A_251, %sign3A_254 : i32
          %ne3A_256 = vector.broadcast %sign3A_255 : i32 to vector<16xi32>
          %ne3A_257 = arith.cmpi ne, %sign3A_248, %ne3A_256 : vector<16xi32>
          %rem3A_258 = vector.broadcast %jit3A_237 : i32 to vector<16xi32>
          %rem3A_259 = arith.remsi %get3A_213, %rem3A_258 : vector<16xi32>
          %ne3A_260 = arith.constant 0 : i32
          %ne3A_261 = vector.broadcast %ne3A_260 : i32 to vector<16xi32>
          %ne3A_262 = arith.cmpi ne, %rem3A_259, %ne3A_261 : vector<16xi32>
          %and3A_263 = arith.andi %ne3A_257, %ne3A_262 : vector<16xi1>
          %sub3A_264 = arith.constant 1 : i32
          %sub3A_265 = vector.broadcast %sub3A_264 : i32 to vector<16xi32>
          %sub3A_266 = arith.subi %div3A_239, %sub3A_265 : vector<16xi32>
          %select_n3A_267 = arith.select %and3A_263, %sub3A_266, %div3A_239 : vector<16xi1>, vector<16xi32>
          %add3A_268 = vector.broadcast %mul3A_64 : i32 to vector<16xi32>
          %add3A_269 = arith.addi %add3A_268, %select_n3A_267 : vector<16xi32>
          %jit3A_270 = arith.constant 0 : i32
          %broadcast_in_dim3A_271 = vector.broadcast %jit3A_270 : i32 to vector<16xi32>
          %select_n3A_272 = arith.select %ge3A_215, %broadcast_in_dim3A_271, %add3A_269 : vector<16xi1>, vector<16xi32>
          %gather3A = tpu.vector_load_idx %arg8[%select_n3A_236] : memref<10000xf32, #tpu.memory_space<vmem>>[vector<16xi32>], vector<16xf32>,
          %gather3A_273 = tpu.vector_load_idx %arg8[%select_n3A_272] : memref<10000xf32, #tpu.memory_space<vmem>>[vector<16xi32>], vector<16xf32>,
          %mul3A_274 = vector.broadcast %squeeze3A : f32 to vector<16xf32>
          %mul3A_275 = arith.mulf %mul3A_274, %gather3A : vector<16xf32>
          %mul3A_276 = vector.broadcast %squeeze3A_3 : f32 to vector<16xf32>
          %mul3A_277 = arith.mulf %mul3A_276, %gather3A_273 : vector<16xf32>
          %add3A_278 = arith.addf %mul3A_275, %mul3A_277 : vector<16xf32>
          %add3A_279 = vector.broadcast %squeeze3A_5 : f32 to vector<16xf32>
          %add3A_280 = arith.addf %add3A_278, %add3A_279 : vector<16xf32>
          %jit3A_281 = arith.constant 0.000000e+00 : f32
          %broadcast_in_dim3A_282 = vector.broadcast %jit3A_281 : f32 to vector<16xf32>
          %select_n3A_283 = arith.select %ge3A_215, %broadcast_in_dim3A_282, %add3A_280 : vector<16xi1>, vector<16xf32>
          %mul3A_284 = arith.constant 16 : i32
          %mul3A_285 = arith.muli %scan3A_204, %mul3A_284 : i32
          %swap3A = arith.index_cast %mul3A_285 : i32 to index
          %swap3A_286 = tpu.vector_load %arg25[%swap3A] {strides = array<i32>} : memref<256xf32, #tpu.memory_space<vmem>>, vector<16xf32>,
          tpu.vector_store %arg25[%swap3A], %select_n3A_283 {strides = array<i32>} : memref<256xf32, #tpu.memory_space<vmem>>, vector<16xf32>,
          %scan3A_287 = arith.constant 0 : i32
          scf.yield %scan3A_287 : i32
        }
        %scan3A_199 = arith.constant 16 : i32
        %mul3A_200 = arith.constant 256 : i32
        %mul3A_201 = arith.muli %while3A_191, %mul3A_200 : i32
        %add3A_202 = arith.addi %multiple_of3A, %mul3A_201 : i32
        "tpu.region"() ({
          %run_scoped3A = tpu.sem_alloc : memref<!tpu.dma_semaphore, #tpu.memory_space<semaphore_mem>>
          %dma_start3A = tpu.memref_slice %arg11[%add3A_202] : memref<21968xi32, #tpu.memory_space<vmem>> -> memref<256xi32, #tpu.memory_space<vmem>>
          %dma_start3A_204 = arith.constant 0 : i32
          %dma_start3A_205 = tpu.memref_slice %arg29[%dma_start3A_204] : memref<960512xf32, #tpu.memory_space<vmem_shared>> -> memref<960512xf32, #tpu.memory_space<vmem_shared>>
          tpu.enqueue_indirect_dma source(%arg25 : memref<256xf32, #tpu.memory_space<vmem>>) target(%dma_start3A_205 : memref<960512xf32, #tpu.memory_space<vmem_shared>>) offsets(%dma_start3A : memref<256xi32, #tpu.memory_space<vmem>>) semaphore(%run_scoped3A : memref<!tpu.dma_semaphore, #tpu.memory_space<semaphore_mem>>) {add = true}
          %dma_wait3A = tpu.memref_slice %arg11[%add3A_202] : memref<21968xi32, #tpu.memory_space<vmem>> -> memref<256xi32, #tpu.memory_space<vmem>>
          %dma_wait3A_206 = arith.constant 0 : i32
          %dma_wait3A_207 = tpu.memref_slice %arg29[%dma_wait3A_206] : memref<960512xf32, #tpu.memory_space<vmem_shared>> -> memref<960512xf32, #tpu.memory_space<vmem_shared>>
          tpu.wait_indirect_dma semaphore(%run_scoped3A : memref<!tpu.dma_semaphore, #tpu.memory_space<semaphore_mem>>) src(%arg25 : memref<256xf32, #tpu.memory_space<vmem>>) dst(%dma_wait3A_207 : memref<960512xf32, #tpu.memory_space<vmem_shared>>)
          tpu.yield
        }) : () -> ()
        %while3A_203 = arith.constant 0 : i32
        scf.yield %while3A_203 : i32
      }
      %gt3A_130 = arith.constant 0 : i32
      %gt3A_131 = arith.cmpi sgt, %sub3A_96, %gt3A_130 : i32
      %convert_element_type3A_132 = arith.extui %gt3A_131 : i1 to i32
      %cond3A_133 = arith.constant 0 : i32
      %cond3A_134 = arith.cmpi ne, %convert_element_type3A_132, %cond3A_133 : i32
      scf.if %cond3A_134 {
        %scan3A_191 = arith.constant 0 : i32
        %scan3A_192 = arith.constant 0 : i32
        %scan3A_193 = arith.constant 16 : i32
        %scan3A_194 = arith.addi %scan3A_192, %scan3A_193 : i32
        %scan3A_195 = arith.constant 1 : i32
        %scan3A_196 = scf.for %scan3A_198 = %scan3A_192 to %scan3A_194 step %scan3A_195 iter_args(%scan3A_199 = %scan3A_191) -> (i32)  : i32 {
          %mul3A_200 = arith.constant 16 : i32
          %mul3A_201 = arith.muli %scan3A_198, %mul3A_200 : i32
          %get3A_202 = arith.index_cast %mul3A_201 : i32 to index
          %get3A_203 = tpu.vector_load %arg26[%get3A_202] {strides = array<i32>} : memref<256xi32, #tpu.memory_space<vmem>>, vector<16xi32>,
          %ge3A = arith.constant 960000 : i32
          %ge3A_204 = vector.broadcast %ge3A : i32 to vector<16xi32>
          %ge3A_205 = arith.cmpi sge, %get3A_203, %ge3A_204 : vector<16xi32>
          %jit3A_206 = arith.constant 10000 : i32
          %eq3A_207 = arith.constant 0 : i32
          %eq3A_208 = arith.cmpi eq, %jit3A_206, %eq3A_207 : i32
          %jit3A_209 = arith.constant 1 : i32
          %select_n3A_210 = arith.select %eq3A_208, %jit3A_209, %jit3A_206 : i32
          %rem3A_211 = vector.broadcast %select_n3A_210 : i32 to vector<16xi32>
          %rem3A_212 = arith.remsi %get3A_203, %rem3A_211 : vector<16xi32>
          %ne3A_213 = arith.constant 0 : i32
          %ne3A_214 = vector.broadcast %ne3A_213 : i32 to vector<16xi32>
          %ne3A_215 = arith.cmpi ne, %rem3A_212, %ne3A_214 : vector<16xi32>
          %lt3A = arith.constant 0 : i32
          %lt3A_216 = vector.broadcast %lt3A : i32 to vector<16xi32>
          %lt3A_217 = arith.cmpi slt, %rem3A_212, %lt3A_216 : vector<16xi32>
          %lt3A_218 = arith.constant 0 : i32
          %lt3A_219 = arith.cmpi slt, %select_n3A_210, %lt3A_218 : i32
          %ne3A_220 = vector.broadcast %lt3A_219 : i1 to vector<16xi1>
          %ne3A_221 = vector.broadcast %ne3A_220 : vector<16xi1> to vector<16xi1>
          %ne3A_222 = arith.xori %lt3A_217, %ne3A_221 : vector<16xi1>
          %and3A_223 = arith.andi %ne3A_222, %ne3A_215 : vector<16xi1>
          %add3A_224 = vector.broadcast %select_n3A_210 : i32 to vector<16xi32>
          %add3A_225 = arith.addi %rem3A_212, %add3A_224 : vector<16xi32>
          %select_n3A_226 = arith.select %and3A_223, %add3A_225, %rem3A_212 : vector<16xi1>, vector<16xi32>
          %jit3A_227 = arith.constant 10000 : i32
          %div3A_228 = vector.broadcast %jit3A_227 : i32 to vector<16xi32>
          %div3A_229 = arith.divsi %get3A_203, %div3A_228 : vector<16xi32>
          %sign3A_230 = arith.constant 0 : i32
          %sign3A_231 = vector.broadcast %sign3A_230 : i32 to vector<16xi32>
          %sign3A_232 = arith.cmpi sgt, %get3A_203, %sign3A_231 : vector<16xi32>
          %sign3A_233 = arith.extui %sign3A_232 : vector<16xi1> to vector<16xi32>
          %sign3A_234 = arith.constant 0 : i32
          %sign3A_235 = vector.broadcast %sign3A_234 : i32 to vector<16xi32>
          %sign3A_236 = arith.cmpi slt, %get3A_203, %sign3A_235 : vector<16xi32>
          %sign3A_237 = arith.extui %sign3A_236 : vector<16xi1> to vector<16xi32>
          %sign3A_238 = arith.subi %sign3A_233, %sign3A_237 : vector<16xi32>
          %sign3A_239 = arith.constant 0 : i32
          %sign3A_240 = arith.cmpi sgt, %jit3A_227, %sign3A_239 : i32
          %sign3A_241 = arith.extui %sign3A_240 : i1 to i32
          %sign3A_242 = arith.constant 0 : i32
          %sign3A_243 = arith.cmpi slt, %jit3A_227, %sign3A_242 : i32
          %sign3A_244 = arith.extui %sign3A_243 : i1 to i32
          %sign3A_245 = arith.subi %sign3A_241, %sign3A_244 : i32
          %ne3A_246 = vector.broadcast %sign3A_245 : i32 to vector<16xi32>
          %ne3A_247 = arith.cmpi ne, %sign3A_238, %ne3A_246 : vector<16xi32>
          %rem3A_248 = vector.broadcast %jit3A_227 : i32 to vector<16xi32>
          %rem3A_249 = arith.remsi %get3A_203, %rem3A_248 : vector<16xi32>
          %ne3A_250 = arith.constant 0 : i32
          %ne3A_251 = vector.broadcast %ne3A_250 : i32 to vector<16xi32>
          %ne3A_252 = arith.cmpi ne, %rem3A_249, %ne3A_251 : vector<16xi32>
          %and3A_253 = arith.andi %ne3A_247, %ne3A_252 : vector<16xi1>
          %sub3A_254 = arith.constant 1 : i32
          %sub3A_255 = vector.broadcast %sub3A_254 : i32 to vector<16xi32>
          %sub3A_256 = arith.subi %div3A_229, %sub3A_255 : vector<16xi32>
          %select_n3A_257 = arith.select %and3A_253, %sub3A_256, %div3A_229 : vector<16xi1>, vector<16xi32>
          %add3A_258 = vector.broadcast %mul3A_64 : i32 to vector<16xi32>
          %add3A_259 = arith.addi %add3A_258, %select_n3A_257 : vector<16xi32>
          %jit3A_260 = arith.constant 0 : i32
          %broadcast_in_dim3A_261 = vector.broadcast %jit3A_260 : i32 to vector<16xi32>
          %select_n3A_262 = arith.select %ge3A_205, %broadcast_in_dim3A_261, %add3A_259 : vector<16xi1>, vector<16xi32>
          %gather3A = tpu.vector_load_idx %arg8[%select_n3A_226] : memref<10000xf32, #tpu.memory_space<vmem>>[vector<16xi32>], vector<16xf32>,
          %gather3A_263 = tpu.vector_load_idx %arg8[%select_n3A_262] : memref<10000xf32, #tpu.memory_space<vmem>>[vector<16xi32>], vector<16xf32>,
          %mul3A_264 = vector.broadcast %squeeze3A : f32 to vector<16xf32>
          %mul3A_265 = arith.mulf %mul3A_264, %gather3A : vector<16xf32>
          %mul3A_266 = vector.broadcast %squeeze3A_3 : f32 to vector<16xf32>
          %mul3A_267 = arith.mulf %mul3A_266, %gather3A_263 : vector<16xf32>
          %add3A_268 = arith.addf %mul3A_265, %mul3A_267 : vector<16xf32>
          %add3A_269 = vector.broadcast %squeeze3A_5 : f32 to vector<16xf32>
          %add3A_270 = arith.addf %add3A_268, %add3A_269 : vector<16xf32>
          %jit3A_271 = arith.constant 0.000000e+00 : f32
          %broadcast_in_dim3A_272 = vector.broadcast %jit3A_271 : f32 to vector<16xf32>
          %select_n3A_273 = arith.select %ge3A_205, %broadcast_in_dim3A_272, %add3A_270 : vector<16xi1>, vector<16xf32>
          %mul3A_274 = arith.constant 16 : i32
          %mul3A_275 = arith.muli %scan3A_198, %mul3A_274 : i32
          %swap3A = arith.index_cast %mul3A_275 : i32 to index
          %swap3A_276 = tpu.vector_load %arg25[%swap3A] {strides = array<i32>} : memref<256xf32, #tpu.memory_space<vmem>>, vector<16xf32>,
          tpu.vector_store %arg25[%swap3A], %select_n3A_273 {strides = array<i32>} : memref<256xf32, #tpu.memory_space<vmem>>, vector<16xf32>,
          %scan3A_277 = arith.constant 0 : i32
          scf.yield %scan3A_277 : i32
        }
        %scan3A_197 = arith.constant 16 : i32
        "tpu.region"() ({
          %run_scoped3A = tpu.sem_alloc : memref<!tpu.dma_semaphore, #tpu.memory_space<semaphore_mem>>
          %dma_start3A = arith.constant 0 : i32
          %dma_start3A_198 = tpu.memref_slice %arg29[%dma_start3A] : memref<960512xf32, #tpu.memory_space<vmem_shared>> -> memref<960512xf32, #tpu.memory_space<vmem_shared>>
          tpu.enqueue_indirect_dma source(%arg25 : memref<256xf32, #tpu.memory_space<vmem>>) target(%dma_start3A_198 : memref<960512xf32, #tpu.memory_space<vmem_shared>>) offsets(%arg26 : memref<256xi32, #tpu.memory_space<vmem>>) semaphore(%run_scoped3A : memref<!tpu.dma_semaphore, #tpu.memory_space<semaphore_mem>>) {add = true}
          %dma_wait3A = arith.constant 0 : i32
          %dma_wait3A_199 = tpu.memref_slice %arg29[%dma_wait3A] : memref<960512xf32, #tpu.memory_space<vmem_shared>> -> memref<960512xf32, #tpu.memory_space<vmem_shared>>
          tpu.wait_indirect_dma semaphore(%run_scoped3A : memref<!tpu.dma_semaphore, #tpu.memory_space<semaphore_mem>>) src(%arg25 : memref<256xf32, #tpu.memory_space<vmem>>) dst(%dma_wait3A_199 : memref<960512xf32, #tpu.memory_space<vmem_shared>>)
          tpu.yield
        }) : () -> ()
      } else {
      }
      %barrier3A_135 = arith.constant 0 : index
      tpu.barrier barrier_id(%barrier3A_135)
      %while3A_136 = arith.constant 0 : i32
      %while3A_137 = arith.constant 0 : i32
      %while3A_138 = arith.subi %select_n3A, %while3A_136 : i32
      %while3A_139 = arith.addi %while3A_136, %while3A_138 : i32
      %while3A_140 = arith.constant 1 : i32
      %while3A_141 = arith.divsi %while3A_138, %while3A_140 : i32
      %while3A_142 = arith.muli %while3A_141, %while3A_140 : i32
      %while3A_143 = arith.addi %while3A_136, %while3A_142 : i32
      %while3A_144 = arith.constant 1 : i32
      %while3A_145 = scf.for %while3A_191 = %while3A_136 to %while3A_143 step %while3A_144 iter_args(%while3A_192 = %while3A_137) -> (i32)  : i32 {
        %mul3A_193 = arith.constant 256 : i32
        %mul3A_194 = arith.muli %while3A_191, %mul3A_193 : i32
        %add3A_195 = arith.addi %multiple_of3A, %mul3A_194 : i32
        %mul3A_196 = arith.constant 256 : i32
        %mul3A_197 = arith.muli %while3A_191, %mul3A_196 : i32
        "tpu.region"() ({
          %run_scoped3A = tpu.sem_alloc : memref<!tpu.dma_semaphore, #tpu.memory_space<semaphore_mem>>
          %dma_start3A = tpu.memref_slice %arg12[%mul3A_197] : memref<20256xf32, #tpu.memory_space<vmem>> -> memref<256xf32, #tpu.memory_space<vmem>>
          %dma_start3A_199 = tpu.memref_slice %arg11[%add3A_195] : memref<21968xi32, #tpu.memory_space<vmem>> -> memref<256xi32, #tpu.memory_space<vmem>>
          %dma_start3A_200 = arith.constant 0 : i32
          %dma_start3A_201 = tpu.memref_slice %arg29[%dma_start3A_200] : memref<960512xf32, #tpu.memory_space<vmem_shared>> -> memref<960512xf32, #tpu.memory_space<vmem_shared>>
          tpu.enqueue_indirect_dma source(%dma_start3A_201 : memref<960512xf32, #tpu.memory_space<vmem_shared>>) target(%dma_start3A : memref<256xf32, #tpu.memory_space<vmem>>) offsets(%dma_start3A_199 : memref<256xi32, #tpu.memory_space<vmem>>) semaphore(%run_scoped3A : memref<!tpu.dma_semaphore, #tpu.memory_space<semaphore_mem>>)
          %dma_wait3A = tpu.memref_slice %arg12[%mul3A_197] : memref<20256xf32, #tpu.memory_space<vmem>> -> memref<256xf32, #tpu.memory_space<vmem>>
          %dma_wait3A_202 = tpu.memref_slice %arg11[%add3A_195] : memref<21968xi32, #tpu.memory_space<vmem>> -> memref<256xi32, #tpu.memory_space<vmem>>
          %dma_wait3A_203 = arith.constant 0 : i32
          %dma_wait3A_204 = tpu.memref_slice %arg29[%dma_wait3A_203] : memref<960512xf32, #tpu.memory_space<vmem_shared>> -> memref<960512xf32, #tpu.memory_space<vmem_shared>>
          tpu.wait_indirect_dma semaphore(%run_scoped3A : memref<!tpu.dma_semaphore, #tpu.memory_space<semaphore_mem>>) src(%dma_wait3A_204 : memref<960512xf32, #tpu.memory_space<vmem_shared>>) dst(%dma_wait3A : memref<256xf32, #tpu.memory_space<vmem>>)
          tpu.yield
        }) : () -> ()
        %while3A_198 = arith.constant 0 : i32
        scf.yield %while3A_198 : i32
      }
      %while3A_146 = arith.constant 1 : i32
      %while3A_147 = scf.for %while3A_191 = %while3A_143 to %while3A_139 step %while3A_146 iter_args(%while3A_192 = %while3A_145) -> (i32)  : i32 {
        %mul3A_193 = arith.constant 256 : i32
        %mul3A_194 = arith.muli %while3A_191, %mul3A_193 : i32
        %add3A_195 = arith.addi %multiple_of3A, %mul3A_194 : i32
        %mul3A_196 = arith.constant 256 : i32
        %mul3A_197 = arith.muli %while3A_191, %mul3A_196 : i32
        "tpu.region"() ({
          %run_scoped3A = tpu.sem_alloc : memref<!tpu.dma_semaphore, #tpu.memory_space<semaphore_mem>>
          %dma_start3A = tpu.memref_slice %arg12[%mul3A_197] : memref<20256xf32, #tpu.memory_space<vmem>> -> memref<256xf32, #tpu.memory_space<vmem>>
          %dma_start3A_199 = tpu.memref_slice %arg11[%add3A_195] : memref<21968xi32, #tpu.memory_space<vmem>> -> memref<256xi32, #tpu.memory_space<vmem>>
          %dma_start3A_200 = arith.constant 0 : i32
          %dma_start3A_201 = tpu.memref_slice %arg29[%dma_start3A_200] : memref<960512xf32, #tpu.memory_space<vmem_shared>> -> memref<960512xf32, #tpu.memory_space<vmem_shared>>
          tpu.enqueue_indirect_dma source(%dma_start3A_201 : memref<960512xf32, #tpu.memory_space<vmem_shared>>) target(%dma_start3A : memref<256xf32, #tpu.memory_space<vmem>>) offsets(%dma_start3A_199 : memref<256xi32, #tpu.memory_space<vmem>>) semaphore(%run_scoped3A : memref<!tpu.dma_semaphore, #tpu.memory_space<semaphore_mem>>)
          %dma_wait3A = tpu.memref_slice %arg12[%mul3A_197] : memref<20256xf32, #tpu.memory_space<vmem>> -> memref<256xf32, #tpu.memory_space<vmem>>
          %dma_wait3A_202 = tpu.memref_slice %arg11[%add3A_195] : memref<21968xi32, #tpu.memory_space<vmem>> -> memref<256xi32, #tpu.memory_space<vmem>>
          %dma_wait3A_203 = arith.constant 0 : i32
          %dma_wait3A_204 = tpu.memref_slice %arg29[%dma_wait3A_203] : memref<960512xf32, #tpu.memory_space<vmem_shared>> -> memref<960512xf32, #tpu.memory_space<vmem_shared>>
          tpu.wait_indirect_dma semaphore(%run_scoped3A : memref<!tpu.dma_semaphore, #tpu.memory_space<semaphore_mem>>) src(%dma_wait3A_204 : memref<960512xf32, #tpu.memory_space<vmem_shared>>) dst(%dma_wait3A : memref<256xf32, #tpu.memory_space<vmem>>)
          tpu.yield
        }) : () -> ()
        %while3A_198 = arith.constant 0 : i32
        scf.yield %while3A_198 : i32
      }
      %gt3A_148 = arith.constant 0 : i32
      %gt3A_149 = arith.cmpi sgt, %sub3A_96, %gt3A_148 : i32
      %convert_element_type3A_150 = arith.extui %gt3A_149 : i1 to i32
      %cond3A_151 = arith.constant 0 : i32
      %cond3A_152 = arith.cmpi ne, %convert_element_type3A_150, %cond3A_151 : i32
      scf.if %cond3A_152 {
        %mul3A_191 = arith.constant 256 : i32
        %mul3A_192 = arith.muli %select_n3A, %mul3A_191 : i32
        "tpu.region"() ({
          %run_scoped3A = tpu.sem_alloc : memref<!tpu.dma_semaphore, #tpu.memory_space<semaphore_mem>>
          %dma_start3A = tpu.memref_slice %arg12[%mul3A_192] : memref<20256xf32, #tpu.memory_space<vmem>> -> memref<256xf32, #tpu.memory_space<vmem>>
          %dma_start3A_193 = arith.constant 0 : i32
          %dma_start3A_194 = tpu.memref_slice %arg29[%dma_start3A_193] : memref<960512xf32, #tpu.memory_space<vmem_shared>> -> memref<960512xf32, #tpu.memory_space<vmem_shared>>
          tpu.enqueue_indirect_dma source(%dma_start3A_194 : memref<960512xf32, #tpu.memory_space<vmem_shared>>) target(%dma_start3A : memref<256xf32, #tpu.memory_space<vmem>>) offsets(%arg26 : memref<256xi32, #tpu.memory_space<vmem>>) semaphore(%run_scoped3A : memref<!tpu.dma_semaphore, #tpu.memory_space<semaphore_mem>>)
          %dma_wait3A = tpu.memref_slice %arg12[%mul3A_192] : memref<20256xf32, #tpu.memory_space<vmem>> -> memref<256xf32, #tpu.memory_space<vmem>>
          %dma_wait3A_195 = arith.constant 0 : i32
          %dma_wait3A_196 = tpu.memref_slice %arg29[%dma_wait3A_195] : memref<960512xf32, #tpu.memory_space<vmem_shared>> -> memref<960512xf32, #tpu.memory_space<vmem_shared>>
          tpu.wait_indirect_dma semaphore(%run_scoped3A : memref<!tpu.dma_semaphore, #tpu.memory_space<semaphore_mem>>) src(%dma_wait3A_196 : memref<960512xf32, #tpu.memory_space<vmem_shared>>) dst(%dma_wait3A : memref<256xf32, #tpu.memory_space<vmem>>)
          tpu.yield
        }) : () -> ()
      } else {
      }
      %barrier3A_153 = arith.constant 0 : index
      tpu.barrier barrier_id(%barrier3A_153)
      %while3A_154 = arith.constant 0 : i32
      %while3A_155 = arith.constant 0 : i32
      %while3A_156 = arith.subi %select_n3A, %while3A_154 : i32
      %while3A_157 = arith.addi %while3A_154, %while3A_156 : i32
      %while3A_158 = arith.constant 1 : i32
      %while3A_159 = arith.divsi %while3A_156, %while3A_158 : i32
      %while3A_160 = arith.muli %while3A_159, %while3A_158 : i32
      %while3A_161 = arith.addi %while3A_154, %while3A_160 : i32
      %while3A_162 = arith.constant 1 : i32
      %while3A_163 = scf.for %while3A_191 = %while3A_154 to %while3A_161 step %while3A_162 iter_args(%while3A_192 = %while3A_155) -> (i32)  : i32 {
        %mul3A_193 = arith.constant 256 : i32
        %mul3A_194 = arith.muli %while3A_191, %mul3A_193 : i32
        %add3A_195 = arith.addi %multiple_of3A, %mul3A_194 : i32
        "tpu.region"() ({
          %run_scoped3A = tpu.sem_alloc : memref<!tpu.dma_semaphore, #tpu.memory_space<semaphore_mem>>
          %dma_start3A = tpu.memref_slice %arg11[%add3A_195] : memref<21968xi32, #tpu.memory_space<vmem>> -> memref<256xi32, #tpu.memory_space<vmem>>
          %dma_start3A_197 = arith.constant 0 : i32
          %dma_start3A_198 = tpu.memref_slice %arg29[%dma_start3A_197] : memref<960512xf32, #tpu.memory_space<vmem_shared>> -> memref<960512xf32, #tpu.memory_space<vmem_shared>>
          tpu.enqueue_indirect_dma source(%arg20 : memref<256xf32, #tpu.memory_space<vmem>>) target(%dma_start3A_198 : memref<960512xf32, #tpu.memory_space<vmem_shared>>) offsets(%dma_start3A : memref<256xi32, #tpu.memory_space<vmem>>) semaphore(%run_scoped3A : memref<!tpu.dma_semaphore, #tpu.memory_space<semaphore_mem>>) {add = true}
          %dma_wait3A = tpu.memref_slice %arg11[%add3A_195] : memref<21968xi32, #tpu.memory_space<vmem>> -> memref<256xi32, #tpu.memory_space<vmem>>
          %dma_wait3A_199 = arith.constant 0 : i32
          %dma_wait3A_200 = tpu.memref_slice %arg29[%dma_wait3A_199] : memref<960512xf32, #tpu.memory_space<vmem_shared>> -> memref<960512xf32, #tpu.memory_space<vmem_shared>>
          tpu.wait_indirect_dma semaphore(%run_scoped3A : memref<!tpu.dma_semaphore, #tpu.memory_space<semaphore_mem>>) src(%arg20 : memref<256xf32, #tpu.memory_space<vmem>>) dst(%dma_wait3A_200 : memref<960512xf32, #tpu.memory_space<vmem_shared>>)
          tpu.yield
        }) : () -> ()
        %while3A_196 = arith.constant 0 : i32
        scf.yield %while3A_196 : i32
      }
      %while3A_164 = arith.constant 1 : i32
      %while3A_165 = scf.for %while3A_191 = %while3A_161 to %while3A_157 step %while3A_164 iter_args(%while3A_192 = %while3A_163) -> (i32)  : i32 {
        %mul3A_193 = arith.constant 256 : i32
        %mul3A_194 = arith.muli %while3A_191, %mul3A_193 : i32
        %add3A_195 = arith.addi %multiple_of3A, %mul3A_194 : i32
        "tpu.region"() ({
          %run_scoped3A = tpu.sem_alloc : memref<!tpu.dma_semaphore, #tpu.memory_space<semaphore_mem>>
          %dma_start3A = tpu.memref_slice %arg11[%add3A_195] : memref<21968xi32, #tpu.memory_space<vmem>> -> memref<256xi32, #tpu.memory_space<vmem>>
          %dma_start3A_197 = arith.constant 0 : i32
          %dma_start3A_198 = tpu.memref_slice %arg29[%dma_start3A_197] : memref<960512xf32, #tpu.memory_space<vmem_shared>> -> memref<960512xf32, #tpu.memory_space<vmem_shared>>
          tpu.enqueue_indirect_dma source(%arg20 : memref<256xf32, #tpu.memory_space<vmem>>) target(%dma_start3A_198 : memref<960512xf32, #tpu.memory_space<vmem_shared>>) offsets(%dma_start3A : memref<256xi32, #tpu.memory_space<vmem>>) semaphore(%run_scoped3A : memref<!tpu.dma_semaphore, #tpu.memory_space<semaphore_mem>>) {add = true}
          %dma_wait3A = tpu.memref_slice %arg11[%add3A_195] : memref<21968xi32, #tpu.memory_space<vmem>> -> memref<256xi32, #tpu.memory_space<vmem>>
          %dma_wait3A_199 = arith.constant 0 : i32
          %dma_wait3A_200 = tpu.memref_slice %arg29[%dma_wait3A_199] : memref<960512xf32, #tpu.memory_space<vmem_shared>> -> memref<960512xf32, #tpu.memory_space<vmem_shared>>
          tpu.wait_indirect_dma semaphore(%run_scoped3A : memref<!tpu.dma_semaphore, #tpu.memory_space<semaphore_mem>>) src(%arg20 : memref<256xf32, #tpu.memory_space<vmem>>) dst(%dma_wait3A_200 : memref<960512xf32, #tpu.memory_space<vmem_shared>>)
          tpu.yield
        }) : () -> ()
        %while3A_196 = arith.constant 0 : i32
        scf.yield %while3A_196 : i32
      }
      %gt3A_166 = arith.constant 0 : i32
      %gt3A_167 = arith.cmpi sgt, %sub3A_96, %gt3A_166 : i32
      %convert_element_type3A_168 = arith.extui %gt3A_167 : i1 to i32
      %cond3A_169 = arith.constant 0 : i32
      %cond3A_170 = arith.cmpi ne, %convert_element_type3A_168, %cond3A_169 : i32
      scf.if %cond3A_170 {
        "tpu.region"() ({
          %run_scoped3A = tpu.sem_alloc : memref<!tpu.dma_semaphore, #tpu.memory_space<semaphore_mem>>
          %dma_start3A = arith.constant 0 : i32
          %dma_start3A_191 = tpu.memref_slice %arg29[%dma_start3A] : memref<960512xf32, #tpu.memory_space<vmem_shared>> -> memref<960512xf32, #tpu.memory_space<vmem_shared>>
          tpu.enqueue_indirect_dma source(%arg20 : memref<256xf32, #tpu.memory_space<vmem>>) target(%dma_start3A_191 : memref<960512xf32, #tpu.memory_space<vmem_shared>>) offsets(%arg26 : memref<256xi32, #tpu.memory_space<vmem>>) semaphore(%run_scoped3A : memref<!tpu.dma_semaphore, #tpu.memory_space<semaphore_mem>>) {add = true}
          %dma_wait3A = arith.constant 0 : i32
          %dma_wait3A_192 = tpu.memref_slice %arg29[%dma_wait3A] : memref<960512xf32, #tpu.memory_space<vmem_shared>> -> memref<960512xf32, #tpu.memory_space<vmem_shared>>
          tpu.wait_indirect_dma semaphore(%run_scoped3A : memref<!tpu.dma_semaphore, #tpu.memory_space<semaphore_mem>>) src(%arg20 : memref<256xf32, #tpu.memory_space<vmem>>) dst(%dma_wait3A_192 : memref<960512xf32, #tpu.memory_space<vmem_shared>>)
          tpu.yield
        }) : () -> ()
      } else {
      }
      %barrier3A_171 = arith.constant 0 : index
      tpu.barrier barrier_id(%barrier3A_171)
      %while3A_172 = arith.constant 0 : i32
      %while3A_173 = arith.constant 0 : i32
      %while3A_174 = arith.subi %select_n3A, %while3A_172 : i32
      %while3A_175 = arith.addi %while3A_172, %while3A_174 : i32
      %while3A_176 = arith.constant 1 : i32
      %while3A_177 = arith.divsi %while3A_174, %while3A_176 : i32
      %while3A_178 = arith.muli %while3A_177, %while3A_176 : i32
      %while3A_179 = arith.addi %while3A_172, %while3A_178 : i32
      %while3A_180 = arith.constant 1 : i32
      %while3A_181 = scf.for %while3A_191 = %while3A_172 to %while3A_179 step %while3A_180 iter_args(%while3A_192 = %while3A_173) -> (i32)  : i32 {
        %mul3A_193 = arith.constant 256 : i32
        %mul3A_194 = arith.muli %while3A_191, %mul3A_193 : i32
        %add3A_195 = arith.addi %multiple_of3A, %mul3A_194 : i32
        "tpu.region"() ({
          %run_scoped3A = tpu.sem_alloc : memref<!tpu.dma_semaphore, #tpu.memory_space<semaphore_mem>>
          %dma_start3A_210 = tpu.memref_slice %arg11[%add3A_195] : memref<21968xi32, #tpu.memory_space<vmem>> -> memref<256xi32, #tpu.memory_space<vmem>>
          %dma_start3A_211 = arith.constant 0 : i32
          %dma_start3A_212 = tpu.memref_slice %arg29[%dma_start3A_211] : memref<960512xf32, #tpu.memory_space<vmem_shared>> -> memref<960512xf32, #tpu.memory_space<vmem_shared>>
          tpu.enqueue_indirect_dma source(%dma_start3A_212 : memref<960512xf32, #tpu.memory_space<vmem_shared>>) target(%arg21 : memref<256xf32, #tpu.memory_space<vmem>>) offsets(%dma_start3A_210 : memref<256xi32, #tpu.memory_space<vmem>>) semaphore(%run_scoped3A : memref<!tpu.dma_semaphore, #tpu.memory_space<semaphore_mem>>)
          %dma_wait3A_213 = tpu.memref_slice %arg11[%add3A_195] : memref<21968xi32, #tpu.memory_space<vmem>> -> memref<256xi32, #tpu.memory_space<vmem>>
          %dma_wait3A_214 = arith.constant 0 : i32
          %dma_wait3A_215 = tpu.memref_slice %arg29[%dma_wait3A_214] : memref<960512xf32, #tpu.memory_space<vmem_shared>> -> memref<960512xf32, #tpu.memory_space<vmem_shared>>
          tpu.wait_indirect_dma semaphore(%run_scoped3A : memref<!tpu.dma_semaphore, #tpu.memory_space<semaphore_mem>>) src(%dma_wait3A_215 : memref<960512xf32, #tpu.memory_space<vmem_shared>>) dst(%arg21 : memref<256xf32, #tpu.memory_space<vmem>>)
          tpu.yield
        }) : () -> ()
        %scan3A_196 = arith.constant 0 : i32
        %scan3A_197 = arith.constant 0 : i32
        %scan3A_198 = arith.constant 16 : i32
        %scan3A_199 = arith.addi %scan3A_197, %scan3A_198 : i32
        %scan3A_200 = arith.constant 1 : i32
        %scan3A_201 = scf.for %scan3A_210 = %scan3A_197 to %scan3A_199 step %scan3A_200 iter_args(%scan3A_211 = %scan3A_196) -> (i32)  : i32 {
          %mul3A_212 = arith.constant 16 : i32
          %mul3A_213 = arith.muli %scan3A_210, %mul3A_212 : i32
          %mul3A_214 = arith.constant 256 : i32
          %mul3A_215 = arith.muli %while3A_191, %mul3A_214 : i32
          %add3A_216 = arith.addi %multiple_of3A, %mul3A_215 : i32
          %mul3A_217 = arith.constant 16 : i32
          %mul3A_218 = arith.muli %scan3A_210, %mul3A_217 : i32
          %add3A_219 = arith.addi %add3A_216, %mul3A_218 : i32
          %get3A_220 = arith.index_cast %add3A_219 : i32 to index
          %get3A_221 = tpu.vector_load %arg11[%get3A_220] {strides = array<i32>} : memref<21968xi32, #tpu.memory_space<vmem>>, vector<16xi32>,
          %mul3A_222 = arith.constant 256 : i32
          %mul3A_223 = arith.muli %while3A_191, %mul3A_222 : i32
          %mul3A_224 = arith.constant 16 : i32
          %mul3A_225 = arith.muli %scan3A_210, %mul3A_224 : i32
          %add3A_226 = arith.addi %mul3A_223, %mul3A_225 : i32
          %get3A_227 = arith.index_cast %add3A_226 : i32 to index
          %get3A_228 = tpu.vector_load %arg12[%get3A_227] {strides = array<i32>} : memref<20256xf32, #tpu.memory_space<vmem>>, vector<16xf32>,
          %get3A_229 = arith.index_cast %mul3A_213 : i32 to index
          %get3A_230 = tpu.vector_load %arg21[%get3A_229] {strides = array<i32>} : memref<256xf32, #tpu.memory_space<vmem>>, vector<16xf32>,
          %sub3A_231 = arith.subf %get3A_230, %get3A_228 : vector<16xf32>
          %add3A_232 = arith.constant 5.000000e-01 : f32
          %add3A_233 = vector.broadcast %add3A_232 : f32 to vector<16xf32>
          %add3A_234 = arith.addf %sub3A_231, %add3A_233 : vector<16xf32>
          %convert_element_type3A_235 = arith.fptosi %add3A_234 : vector<16xf32> to vector<16xi32>
          %convert_element_type3A_236 = arith.sitofp %convert_element_type3A_235 : vector<16xi32> to vector<16xf32>
          %max3A = arith.constant 1.000000e+00 : f32
          %max3A_237 = vector.broadcast %max3A : f32 to vector<16xf32>
          %max3A_238 = arith.maximumf %convert_element_type3A_236, %max3A_237 : vector<16xf32>
          %ge3A = arith.constant 0.000000e+00 : f32
          %ge3A_239 = vector.broadcast %ge3A : f32 to vector<16xf32>
          %ge3A_240 = arith.cmpf oge, %get3A_228, %ge3A_239 : vector<16xf32>
          %mul3A_241 = arith.constant 2.000000e-01 : f32
          %mul3A_242 = vector.broadcast %mul3A_241 : f32 to vector<16xf32>
          %mul3A_243 = arith.mulf %mul3A_242, %get3A_228 : vector<16xf32>
          %select_n3A_244 = arith.select %ge3A_240, %get3A_228, %mul3A_243 : vector<16xi1>, vector<16xf32>
          %exp3A = math.exp %select_n3A_244 : vector<16xf32>
          %sub3A_245 = arith.constant 1.000000e+00 : f32
          %sub3A_246 = vector.broadcast %sub3A_245 : f32 to vector<16xf32>
          %sub3A_247 = arith.subf %exp3A, %sub3A_246 : vector<16xf32>
          %div3A_248 = arith.divf %sub3A_247, %max3A_238 : vector<16xf32>
          %ge3A_249 = arith.constant 960000 : i32
          %ge3A_250 = vector.broadcast %ge3A_249 : i32 to vector<16xi32>
          %ge3A_251 = arith.cmpi sge, %get3A_221, %ge3A_250 : vector<16xi32>
          %jit3A_252 = arith.constant 10000 : i32
          %eq3A_253 = arith.constant 0 : i32
          %eq3A_254 = arith.cmpi eq, %jit3A_252, %eq3A_253 : i32
          %jit3A_255 = arith.constant 1 : i32
          %select_n3A_256 = arith.select %eq3A_254, %jit3A_255, %jit3A_252 : i32
          %rem3A_257 = vector.broadcast %select_n3A_256 : i32 to vector<16xi32>
          %rem3A_258 = arith.remsi %get3A_221, %rem3A_257 : vector<16xi32>
          %ne3A_259 = arith.constant 0 : i32
          %ne3A_260 = vector.broadcast %ne3A_259 : i32 to vector<16xi32>
          %ne3A_261 = arith.cmpi ne, %rem3A_258, %ne3A_260 : vector<16xi32>
          %lt3A = arith.constant 0 : i32
          %lt3A_262 = vector.broadcast %lt3A : i32 to vector<16xi32>
          %lt3A_263 = arith.cmpi slt, %rem3A_258, %lt3A_262 : vector<16xi32>
          %lt3A_264 = arith.constant 0 : i32
          %lt3A_265 = arith.cmpi slt, %select_n3A_256, %lt3A_264 : i32
          %ne3A_266 = vector.broadcast %lt3A_265 : i1 to vector<16xi1>
          %ne3A_267 = vector.broadcast %ne3A_266 : vector<16xi1> to vector<16xi1>
          %ne3A_268 = arith.xori %lt3A_263, %ne3A_267 : vector<16xi1>
          %and3A_269 = arith.andi %ne3A_268, %ne3A_261 : vector<16xi1>
          %add3A_270 = vector.broadcast %select_n3A_256 : i32 to vector<16xi32>
          %add3A_271 = arith.addi %rem3A_258, %add3A_270 : vector<16xi32>
          %select_n3A_272 = arith.select %and3A_269, %add3A_271, %rem3A_258 : vector<16xi1>, vector<16xi32>
          %jit3A_273 = arith.constant 10000 : i32
          %div3A_274 = vector.broadcast %jit3A_273 : i32 to vector<16xi32>
          %div3A_275 = arith.divsi %get3A_221, %div3A_274 : vector<16xi32>
          %sign3A_276 = arith.constant 0 : i32
          %sign3A_277 = vector.broadcast %sign3A_276 : i32 to vector<16xi32>
          %sign3A_278 = arith.cmpi sgt, %get3A_221, %sign3A_277 : vector<16xi32>
          %sign3A_279 = arith.extui %sign3A_278 : vector<16xi1> to vector<16xi32>
          %sign3A_280 = arith.constant 0 : i32
          %sign3A_281 = vector.broadcast %sign3A_280 : i32 to vector<16xi32>
          %sign3A_282 = arith.cmpi slt, %get3A_221, %sign3A_281 : vector<16xi32>
          %sign3A_283 = arith.extui %sign3A_282 : vector<16xi1> to vector<16xi32>
          %sign3A_284 = arith.subi %sign3A_279, %sign3A_283 : vector<16xi32>
          %sign3A_285 = arith.constant 0 : i32
          %sign3A_286 = arith.cmpi sgt, %jit3A_273, %sign3A_285 : i32
          %sign3A_287 = arith.extui %sign3A_286 : i1 to i32
          %sign3A_288 = arith.constant 0 : i32
          %sign3A_289 = arith.cmpi slt, %jit3A_273, %sign3A_288 : i32
          %sign3A_290 = arith.extui %sign3A_289 : i1 to i32
          %sign3A_291 = arith.subi %sign3A_287, %sign3A_290 : i32
          %ne3A_292 = vector.broadcast %sign3A_291 : i32 to vector<16xi32>
          %ne3A_293 = arith.cmpi ne, %sign3A_284, %ne3A_292 : vector<16xi32>
          %rem3A_294 = vector.broadcast %jit3A_273 : i32 to vector<16xi32>
          %rem3A_295 = arith.remsi %get3A_221, %rem3A_294 : vector<16xi32>
          %ne3A_296 = arith.constant 0 : i32
          %ne3A_297 = vector.broadcast %ne3A_296 : i32 to vector<16xi32>
          %ne3A_298 = arith.cmpi ne, %rem3A_295, %ne3A_297 : vector<16xi32>
          %and3A_299 = arith.andi %ne3A_293, %ne3A_298 : vector<16xi1>
          %sub3A_300 = arith.constant 1 : i32
          %sub3A_301 = vector.broadcast %sub3A_300 : i32 to vector<16xi32>
          %sub3A_302 = arith.subi %div3A_275, %sub3A_301 : vector<16xi32>
          %select_n3A_303 = arith.select %and3A_299, %sub3A_302, %div3A_275 : vector<16xi1>, vector<16xi32>
          %add3A_304 = vector.broadcast %mul3A_64 : i32 to vector<16xi32>
          %add3A_305 = arith.addi %add3A_304, %select_n3A_303 : vector<16xi32>
          %jit3A_306 = arith.constant 0 : i32
          %broadcast_in_dim3A_307 = vector.broadcast %jit3A_306 : i32 to vector<16xi32>
          %select_n3A_308 = arith.select %ge3A_251, %broadcast_in_dim3A_307, %add3A_305 : vector<16xi1>, vector<16xi32>
          %jit3A_309 = arith.constant 0.000000e+00 : f32
          %broadcast_in_dim3A_310 = vector.broadcast %jit3A_309 : f32 to vector<16xf32>
          %select_n3A_311 = arith.select %ge3A_251, %broadcast_in_dim3A_310, %div3A_248 : vector<16xi1>, vector<16xf32>
          %gather3A = tpu.vector_load_idx %arg8[%select_n3A_308] : memref<10000xf32, #tpu.memory_space<vmem>>[vector<16xi32>], vector<16xf32>,
          %sub3A_312 = arith.constant 960000 : i32
          %sub3A_313 = vector.broadcast %sub3A_312 : i32 to vector<16xi32>
          %sub3A_314 = arith.subi %get3A_221, %sub3A_313 : vector<16xi32>
          %jit3A_315 = arith.constant 128 : i32
          %eq3A_316 = arith.constant 0 : i32
          %eq3A_317 = arith.cmpi eq, %jit3A_315, %eq3A_316 : i32
          %jit3A_318 = arith.constant 1 : i32
          %select_n3A_319 = arith.select %eq3A_317, %jit3A_318, %jit3A_315 : i32
          %rem3A_320 = vector.broadcast %select_n3A_319 : i32 to vector<16xi32>
          %rem3A_321 = arith.remsi %sub3A_314, %rem3A_320 : vector<16xi32>
          %ne3A_322 = arith.constant 0 : i32
          %ne3A_323 = vector.broadcast %ne3A_322 : i32 to vector<16xi32>
          %ne3A_324 = arith.cmpi ne, %rem3A_321, %ne3A_323 : vector<16xi32>
          %lt3A_325 = arith.constant 0 : i32
          %lt3A_326 = vector.broadcast %lt3A_325 : i32 to vector<16xi32>
          %lt3A_327 = arith.cmpi slt, %rem3A_321, %lt3A_326 : vector<16xi32>
          %lt3A_328 = arith.constant 0 : i32
          %lt3A_329 = arith.cmpi slt, %select_n3A_319, %lt3A_328 : i32
          %ne3A_330 = vector.broadcast %lt3A_329 : i1 to vector<16xi1>
          %ne3A_331 = vector.broadcast %ne3A_330 : vector<16xi1> to vector<16xi1>
          %ne3A_332 = arith.xori %lt3A_327, %ne3A_331 : vector<16xi1>
          %and3A_333 = arith.andi %ne3A_332, %ne3A_324 : vector<16xi1>
          %add3A_334 = vector.broadcast %select_n3A_319 : i32 to vector<16xi32>
          %add3A_335 = arith.addi %rem3A_321, %add3A_334 : vector<16xi32>
          %select_n3A_336 = arith.select %and3A_333, %add3A_335, %rem3A_321 : vector<16xi1>, vector<16xi32>
          %add3A_337 = arith.constant 10000 : i32
          %add3A_338 = vector.broadcast %add3A_337 : i32 to vector<16xi32>
          %add3A_339 = arith.addi %add3A_338, %select_n3A_336 : vector<16xi32>
          %select_n3A_340 = arith.select %ge3A_251, %add3A_339, %select_n3A_272 : vector<16xi1>, vector<16xi32>
          %swap3A = arith.index_cast %mul3A_213 : i32 to index
          %swap3A_341 = tpu.vector_load %arg22[%swap3A] {strides = array<i32>} : memref<256xi32, #tpu.memory_space<vmem>>, vector<16xi32>,
          tpu.vector_store %arg22[%swap3A], %select_n3A_340 {strides = array<i32>} : memref<256xi32, #tpu.memory_space<vmem>>, vector<16xi32>,
          %mul3A_342 = arith.mulf %select_n3A_311, %gather3A : vector<16xf32>
          %swap3A_343 = arith.index_cast %mul3A_213 : i32 to index
          %swap3A_344 = tpu.vector_load %arg23[%swap3A_343] {strides = array<i32>} : memref<256xf32, #tpu.memory_space<vmem>>, vector<16xf32>,
          tpu.vector_store %arg23[%swap3A_343], %mul3A_342 {strides = array<i32>} : memref<256xf32, #tpu.memory_space<vmem>>, vector<16xf32>,
          %swap3A_345 = arith.index_cast %mul3A_213 : i32 to index
          %swap3A_346 = tpu.vector_load %arg24[%swap3A_345] {strides = array<i32>} : memref<256xf32, #tpu.memory_space<vmem>>, vector<16xf32>,
          tpu.vector_store %arg24[%swap3A_345], %select_n3A_311 {strides = array<i32>} : memref<256xf32, #tpu.memory_space<vmem>>, vector<16xf32>,
          %scan3A_347 = arith.constant 0 : i32
          scf.yield %scan3A_347 : i32
        }
        %scan3A_202 = arith.constant 16 : i32
        %dma_start3A = arith.constant 0 : i32
        %dma_start3A_203 = tpu.memref_slice %arg30[%dma_start3A] : memref<10240xf32, #tpu.memory_space<vmem_shared>> -> memref<10240xf32, #tpu.memory_space<vmem_shared>>
        tpu.enqueue_indirect_dma source(%arg23 : memref<256xf32, #tpu.memory_space<vmem>>) target(%dma_start3A_203 : memref<10240xf32, #tpu.memory_space<vmem_shared>>) offsets(%arg22 : memref<256xi32, #tpu.memory_space<vmem>>) semaphore(%arg27 : memref<!tpu.dma_semaphore, #tpu.memory_space<semaphore_mem>>) {add = true}
        %dma_start3A_204 = arith.constant 0 : i32
        %dma_start3A_205 = tpu.memref_slice %arg31[%dma_start3A_204] : memref<10240xf32, #tpu.memory_space<vmem_shared>> -> memref<10240xf32, #tpu.memory_space<vmem_shared>>
        tpu.enqueue_indirect_dma source(%arg24 : memref<256xf32, #tpu.memory_space<vmem>>) target(%dma_start3A_205 : memref<10240xf32, #tpu.memory_space<vmem_shared>>) offsets(%arg22 : memref<256xi32, #tpu.memory_space<vmem>>) semaphore(%arg28 : memref<!tpu.dma_semaphore, #tpu.memory_space<semaphore_mem>>) {add = true}
        %dma_wait3A = arith.constant 0 : i32
        %dma_wait3A_206 = tpu.memref_slice %arg30[%dma_wait3A] : memref<10240xf32, #tpu.memory_space<vmem_shared>> -> memref<10240xf32, #tpu.memory_space<vmem_shared>>
        tpu.wait_indirect_dma semaphore(%arg27 : memref<!tpu.dma_semaphore, #tpu.memory_space<semaphore_mem>>) src(%arg23 : memref<256xf32, #tpu.memory_space<vmem>>) dst(%dma_wait3A_206 : memref<10240xf32, #tpu.memory_space<vmem_shared>>)
        %dma_wait3A_207 = arith.constant 0 : i32
        %dma_wait3A_208 = tpu.memref_slice %arg31[%dma_wait3A_207] : memref<10240xf32, #tpu.memory_space<vmem_shared>> -> memref<10240xf32, #tpu.memory_space<vmem_shared>>
        tpu.wait_indirect_dma semaphore(%arg28 : memref<!tpu.dma_semaphore, #tpu.memory_space<semaphore_mem>>) src(%arg24 : memref<256xf32, #tpu.memory_space<vmem>>) dst(%dma_wait3A_208 : memref<10240xf32, #tpu.memory_space<vmem_shared>>)
        %while3A_209 = arith.constant 0 : i32
        scf.yield %while3A_209 : i32
      }
      %while3A_182 = arith.constant 1 : i32
      %while3A_183 = scf.for %while3A_191 = %while3A_179 to %while3A_175 step %while3A_182 iter_args(%while3A_192 = %while3A_181) -> (i32)  : i32 {
        %mul3A_193 = arith.constant 256 : i32
        %mul3A_194 = arith.muli %while3A_191, %mul3A_193 : i32
        %add3A_195 = arith.addi %multiple_of3A, %mul3A_194 : i32
        "tpu.region"() ({
          %run_scoped3A = tpu.sem_alloc : memref<!tpu.dma_semaphore, #tpu.memory_space<semaphore_mem>>
          %dma_start3A_210 = tpu.memref_slice %arg11[%add3A_195] : memref<21968xi32, #tpu.memory_space<vmem>> -> memref<256xi32, #tpu.memory_space<vmem>>
          %dma_start3A_211 = arith.constant 0 : i32
          %dma_start3A_212 = tpu.memref_slice %arg29[%dma_start3A_211] : memref<960512xf32, #tpu.memory_space<vmem_shared>> -> memref<960512xf32, #tpu.memory_space<vmem_shared>>
          tpu.enqueue_indirect_dma source(%dma_start3A_212 : memref<960512xf32, #tpu.memory_space<vmem_shared>>) target(%arg21 : memref<256xf32, #tpu.memory_space<vmem>>) offsets(%dma_start3A_210 : memref<256xi32, #tpu.memory_space<vmem>>) semaphore(%run_scoped3A : memref<!tpu.dma_semaphore, #tpu.memory_space<semaphore_mem>>)
          %dma_wait3A_213 = tpu.memref_slice %arg11[%add3A_195] : memref<21968xi32, #tpu.memory_space<vmem>> -> memref<256xi32, #tpu.memory_space<vmem>>
          %dma_wait3A_214 = arith.constant 0 : i32
          %dma_wait3A_215 = tpu.memref_slice %arg29[%dma_wait3A_214] : memref<960512xf32, #tpu.memory_space<vmem_shared>> -> memref<960512xf32, #tpu.memory_space<vmem_shared>>
          tpu.wait_indirect_dma semaphore(%run_scoped3A : memref<!tpu.dma_semaphore, #tpu.memory_space<semaphore_mem>>) src(%dma_wait3A_215 : memref<960512xf32, #tpu.memory_space<vmem_shared>>) dst(%arg21 : memref<256xf32, #tpu.memory_space<vmem>>)
          tpu.yield
        }) : () -> ()
        %scan3A_196 = arith.constant 0 : i32
        %scan3A_197 = arith.constant 0 : i32
        %scan3A_198 = arith.constant 16 : i32
        %scan3A_199 = arith.addi %scan3A_197, %scan3A_198 : i32
        %scan3A_200 = arith.constant 1 : i32
        %scan3A_201 = scf.for %scan3A_210 = %scan3A_197 to %scan3A_199 step %scan3A_200 iter_args(%scan3A_211 = %scan3A_196) -> (i32)  : i32 {
          %mul3A_212 = arith.constant 16 : i32
          %mul3A_213 = arith.muli %scan3A_210, %mul3A_212 : i32
          %mul3A_214 = arith.constant 256 : i32
          %mul3A_215 = arith.muli %while3A_191, %mul3A_214 : i32
          %add3A_216 = arith.addi %multiple_of3A, %mul3A_215 : i32
          %mul3A_217 = arith.constant 16 : i32
          %mul3A_218 = arith.muli %scan3A_210, %mul3A_217 : i32
          %add3A_219 = arith.addi %add3A_216, %mul3A_218 : i32
          %get3A_220 = arith.index_cast %add3A_219 : i32 to index
          %get3A_221 = tpu.vector_load %arg11[%get3A_220] {strides = array<i32>} : memref<21968xi32, #tpu.memory_space<vmem>>, vector<16xi32>,
          %mul3A_222 = arith.constant 256 : i32
          %mul3A_223 = arith.muli %while3A_191, %mul3A_222 : i32
          %mul3A_224 = arith.constant 16 : i32
          %mul3A_225 = arith.muli %scan3A_210, %mul3A_224 : i32
          %add3A_226 = arith.addi %mul3A_223, %mul3A_225 : i32
          %get3A_227 = arith.index_cast %add3A_226 : i32 to index
          %get3A_228 = tpu.vector_load %arg12[%get3A_227] {strides = array<i32>} : memref<20256xf32, #tpu.memory_space<vmem>>, vector<16xf32>,
          %get3A_229 = arith.index_cast %mul3A_213 : i32 to index
          %get3A_230 = tpu.vector_load %arg21[%get3A_229] {strides = array<i32>} : memref<256xf32, #tpu.memory_space<vmem>>, vector<16xf32>,
          %sub3A_231 = arith.subf %get3A_230, %get3A_228 : vector<16xf32>
          %add3A_232 = arith.constant 5.000000e-01 : f32
          %add3A_233 = vector.broadcast %add3A_232 : f32 to vector<16xf32>
          %add3A_234 = arith.addf %sub3A_231, %add3A_233 : vector<16xf32>
          %convert_element_type3A_235 = arith.fptosi %add3A_234 : vector<16xf32> to vector<16xi32>
          %convert_element_type3A_236 = arith.sitofp %convert_element_type3A_235 : vector<16xi32> to vector<16xf32>
          %max3A = arith.constant 1.000000e+00 : f32
          %max3A_237 = vector.broadcast %max3A : f32 to vector<16xf32>
          %max3A_238 = arith.maximumf %convert_element_type3A_236, %max3A_237 : vector<16xf32>
          %ge3A = arith.constant 0.000000e+00 : f32
          %ge3A_239 = vector.broadcast %ge3A : f32 to vector<16xf32>
          %ge3A_240 = arith.cmpf oge, %get3A_228, %ge3A_239 : vector<16xf32>
          %mul3A_241 = arith.constant 2.000000e-01 : f32
          %mul3A_242 = vector.broadcast %mul3A_241 : f32 to vector<16xf32>
          %mul3A_243 = arith.mulf %mul3A_242, %get3A_228 : vector<16xf32>
          %select_n3A_244 = arith.select %ge3A_240, %get3A_228, %mul3A_243 : vector<16xi1>, vector<16xf32>
          %exp3A = math.exp %select_n3A_244 : vector<16xf32>
          %sub3A_245 = arith.constant 1.000000e+00 : f32
          %sub3A_246 = vector.broadcast %sub3A_245 : f32 to vector<16xf32>
          %sub3A_247 = arith.subf %exp3A, %sub3A_246 : vector<16xf32>
          %div3A_248 = arith.divf %sub3A_247, %max3A_238 : vector<16xf32>
          %ge3A_249 = arith.constant 960000 : i32
          %ge3A_250 = vector.broadcast %ge3A_249 : i32 to vector<16xi32>
          %ge3A_251 = arith.cmpi sge, %get3A_221, %ge3A_250 : vector<16xi32>
          %jit3A_252 = arith.constant 10000 : i32
          %eq3A_253 = arith.constant 0 : i32
          %eq3A_254 = arith.cmpi eq, %jit3A_252, %eq3A_253 : i32
          %jit3A_255 = arith.constant 1 : i32
          %select_n3A_256 = arith.select %eq3A_254, %jit3A_255, %jit3A_252 : i32
          %rem3A_257 = vector.broadcast %select_n3A_256 : i32 to vector<16xi32>
          %rem3A_258 = arith.remsi %get3A_221, %rem3A_257 : vector<16xi32>
          %ne3A_259 = arith.constant 0 : i32
          %ne3A_260 = vector.broadcast %ne3A_259 : i32 to vector<16xi32>
          %ne3A_261 = arith.cmpi ne, %rem3A_258, %ne3A_260 : vector<16xi32>
          %lt3A = arith.constant 0 : i32
          %lt3A_262 = vector.broadcast %lt3A : i32 to vector<16xi32>
          %lt3A_263 = arith.cmpi slt, %rem3A_258, %lt3A_262 : vector<16xi32>
          %lt3A_264 = arith.constant 0 : i32
          %lt3A_265 = arith.cmpi slt, %select_n3A_256, %lt3A_264 : i32
          %ne3A_266 = vector.broadcast %lt3A_265 : i1 to vector<16xi1>
          %ne3A_267 = vector.broadcast %ne3A_266 : vector<16xi1> to vector<16xi1>
          %ne3A_268 = arith.xori %lt3A_263, %ne3A_267 : vector<16xi1>
          %and3A_269 = arith.andi %ne3A_268, %ne3A_261 : vector<16xi1>
          %add3A_270 = vector.broadcast %select_n3A_256 : i32 to vector<16xi32>
          %add3A_271 = arith.addi %rem3A_258, %add3A_270 : vector<16xi32>
          %select_n3A_272 = arith.select %and3A_269, %add3A_271, %rem3A_258 : vector<16xi1>, vector<16xi32>
          %jit3A_273 = arith.constant 10000 : i32
          %div3A_274 = vector.broadcast %jit3A_273 : i32 to vector<16xi32>
          %div3A_275 = arith.divsi %get3A_221, %div3A_274 : vector<16xi32>
          %sign3A_276 = arith.constant 0 : i32
          %sign3A_277 = vector.broadcast %sign3A_276 : i32 to vector<16xi32>
          %sign3A_278 = arith.cmpi sgt, %get3A_221, %sign3A_277 : vector<16xi32>
          %sign3A_279 = arith.extui %sign3A_278 : vector<16xi1> to vector<16xi32>
          %sign3A_280 = arith.constant 0 : i32
          %sign3A_281 = vector.broadcast %sign3A_280 : i32 to vector<16xi32>
          %sign3A_282 = arith.cmpi slt, %get3A_221, %sign3A_281 : vector<16xi32>
          %sign3A_283 = arith.extui %sign3A_282 : vector<16xi1> to vector<16xi32>
          %sign3A_284 = arith.subi %sign3A_279, %sign3A_283 : vector<16xi32>
          %sign3A_285 = arith.constant 0 : i32
          %sign3A_286 = arith.cmpi sgt, %jit3A_273, %sign3A_285 : i32
          %sign3A_287 = arith.extui %sign3A_286 : i1 to i32
          %sign3A_288 = arith.constant 0 : i32
          %sign3A_289 = arith.cmpi slt, %jit3A_273, %sign3A_288 : i32
          %sign3A_290 = arith.extui %sign3A_289 : i1 to i32
          %sign3A_291 = arith.subi %sign3A_287, %sign3A_290 : i32
          %ne3A_292 = vector.broadcast %sign3A_291 : i32 to vector<16xi32>
          %ne3A_293 = arith.cmpi ne, %sign3A_284, %ne3A_292 : vector<16xi32>
          %rem3A_294 = vector.broadcast %jit3A_273 : i32 to vector<16xi32>
          %rem3A_295 = arith.remsi %get3A_221, %rem3A_294 : vector<16xi32>
          %ne3A_296 = arith.constant 0 : i32
          %ne3A_297 = vector.broadcast %ne3A_296 : i32 to vector<16xi32>
          %ne3A_298 = arith.cmpi ne, %rem3A_295, %ne3A_297 : vector<16xi32>
          %and3A_299 = arith.andi %ne3A_293, %ne3A_298 : vector<16xi1>
          %sub3A_300 = arith.constant 1 : i32
          %sub3A_301 = vector.broadcast %sub3A_300 : i32 to vector<16xi32>
          %sub3A_302 = arith.subi %div3A_275, %sub3A_301 : vector<16xi32>
          %select_n3A_303 = arith.select %and3A_299, %sub3A_302, %div3A_275 : vector<16xi1>, vector<16xi32>
          %add3A_304 = vector.broadcast %mul3A_64 : i32 to vector<16xi32>
          %add3A_305 = arith.addi %add3A_304, %select_n3A_303 : vector<16xi32>
          %jit3A_306 = arith.constant 0 : i32
          %broadcast_in_dim3A_307 = vector.broadcast %jit3A_306 : i32 to vector<16xi32>
          %select_n3A_308 = arith.select %ge3A_251, %broadcast_in_dim3A_307, %add3A_305 : vector<16xi1>, vector<16xi32>
          %jit3A_309 = arith.constant 0.000000e+00 : f32
          %broadcast_in_dim3A_310 = vector.broadcast %jit3A_309 : f32 to vector<16xf32>
          %select_n3A_311 = arith.select %ge3A_251, %broadcast_in_dim3A_310, %div3A_248 : vector<16xi1>, vector<16xf32>
          %gather3A = tpu.vector_load_idx %arg8[%select_n3A_308] : memref<10000xf32, #tpu.memory_space<vmem>>[vector<16xi32>], vector<16xf32>,
          %sub3A_312 = arith.constant 960000 : i32
          %sub3A_313 = vector.broadcast %sub3A_312 : i32 to vector<16xi32>
          %sub3A_314 = arith.subi %get3A_221, %sub3A_313 : vector<16xi32>
          %jit3A_315 = arith.constant 128 : i32
          %eq3A_316 = arith.constant 0 : i32
          %eq3A_317 = arith.cmpi eq, %jit3A_315, %eq3A_316 : i32
          %jit3A_318 = arith.constant 1 : i32
          %select_n3A_319 = arith.select %eq3A_317, %jit3A_318, %jit3A_315 : i32
          %rem3A_320 = vector.broadcast %select_n3A_319 : i32 to vector<16xi32>
          %rem3A_321 = arith.remsi %sub3A_314, %rem3A_320 : vector<16xi32>
          %ne3A_322 = arith.constant 0 : i32
          %ne3A_323 = vector.broadcast %ne3A_322 : i32 to vector<16xi32>
          %ne3A_324 = arith.cmpi ne, %rem3A_321, %ne3A_323 : vector<16xi32>
          %lt3A_325 = arith.constant 0 : i32
          %lt3A_326 = vector.broadcast %lt3A_325 : i32 to vector<16xi32>
          %lt3A_327 = arith.cmpi slt, %rem3A_321, %lt3A_326 : vector<16xi32>
          %lt3A_328 = arith.constant 0 : i32
          %lt3A_329 = arith.cmpi slt, %select_n3A_319, %lt3A_328 : i32
          %ne3A_330 = vector.broadcast %lt3A_329 : i1 to vector<16xi1>
          %ne3A_331 = vector.broadcast %ne3A_330 : vector<16xi1> to vector<16xi1>
          %ne3A_332 = arith.xori %lt3A_327, %ne3A_331 : vector<16xi1>
          %and3A_333 = arith.andi %ne3A_332, %ne3A_324 : vector<16xi1>
          %add3A_334 = vector.broadcast %select_n3A_319 : i32 to vector<16xi32>
          %add3A_335 = arith.addi %rem3A_321, %add3A_334 : vector<16xi32>
          %select_n3A_336 = arith.select %and3A_333, %add3A_335, %rem3A_321 : vector<16xi1>, vector<16xi32>
          %add3A_337 = arith.constant 10000 : i32
          %add3A_338 = vector.broadcast %add3A_337 : i32 to vector<16xi32>
          %add3A_339 = arith.addi %add3A_338, %select_n3A_336 : vector<16xi32>
          %select_n3A_340 = arith.select %ge3A_251, %add3A_339, %select_n3A_272 : vector<16xi1>, vector<16xi32>
          %swap3A = arith.index_cast %mul3A_213 : i32 to index
          %swap3A_341 = tpu.vector_load %arg22[%swap3A] {strides = array<i32>} : memref<256xi32, #tpu.memory_space<vmem>>, vector<16xi32>,
          tpu.vector_store %arg22[%swap3A], %select_n3A_340 {strides = array<i32>} : memref<256xi32, #tpu.memory_space<vmem>>, vector<16xi32>,
          %mul3A_342 = arith.mulf %select_n3A_311, %gather3A : vector<16xf32>
          %swap3A_343 = arith.index_cast %mul3A_213 : i32 to index
          %swap3A_344 = tpu.vector_load %arg23[%swap3A_343] {strides = array<i32>} : memref<256xf32, #tpu.memory_space<vmem>>, vector<16xf32>,
          tpu.vector_store %arg23[%swap3A_343], %mul3A_342 {strides = array<i32>} : memref<256xf32, #tpu.memory_space<vmem>>, vector<16xf32>,
          %swap3A_345 = arith.index_cast %mul3A_213 : i32 to index
          %swap3A_346 = tpu.vector_load %arg24[%swap3A_345] {strides = array<i32>} : memref<256xf32, #tpu.memory_space<vmem>>, vector<16xf32>,
          tpu.vector_store %arg24[%swap3A_345], %select_n3A_311 {strides = array<i32>} : memref<256xf32, #tpu.memory_space<vmem>>, vector<16xf32>,
          %scan3A_347 = arith.constant 0 : i32
          scf.yield %scan3A_347 : i32
        }
        %scan3A_202 = arith.constant 16 : i32
        %dma_start3A = arith.constant 0 : i32
        %dma_start3A_203 = tpu.memref_slice %arg30[%dma_start3A] : memref<10240xf32, #tpu.memory_space<vmem_shared>> -> memref<10240xf32, #tpu.memory_space<vmem_shared>>
        tpu.enqueue_indirect_dma source(%arg23 : memref<256xf32, #tpu.memory_space<vmem>>) target(%dma_start3A_203 : memref<10240xf32, #tpu.memory_space<vmem_shared>>) offsets(%arg22 : memref<256xi32, #tpu.memory_space<vmem>>) semaphore(%arg27 : memref<!tpu.dma_semaphore, #tpu.memory_space<semaphore_mem>>) {add = true}
        %dma_start3A_204 = arith.constant 0 : i32
        %dma_start3A_205 = tpu.memref_slice %arg31[%dma_start3A_204] : memref<10240xf32, #tpu.memory_space<vmem_shared>> -> memref<10240xf32, #tpu.memory_space<vmem_shared>>
        tpu.enqueue_indirect_dma source(%arg24 : memref<256xf32, #tpu.memory_space<vmem>>) target(%dma_start3A_205 : memref<10240xf32, #tpu.memory_space<vmem_shared>>) offsets(%arg22 : memref<256xi32, #tpu.memory_space<vmem>>) semaphore(%arg28 : memref<!tpu.dma_semaphore, #tpu.memory_space<semaphore_mem>>) {add = true}
        %dma_wait3A = arith.constant 0 : i32
        %dma_wait3A_206 = tpu.memref_slice %arg30[%dma_wait3A] : memref<10240xf32, #tpu.memory_space<vmem_shared>> -> memref<10240xf32, #tpu.memory_space<vmem_shared>>
        tpu.wait_indirect_dma semaphore(%arg27 : memref<!tpu.dma_semaphore, #tpu.memory_space<semaphore_mem>>) src(%arg23 : memref<256xf32, #tpu.memory_space<vmem>>) dst(%dma_wait3A_206 : memref<10240xf32, #tpu.memory_space<vmem_shared>>)
        %dma_wait3A_207 = arith.constant 0 : i32
        %dma_wait3A_208 = tpu.memref_slice %arg31[%dma_wait3A_207] : memref<10240xf32, #tpu.memory_space<vmem_shared>> -> memref<10240xf32, #tpu.memory_space<vmem_shared>>
        tpu.wait_indirect_dma semaphore(%arg28 : memref<!tpu.dma_semaphore, #tpu.memory_space<semaphore_mem>>) src(%arg24 : memref<256xf32, #tpu.memory_space<vmem>>) dst(%dma_wait3A_208 : memref<10240xf32, #tpu.memory_space<vmem_shared>>)
        %while3A_209 = arith.constant 0 : i32
        scf.yield %while3A_209 : i32
      }
      %gt3A_184 = arith.constant 0 : i32
      %gt3A_185 = arith.cmpi sgt, %sub3A_96, %gt3A_184 : i32
      %convert_element_type3A_186 = arith.extui %gt3A_185 : i1 to i32
      %cond3A_187 = arith.constant 0 : i32
      %cond3A_188 = arith.cmpi ne, %convert_element_type3A_186, %cond3A_187 : i32
      scf.if %cond3A_188 {
        "tpu.region"() ({
          %run_scoped3A = tpu.sem_alloc : memref<!tpu.dma_semaphore, #tpu.memory_space<semaphore_mem>>
          %dma_start3A_204 = arith.constant 0 : i32
          %dma_start3A_205 = tpu.memref_slice %arg29[%dma_start3A_204] : memref<960512xf32, #tpu.memory_space<vmem_shared>> -> memref<960512xf32, #tpu.memory_space<vmem_shared>>
          tpu.enqueue_indirect_dma source(%dma_start3A_205 : memref<960512xf32, #tpu.memory_space<vmem_shared>>) target(%arg21 : memref<256xf32, #tpu.memory_space<vmem>>) offsets(%arg26 : memref<256xi32, #tpu.memory_space<vmem>>) semaphore(%run_scoped3A : memref<!tpu.dma_semaphore, #tpu.memory_space<semaphore_mem>>)
          %dma_wait3A_206 = arith.constant 0 : i32
          %dma_wait3A_207 = tpu.memref_slice %arg29[%dma_wait3A_206] : memref<960512xf32, #tpu.memory_space<vmem_shared>> -> memref<960512xf32, #tpu.memory_space<vmem_shared>>
          tpu.wait_indirect_dma semaphore(%run_scoped3A : memref<!tpu.dma_semaphore, #tpu.memory_space<semaphore_mem>>) src(%dma_wait3A_207 : memref<960512xf32, #tpu.memory_space<vmem_shared>>) dst(%arg21 : memref<256xf32, #tpu.memory_space<vmem>>)
          tpu.yield
        }) : () -> ()
        %scan3A_191 = arith.constant 0 : i32
        %scan3A_192 = arith.constant 0 : i32
        %scan3A_193 = arith.constant 16 : i32
        %scan3A_194 = arith.addi %scan3A_192, %scan3A_193 : i32
        %scan3A_195 = arith.constant 1 : i32
        %scan3A_196 = scf.for %scan3A_204 = %scan3A_192 to %scan3A_194 step %scan3A_195 iter_args(%scan3A_205 = %scan3A_191) -> (i32)  : i32 {
          %mul3A_206 = arith.constant 16 : i32
          %mul3A_207 = arith.muli %scan3A_204, %mul3A_206 : i32
          %get3A_208 = arith.index_cast %mul3A_207 : i32 to index
          %get3A_209 = tpu.vector_load %arg26[%get3A_208] {strides = array<i32>} : memref<256xi32, #tpu.memory_space<vmem>>, vector<16xi32>,
          %mul3A_210 = arith.constant 256 : i32
          %mul3A_211 = arith.muli %select_n3A, %mul3A_210 : i32
          %mul3A_212 = arith.constant 16 : i32
          %mul3A_213 = arith.muli %scan3A_204, %mul3A_212 : i32
          %add3A_214 = arith.addi %mul3A_211, %mul3A_213 : i32
          %get3A_215 = arith.index_cast %add3A_214 : i32 to index
          %get3A_216 = tpu.vector_load %arg12[%get3A_215] {strides = array<i32>} : memref<20256xf32, #tpu.memory_space<vmem>>, vector<16xf32>,
          %get3A_217 = arith.index_cast %mul3A_207 : i32 to index
          %get3A_218 = tpu.vector_load %arg21[%get3A_217] {strides = array<i32>} : memref<256xf32, #tpu.memory_space<vmem>>, vector<16xf32>,
          %sub3A_219 = arith.subf %get3A_218, %get3A_216 : vector<16xf32>
          %add3A_220 = arith.constant 5.000000e-01 : f32
          %add3A_221 = vector.broadcast %add3A_220 : f32 to vector<16xf32>
          %add3A_222 = arith.addf %sub3A_219, %add3A_221 : vector<16xf32>
          %convert_element_type3A_223 = arith.fptosi %add3A_222 : vector<16xf32> to vector<16xi32>
          %convert_element_type3A_224 = arith.sitofp %convert_element_type3A_223 : vector<16xi32> to vector<16xf32>
          %max3A = arith.constant 1.000000e+00 : f32
          %max3A_225 = vector.broadcast %max3A : f32 to vector<16xf32>
          %max3A_226 = arith.maximumf %convert_element_type3A_224, %max3A_225 : vector<16xf32>
          %ge3A = arith.constant 0.000000e+00 : f32
          %ge3A_227 = vector.broadcast %ge3A : f32 to vector<16xf32>
          %ge3A_228 = arith.cmpf oge, %get3A_216, %ge3A_227 : vector<16xf32>
          %mul3A_229 = arith.constant 2.000000e-01 : f32
          %mul3A_230 = vector.broadcast %mul3A_229 : f32 to vector<16xf32>
          %mul3A_231 = arith.mulf %mul3A_230, %get3A_216 : vector<16xf32>
          %select_n3A_232 = arith.select %ge3A_228, %get3A_216, %mul3A_231 : vector<16xi1>, vector<16xf32>
          %exp3A = math.exp %select_n3A_232 : vector<16xf32>
          %sub3A_233 = arith.constant 1.000000e+00 : f32
          %sub3A_234 = vector.broadcast %sub3A_233 : f32 to vector<16xf32>
          %sub3A_235 = arith.subf %exp3A, %sub3A_234 : vector<16xf32>
          %div3A_236 = arith.divf %sub3A_235, %max3A_226 : vector<16xf32>
          %ge3A_237 = arith.constant 960000 : i32
          %ge3A_238 = vector.broadcast %ge3A_237 : i32 to vector<16xi32>
          %ge3A_239 = arith.cmpi sge, %get3A_209, %ge3A_238 : vector<16xi32>
          %jit3A_240 = arith.constant 10000 : i32
          %eq3A_241 = arith.constant 0 : i32
          %eq3A_242 = arith.cmpi eq, %jit3A_240, %eq3A_241 : i32
          %jit3A_243 = arith.constant 1 : i32
          %select_n3A_244 = arith.select %eq3A_242, %jit3A_243, %jit3A_240 : i32
          %rem3A_245 = vector.broadcast %select_n3A_244 : i32 to vector<16xi32>
          %rem3A_246 = arith.remsi %get3A_209, %rem3A_245 : vector<16xi32>
          %ne3A_247 = arith.constant 0 : i32
          %ne3A_248 = vector.broadcast %ne3A_247 : i32 to vector<16xi32>
          %ne3A_249 = arith.cmpi ne, %rem3A_246, %ne3A_248 : vector<16xi32>
          %lt3A = arith.constant 0 : i32
          %lt3A_250 = vector.broadcast %lt3A : i32 to vector<16xi32>
          %lt3A_251 = arith.cmpi slt, %rem3A_246, %lt3A_250 : vector<16xi32>
          %lt3A_252 = arith.constant 0 : i32
          %lt3A_253 = arith.cmpi slt, %select_n3A_244, %lt3A_252 : i32
          %ne3A_254 = vector.broadcast %lt3A_253 : i1 to vector<16xi1>
          %ne3A_255 = vector.broadcast %ne3A_254 : vector<16xi1> to vector<16xi1>
          %ne3A_256 = arith.xori %lt3A_251, %ne3A_255 : vector<16xi1>
          %and3A_257 = arith.andi %ne3A_256, %ne3A_249 : vector<16xi1>
          %add3A_258 = vector.broadcast %select_n3A_244 : i32 to vector<16xi32>
          %add3A_259 = arith.addi %rem3A_246, %add3A_258 : vector<16xi32>
          %select_n3A_260 = arith.select %and3A_257, %add3A_259, %rem3A_246 : vector<16xi1>, vector<16xi32>
          %jit3A_261 = arith.constant 10000 : i32
          %div3A_262 = vector.broadcast %jit3A_261 : i32 to vector<16xi32>
          %div3A_263 = arith.divsi %get3A_209, %div3A_262 : vector<16xi32>
          %sign3A_264 = arith.constant 0 : i32
          %sign3A_265 = vector.broadcast %sign3A_264 : i32 to vector<16xi32>
          %sign3A_266 = arith.cmpi sgt, %get3A_209, %sign3A_265 : vector<16xi32>
          %sign3A_267 = arith.extui %sign3A_266 : vector<16xi1> to vector<16xi32>
          %sign3A_268 = arith.constant 0 : i32
          %sign3A_269 = vector.broadcast %sign3A_268 : i32 to vector<16xi32>
          %sign3A_270 = arith.cmpi slt, %get3A_209, %sign3A_269 : vector<16xi32>
          %sign3A_271 = arith.extui %sign3A_270 : vector<16xi1> to vector<16xi32>
          %sign3A_272 = arith.subi %sign3A_267, %sign3A_271 : vector<16xi32>
          %sign3A_273 = arith.constant 0 : i32
          %sign3A_274 = arith.cmpi sgt, %jit3A_261, %sign3A_273 : i32
          %sign3A_275 = arith.extui %sign3A_274 : i1 to i32
          %sign3A_276 = arith.constant 0 : i32
          %sign3A_277 = arith.cmpi slt, %jit3A_261, %sign3A_276 : i32
          %sign3A_278 = arith.extui %sign3A_277 : i1 to i32
          %sign3A_279 = arith.subi %sign3A_275, %sign3A_278 : i32
          %ne3A_280 = vector.broadcast %sign3A_279 : i32 to vector<16xi32>
          %ne3A_281 = arith.cmpi ne, %sign3A_272, %ne3A_280 : vector<16xi32>
          %rem3A_282 = vector.broadcast %jit3A_261 : i32 to vector<16xi32>
          %rem3A_283 = arith.remsi %get3A_209, %rem3A_282 : vector<16xi32>
          %ne3A_284 = arith.constant 0 : i32
          %ne3A_285 = vector.broadcast %ne3A_284 : i32 to vector<16xi32>
          %ne3A_286 = arith.cmpi ne, %rem3A_283, %ne3A_285 : vector<16xi32>
          %and3A_287 = arith.andi %ne3A_281, %ne3A_286 : vector<16xi1>
          %sub3A_288 = arith.constant 1 : i32
          %sub3A_289 = vector.broadcast %sub3A_288 : i32 to vector<16xi32>
          %sub3A_290 = arith.subi %div3A_263, %sub3A_289 : vector<16xi32>
          %select_n3A_291 = arith.select %and3A_287, %sub3A_290, %div3A_263 : vector<16xi1>, vector<16xi32>
          %add3A_292 = vector.broadcast %mul3A_64 : i32 to vector<16xi32>
          %add3A_293 = arith.addi %add3A_292, %select_n3A_291 : vector<16xi32>
          %jit3A_294 = arith.constant 0 : i32
          %broadcast_in_dim3A_295 = vector.broadcast %jit3A_294 : i32 to vector<16xi32>
          %select_n3A_296 = arith.select %ge3A_239, %broadcast_in_dim3A_295, %add3A_293 : vector<16xi1>, vector<16xi32>
          %jit3A_297 = arith.constant 0.000000e+00 : f32
          %broadcast_in_dim3A_298 = vector.broadcast %jit3A_297 : f32 to vector<16xf32>
          %select_n3A_299 = arith.select %ge3A_239, %broadcast_in_dim3A_298, %div3A_236 : vector<16xi1>, vector<16xf32>
          %gather3A = tpu.vector_load_idx %arg8[%select_n3A_296] : memref<10000xf32, #tpu.memory_space<vmem>>[vector<16xi32>], vector<16xf32>,
          %sub3A_300 = arith.constant 960000 : i32
          %sub3A_301 = vector.broadcast %sub3A_300 : i32 to vector<16xi32>
          %sub3A_302 = arith.subi %get3A_209, %sub3A_301 : vector<16xi32>
          %jit3A_303 = arith.constant 128 : i32
          %eq3A_304 = arith.constant 0 : i32
          %eq3A_305 = arith.cmpi eq, %jit3A_303, %eq3A_304 : i32
          %jit3A_306 = arith.constant 1 : i32
          %select_n3A_307 = arith.select %eq3A_305, %jit3A_306, %jit3A_303 : i32
          %rem3A_308 = vector.broadcast %select_n3A_307 : i32 to vector<16xi32>
          %rem3A_309 = arith.remsi %sub3A_302, %rem3A_308 : vector<16xi32>
          %ne3A_310 = arith.constant 0 : i32
          %ne3A_311 = vector.broadcast %ne3A_310 : i32 to vector<16xi32>
          %ne3A_312 = arith.cmpi ne, %rem3A_309, %ne3A_311 : vector<16xi32>
          %lt3A_313 = arith.constant 0 : i32
          %lt3A_314 = vector.broadcast %lt3A_313 : i32 to vector<16xi32>
          %lt3A_315 = arith.cmpi slt, %rem3A_309, %lt3A_314 : vector<16xi32>
          %lt3A_316 = arith.constant 0 : i32
          %lt3A_317 = arith.cmpi slt, %select_n3A_307, %lt3A_316 : i32
          %ne3A_318 = vector.broadcast %lt3A_317 : i1 to vector<16xi1>
          %ne3A_319 = vector.broadcast %ne3A_318 : vector<16xi1> to vector<16xi1>
          %ne3A_320 = arith.xori %lt3A_315, %ne3A_319 : vector<16xi1>
          %and3A_321 = arith.andi %ne3A_320, %ne3A_312 : vector<16xi1>
          %add3A_322 = vector.broadcast %select_n3A_307 : i32 to vector<16xi32>
          %add3A_323 = arith.addi %rem3A_309, %add3A_322 : vector<16xi32>
          %select_n3A_324 = arith.select %and3A_321, %add3A_323, %rem3A_309 : vector<16xi1>, vector<16xi32>
          %add3A_325 = arith.constant 10000 : i32
          %add3A_326 = vector.broadcast %add3A_325 : i32 to vector<16xi32>
          %add3A_327 = arith.addi %add3A_326, %select_n3A_324 : vector<16xi32>
          %select_n3A_328 = arith.select %ge3A_239, %add3A_327, %select_n3A_260 : vector<16xi1>, vector<16xi32>
          %swap3A = arith.index_cast %mul3A_207 : i32 to index
          %swap3A_329 = tpu.vector_load %arg22[%swap3A] {strides = array<i32>} : memref<256xi32, #tpu.memory_space<vmem>>, vector<16xi32>,
          tpu.vector_store %arg22[%swap3A], %select_n3A_328 {strides = array<i32>} : memref<256xi32, #tpu.memory_space<vmem>>, vector<16xi32>,
          %mul3A_330 = arith.mulf %select_n3A_299, %gather3A : vector<16xf32>
          %swap3A_331 = arith.index_cast %mul3A_207 : i32 to index
          %swap3A_332 = tpu.vector_load %arg23[%swap3A_331] {strides = array<i32>} : memref<256xf32, #tpu.memory_space<vmem>>, vector<16xf32>,
          tpu.vector_store %arg23[%swap3A_331], %mul3A_330 {strides = array<i32>} : memref<256xf32, #tpu.memory_space<vmem>>, vector<16xf32>,
          %swap3A_333 = arith.index_cast %mul3A_207 : i32 to index
          %swap3A_334 = tpu.vector_load %arg24[%swap3A_333] {strides = array<i32>} : memref<256xf32, #tpu.memory_space<vmem>>, vector<16xf32>,
          tpu.vector_store %arg24[%swap3A_333], %select_n3A_299 {strides = array<i32>} : memref<256xf32, #tpu.memory_space<vmem>>, vector<16xf32>,
          %scan3A_335 = arith.constant 0 : i32
          scf.yield %scan3A_335 : i32
        }
        %scan3A_197 = arith.constant 16 : i32
        %dma_start3A = arith.constant 0 : i32
        %dma_start3A_198 = tpu.memref_slice %arg30[%dma_start3A] : memref<10240xf32, #tpu.memory_space<vmem_shared>> -> memref<10240xf32, #tpu.memory_space<vmem_shared>>
        tpu.enqueue_indirect_dma source(%arg23 : memref<256xf32, #tpu.memory_space<vmem>>) target(%dma_start3A_198 : memref<10240xf32, #tpu.memory_space<vmem_shared>>) offsets(%arg22 : memref<256xi32, #tpu.memory_space<vmem>>) semaphore(%arg27 : memref<!tpu.dma_semaphore, #tpu.memory_space<semaphore_mem>>) {add = true}
        %dma_start3A_199 = arith.constant 0 : i32
        %dma_start3A_200 = tpu.memref_slice %arg31[%dma_start3A_199] : memref<10240xf32, #tpu.memory_space<vmem_shared>> -> memref<10240xf32, #tpu.memory_space<vmem_shared>>
        tpu.enqueue_indirect_dma source(%arg24 : memref<256xf32, #tpu.memory_space<vmem>>) target(%dma_start3A_200 : memref<10240xf32, #tpu.memory_space<vmem_shared>>) offsets(%arg22 : memref<256xi32, #tpu.memory_space<vmem>>) semaphore(%arg28 : memref<!tpu.dma_semaphore, #tpu.memory_space<semaphore_mem>>) {add = true}
        %dma_wait3A = arith.constant 0 : i32
        %dma_wait3A_201 = tpu.memref_slice %arg30[%dma_wait3A] : memref<10240xf32, #tpu.memory_space<vmem_shared>> -> memref<10240xf32, #tpu.memory_space<vmem_shared>>
        tpu.wait_indirect_dma semaphore(%arg27 : memref<!tpu.dma_semaphore, #tpu.memory_space<semaphore_mem>>) src(%arg23 : memref<256xf32, #tpu.memory_space<vmem>>) dst(%dma_wait3A_201 : memref<10240xf32, #tpu.memory_space<vmem_shared>>)
        %dma_wait3A_202 = arith.constant 0 : i32
        %dma_wait3A_203 = tpu.memref_slice %arg31[%dma_wait3A_202] : memref<10240xf32, #tpu.memory_space<vmem_shared>> -> memref<10240xf32, #tpu.memory_space<vmem_shared>>
        tpu.wait_indirect_dma semaphore(%arg28 : memref<!tpu.dma_semaphore, #tpu.memory_space<semaphore_mem>>) src(%arg24 : memref<256xf32, #tpu.memory_space<vmem>>) dst(%dma_wait3A_203 : memref<10240xf32, #tpu.memory_space<vmem_shared>>)
      } else {
      }
      %barrier3A_189 = arith.constant 0 : index
      tpu.barrier barrier_id(%barrier3A_189)
      %scan3A_190 = arith.constant 0 : i32
      scf.yield %scan3A_190 : i32
    }
    %scan3A_55 = arith.constant 53 : i32
    %barrier3A_56 = arith.constant 0 : index
    tpu.barrier barrier_id(%barrier3A_56)
    %eq3A = arith.constant 0 : i32
    %eq3A_57 = arith.cmpi eq, %arg1, %eq3A : i32
    %convert_element_type3A = arith.extui %eq3A_57 : i1 to i32
    %cond3A = arith.constant 0 : i32
    %cond3A_58 = arith.cmpi ne, %convert_element_type3A, %cond3A : i32
    scf.if %cond3A_58 {
      "tpu.region"() ({
        %run_scoped3A = tpu.sem_alloc : memref<!tpu.dma_semaphore, #tpu.memory_space<semaphore_mem>>
        %dma_start3A = arith.constant 0 : i32
        %dma_start3A_59 = tpu.memref_slice %arg6[%arg0, %dma_start3A] : memref<2x10240xf32, #tpu.memory_space<hbm>> -> memref<1x10240xf32, #tpu.memory_space<hbm>>
        %dma_start3A_60 = tpu.memref_squeeze %dma_start3A_59 : memref<1x10240xf32, #tpu.memory_space<hbm>> -> memref<10240xf32, #tpu.memory_space<hbm>>
        tpu.enqueue_dma source(%arg30 : memref<10240xf32, #tpu.memory_space<vmem_shared>>) target(%dma_start3A_60 : memref<10240xf32, #tpu.memory_space<hbm>>) target_semaphore(%run_scoped3A : memref<!tpu.dma_semaphore, #tpu.memory_space<semaphore_mem>>)
        %dma_wait3A = arith.constant 0 : i32
        %dma_wait3A_61 = tpu.memref_slice %arg6[%arg0, %dma_wait3A] : memref<2x10240xf32, #tpu.memory_space<hbm>> -> memref<1x10240xf32, #tpu.memory_space<hbm>>
        %dma_wait3A_62 = tpu.memref_squeeze %dma_wait3A_61 : memref<1x10240xf32, #tpu.memory_space<hbm>> -> memref<10240xf32, #tpu.memory_space<hbm>>
        tpu.wait_dma2 semaphore(%run_scoped3A : memref<!tpu.dma_semaphore, #tpu.memory_space<semaphore_mem>>) src(%arg30 : memref<10240xf32, #tpu.memory_space<vmem_shared>>) dst(%dma_wait3A_62 : memref<10240xf32, #tpu.memory_space<hbm>>)
        tpu.yield
      }) : () -> ()
      "tpu.region"() ({
        %run_scoped3A = tpu.sem_alloc : memref<!tpu.dma_semaphore, #tpu.memory_space<semaphore_mem>>
        %dma_start3A = arith.constant 0 : i32
        %dma_start3A_59 = tpu.memref_slice %arg7[%arg0, %dma_start3A] : memref<2x10240xf32, #tpu.memory_space<hbm>> -> memref<1x10240xf32, #tpu.memory_space<hbm>>
        %dma_start3A_60 = tpu.memref_squeeze %dma_start3A_59 : memref<1x10240xf32, #tpu.memory_space<hbm>> -> memref<10240xf32, #tpu.memory_space<hbm>>
        tpu.enqueue_dma source(%arg31 : memref<10240xf32, #tpu.memory_space<vmem_shared>>) target(%dma_start3A_60 : memref<10240xf32, #tpu.memory_space<hbm>>) target_semaphore(%run_scoped3A : memref<!tpu.dma_semaphore, #tpu.memory_space<semaphore_mem>>)
        %dma_wait3A = arith.constant 0 : i32
        %dma_wait3A_61 = tpu.memref_slice %arg7[%arg0, %dma_wait3A] : memref<2x10240xf32, #tpu.memory_space<hbm>> -> memref<1x10240xf32, #tpu.memory_space<hbm>>
        %dma_wait3A_62 = tpu.memref_squeeze %dma_wait3A_61 : memref<1x10240xf32, #tpu.memory_space<hbm>> -> memref<10240xf32, #tpu.memory_space<hbm>>
        tpu.wait_dma2 semaphore(%run_scoped3A : memref<!tpu.dma_semaphore, #tpu.memory_space<semaphore_mem>>) src(%arg31 : memref<10240xf32, #tpu.memory_space<vmem_shared>>) dst(%dma_wait3A_62 : memref<10240xf32, #tpu.memory_space<hbm>>)
        tpu.yield
      }) : () -> ()
    } else {
    }
    return
  }
}

module attributes {stable_mosaic.version = 14 : i64} {
  func.func @_scores_body(%arg0: i32, %arg1: memref<2000x128xf32, #tpu.memory_space<vmem>>, %arg2: memref<128x96xf32, #tpu.memory_space<vmem>>, %arg3: memref<1x96xf32, #tpu.memory_space<vmem>>, %arg4: memref<1x96xf32, #tpu.memory_space<vmem>>, %arg5: memref<1x1xf32, #tpu.memory_space<vmem>>, %arg6: memref<1x22xf32, #tpu.memory_space<vmem>>, %arg7: memref<1x20xf32, #tpu.memory_space<vmem>>, %arg8: memref<2000x1xf32, #tpu.memory_space<vmem>>, %arg9: memref<1x16xf32, #tpu.memory_space<vmem>>) attributes {dimension_semantics = [#tpu.dimension_semantics<arbitrary>], iteration_bounds = array<i64: 5>, scalar_prefetch = 0 : i64, scratch_operands = 0 : i64, tpu.core_type = #tpu.core_type<tc>, window_params = [{transform_indices = @transform_0, window_bounds = array<i64: 2000, 128>}, {pipeline_mode = #tpu.pipeline_mode<synchronous>, transform_indices = @transform_1, window_bounds = array<i64: 128, 96>}, {pipeline_mode = #tpu.pipeline_mode<synchronous>, transform_indices = @transform_2, window_bounds = array<i64: 1, 96>}, {pipeline_mode = #tpu.pipeline_mode<synchronous>, transform_indices = @transform_3, window_bounds = array<i64: 1, 96>}, {pipeline_mode = #tpu.pipeline_mode<synchronous>, transform_indices = @transform_4, window_bounds = array<i64: 1, 1>}, {pipeline_mode = #tpu.pipeline_mode<synchronous>, transform_indices = @transform_5, window_bounds = array<i64: 1, 22>}, {pipeline_mode = #tpu.pipeline_mode<synchronous>, transform_indices = @transform_6, window_bounds = array<i64: 1, 20>}, {transform_indices = @transform_7, window_bounds = array<i64: 2000, 1>}, {pipeline_mode = #tpu.pipeline_mode<synchronous>, transform_indices = @transform_8, window_bounds = array<i64: 1, 16>}]} {
    %get3A = arith.constant 0 : index
    %get3A_0 = arith.constant 0 : index
    %get3A_1 = vector.load %arg1[%get3A, %get3A_0] : memref<2000x128xf32, #tpu.memory_space<vmem>>, vector<2000x128xf32>
    %get3A_2 = arith.constant 0 : index
    %get3A_3 = arith.constant 0 : index
    %get3A_4 = vector.load %arg2[%get3A_2, %get3A_3] : memref<128x96xf32, #tpu.memory_space<vmem>>, vector<128x96xf32>
    %dot_general3A = arith.constant dense<0.000000e+00> : vector<2000x96xf32>
    %dot_general3A_5 = tpu.matmul %get3A_1, %get3A_4, %dot_general3A {dimension_numbers = #tpu.dot_dimension_numbers<[1], [0], [0], [1], [0, 0, 1, 1], [], []>, transpose_lhs_hint = false} : vector<2000x128xf32>, vector<128x96xf32>, vector<2000x96xf32> -> vector<2000x96xf32>
    %get3A_6 = arith.constant 0 : index
    %get3A_7 = arith.constant 0 : index
    %get3A_8 = vector.load %arg3[%get3A_6, %get3A_7] : memref<1x96xf32, #tpu.memory_space<vmem>>, vector<1x96xf32>
    %add3A = vector.broadcast %get3A_8 : vector<1x96xf32> to vector<2000x96xf32>
    %add3A_9 = arith.addf %dot_general3A_5, %add3A : vector<2000x96xf32>
    %ge3A = arith.constant 0.000000e+00 : f32
    %ge3A_10 = vector.broadcast %ge3A : f32 to vector<2000x96xf32>
    %ge3A_11 = arith.cmpf oge, %add3A_9, %ge3A_10 : vector<2000x96xf32>
    %mul3A = arith.constant 2.000000e-01 : f32
    %mul3A_12 = vector.broadcast %mul3A : f32 to vector<2000x96xf32>
    %mul3A_13 = arith.mulf %mul3A_12, %add3A_9 : vector<2000x96xf32>
    %select_n3A = arith.select %ge3A_11, %add3A_9, %mul3A_13 : vector<2000x96xi1>, vector<2000x96xf32>
    %get3A_14 = arith.constant 0 : index
    %get3A_15 = arith.constant 0 : index
    %get3A_16 = vector.load %arg4[%get3A_14, %get3A_15] : memref<1x96xf32, #tpu.memory_space<vmem>>, vector<1x96xf32>
    %mul3A_17 = vector.broadcast %get3A_16 : vector<1x96xf32> to vector<2000x96xf32>
    %mul3A_18 = arith.mulf %select_n3A, %mul3A_17 : vector<2000x96xf32>
    %reduce_sum3A = arith.constant dense<0.000000e+00> : vector<2000xf32>
    %reduce_sum3A_19 = vector.multi_reduction <add>, %mul3A_18, %reduce_sum3A [1] : vector<2000x96xf32> to vector<2000xf32>
    %broadcast_in_dim3A = vector.shape_cast %reduce_sum3A_19 : vector<2000xf32> to vector<2000x1xf32>
    %get3A_20 = arith.constant 0 : index
    %get3A_21 = arith.constant 0 : index
    %get3A_22 = vector.load %arg5[%get3A_20, %get3A_21] : memref<1x1xf32, #tpu.memory_space<vmem>>, vector<1x1xf32>
    %get3A_23 = vector.extract %get3A_22[0, 0] : f32 from vector<1x1xf32>
    %add3A_24 = vector.broadcast %get3A_23 : f32 to vector<2000x1xf32>
    %add3A_25 = arith.addf %broadcast_in_dim3A, %add3A_24 : vector<2000x1xf32>
    %swap3A = arith.constant 0 : index
    %swap3A_26 = arith.constant 0 : index
    %swap3A_27 = vector.load %arg8[%swap3A, %swap3A_26] : memref<2000x1xf32, #tpu.memory_space<vmem>>, vector<2000x1xf32>
    tpu.vector_store %arg8[%swap3A, %swap3A_26], %add3A_25 {strides = array<i32>} : memref<2000x1xf32, #tpu.memory_space<vmem>>, vector<2000x1xf32>,
    %reduce_sum3A_28 = vector.shape_cast %add3A_25 : vector<2000x1xf32> to vector<1x2000x1xf32>
    %reduce_sum3A_29 = arith.constant dense<0.000000e+00> : vector<1xf32>
    %reduce_sum3A_30 = vector.multi_reduction <add>, %reduce_sum3A_28, %reduce_sum3A_29 [1, 2] : vector<1x2000x1xf32> to vector<1xf32>
    %reduce_sum3A_31 = vector.shape_cast %reduce_sum3A_30 : vector<1xf32> to vector<1x1x1xf32>
    %reduce_sum3A_32 = vector.extract %reduce_sum3A_31[0, 0, 0] : f32 from vector<1x1x1xf32>
    %iota3A = tpu.iota {dimensions = array<i32: 1>} : vector<1x16xi32>
    %eq3A = arith.constant 0 : i32
    %eq3A_33 = arith.cmpi eq, %arg0, %eq3A : i32
    %convert_element_type3A = arith.extui %eq3A_33 : i1 to i32
    %cond3A = arith.constant 0 : i32
    %cond3A_34 = arith.cmpi ne, %convert_element_type3A, %cond3A : i32
    scf.if %cond3A_34 {
      %get3A_39 = arith.constant 0 : index
      %get3A_40 = arith.constant 0 : index
      %get3A_41 = vector.load %arg6[%get3A_39, %get3A_40] : memref<1x22xf32, #tpu.memory_space<vmem>>, vector<1x1xf32>
      %get3A_42 = vector.extract %get3A_41[0, 0] : f32 from vector<1x1xf32>
      %get3A_43 = arith.constant 0 : index
      %get3A_44 = arith.constant 21 : index
      %get3A_45 = vector.load %arg6[%get3A_43, %get3A_44] : memref<1x22xf32, #tpu.memory_space<vmem>>, vector<1x1xf32>
      %get3A_46 = vector.extract %get3A_45[0, 0] : f32 from vector<1x1xf32>
      %get3A_47 = arith.constant 0 : index
      %get3A_48 = arith.constant 1 : index
      %get3A_49 = vector.load %arg6[%get3A_47, %get3A_48] : memref<1x22xf32, #tpu.memory_space<vmem>>, vector<1x20xf32>
      %get3A_50 = vector.shape_cast %get3A_49 : vector<1x20xf32> to vector<20xf32>
      %get3A_51 = arith.constant 0 : index
      %get3A_52 = arith.constant 0 : index
      %get3A_53 = vector.load %arg7[%get3A_51, %get3A_52] : memref<1x20xf32, #tpu.memory_space<vmem>>, vector<1x20xf32>
      %get3A_54 = vector.shape_cast %get3A_53 : vector<1x20xf32> to vector<20xf32>
      %mul3A_55 = arith.mulf %get3A_50, %get3A_54 : vector<20xf32>
      %reduce_sum3A_56 = vector.shape_cast %mul3A_55 : vector<20xf32> to vector<1x20xf32>
      %reduce_sum3A_57 = arith.constant dense<0.000000e+00> : vector<1xf32>
      %reduce_sum3A_58 = vector.multi_reduction <add>, %reduce_sum3A_56, %reduce_sum3A_57 [1] : vector<1x20xf32> to vector<1xf32>
      %reduce_sum3A_59 = vector.shape_cast %reduce_sum3A_58 : vector<1xf32> to vector<1x1xf32>
      %reduce_sum3A_60 = vector.extract %reduce_sum3A_59[0, 0] : f32 from vector<1x1xf32>
      %eq3A_61 = arith.constant 0 : i32
      %eq3A_62 = vector.broadcast %eq3A_61 : i32 to vector<1x16xi32>
      %eq3A_63 = arith.cmpi eq, %iota3A, %eq3A_62 : vector<1x16xi32>
      %jit3A = arith.constant 0.000000e+00 : f32
      %broadcast_in_dim3A_64 = vector.broadcast %reduce_sum3A_32 : f32 to vector<1x16xf32>
      %broadcast_in_dim3A_65 = vector.broadcast %jit3A : f32 to vector<1x16xf32>
      %select_n3A_66 = arith.select %eq3A_63, %broadcast_in_dim3A_64, %broadcast_in_dim3A_65 : vector<1x16xi1>, vector<1x16xf32>
      %eq3A_67 = arith.constant 1 : i32
      %eq3A_68 = vector.broadcast %eq3A_67 : i32 to vector<1x16xi32>
      %eq3A_69 = arith.cmpi eq, %iota3A, %eq3A_68 : vector<1x16xi32>
      %jit3A_70 = arith.constant 0.000000e+00 : f32
      %broadcast_in_dim3A_71 = vector.broadcast %get3A_42 : f32 to vector<1x16xf32>
      %broadcast_in_dim3A_72 = vector.broadcast %jit3A_70 : f32 to vector<1x16xf32>
      %select_n3A_73 = arith.select %eq3A_69, %broadcast_in_dim3A_71, %broadcast_in_dim3A_72 : vector<1x16xi1>, vector<1x16xf32>
      %add3A_74 = arith.addf %select_n3A_66, %select_n3A_73 : vector<1x16xf32>
      %eq3A_75 = arith.constant 2 : i32
      %eq3A_76 = vector.broadcast %eq3A_75 : i32 to vector<1x16xi32>
      %eq3A_77 = arith.cmpi eq, %iota3A, %eq3A_76 : vector<1x16xi32>
      %jit3A_78 = arith.constant 0.000000e+00 : f32
      %broadcast_in_dim3A_79 = vector.broadcast %get3A_46 : f32 to vector<1x16xf32>
      %broadcast_in_dim3A_80 = vector.broadcast %jit3A_78 : f32 to vector<1x16xf32>
      %select_n3A_81 = arith.select %eq3A_77, %broadcast_in_dim3A_79, %broadcast_in_dim3A_80 : vector<1x16xi1>, vector<1x16xf32>
      %add3A_82 = arith.addf %add3A_74, %select_n3A_81 : vector<1x16xf32>
      %eq3A_83 = arith.constant 3 : i32
      %eq3A_84 = vector.broadcast %eq3A_83 : i32 to vector<1x16xi32>
      %eq3A_85 = arith.cmpi eq, %iota3A, %eq3A_84 : vector<1x16xi32>
      %jit3A_86 = arith.constant 0.000000e+00 : f32
      %broadcast_in_dim3A_87 = vector.broadcast %reduce_sum3A_60 : f32 to vector<1x16xf32>
      %broadcast_in_dim3A_88 = vector.broadcast %jit3A_86 : f32 to vector<1x16xf32>
      %select_n3A_89 = arith.select %eq3A_85, %broadcast_in_dim3A_87, %broadcast_in_dim3A_88 : vector<1x16xi1>, vector<1x16xf32>
      %add3A_90 = arith.addf %add3A_82, %select_n3A_89 : vector<1x16xf32>
      %swap3A_91 = arith.constant 0 : index
      %swap3A_92 = arith.constant 0 : index
      %swap3A_93 = vector.load %arg9[%swap3A_91, %swap3A_92] : memref<1x16xf32, #tpu.memory_space<vmem>>, vector<1x16xf32>
      tpu.vector_store %arg9[%swap3A_91, %swap3A_92], %add3A_90 {strides = array<i32>} : memref<1x16xf32, #tpu.memory_space<vmem>>, vector<1x16xf32>,
    } else {
    }
    %gt3A = arith.constant 0 : i32
    %gt3A_35 = arith.cmpi sgt, %arg0, %gt3A : i32
    %convert_element_type3A_36 = arith.extui %gt3A_35 : i1 to i32
    %cond3A_37 = arith.constant 0 : i32
    %cond3A_38 = arith.cmpi ne, %convert_element_type3A_36, %cond3A_37 : i32
    scf.if %cond3A_38 {
      %get3A_39 = arith.constant 0 : index
      %get3A_40 = arith.constant 0 : index
      %get3A_41 = vector.load %arg9[%get3A_39, %get3A_40] : memref<1x16xf32, #tpu.memory_space<vmem>>, vector<1x16xf32>
      %eq3A_42 = arith.constant 0 : i32
      %eq3A_43 = vector.broadcast %eq3A_42 : i32 to vector<1x16xi32>
      %eq3A_44 = arith.cmpi eq, %iota3A, %eq3A_43 : vector<1x16xi32>
      %jit3A = arith.constant 0.000000e+00 : f32
      %broadcast_in_dim3A_45 = vector.broadcast %reduce_sum3A_32 : f32 to vector<1x16xf32>
      %broadcast_in_dim3A_46 = vector.broadcast %jit3A : f32 to vector<1x16xf32>
      %select_n3A_47 = arith.select %eq3A_44, %broadcast_in_dim3A_45, %broadcast_in_dim3A_46 : vector<1x16xi1>, vector<1x16xf32>
      %add3A_48 = arith.addf %get3A_41, %select_n3A_47 : vector<1x16xf32>
      %swap3A_49 = arith.constant 0 : index
      %swap3A_50 = arith.constant 0 : index
      %swap3A_51 = vector.load %arg9[%swap3A_49, %swap3A_50] : memref<1x16xf32, #tpu.memory_space<vmem>>, vector<1x16xf32>
      tpu.vector_store %arg9[%swap3A_49, %swap3A_50], %add3A_48 {strides = array<i32>} : memref<1x16xf32, #tpu.memory_space<vmem>>, vector<1x16xf32>,
    } else {
    }
    return
  }
  func.func @transform_0(%arg0: i32) -> (i32, i32) {
    %c0_i32 = arith.constant 0 : i32
    %c0_i32_0 = arith.constant 0 : i32
    return %arg0, %c0_i32 : i32, i32
  }
  func.func @transform_1(%arg0: i32) -> (i32, i32) {
    %c0_i32 = arith.constant 0 : i32
    %c0_i32_0 = arith.constant 0 : i32
    %c0_i32_1 = arith.constant 0 : i32
    return %c0_i32, %c0_i32_0 : i32, i32
  }
  func.func @transform_2(%arg0: i32) -> (i32, i32) {
    %c0_i32 = arith.constant 0 : i32
    %c0_i32_0 = arith.constant 0 : i32
    %c0_i32_1 = arith.constant 0 : i32
    return %c0_i32, %c0_i32_0 : i32, i32
  }
  func.func @transform_3(%arg0: i32) -> (i32, i32) {
    %c0_i32 = arith.constant 0 : i32
    %c0_i32_0 = arith.constant 0 : i32
    %c0_i32_1 = arith.constant 0 : i32
    return %c0_i32, %c0_i32_0 : i32, i32
  }
  func.func @transform_4(%arg0: i32) -> (i32, i32) {
    %c0_i32 = arith.constant 0 : i32
    %c0_i32_0 = arith.constant 0 : i32
    %c0_i32_1 = arith.constant 0 : i32
    return %c0_i32, %c0_i32_0 : i32, i32
  }
  func.func @transform_5(%arg0: i32) -> (i32, i32) {
    %c0_i32 = arith.constant 0 : i32
    %c0_i32_0 = arith.constant 0 : i32
    %c0_i32_1 = arith.constant 0 : i32
    return %c0_i32, %c0_i32_0 : i32, i32
  }
  func.func @transform_6(%arg0: i32) -> (i32, i32) {
    %c0_i32 = arith.constant 0 : i32
    %c0_i32_0 = arith.constant 0 : i32
    %c0_i32_1 = arith.constant 0 : i32
    return %c0_i32, %c0_i32_0 : i32, i32
  }
  func.func @transform_7(%arg0: i32) -> (i32, i32) {
    %c0_i32 = arith.constant 0 : i32
    %c0_i32_0 = arith.constant 0 : i32
    return %arg0, %c0_i32 : i32, i32
  }
  func.func @transform_8(%arg0: i32) -> (i32, i32) {
    %c0_i32 = arith.constant 0 : i32
    %c0_i32_0 = arith.constant 0 : i32
    %c0_i32_1 = arith.constant 0 : i32
    return %c0_i32, %c0_i32_0 : i32, i32
  }
}

module attributes {stable_mosaic.version = 14 : i64} {
  func.func @_final_body(%arg0: i32, %arg1: memref<2x2048xf32, #tpu.memory_space<vmem>>, %arg2: memref<2x2048xf32, #tpu.memory_space<vmem>>, %arg3: memref<1x16xf32, #tpu.memory_space<vmem>>, %arg4: memref<2048x1xf32, #tpu.memory_space<vmem>>) attributes {dimension_semantics = [#tpu.dimension_semantics<arbitrary>], iteration_bounds = array<i64: 5>, scalar_prefetch = 0 : i64, scratch_operands = 0 : i64, tpu.core_type = #tpu.core_type<tc>, window_params = [{transform_indices = @transform_0, window_bounds = array<i64: 2, 2048>}, {transform_indices = @transform_1, window_bounds = array<i64: 2, 2048>}, {pipeline_mode = #tpu.pipeline_mode<synchronous>, transform_indices = @transform_2, window_bounds = array<i64: 1, 16>}, {transform_indices = @transform_3, window_bounds = array<i64: 2048, 1>}]} {
    %get3A = arith.constant 0 : index
    %get3A_0 = arith.constant 0 : index
    %get3A_1 = vector.load %arg3[%get3A, %get3A_0] : memref<1x16xf32, #tpu.memory_space<vmem>>, vector<1x1xf32>
    %get3A_2 = vector.extract %get3A_1[0, 0] : f32 from vector<1x1xf32>
    %get3A_3 = arith.constant 0 : index
    %get3A_4 = arith.constant 0 : index
    %get3A_5 = vector.load %arg1[%get3A_3, %get3A_4] : memref<2x2048xf32, #tpu.memory_space<vmem>>, vector<1x2048xf32>
    %get3A_6 = vector.shape_cast %get3A_5 : vector<1x2048xf32> to vector<2048xf32>
    %get3A_7 = arith.constant 1 : index
    %get3A_8 = arith.constant 0 : index
    %get3A_9 = vector.load %arg1[%get3A_7, %get3A_8] : memref<2x2048xf32, #tpu.memory_space<vmem>>, vector<1x2048xf32>
    %get3A_10 = vector.shape_cast %get3A_9 : vector<1x2048xf32> to vector<2048xf32>
    %add3A = arith.addf %get3A_6, %get3A_10 : vector<2048xf32>
    %get3A_11 = arith.constant 0 : index
    %get3A_12 = arith.constant 0 : index
    %get3A_13 = vector.load %arg2[%get3A_11, %get3A_12] : memref<2x2048xf32, #tpu.memory_space<vmem>>, vector<1x2048xf32>
    %get3A_14 = vector.shape_cast %get3A_13 : vector<1x2048xf32> to vector<2048xf32>
    %get3A_15 = arith.constant 1 : index
    %get3A_16 = arith.constant 0 : index
    %get3A_17 = vector.load %arg2[%get3A_15, %get3A_16] : memref<2x2048xf32, #tpu.memory_space<vmem>>, vector<1x2048xf32>
    %get3A_18 = vector.shape_cast %get3A_17 : vector<1x2048xf32> to vector<2048xf32>
    %add3A_19 = arith.addf %get3A_14, %get3A_18 : vector<2048xf32>
    %add3A_20 = vector.broadcast %get3A_2 : f32 to vector<2048xf32>
    %add3A_21 = arith.addf %add3A_20, %add3A : vector<2048xf32>
    %add3A_22 = arith.constant 1.000000e+04 : f32
    %add3A_23 = vector.broadcast %add3A_22 : f32 to vector<2048xf32>
    %add3A_24 = arith.addf %add3A_23, %add3A_19 : vector<2048xf32>
    %div3A = arith.divf %add3A_21, %add3A_24 : vector<2048xf32>
    %broadcast_in_dim3A = vector.shape_cast %div3A : vector<2048xf32> to vector<2048x1xf32>
    %swap3A = arith.constant 0 : index
    %swap3A_25 = arith.constant 0 : index
    %swap3A_26 = vector.load %arg4[%swap3A, %swap3A_25] : memref<2048x1xf32, #tpu.memory_space<vmem>>, vector<2048x1xf32>
    tpu.vector_store %arg4[%swap3A, %swap3A_25], %broadcast_in_dim3A {strides = array<i32>} : memref<2048x1xf32, #tpu.memory_space<vmem>>, vector<2048x1xf32>,
    return
  }
  func.func @transform_0(%arg0: i32) -> (i32, i32) {
    %c0_i32 = arith.constant 0 : i32
    %c0_i32_0 = arith.constant 0 : i32
    return %c0_i32, %arg0 : i32, i32
  }
  func.func @transform_1(%arg0: i32) -> (i32, i32) {
    %c0_i32 = arith.constant 0 : i32
    %c0_i32_0 = arith.constant 0 : i32
    return %c0_i32, %arg0 : i32, i32
  }
  func.func @transform_2(%arg0: i32) -> (i32, i32) {
    %c0_i32 = arith.constant 0 : i32
    %c0_i32_0 = arith.constant 0 : i32
    %c0_i32_1 = arith.constant 0 : i32
    return %c0_i32, %c0_i32_0 : i32, i32
  }
  func.func @transform_3(%arg0: i32) -> (i32, i32) {
    %c0_i32 = arith.constant 0 : i32
    %c0_i32_0 = arith.constant 0 : i32
    return %arg0, %c0_i32 : i32, i32
  }
}

</mosaic_0001>

<sc_bundles>
// kernel: kernel.5.cloned.1.call-start
scs
__scs_entry_jumppad:
0x0: {  	(pc) =	sbr.rel $0x88, $3  }
0x1: {  	(tag) =	ssettag $0x0;
	lr =	simm.s32 $0x1  }
0x2: {  	[smem:$0x3F99] =	sst lr;
	_ =	strace $0xD0000000  }
0x3: {  	_ = 	snop  }
0x4: {  	_ = 	snop  }
0x5: {  	_ = 	snop  }
0x6: {  	_ = 	snop  }
0x7: {  	_ = 	snop  }
__scs_overlays_trampoline_lowered:
0x8: {  	[smem:$0x3FA8] =	sst s0  }
0x9: {  	[smem:$0x3FA9] =	sst s1  }
0xa: {  	[smem:$0x3FAA] =	sst s2  }
0xb: {  	[smem:$0x3FAB] =	sst s3  }
0xc: {  	[smem:$0x3FAC] =	sst s4  }
0xd: {  	[smem:$0x3FAD] =	sst s5  }
0xe: {  	[smem:$0x3FAE] =	sst s6  }
0xf: {  	[smem:$0x3FAF] =	sst s7  }
0x10: {  	[smem:$0x3FB0] =	sst s8  }
0x11: {  	[smem:$0x3FB1] =	sst s9;
	s0 =	simm.s32 @!p0 $0x0  }
0x12: {  	s1 =	sld [smem:$0x3F97];
	s0 =	simm.s32 @p0 $0x1  }
0x13: {  	[smem:$0x3FB2] =	sst s0;
	s0 =	simm.s32 @!p1 $0x0  }
0x14: {  	s2 =	sld [smem:$0x3F96];
	s0 =	simm.s32 @p1 $0x1  }
0x15: {  	[smem:$0x3FB3] =	sst s0;
	s0 =	simm.s32 @!p2 $0x0  }
0x16: {  	s3 =	sld [smem:$0x3FDB];
	s0 =	simm.s32 @p2 $0x1  }
0x17: {  	s4 =	simm.s32 $0x1BF5;
	[smem:$0x3FB5] =	sst s0  }
0x18: {  	s0 =	sld [smem:$0x3F98];
	_ =	swait.ge [sflag:s4], $0x0  }
0x19: {  	s7 =	sld [smem:$0x3F99]  }
0x1a: {  	s8 =	sadd.s32 $0xFFFFE003, lr  }
0x1b: {  	s9 =	sadd.s32 $0xFFFFFEF7, lr;
	s5 =	simm.s32 $0xFFFFFFFF;
	p2 =	slt.u32 s8, $0xFFFFF086  }
0x1c: {  	p1 =	slt.u32 s9, $0xF7A;
	s5 =	simm.s32 @!p2 $0x0  }
0x1d: {  	s5 =	simm.s32 @p1 $0x1;
	p0 =	seq.s32 s7, s2  }
0x1e: {  	s7 =	smul.u32 @!p0 $0xF7A, s2;
	p2 =	seq.s32 @!p0 s5, $0x0  }
0x1f: {  	s9 =	smul.u32 $0xF7A, s1;
	s8 =	simm.s32 @!p0 $0x1BF5;
	p2 =	por !p2, p0  }
0x20: {  	[sflag:s8] =	ssyncset.s32 @!p0 $0xFFFFF086;
	s6 =	sadd.s32 @!p0 s3, s7;
	s7 =	simm.s32 @!p0 $0x108  }
0x21: {  	s3 =	sadd.s32 s3, s9;
	s6 =	sadd.s32 @!p0 $0x88, s6;
	s7 =	simm.s32 @p2 $0x1082  }
0x22: {  	[simem:s7], [sflag:s8] =	dma.local @!p0 [hbm:s6], $0xF7A  }
0x23: {  	s9 =	sor.u32 $0xD0000000, s2;
	s6 =	simm.s32 $0x108;
	_ =	swait.ge @!p0 [sflag:s8], $0x0  }
0x24: {  	s3 =	sadd.s32 $0x88, s3;
	s6 =	simm.s32 @!p1 $0x1082;
	[sflag:s4] =	ssyncset.s32 $0xFFFFF086  }
0x25: {  	[simem:s6], [sflag:s4] =	dma.local [hbm:s3], $0xF7A  }
0x26: {  	[smem:$0x3F99] =	sst s1;
	(tag) =	ssettag s2;
	_ =	strace s9  }
0x27: {  	s1 =	sld [smem:$0x3FA9]  }
0x28: {  	s2 =	sld [smem:$0x3FAA]  }
0x29: {  	s4 =	sld [smem:$0x3FAC]  }
0x2a: {  	p0 =	seq.s32 s5, $0x0;
	s5 =	sld [smem:$0x3FAD]  }
0x2b: {  	s6 =	sld [smem:$0x3FAE]  }
0x2c: {  	s7 =	sld [smem:$0x3FAF]  }
0x2d: {  	s3 =	simm.s32 $0x108;
	s8 =	sld [smem:$0x3FB0]  }
0x2e: {  	s3 =	simm.s32 @!p0 $0x1082;
	s9 =	sld [smem:$0x3FB1]  }
0x2f: {  	lr =	sadd.s32 s0, s3;
	s0 =	sld [smem:$0x3FA8]  }
0x30: {  	s3 =	sld [smem:$0x3FAB]  }
0x31: {  	[smem:$0x3FB4] =	sst s10  }
0x32: {  	s10 =	sld [smem:$0x3FB2];
	_ =	sdelay $0x3  }
0x33: {  	p0 =	seq.s32 s10, $0x1;
	s10 =	sld [smem:$0x3FB4];
	_ =	sdelay $0x3  }
0x34: {  	[smem:$0x3FB4] =	sst s10  }
0x35: {  	s10 =	sld [smem:$0x3FB3];
	_ =	sdelay $0x3  }
0x36: {  	p1 =	seq.s32 s10, $0x1;
	s10 =	sld [smem:$0x3FB4];
	_ =	sdelay $0x3  }
0x37: {  	[smem:$0x3FB4] =	sst s10  }
0x38: {  	s10 =	sld [smem:$0x3FB5]  }
0x39: {  	_ = 	snop;
	(pc) =	sbr.ind lr, $3  }
0x3a: {  	_ = 	snop  }
0x3b: {  	_ = 	snop  }
0x3c: {  	p2 =	seq.s32 s10, $0x1;
	s10 =	sld [smem:$0x3FB4]  }
0x3d: {  	_ =	shalt  }
0x3e: {  	_ =	shalt  }
0x3f: {  	_ =	shalt  }
0x40: {  	_ =	shalt  }
0x41: {  	_ =	shalt  }
0x42: {  	_ =	shalt  }
0x43: {  	_ =	shalt  }
0x44: {  	_ =	shalt  }
0x45: {  	_ =	shalt  }
0x46: {  	_ =	shalt  }
0x47: {  	_ =	shalt  }
0x48: {  	_ =	shalt  }
0x49: {  	_ =	shalt  }
0x4a: {  	_ =	shalt  }
0x4b: {  	_ =	shalt  }
0x4c: {  	_ =	shalt  }
0x4d: {  	_ =	shalt  }
0x4e: {  	_ =	shalt  }
0x4f: {  	_ =	shalt  }
0x50: {  	_ =	shalt  }
0x51: {  	_ =	shalt  }
0x52: {  	_ =	shalt  }
0x53: {  	_ =	shalt  }
0x54: {  	_ =	shalt  }
0x55: {  	_ =	shalt  }
0x56: {  	_ =	shalt  }
0x57: {  	_ =	shalt  }
0x58: {  	_ =	shalt  }
0x59: {  	_ =	shalt  }
0x5a: {  	_ =	shalt  }
0x5b: {  	_ =	shalt  }
0x5c: {  	_ =	shalt  }
0x5d: {  	_ =	shalt  }
0x5e: {  	_ =	shalt  }
0x5f: {  	_ =	shalt  }
0x60: {  	_ =	shalt  }
0x61: {  	_ =	shalt  }
0x62: {  	_ =	shalt  }
0x63: {  	_ =	shalt  }
0x64: {  	_ =	shalt  }
0x65: {  	_ =	shalt  }
0x66: {  	_ =	shalt  }
0x67: {  	_ =	shalt  }
0x68: {  	_ =	shalt  }
0x69: {  	_ =	shalt  }
0x6a: {  	_ =	shalt  }
0x6b: {  	_ =	shalt  }
0x6c: {  	_ =	shalt  }
0x6d: {  	_ =	shalt  }
0x6e: {  	_ =	shalt  }
0x6f: {  	_ =	shalt  }
0x70: {  	_ =	shalt  }
0x71: {  	_ =	shalt  }
0x72: {  	_ =	shalt  }
0x73: {  	_ =	shalt  }
0x74: {  	_ =	shalt  }
0x75: {  	_ =	shalt  }
0x76: {  	_ =	shalt  }
0x77: {  	_ =	shalt  }
0x78: {  	_ =	shalt  }
0x79: {  	_ =	shalt  }
0x7a: {  	_ =	shalt  }
0x7b: {  	_ =	shalt  }
0x7c: {  	_ =	shalt  }
0x7d: {  	_ =	shalt  }
0x7e: {  	_ =	shalt  }
0x7f: {  	_ =	shalt  }
0x80: {  	_ =	shalt  }
0x81: {  	_ =	shalt  }
0x82: {  	_ =	shalt  }
0x83: {  	_ =	shalt  }
0x84: {  	_ =	shalt  }
0x85: {  	_ =	shalt  }
0x86: {  	_ =	shalt  }
0x87: {  	_ =	shalt  }
.Lfunc_end0:
.L_simem_size_0:
called_computation_lowered:
.L_overlay_start_0:
0x88: {  	s2 =	sld [smem:$0x3FD9]  }
0x89: {  	s3 =	sld [smem:$0x3FFE];
	_ =	sdelay $0x1  }
0x8a: {  	s1 =	srdreg.scid  }
0x8b: {  	s0 =	sand.u32 $0x1, s1  }
0x8c: {  	s17 =	sshll.u32 s0, $0xA;
	s2 =	sadd.s32 s3, s2  }
0x8d: {  	s2 =	sadd.s32 s2, s17  }
0x8e: {  	[smem:$0x3FC0] =	sst s2  }
0x8f: {  	_ = 	snop  }
0x90: {  	s2 =	sld [smem:$0x3FD0];
	(tm) =	ssettm $0x1  }
0x91: {  	s18 =	sld [smem:$0x3FFB];
	_ =	sdelay $0x3  }
0x92: {  	_ =	strace s18  }
0x93: {  	s3 =	sld [smem:$0x3FFC];
	_ =	sdelay $0x3  }
0x94: {  	_ =	strace s3  }
0x95: {  	s3 =	sld [smem:$0x3FFD];
	_ =	sdelay $0x3  }
0x96: {  	_ =	strace s3  }
0x97: {  	_ =	strace $0x8FFFFFFF  }
0x98: {  	s19 =	sld [smem:$0x3FDB];
	_ =	sdelay $0x1  }
0x99: {  	s4 =	simm.s32 $_scs_section_size  }
0x9a: {  	s5 =	simm.s32 $_size__tile_overlayer_lowered;
	s6 =	simm.s32 $_tile_overlayer_lowered  }
0x9b: {  	s22 =	simm.s32 $0x1BFF;
	s21 =	sshll.u32 s6, $0x1;
	s3 =	sadd.s32 s4, s19  }
0x9c: {  	s7 =	simm.s32 $0x0;
	s20 =	sshll.u32 s5, $0x1;
	s5 =	sadd.s32 s21, s3  }
0x9d: {  	[timem:s7], [sflag:s22] =	dma.local [hbm:s5], s20  }
0x9e: {  	_ =	swait.ge [sflag:s22], s20  }
0x9f: {  	s4 =	ssub.s32 $0x0, s20;
	[sflag:s22] =	ssyncset.done $0x0  }
0xa0: {  	[sflag:s22] =	ssyncadd.s32 s4;
	_ =	sdelay $0x1  }
0xa1: {  	s23 =	simm.s32 $0x1B8B  }
0xa2: {  	_ =	swait.ge [sflag:s23], $0x1  }
0xa3: {  	[sflag:s23] =	ssyncset.done $0x0  }
0xa4: {  	s25 =	simm.s32 $0x1B8E;
	s24 =	sld [smem:$0x3FFE];
	[sflag:s23] =	ssyncadd.s32 $0xFFFFFFFF  }
0xa5: {  	s26 =	simm.s32 $execute0_lowered;
	[smem:$0x3FD2] =	sst s25  }
0xa6: {  	s5 =	sshll.u32 s26, $0x1;
	_ =	strace $0x80000046;
	[dreg:$0x1] =	wrdreg $0xFFFFFFFF  }
0xa7: {  	s28 =	simm.s32 $_size_execute0_lowered;
	s3 =	sadd.s32 s3, s5;
	[dreg:$0x0] =	wrdreg $0x0  }
0xa8: {  	s5 =	sshll.u32 s28, $0x1;
	[dreg:$0x2] =	wrdreg s3  }
0xa9: {  	[dreg:$0x3] =	wrdreg s5  }
0xaa: {  	[dreg:$0x4] =	wrdreg $0xC0  }
0xab: {  	_ =	task [dreg:s7], $0x5FFFF  }
0xac: {  	[dreg:$0x1] =	wrdreg $0xFFFFFFFF  }
0xad: {  	[dreg:$0x0] =	wrdreg $0x60  }
0xae: {  	[dreg:$0x2] =	wrdreg s24  }
0xaf: {  	[dreg:$0x3] =	wrdreg s2  }
0xb0: {  	[dreg:$0x4] =	wrdreg $0x1EFA00  }
0xb1: {  	[dreg:$0x5] =	wrdreg $0x1F2200  }
0xb2: {  	[dreg:$0x6] =	wrdreg $0x105200  }
0xb3: {  	[dreg:$0x7] =	wrdreg $0x9  }
0xb4: {  	_ =	task.clear_ibuf [dreg:s7], $0x8FFFF;
	_ =	strace $0x90000046  }
0xb5: {  	s29 =	simm.s32 $0x9;
	_ =	strace $0x80000048  }
0xb6: {  	_ =	swait.ge [sflag:s29], $0x1  }
0xb7: {  	[sflag:s29] =	ssyncadd.s32 $0xFFFFFFFF  }
0xb8: {  	_ =	strace $0x90000048  }
0xb9: {  	_ =	sfence  }
0xba: {  	s30 =	sld [smem:$0x0];
	_ =	sdelay $0x2  }
0xbb: {  	s31 =	sshll.u32 s1, $0xD;
	s1 =	sshrl.u32 s1, $0x2  }
0xbc: {  	s3 =	sand.u32 $0x4000, s31;
	s1 =	sadd.s32 s1, s30  }
0xbd: {  	s0 =	sor.u32 s3, s0;
	s1 =	sshll.u32 s1, $0x11  }
0xbe: {  	s0 =	sor.u32 s1, s0  }
0xbf: {  	s0 =	sadd.s32 $0x8F2B, s0  }
0xc0: {  	[sflag:s0] =	ssyncadd.remote.s32 $0x1  }
0xc1: {  	_ =	sfence.sel $0xFFFF  }
0xc2: {  	[dreg:$0x0] =	wrdreg $0xFFFFFFFF;
	(pc) =	sbr.abs _section_cstart, $3  }
0xc3: {  	[dreg:$0x1] =	wrdreg $0xFFFFFFFF  }
0xc4: {  	_ =	task.clear_ibuf [dreg:s7], $0x2FFFF;
	_ =	strace $0x9FFFFFFF  }
0xc5: {  	(tm) =	ssettm $0x7FFFFFFF  }
tec
execute0_lowered:
.L_overlay_start_1:
0x0: {  	(tag) =	ssettag $0x1  }
0x1: {  	s0 =	rddreg [dreg:$0x0]  }
0x2: {  	s5 =	rddreg [dreg:$0x2]  }
0x3: {  	s6 =	rddreg [dreg:$0x3];
	s30 =	simm.s32 $0x0;
	s1 =	srdreg.scid  }
0x4: {  	s19 =	stileid.u32;
	[smem:$0x7FF] =	sst s30  }
0x5: {  	s1 =	sand.u32 $0x1, s1;
	s2 =	sadd.s32 $0xA800, s0;
	s17 =	sadd.s32 $0xA00, s0  }
0x6: {  	s3 =	sadd.s32 $0x14600, s0;
	_ =	strace $0x80000047;
	[dreg:$0x12] =	wrdreg s2  }
0x7: {  	s7 =	smul.u32 $0x4E20, s19;
	s23 =	sshll.u32 s19, $0x8;
	[dreg:$0x13] =	wrdreg s17  }
0x8: {  	s18 =	smul.u32 $0x500, s1;
	[dreg:$0x14] =	wrdreg s3;
	s4 =	ssub.s32 $0x2, s1  }
0x9: {  	s1 =	smul.u32 $0x35, s1;
	s24 =	sadd.s32 s23, s5;
	[dreg:$0x15] =	wrdreg s7  }
0xa: {  	s26 =	sor.u32 $0x20, s19;
	s25 =	sor.u32 $0x1000, s23;
	[dreg:$0x1a] =	wrdreg s24  }
0xb: {  	s29 =	sshll.u32 s26, $0x8;
	s28 =	sadd.s32 s25, s5;
	[dreg:$0x16] =	wrdreg s1  }
0xc: {  	s20 =	sshrl.u32 s4, $0x1;
	s31 =	sadd.s32 s29, s5;
	[dreg:$0x1c] =	wrdreg s28  }
0xd: {  	s0 =	sadd.s32 s18, s0;
	s1 =	sadd.s32 s25, s6;
	[dreg:$0x1e] =	wrdreg s31  }
0xe: {  	v2 =	vimm.s32 $0xECA86420;
	s2 =	ssub.s32 s4, s20;
	s21 =	sadd.s32 $0x14C00, s0;
	[dreg:$0x1d] =	wrdreg s1  }
.Ltmp0:
0xf: {  	v0 =	vimm.f32 $0.0e+00;
	v1 =	vimm.f32 $1.000000000e+00;
	vm3 =	vcmask $0x1B18;
	s0 =	sadd.s32 $0x15600, s0;
	[dreg:$0x17] =	wrdreg s21;
	(pc) =	sbr.rel .LBB2_1-.Ltmp0, $4  }
0x10: {  	v4 =	vlaneseq.u32;
	vm4 =	vcmask $0x3330;
	vm0 =	vmmov $0xff;
	s22 =	smax.u32 s2, $0x1;
	[dreg:$0x18] =	wrdreg s0  }
0x11: {  	v6 =	vimm.s32 $0x0;
	vm10 =	vcmask $0x1714;
	v3 =	vunpack.c.l.s4.s8 v2;
	p0 =	sne.s32 s19, $0x0;
	[dreg:$0x19] =	wrdreg s22;
	s0 =	sadd.s32 s23, s6  }
0x12: {  	vm15 =	vcmask $0x2F2C;
	v2 =	vimm.s32 $0x0;
	v6 =	vsel vm0, $0xFFFFFFFF, v6;
	p1 =	sgt.u32 s26, $0x27;
	[dreg:$0x1b] =	wrdreg s0;
	s0 =	sadd.s32 s29, s6  }
0x13: {  	v5 =	vmul.u32 $0x2, v4;
	[tilespmem:$0x1FFF0] =	vst v6;
	v6 =	vimm.s32 $0xF;
	v3 =	vunpack.c.0.s8.s32 v3;
	s20 =	simm.s32 $0x3;
	s2 =	simm.s32 $0x0;
	[dreg:$0x1f] =	wrdreg s0  }
.LBB2_49:
0x14: {  	[bflag:$0x0] =	sbarrier.arrive $0xFFFF  }
0x15: {  	s0 =	rddreg [dreg:$0x2]  }
0x16: {  	s1 =	simm.s32 @!p0 $0x1C03;
	s2 =	rddreg [dreg:$0x17];
	s0 =	sshrl.u32 @!p0 s0, $0x3  }
0x17: {  	[hbm:s2], [sflag:s1] =	dma.local @!p0 [spmem:s0], $0x500  }
0x18: {  	s0 =	simm.s32 @!p0 $0x3  }
0x19: {  	_ =	swait.ge @!p0 [sflag:s0], $0x500  }
0x1a: {  	[sflag:s0] =	ssyncset.done @!p0 $0x0  }
0x1b: {  	[sflag:s0] =	ssyncadd.s32 @!p0 $0xFFFFFB00  }
0x1c: {  	s2 =	rddreg [dreg:$0x3]  }
0x1d: {  	s3 =	rddreg [dreg:$0x18];
	s2 =	sshrl.u32 @!p0 s2, $0x3  }
0x1e: {  	[hbm:s3], [sflag:s1] =	dma.local @!p0 [spmem:s2], $0x500  }
0x1f: {  	_ =	swait.ge @!p0 [sflag:s0], $0x500  }
0x20: {  	s29 =	sld [smem:$0x7FD];
	_ =	sdelay $0x2  }
0x21: {  	s31 =	rddreg [dreg:$0x19];
	s2 =	sadd.s32 $0x1, s29  }
0x22: {  	p2 =	sne.s32 s2, s31  }
.Ltmp1:
0x23: {  	_ = 	snop;
	(pc) =	sbr.rel @!p2 .LBB2_50-.Ltmp1, $3  }
0x24: {  	_ =	sdelay $0x1  }
0x25: {  	[sflag:s0] =	ssyncset.done @!p0 $0x0  }
0x26: {  	[sflag:s0] =	ssyncadd.s32 @!p0 $0xFFFFFB00  }
.LBB2_1:
0x27: {  	[smem:$0x7FD] =	sst s2  }
0x28: {  	s0 =	rddreg [dreg:$0x14]  }
0x29: {  	[tilespmem:s30], [sflag:$0x3] =	stream.linear.gather [hbm4b:s0+s30], $0x2710, $0x38;
	[tilespmem:$0x1F4A0] =	vst v63  }
0x2a: {  	_ =	swait.ge [sflag:s20], $0x2710  }
0x2b: {  	[sflag:s20] =	ssyncset.done $0x0  }
0x2c: {  	[sflag:s20] =	ssyncadd.s32 $0xFFFFD8F0  }
0x2d: {  	s1 =	simm.s32 $0xFD10;
	s31 =	rddreg [dreg:$0x1]  }
0x2e: {  	[tilespmem:s1], [sflag:$0x3] =	stream.linear.gather [hbm4b:s31+s30], $0x10, $0x38;
	[tilespmem:$0x1F4A0] =	vst v63  }
0x2f: {  	_ =	swait.ge [sflag:s20], $0x10  }
0x30: {  	[sflag:s20] =	ssyncset.done $0x0  }
0x31: {  	[sflag:s20] =	ssyncadd.s32 $0xFFFFFFF0  }
0x32: {  	[tilespmem:$0xFD20] =	vst v0  }
0x33: {  	[tilespmem:$0xFE20] =	vst v1  }
0x34: {  	[tilespmem:$0xFD30] =	vst v0  }
0x35: {  	[tilespmem:$0xFE30] =	vst v1  }
0x36: {  	[tilespmem:$0xFD40] =	vst v0  }
0x37: {  	[tilespmem:$0xFE40] =	vst v1  }
0x38: {  	[tilespmem:$0xFD50] =	vst v0  }
0x39: {  	[tilespmem:$0xFE50] =	vst v1  }
0x3a: {  	[tilespmem:$0xFD60] =	vst v0  }
0x3b: {  	[tilespmem:$0xFE60] =	vst v1  }
0x3c: {  	[tilespmem:$0xFD70] =	vst v0  }
0x3d: {  	[tilespmem:$0xFE70] =	vst v1  }
0x3e: {  	[tilespmem:$0xFD80] =	vst v0  }
0x3f: {  	[tilespmem:$0xFE80] =	vst v1  }
0x40: {  	[tilespmem:$0xFD90] =	vst v0  }
0x41: {  	[tilespmem:$0xFE90] =	vst v1  }
0x42: {  	[tilespmem:$0xFDA0] =	vst v0  }
0x43: {  	[tilespmem:$0xFEA0] =	vst v1  }
0x44: {  	[tilespmem:$0xFDB0] =	vst v0  }
0x45: {  	[tilespmem:$0xFEB0] =	vst v1  }
0x46: {  	[tilespmem:$0xFDC0] =	vst v0  }
0x47: {  	[tilespmem:$0xFEC0] =	vst v1  }
0x48: {  	[tilespmem:$0xFDD0] =	vst v0  }
0x49: {  	[tilespmem:$0xFED0] =	vst v1  }
0x4a: {  	[tilespmem:$0xFDE0] =	vst v0  }
0x4b: {  	[tilespmem:$0xFEE0] =	vst v1  }
0x4c: {  	[tilespmem:$0xFDF0] =	vst v0  }
0x4d: {  	[tilespmem:$0xFEF0] =	vst v1  }
0x4e: {  	[tilespmem:$0xFE00] =	vst v0  }
0x4f: {  	[tilespmem:$0xFF00] =	vst v1  }
0x50: {  	[tilespmem:$0xFE10] =	vst v0  }
0x51: {  	s0 =	simm.s32 $0x0;
	s1 =	simm.s32 $0x40;
	v9 =	vld [tilespmem:$0xFD10];
	[tilespmem:$0xFF10] =	vst v1  }
.LBB2_2:
0x52: {  	p2 =	sne.s32 s1, $0x1A80;
	[tilespmem:s0+$0xF660] =	vst v2;
	s2 =	smov.u32 s1;
	s1 =	sadd.s32 $0x40, s1  }
.Ltmp2:
0x53: {  	[tilespmem:s0+$0xEFB0] =	vst v2;
	(pc) =	sbr.rel @p2 .LBB2_2-.Ltmp2, $3  }
0x54: {  	[tilespmem:s0+$0xE250] =	vst v2  }
0x55: {  	[tilespmem:s0+$0xE900] =	vst v2;
	_ =	sdelay $0x1  }
0x56: {  	s0 =	sshra.s32 s2, $0x2  }
0x57: {  	[tilespmem:s0+$0xF660] =	vst v2  }
0x58: {  	[tilespmem:s0+$0xEFB0] =	vst v2  }
0x59: {  	[tilespmem:s0+$0xE250] =	vst v2  }
0x5a: {  	[tilespmem:s0+$0xE900] =	vst v2;
	s0 =	simm.s32 $0x0  }
.LBB2_4:
0x5b: {  	s29 =	smul.u32 $0x7D0, s0  }
0x5c: {  	s1 =	rddreg [dreg:$0x15]  }
0x5d: {  	[smem:$0x7FC] =	sst s0;
	s0 =	sadd.s32 s1, s29  }
0x5e: {  	s30 =	rddreg [dreg:$0x13];
	s0 =	sshrl.u32 s0, $0x3  }
0x5f: {  	s31 =	simm.s32 $0x2EE0;
	s2 =	simm.s32 $0x0;
	s0 =	sadd.s32 s30, s0  }
0x60: {  	[tilespmem:s31], [sflag:$0x3] =	stream.linear.gather [hbm4b:s0+s2], $0x7D0, $0x38;
	[tilespmem:$0x1F4A0] =	vst v63  }
0x61: {  	_ =	swait.ge [sflag:s20], $0x7D0  }
0x62: {  	[sflag:s20] =	ssyncset.done $0x0  }
0x63: {  	s10 =	simm.s32 $0x0;
	s8 =	simm.s32 $0xF660;
	[sflag:s20] =	ssyncadd.s32 $0xFFFFF830  }
.LBB2_5:
0x64: {  	s17 =	sshra.s32 s10, $0x2  }
0x65: {  	v7 =	vld [tilespmem:s17+$0x2EE0];
	_ =	sdelay $0x4  }
0x66: {  	(v2sf) =	vpush v7, $0xD;
	_ =	sdelay $0x1  }
0x67: {  	(v2sf) =	vpush v7, $0xC;
	_ =	sdelay $0x1  }
0x68: {  	(v2sf) =	vpush v7, $0xE;
	_ =	sdelay $0x1  }
0x69: {  	(v2sf) =	vpush v7, $0xF;
	_ =	sdelay $0x1  }
0x6a: {  	(v2sf) =	vpush v7, $0x9;
	_ =	sdelay $0x1  }
0x6b: {  	(v2sf) =	vpush v7, $0x8;
	_ =	sdelay $0x1  }
0x6c: {  	(v2sf) =	vpush v7, $0xA;
	_ =	sdelay $0x1  }
0x6d: {  	(v2sf) =	vpush v7, $0xB  }
0x6e: {  	s0 =	spop (v2sf)  }
0x6f: {  	(v2sf) =	vpush v7, $0x0;
	s1 =	smulhi.u32 $0x2AAAAAAB, s0;
	s0 =	sshra.s32 s0, $0x1F  }
0x70: {  	s2 =	spop (v2sf);
	s0 =	smul.u32 $0x2AAAAAAB, s0  }
0x71: {  	(v2sf) =	vpush v7, $0x1;
	s3 =	smulhi.u32 $0x2AAAAAAB, s2;
	s2 =	sshra.s32 s2, $0x1F  }
0x72: {  	s4 =	spop (v2sf);
	s2 =	smul.u32 $0x2AAAAAAB, s2  }
0x73: {  	(v2sf) =	vpush v7, $0x2;
	s5 =	smulhi.u32 $0x2AAAAAAB, s4;
	s4 =	sshra.s32 s4, $0x1F  }
0x74: {  	(v2sf) =	vpush v7, $0x3;
	s7 =	spop (v2sf);
	s4 =	smul.u32 $0x2AAAAAAB, s4  }
0x75: {  	(v2sf) =	vpush v7, $0x4;
	s9 =	smulhi.u32 $0x2AAAAAAB, s7;
	s7 =	sshra.s32 s7, $0x1F  }
0x76: {  	s23 =	spop (v2sf);
	(v2sf) =	vpush v7, $0x5;
	s11 =	smul.u32 $0x2AAAAAAB, s7  }
0x77: {  	s12 =	smulhi.u32 $0x2AAAAAAB, s23;
	s7 =	sshra.s32 s23, $0x1F;
	(v2sf) =	vpush v7, $0x6  }
0x78: {  	s24 =	spop (v2sf);
	s13 =	smul.u32 $0x2AAAAAAB, s7;
	(v2sf) =	vpush v7, $0x7  }
0x79: {  	s0 =	sadd.s32 s0, s1;
	s14 =	smulhi.u32 $0x2AAAAAAB, s24;
	s15 =	sshra.s32 s24, $0x1F  }
0x7a: {  	s1 =	sshrl.u32 s0, $0x1F;
	s25 =	spop (v2sf);
	s15 =	smul.u32 $0x2AAAAAAB, s15  }
0x7b: {  	s7 =	sadd.s32 s2, s3;
	s18 =	smulhi.u32 $0x2AAAAAAB, s25;
	s26 =	sshra.s32 s25, $0x1F  }
0x7c: {  	s2 =	sadd.s32 s4, s5;
	s28 =	spop (v2sf);
	s4 =	smul.u32 $0x2AAAAAAB, s26  }
0x7d: {  	s16 =	sshrl.u32 s7, $0x1F;
	s19 =	smulhi.u32 $0x2AAAAAAB, s28;
	s21 =	sshra.s32 s28, $0x1F  }
0x7e: {  	s3 =	sadd.s32 s11, s9;
	s11 =	smul.u32 $0x2AAAAAAB, s21;
	s29 =	spop (v2sf)  }
0x7f: {  	s5 =	sshrl.u32 s2, $0x1F;
	s22 =	smulhi.u32 $0x2AAAAAAB, s29;
	s23 =	sshra.s32 s29, $0x1F  }
0x80: {  	s9 =	sadd.s32 s13, s12;
	s30 =	spop (v2sf);
	s23 =	smul.u32 $0x2AAAAAAB, s23  }
0x81: {  	s21 =	sshrl.u32 s3, $0x1F;
	s24 =	smulhi.u32 $0x2AAAAAAB, s30;
	s12 =	sshra.s32 s30, $0x1F  }
0x82: {  	s15 =	sadd.s32 s15, s14;
	s31 =	spop (v2sf);
	s6 =	smul.u32 $0x2AAAAAAB, s12  }
0x83: {  	s25 =	spop (v2sf);
	s26 =	smulhi.u32 $0x2AAAAAAB, s31;
	s13 =	sshra.s32 s31, $0x1F  }
0x84: {  	s12 =	sadd.s32 s4, s18;
	s28 =	spop (v2sf);
	s4 =	smul.u32 $0x2AAAAAAB, s13  }
0x85: {  	s29 =	smulhi.u32 $0x2AAAAAAB, s25;
	s25 =	sshra.s32 s25, $0x1F;
	s18 =	spop (v2sf)  }
0x86: {  	s13 =	sadd.s32 s11, s19;
	s11 =	smul.u32 $0x2AAAAAAB, s25;
	s30 =	spop (v2sf)  }
0x87: {  	s22 =	sadd.s32 s23, s22;
	s23 =	smulhi.u32 $0x2AAAAAAB, s28;
	s25 =	spop (v2sf)  }
0x88: {  	s24 =	sadd.s32 s6, s24;
	s31 =	smulhi.u32 $0x2AAAAAAB, s25;
	s19 =	sshra.s32 s25, $0x1F  }
0x89: {  	s28 =	sshra.s32 s28, $0x1F;
	s4 =	sadd.s32 s4, s26;
	s6 =	smul.u32 $0x2AAAAAAB, s19  }
0x8a: {  	vm2 =	vcmask $0xB08;
	v10 =	vmov s16;
	s26 =	sshrl.u32 s12, $0x1F;
	s28 =	smul.u32 $0x2AAAAAAB, s28;
	s16 =	sshrl.u32 s24, $0x1F  }
0x8b: {  	vm12 =	vcmask $0x300;
	vm13 =	vcmask $0x704;
	v10 =	vsel vm2, s1, v10;
	s1 =	smulhi.u32 $0x2AAAAAAB, s18;
	s11 =	sadd.s32 s11, s29;
	s14 =	sadd.s32 s6, s31  }
0x8c: {  	vm14 =	vcmask $0x1310;
	vm5 =	vcmask $0xF0C;
	vm11 =	vcmask $0x2320;
	s29 =	sshrl.u32 s13, $0x1F;
	s25 =	sshrl.u32 s9, $0x1F;
	s31 =	sshra.s32 s14, $0x1F  }
0x8d: {  	vm6 =	vcmask $0x2B28;
	v10 =	vsel vm14, s5, v10;
	s5 =	sshrl.u32 s11, $0x1F;
	s19 =	sshrl.u32 s15, $0x1F;
	s6 =	sshra.s32 s22, $0x4;
	v8 =	vmov s31  }
0x8e: {  	vm9 =	vcmask $0x1F1C;
	s28 =	sadd.s32 s28, s23;
	v12 =	vmov s19;
	s31 =	sshrl.u32 s22, $0x1F;
	v8 =	vsel vm12, s6, v8;
	s6 =	sshra.s32 s22, $0x1F  }
0x8f: {  	s23 =	sshra.s32 s28, $0x4;
	v12 =	vsel vm2, s25, v12;
	s25 =	sshra.s32 s15, $0x4;
	v11 =	vmov s31;
	s31 =	sshra.s32 s24, $0x4;
	v8 =	vsel vm13, s6, v8  }
0x90: {  	v12 =	vsel vm14, s26, v12;
	s26 =	sshra.s32 s28, $0x1F;
	s22 =	sshrl.u32 s4, $0x1F;
	s24 =	sshra.s32 s24, $0x1F;
	v11 =	vnsel vm12, $0x0, v11;
	v8 =	vsel vm2, s31, v8  }
0x91: {  	vm7 =	vcmask $0x2724;
	v11 =	vsel vm2, s16, v11;
	s16 =	smulhi.u32 $0x2AAAAAAB, s30;
	s31 =	sshra.s32 s30, $0x1F;
	v8 =	vsel vm5, s24, v8;
	s24 =	sshra.s32 s4, $0x4  }
0x92: {  	vm8 =	vcmask $0x3734;
	v10 =	vsel vm3, s21, v10;
	s6 =	sshra.s32 s18, $0x1F;
	s21 =	smul.u32 $0x2AAAAAAB, s31;
	s4 =	sshra.s32 s4, $0x1F;
	v8 =	vsel vm14, s24, v8  }
0x93: {  	v13 =	vmov s25;
	v12 =	vsel vm3, s29, v12;
	s6 =	smul.u32 $0x2AAAAAAB, s6;
	s30 =	sshrl.u32 s28, $0x1F;
	s31 =	sshra.s32 s11, $0x4;
	v8 =	vsel vm10, s4, v8  }
0x94: {  	v10 =	vcombine.low v12, v10;
	s28 =	sshra.s32 s9, $0x4;
	v11 =	vsel vm14, s22, v11;
	s18 =	sadd.s32 s21, s16;
	s21 =	sshra.s32 s11, $0x1F;
	v8 =	vsel vm3, s31, v8  }
0x95: {  	v13 =	vsel vm2, s28, v13;
	v11 =	vsel vm3, s5, v11;
	s1 =	sadd.s32 s6, s1;
	s24 =	sshra.s32 s7, $0x4;
	v8 =	vsel vm9, s21, v8  }
0x96: {  	s0 =	sshra.s32 s0, $0x4;
	v11 =	vsel vm11, s30, v11;
	s6 =	sshrl.u32 s1, $0x1F;
	v53 =	vmov s24;
	v8 =	vsel vm11, s23, v8  }
0x97: {  	s29 =	sshra.s32 s1, $0x4;
	s30 =	sshra.s32 s2, $0x4;
	v11 =	vsel vm6, s6, v11;
	s22 =	sshrl.u32 s18, $0x1F;
	v12 =	vsel vm2, s0, v53;
	v8 =	vsel vm7, s26, v8  }
0x98: {  	s3 =	sshra.s32 s3, $0x4;
	s1 =	sshra.s32 s1, $0x1F;
	s31 =	sshra.s32 s12, $0x4;
	v11 =	vsel vm4, s22, v11;
	v12 =	vsel vm14, s30, v12;
	v8 =	vsel vm6, s29, v8  }
0x99: {  	v54 =	vld [tilespmem:$0x1FFF0];
	s4 =	sshra.s32 s13, $0x4;
	s5 =	sshra.s32 s18, $0x4;
	v13 =	vsel vm14, s31, v13;
	v12 =	vsel vm3, s3, v12;
	v8 =	vsel vm15, s1, v8  }
0x9a: {  	s7 =	sshrl.u32 s14, $0x1F;
	s9 =	sshra.s32 s18, $0x1F;
	v13 =	vsel vm3, s4, v13;
	vm7 =	vcmask $0x3B38;
	v8 =	vsel vm4, s5, v8  }
0x9b: {  	s11 =	sshra.s32 s14, $0x4;
	v12 =	vcombine.low v13, v12;
	v11 =	vsel vm7, s7, v11;
	v8 =	vsel vm8, s9, v8  }
0x9c: {  	v10 =	vperm.xlane v10, v3;
	v11 =	vperm.xlane v11, v5;
	v8 =	vsel vm7, s11, v8  }
0x9d: {  	v12 =	vperm.xlane v12, v3;
	v8 =	vperm.xlane v8, v5  }
0x9e: {  	vm8 =	vnez.u8 v54  }
0x9f: {  	v10 =	vsel vm8, v11, v10;
	v8 =	vsel vm8, v8, v12  }
0xa0: {  	v8 =	vadd.s32 v10, v8  }
0xa1: {  	v10 =	vmul.u32 $0xFFFFFFA0, v8  }
0xa2: {  	v11 =	vsub.s32 $0x0, v7  }
0xa3: {  	vm9 =	vlt.s32 v7, $0x1;
	vm10 =	vne.s32 v10, v11  }
0xa4: {  	vm9 =	vmand vm9, vm10  }
0xa5: {  	v7 =	vsel vm9, $0xFFFFFFFF, v2  }
0xa6: {  	v7 =	vadd.s32 v7, v8  }
0xa7: {  	v7 =	vshll.u32 v7, $0x4  }
0xa8: {  	v7 =	vor.u32 v4, v7;
	_ =	sdelay $0x3  }
0xa9: {  	s12 =	simm.s32 $0xE250  }
0xaa: {  	v8 =	vld.idx.msk [tilespmem:v7+s12+$0x0], $0xffff;
	_ =	sdelay $0x4  }
0xab: {  	v8 =	vadd.s32 $0x1, v8  }
0xac: {  	[tilespmem:v7+s12+$0x0] =	vst.idx.msk $0xffff, v8  }
0xad: {  	v7 =	vld [tilespmem:s17+$0x2EF0];
	_ =	sdelay $0x4  }
0xae: {  	(v2sf) =	vpush v7, $0xD;
	_ =	sdelay $0x1  }
0xaf: {  	(v2sf) =	vpush v7, $0xC;
	_ =	sdelay $0x1  }
0xb0: {  	(v2sf) =	vpush v7, $0xE;
	_ =	sdelay $0x1  }
0xb1: {  	(v2sf) =	vpush v7, $0xF;
	_ =	sdelay $0x1  }
0xb2: {  	(v2sf) =	vpush v7, $0x9;
	_ =	sdelay $0x1  }
0xb3: {  	(v2sf) =	vpush v7, $0x8;
	_ =	sdelay $0x1  }
0xb4: {  	(v2sf) =	vpush v7, $0xA;
	_ =	sdelay $0x1  }
0xb5: {  	(v2sf) =	vpush v7, $0xB  }
0xb6: {  	s13 =	spop (v2sf)  }
0xb7: {  	(v2sf) =	vpush v7, $0x0;
	s14 =	smulhi.u32 $0x2AAAAAAB, s13;
	s0 =	sshra.s32 s13, $0x1F  }
0xb8: {  	s15 =	spop (v2sf);
	s0 =	smul.u32 $0x2AAAAAAB, s0  }
0xb9: {  	(v2sf) =	vpush v7, $0x1;
	s16 =	smulhi.u32 $0x2AAAAAAB, s15;
	s2 =	sshra.s32 s15, $0x1F  }
0xba: {  	(v2sf) =	vpush v7, $0x2;
	s18 =	spop (v2sf);
	s2 =	smul.u32 $0x2AAAAAAB, s2  }
0xbb: {  	(v2sf) =	vpush v7, $0x3;
	s19 =	smulhi.u32 $0x2AAAAAAB, s18;
	s4 =	sshra.s32 s18, $0x1F  }
0xbc: {  	(v2sf) =	vpush v7, $0x4;
	s21 =	spop (v2sf);
	s4 =	smul.u32 $0x2AAAAAAB, s4  }
0xbd: {  	(v2sf) =	vpush v7, $0x5;
	s22 =	smulhi.u32 $0x2AAAAAAB, s21;
	s6 =	sshra.s32 s21, $0x1F  }
0xbe: {  	(v2sf) =	vpush v7, $0x6;
	s25 =	spop (v2sf);
	s6 =	smul.u32 $0x2AAAAAAB, s6  }
0xbf: {  	(v2sf) =	vpush v7, $0x7;
	s11 =	smulhi.u32 $0x2AAAAAAB, s25;
	s7 =	sshra.s32 s25, $0x1F  }
0xc0: {  	s0 =	sadd.s32 s0, s14;
	s26 =	spop (v2sf);
	s12 =	smul.u32 $0x2AAAAAAB, s7  }
0xc1: {  	s1 =	sshrl.u32 s0, $0x1F;
	s13 =	smulhi.u32 $0x2AAAAAAB, s26;
	s28 =	sshra.s32 s26, $0x1F  }
0xc2: {  	s0 =	sshra.s32 s0, $0x4;
	s29 =	spop (v2sf);
	s14 =	smul.u32 $0x2AAAAAAB, s28  }
0xc3: {  	s7 =	sadd.s32 s2, s16;
	s18 =	smulhi.u32 $0x2AAAAAAB, s29;
	s30 =	sshra.s32 s29, $0x1F  }
0xc4: {  	s2 =	sadd.s32 s4, s19;
	s23 =	spop (v2sf);
	s31 =	smul.u32 $0x2AAAAAAB, s30  }
0xc5: {  	s16 =	sshrl.u32 s7, $0x1F;
	s19 =	smulhi.u32 $0x2AAAAAAB, s23;
	s24 =	sshra.s32 s23, $0x1F  }
0xc6: {  	s3 =	sadd.s32 s6, s22;
	s25 =	spop (v2sf);
	s6 =	smul.u32 $0x2AAAAAAB, s24  }
0xc7: {  	s5 =	sshrl.u32 s2, $0x1F;
	s22 =	smulhi.u32 $0x2AAAAAAB, s25;
	s26 =	sshra.s32 s25, $0x1F  }
0xc8: {  	s9 =	sadd.s32 s12, s11;
	s28 =	spop (v2sf);
	s11 =	smul.u32 $0x2AAAAAAB, s26  }
0xc9: {  	s23 =	smulhi.u32 $0x2AAAAAAB, s28;
	s12 =	sshra.s32 s28, $0x1F;
	s29 =	spop (v2sf)  }
0xca: {  	s15 =	sadd.s32 s14, s13;
	s14 =	smul.u32 $0x2AAAAAAB, s12;
	s30 =	spop (v2sf)  }
0xcb: {  	s25 =	smulhi.u32 $0x2AAAAAAB, s29;
	s24 =	sshra.s32 s29, $0x1F;
	s26 =	spop (v2sf)  }
0xcc: {  	s12 =	sadd.s32 s31, s18;
	s4 =	smul.u32 $0x2AAAAAAB, s24;
	s18 =	spop (v2sf)  }
0xcd: {  	s24 =	smulhi.u32 $0x2AAAAAAB, s30;
	s31 =	sshra.s32 s30, $0x1F;
	s29 =	spop (v2sf)  }
0xce: {  	s13 =	sadd.s32 s6, s19;
	s6 =	smul.u32 $0x2AAAAAAB, s31;
	s30 =	spop (v2sf)  }
0xcf: {  	s21 =	sshrl.u32 s3, $0x1F;
	s31 =	smulhi.u32 $0x2AAAAAAB, s30;
	s19 =	sshra.s32 s30, $0x1F  }
0xd0: {  	s28 =	sshrl.u32 s9, $0x1F;
	s11 =	sadd.s32 s11, s22;
	s30 =	smul.u32 $0x2AAAAAAB, s19  }
0xd1: {  	s23 =	sadd.s32 s14, s23;
	s4 =	sadd.s32 s4, s25;
	s25 =	sshrl.u32 s12, $0x1F  }
0xd2: {  	s22 =	smulhi.u32 $0x2AAAAAAB, s26;
	s26 =	sshra.s32 s26, $0x1F;
	s14 =	sadd.s32 s30, s31  }
0xd3: {  	v10 =	vmov s16;
	s16 =	sshrl.u32 s23, $0x1F;
	s26 =	smul.u32 $0x2AAAAAAB, s26;
	s31 =	sshra.s32 s14, $0x1F  }
0xd4: {  	vm0 =	vcmask $0x2724;
	v10 =	vsel vm2, s1, v10;
	s1 =	smulhi.u32 $0x2AAAAAAB, s18;
	s19 =	sshrl.u32 s15, $0x1F;
	v8 =	vmov s31;
	s31 =	sshra.s32 s11, $0x4  }
0xd5: {  	v10 =	vsel vm14, s5, v10;
	s6 =	sadd.s32 s6, s24;
	v55 =	vmov s19;
	s30 =	sshrl.u32 s11, $0x1F;
	s11 =	sshra.s32 s11, $0x1F;
	v8 =	vsel vm12, s31, v8  }
0xd6: {  	s24 =	sshrl.u32 s13, $0x1F;
	s5 =	sshrl.u32 s6, $0x1F;
	v12 =	vsel vm2, s28, v55;
	v11 =	vmov s30;
	s30 =	sshra.s32 s23, $0x4;
	v8 =	vsel vm13, s11, v8  }
0xd7: {  	s23 =	sshra.s32 s23, $0x1F;
	v12 =	vsel vm14, s25, v12;
	s25 =	sshra.s32 s15, $0x4;
	v11 =	vnsel vm12, $0x0, v11;
	s31 =	sshrl.u32 s4, $0x1F;
	v8 =	vsel vm2, s30, v8  }
0xd8: {  	vm9 =	vcmask $0x1714;
	v11 =	vsel vm2, s16, v11;
	s16 =	smulhi.u32 $0x2AAAAAAB, s29;
	s30 =	sshra.s32 s29, $0x1F;
	v8 =	vsel vm5, s23, v8;
	s23 =	sshra.s32 s4, $0x4  }
0xd9: {  	v10 =	vsel vm3, s21, v10;
	v12 =	vsel vm3, s24, v12;
	s11 =	sshra.s32 s18, $0x1F;
	s21 =	smul.u32 $0x2AAAAAAB, s30;
	s4 =	sshra.s32 s4, $0x1F;
	v8 =	vsel vm14, s23, v8  }
0xda: {  	s24 =	sshra.s32 s7, $0x4;
	v57 =	vmov s25;
	v11 =	vsel vm14, s31, v11;
	s31 =	sshra.s32 s6, $0x4;
	s11 =	smul.u32 $0x2AAAAAAB, s11;
	v8 =	vsel vm9, s4, v8  }
0xdb: {  	v10 =	vcombine.low v12, v10;
	s29 =	sadd.s32 s26, s22;
	s18 =	sadd.s32 s21, s16;
	s21 =	sshra.s32 s6, $0x1F;
	vm9 =	vcmask $0x1F1C;
	v8 =	vsel vm3, s31, v8  }
0xdc: {  	s28 =	sshra.s32 s9, $0x4;
	v56 =	vmov s24;
	v11 =	vsel vm3, s5, v11;
	s30 =	sshrl.u32 s29, $0x1F;
	s23 =	sshra.s32 s29, $0x4;
	v8 =	vsel vm9, s21, v8  }
0xdd: {  	v12 =	vsel vm2, s0, v56;
	s26 =	sshra.s32 s29, $0x1F;
	s1 =	sadd.s32 s11, s1;
	v11 =	vsel vm11, s30, v11;
	s30 =	sshra.s32 s2, $0x4;
	v8 =	vsel vm11, s23, v8  }
0xde: {  	v13 =	vsel vm2, s28, v57;
	s11 =	sshrl.u32 s1, $0x1F;
	s29 =	sshra.s32 s1, $0x4;
	v12 =	vsel vm14, s30, v12;
	s4 =	sshra.s32 s3, $0x4;
	v8 =	vsel vm0, s26, v8  }
0xdf: {  	s1 =	sshra.s32 s1, $0x1F;
	v11 =	vsel vm6, s11, v11;
	s22 =	sshrl.u32 s18, $0x1F;
	s31 =	sshra.s32 s12, $0x4;
	v12 =	vsel vm3, s4, v12;
	v8 =	vsel vm6, s29, v8  }
0xe0: {  	s5 =	sshra.s32 s13, $0x4;
	s6 =	sshra.s32 s18, $0x4;
	v11 =	vsel vm4, s22, v11;
	v13 =	vsel vm14, s31, v13;
	v8 =	vsel vm15, s1, v8  }
0xe1: {  	s7 =	sshrl.u32 s14, $0x1F;
	s9 =	sshra.s32 s18, $0x1F;
	vm9 =	vcmask $0x3734;
	v13 =	vsel vm3, s5, v13;
	v8 =	vsel vm4, s6, v8  }
0xe2: {  	s11 =	sshra.s32 s14, $0x4;
	v11 =	vsel vm7, s7, v11;
	v12 =	vcombine.low v13, v12;
	v8 =	vsel vm9, s9, v8  }
0xe3: {  	v10 =	vperm.xlane v10, v3;
	v11 =	vperm.xlane v11, v5;
	v8 =	vsel vm7, s11, v8  }
0xe4: {  	v12 =	vperm.xlane v12, v3;
	v8 =	vperm.xlane v8, v5;
	_ =	sdelay $0x1  }
0xe5: {  	v10 =	vsel vm8, v11, v10;
	v8 =	vsel vm8, v8, v12  }
0xe6: {  	v8 =	vadd.s32 v10, v8  }
0xe7: {  	v10 =	vmul.u32 $0xFFFFFFA0, v8  }
0xe8: {  	v11 =	vsub.s32 $0x0, v7  }
0xe9: {  	vm9 =	vlt.s32 v7, $0x1;
	vm10 =	vne.s32 v10, v11  }
0xea: {  	vm9 =	vmand vm9, vm10  }
0xeb: {  	v7 =	vsel vm9, $0xFFFFFFFF, v2  }
0xec: {  	v7 =	vadd.s32 v7, v8  }
0xed: {  	v7 =	vshll.u32 v7, $0x4  }
0xee: {  	v7 =	vor.u32 v4, v7;
	_ =	sdelay $0x3  }
0xef: {  	s12 =	simm.s32 $0xE900  }
0xf0: {  	v8 =	vld.idx.msk [tilespmem:v7+s12+$0x0], $0xffff;
	_ =	sdelay $0x4  }
0xf1: {  	v8 =	vadd.s32 $0x1, v8  }
0xf2: {  	[tilespmem:v7+s12+$0x0] =	vst.idx.msk $0xffff, v8  }
0xf3: {  	v7 =	vld [tilespmem:s17+$0x2F00];
	_ =	sdelay $0x4  }
0xf4: {  	(v2sf) =	vpush v7, $0xD;
	_ =	sdelay $0x1  }
0xf5: {  	(v2sf) =	vpush v7, $0xC;
	_ =	sdelay $0x1  }
0xf6: {  	(v2sf) =	vpush v7, $0xE;
	_ =	sdelay $0x1  }
0xf7: {  	(v2sf) =	vpush v7, $0xF;
	_ =	sdelay $0x1  }
0xf8: {  	(v2sf) =	vpush v7, $0x9;
	_ =	sdelay $0x1  }
0xf9: {  	(v2sf) =	vpush v7, $0x8;
	_ =	sdelay $0x1  }
0xfa: {  	(v2sf) =	vpush v7, $0xA;
	_ =	sdelay $0x1  }
0xfb: {  	(v2sf) =	vpush v7, $0xB  }
0xfc: {  	s13 =	spop (v2sf)  }
0xfd: {  	(v2sf) =	vpush v7, $0x0;
	s14 =	smulhi.u32 $0x2AAAAAAB, s13;
	s0 =	sshra.s32 s13, $0x1F  }
0xfe: {  	s15 =	spop (v2sf);
	s0 =	smul.u32 $0x2AAAAAAB, s0  }
0xff: {  	(v2sf) =	vpush v7, $0x1;
	s16 =	smulhi.u32 $0x2AAAAAAB, s15;
	s2 =	sshra.s32 s15, $0x1F  }
0x100: {  	(v2sf) =	vpush v7, $0x2;
	s18 =	spop (v2sf);
	s2 =	smul.u32 $0x2AAAAAAB, s2  }
0x101: {  	(v2sf) =	vpush v7, $0x3;
	s19 =	smulhi.u32 $0x2AAAAAAB, s18;
	s4 =	sshra.s32 s18, $0x1F  }
0x102: {  	(v2sf) =	vpush v7, $0x4;
	s21 =	spop (v2sf);
	s4 =	smul.u32 $0x2AAAAAAB, s4  }
0x103: {  	(v2sf) =	vpush v7, $0x5;
	s22 =	smulhi.u32 $0x2AAAAAAB, s21;
	s6 =	sshra.s32 s21, $0x1F  }
0x104: {  	s25 =	spop (v2sf);
	(v2sf) =	vpush v7, $0x6;
	s6 =	smul.u32 $0x2AAAAAAB, s6  }
0x105: {  	s11 =	smulhi.u32 $0x2AAAAAAB, s25;
	s7 =	sshra.s32 s25, $0x1F;
	(v2sf) =	vpush v7, $0x7  }
0x106: {  	s0 =	sadd.s32 s0, s14;
	s26 =	spop (v2sf);
	s12 =	smul.u32 $0x2AAAAAAB, s7  }
0x107: {  	s1 =	sshrl.u32 s0, $0x1F;
	s13 =	smulhi.u32 $0x2AAAAAAB, s26;
	s28 =	sshra.s32 s26, $0x1F  }
0x108: {  	s7 =	sadd.s32 s2, s16;
	s29 =	spop (v2sf);
	s14 =	smul.u32 $0x2AAAAAAB, s28  }
0x109: {  	s2 =	sadd.s32 s4, s19;
	s18 =	smulhi.u32 $0x2AAAAAAB, s29;
	s30 =	sshra.s32 s29, $0x1F  }
0x10a: {  	s16 =	sshrl.u32 s7, $0x1F;
	s23 =	spop (v2sf);
	s31 =	smul.u32 $0x2AAAAAAB, s30  }
0x10b: {  	s5 =	sshrl.u32 s2, $0x1F;
	s19 =	smulhi.u32 $0x2AAAAAAB, s23;
	s24 =	sshra.s32 s23, $0x1F  }
0x10c: {  	s3 =	sadd.s32 s6, s22;
	s25 =	spop (v2sf);
	s6 =	smul.u32 $0x2AAAAAAB, s24  }
0x10d: {  	s21 =	sshrl.u32 s3, $0x1F;
	s22 =	smulhi.u32 $0x2AAAAAAB, s25;
	s26 =	sshra.s32 s25, $0x1F  }
0x10e: {  	s9 =	sadd.s32 s12, s11;
	s28 =	spop (v2sf);
	s11 =	smul.u32 $0x2AAAAAAB, s26  }
0x10f: {  	s23 =	smulhi.u32 $0x2AAAAAAB, s28;
	s12 =	sshra.s32 s28, $0x1F;
	s29 =	spop (v2sf)  }
0x110: {  	s15 =	sadd.s32 s14, s13;
	s14 =	smul.u32 $0x2AAAAAAB, s12;
	s30 =	spop (v2sf)  }
0x111: {  	s25 =	smulhi.u32 $0x2AAAAAAB, s29;
	s24 =	sshra.s32 s29, $0x1F;
	s26 =	spop (v2sf)  }
0x112: {  	s12 =	sadd.s32 s31, s18;
	s4 =	smul.u32 $0x2AAAAAAB, s24;
	s18 =	spop (v2sf)  }
0x113: {  	s24 =	smulhi.u32 $0x2AAAAAAB, s30;
	s31 =	sshra.s32 s30, $0x1F;
	s29 =	spop (v2sf)  }
0x114: {  	s13 =	sadd.s32 s6, s19;
	s6 =	smul.u32 $0x2AAAAAAB, s31;
	s30 =	spop (v2sf)  }
0x115: {  	s28 =	sshrl.u32 s9, $0x1F;
	s31 =	smulhi.u32 $0x2AAAAAAB, s30;
	s19 =	sshra.s32 s30, $0x1F  }
0x116: {  	s11 =	sadd.s32 s11, s22;
	s23 =	sadd.s32 s14, s23;
	s30 =	smul.u32 $0x2AAAAAAB, s19  }
0x117: {  	v10 =	vmov s16;
	s16 =	sshrl.u32 s23, $0x1F;
	s22 =	smulhi.u32 $0x2AAAAAAB, s26;
	s26 =	sshra.s32 s26, $0x1F  }
0x118: {  	s4 =	sadd.s32 s4, s25;
	s26 =	smul.u32 $0x2AAAAAAB, s26;
	s14 =	sadd.s32 s30, s31  }
0x119: {  	v10 =	vsel vm2, s1, v10;
	s25 =	sshrl.u32 s12, $0x1F;
	s1 =	smulhi.u32 $0x2AAAAAAB, s18;
	s31 =	sshra.s32 s14, $0x1F  }
0x11a: {  	s6 =	sadd.s32 s6, s24;
	s30 =	sshrl.u32 s11, $0x1F;
	v8 =	vmov s31;
	s31 =	sshra.s32 s11, $0x4  }
0x11b: {  	v10 =	vsel vm14, s5, v10;
	s24 =	sshrl.u32 s13, $0x1F;
	s19 =	sshrl.u32 s15, $0x1F;
	v11 =	vmov s30;
	s11 =	sshra.s32 s11, $0x1F;
	v8 =	vsel vm12, s31, v8  }
0x11c: {  	s5 =	sshrl.u32 s6, $0x1F;
	v58 =	vmov s19;
	s30 =	sshra.s32 s23, $0x4;
	s23 =	sshra.s32 s23, $0x1F;
	v11 =	vnsel vm12, $0x0, v11;
	v8 =	vsel vm13, s11, v8  }
0x11d: {  	v12 =	vsel vm2, s28, v58;
	s31 =	sshrl.u32 s4, $0x1F;
	v11 =	vsel vm2, s16, v11;
	s16 =	smulhi.u32 $0x2AAAAAAB, s29;
	s29 =	sshra.s32 s29, $0x1F;
	v8 =	vsel vm2, s30, v8  }
0x11e: {  	v10 =	vsel vm3, s21, v10;
	v12 =	vsel vm14, s25, v12;
	s11 =	sshra.s32 s18, $0x1F;
	s21 =	smul.u32 $0x2AAAAAAB, s29;
	s30 =	sshra.s32 s4, $0x4;
	v8 =	vsel vm5, s23, v8  }
0x11f: {  	vm9 =	vcmask $0x1714;
	v12 =	vsel vm3, s24, v12;
	s11 =	smul.u32 $0x2AAAAAAB, s11;
	s4 =	sshra.s32 s4, $0x1F;
	s23 =	sadd.s32 s26, s22;
	v8 =	vsel vm14, s30, v8  }
0x120: {  	s28 =	sshra.s32 s6, $0x4;
	v10 =	vcombine.low v12, v10;
	v11 =	vsel vm14, s31, v11;
	s18 =	sshra.s32 s15, $0x4;
	s26 =	sshrl.u32 s23, $0x1F;
	v8 =	vsel vm9, s4, v8  }
0x121: {  	v11 =	vsel vm3, s5, v11;
	s1 =	sadd.s32 s11, s1;
	s11 =	sadd.s32 s21, s16;
	s30 =	sshra.s32 s6, $0x1F;
	vm9 =	vcmask $0x1F1C;
	v8 =	vsel vm3, s28, v8  }
0x122: {  	v60 =	vmov s18;
	s6 =	sshra.s32 s23, $0x4;
	s16 =	sshra.s32 s7, $0x4;
	s21 =	sshra.s32 s9, $0x4;
	v11 =	vsel vm11, s26, v11;
	v8 =	vsel vm9, s30, v8  }
0x123: {  	s0 =	sshra.s32 s0, $0x4;
	s19 =	sshra.s32 s23, $0x1F;
	s29 =	sshrl.u32 s1, $0x1F;
	v59 =	vmov s16;
	v13 =	vsel vm2, s21, v60;
	v8 =	vsel vm11, s6, v8  }
0x124: {  	s24 =	sshra.s32 s12, $0x4;
	s31 =	sshrl.u32 s11, $0x1F;
	s22 =	sshra.s32 s1, $0x4;
	v11 =	vsel vm6, s29, v11;
	v12 =	vsel vm2, s0, v59;
	v8 =	vsel vm0, s19, v8  }
0x125: {  	s23 =	sshra.s32 s2, $0x4;
	s1 =	sshra.s32 s1, $0x1F;
	s26 =	sshra.s32 s13, $0x4;
	v13 =	vsel vm14, s24, v13;
	v11 =	vsel vm4, s31, v11;
	v8 =	vsel vm6, s22, v8  }
0x126: {  	s25 =	sshra.s32 s3, $0x4;
	s28 =	sshra.s32 s11, $0x4;
	v12 =	vsel vm14, s23, v12;
	v13 =	vsel vm3, s26, v13;
	v8 =	vsel vm15, s1, v8  }
0x127: {  	s29 =	sshrl.u32 s14, $0x1F;
	s30 =	sshra.s32 s11, $0x1F;
	vm9 =	vcmask $0x3734;
	v12 =	vsel vm3, s25, v12;
	v8 =	vsel vm4, s28, v8  }
0x128: {  	s31 =	sshra.s32 s14, $0x4;
	v11 =	vsel vm7, s29, v11;
	v12 =	vcombine.low v13, v12;
	v8 =	vsel vm9, s30, v8  }
0x129: {  	v10 =	vperm.xlane v10, v3;
	v11 =	vperm.xlane v11, v5;
	v8 =	vsel vm7, s31, v8  }
0x12a: {  	v12 =	vperm.xlane v12, v3;
	v8 =	vperm.xlane v8, v5;
	_ =	sdelay $0x1  }
0x12b: {  	v10 =	vsel vm8, v11, v10;
	v8 =	vsel vm8, v8, v12  }
0x12c: {  	v8 =	vadd.s32 v10, v8  }
0x12d: {  	v10 =	vmul.u32 $0xFFFFFFA0, v8  }
0x12e: {  	v11 =	vsub.s32 $0x0, v7  }
0x12f: {  	vm9 =	vlt.s32 v7, $0x1;
	vm10 =	vne.s32 v10, v11  }
0x130: {  	vm9 =	vmand vm9, vm10  }
0x131: {  	v7 =	vsel vm9, $0xFFFFFFFF, v2  }
0x132: {  	v7 =	vadd.s32 v7, v8  }
0x133: {  	v7 =	vshll.u32 v7, $0x4  }
0x134: {  	v7 =	vor.u32 v4, v7;
	_ =	sdelay $0x3  }
0x135: {  	s1 =	simm.s32 $0xEFB0  }
0x136: {  	v8 =	vld.idx.msk [tilespmem:v7+s1+$0x0], $0xffff;
	_ =	sdelay $0x4  }
0x137: {  	v8 =	vadd.s32 $0x1, v8  }
0x138: {  	[tilespmem:v7+s1+$0x0] =	vst.idx.msk $0xffff, v8  }
0x139: {  	v7 =	vld [tilespmem:s17+$0x2F10];
	_ =	sdelay $0x4  }
0x13a: {  	(v2sf) =	vpush v7, $0xD;
	_ =	sdelay $0x1  }
0x13b: {  	(v2sf) =	vpush v7, $0xC;
	_ =	sdelay $0x1  }
0x13c: {  	(v2sf) =	vpush v7, $0xE;
	_ =	sdelay $0x1  }
0x13d: {  	(v2sf) =	vpush v7, $0xF;
	_ =	sdelay $0x1  }
0x13e: {  	(v2sf) =	vpush v7, $0x9;
	_ =	sdelay $0x1  }
0x13f: {  	(v2sf) =	vpush v7, $0x8;
	_ =	sdelay $0x1  }
0x140: {  	(v2sf) =	vpush v7, $0xA;
	_ =	sdelay $0x1  }
0x141: {  	(v2sf) =	vpush v7, $0xB  }
0x142: {  	(v2sf) =	vpush v7, $0x0;
	s2 =	spop (v2sf)  }
0x143: {  	s3 =	smulhi.u32 $0x2AAAAAAB, s2;
	s0 =	sshra.s32 s2, $0x1F  }
0x144: {  	(v2sf) =	vpush v7, $0x1;
	s4 =	spop (v2sf);
	s0 =	smul.u32 $0x2AAAAAAB, s0  }
0x145: {  	s5 =	smulhi.u32 $0x2AAAAAAB, s4;
	s2 =	sshra.s32 s4, $0x1F  }
0x146: {  	(v2sf) =	vpush v7, $0x2;
	s14 =	spop (v2sf);
	s15 =	smul.u32 $0x2AAAAAAB, s2  }
0x147: {  	s6 =	smulhi.u32 $0x2AAAAAAB, s14;
	s4 =	sshra.s32 s14, $0x1F  }
0x148: {  	(v2sf) =	vpush v7, $0x3;
	s22 =	spop (v2sf);
	s9 =	smul.u32 $0x2AAAAAAB, s4  }
0x149: {  	(v2sf) =	vpush v7, $0x4;
	s11 =	smulhi.u32 $0x2AAAAAAB, s22;
	s2 =	sshra.s32 s22, $0x1F  }
0x14a: {  	(v2sf) =	vpush v7, $0x5;
	s23 =	spop (v2sf);
	s13 =	smul.u32 $0x2AAAAAAB, s2  }
0x14b: {  	(v2sf) =	vpush v7, $0x6;
	s14 =	smulhi.u32 $0x2AAAAAAB, s23;
	s26 =	sshra.s32 s23, $0x1F  }
0x14c: {  	(v2sf) =	vpush v7, $0x7;
	s24 =	spop (v2sf);
	s16 =	smul.u32 $0x2AAAAAAB, s26  }
0x14d: {  	s18 =	smulhi.u32 $0x2AAAAAAB, s24;
	s30 =	sshra.s32 s24, $0x1F  }
0x14e: {  	s25 =	spop (v2sf);
	s21 =	smul.u32 $0x2AAAAAAB, s30  }
0x14f: {  	s2 =	sadd.s32 s0, s3;
	s23 =	smulhi.u32 $0x2AAAAAAB, s25;
	s31 =	sshra.s32 s25, $0x1F  }
0x150: {  	s28 =	spop (v2sf);
	s0 =	sadd.s32 s13, s11;
	s12 =	smul.u32 $0x2AAAAAAB, s31  }
0x151: {  	s29 =	spop (v2sf);
	s26 =	smulhi.u32 $0x2AAAAAAB, s28;
	s7 =	sshra.s32 s28, $0x1F  }
0x152: {  	s14 =	sadd.s32 s16, s14;
	s16 =	sshrl.u32 s0, $0x1F;
	s28 =	smul.u32 $0x2AAAAAAB, s7  }
0x153: {  	s17 =	spop (v2sf);
	s7 =	sadd.s32 s15, s5;
	s5 =	smulhi.u32 $0x2AAAAAAB, s29  }
0x154: {  	s3 =	sshra.s32 s29, $0x1F;
	s15 =	sshrl.u32 s2, $0x1F;
	s1 =	sadd.s32 s21, s18  }
0x155: {  	s19 =	spop (v2sf);
	s29 =	sshrl.u32 s7, $0x1F;
	s30 =	smul.u32 $0x2AAAAAAB, s3  }
0x156: {  	s3 =	sadd.s32 s9, s6;
	s6 =	smulhi.u32 $0x2AAAAAAB, s17;
	s9 =	sshra.s32 s17, $0x1F  }
0x157: {  	s12 =	sadd.s32 s12, s23;
	s22 =	spop (v2sf);
	s31 =	smul.u32 $0x2AAAAAAB, s9  }
0x158: {  	s13 =	smulhi.u32 $0x2AAAAAAB, s19;
	s19 =	sshra.s32 s19, $0x1F;
	s24 =	spop (v2sf)  }
0x159: {  	s7 =	sshra.s32 s7, $0x4;
	s18 =	smul.u32 $0x2AAAAAAB, s19;
	s25 =	spop (v2sf)  }
0x15a: {  	s19 =	smulhi.u32 $0x2AAAAAAB, s22;
	s23 =	sshra.s32 s22, $0x1F;
	s4 =	spop (v2sf)  }
0x15b: {  	s9 =	sadd.s32 s28, s26;
	s21 =	smul.u32 $0x2AAAAAAB, s23;
	s28 =	spop (v2sf)  }
0x15c: {  	s17 =	sshrl.u32 s3, $0x1F;
	s23 =	smulhi.u32 $0x2AAAAAAB, s28;
	s22 =	sshra.s32 s28, $0x1F  }
0x15d: {  	s26 =	sshrl.u32 s14, $0x1F;
	s6 =	sadd.s32 s31, s6;
	s31 =	smul.u32 $0x2AAAAAAB, s22  }
0x15e: {  	s5 =	sadd.s32 s30, s5;
	s28 =	sshra.s32 s24, $0x1F;
	s22 =	smulhi.u32 $0x2AAAAAAB, s24  }
0x15f: {  	v10 =	vmov s29;
	s18 =	sadd.s32 s18, s13;
	s30 =	smul.u32 $0x2AAAAAAB, s28;
	s13 =	sadd.s32 s31, s23  }
0x160: {  	v10 =	vsel vm2, s15, v10;
	s15 =	smulhi.u32 $0x2AAAAAAB, s25;
	s25 =	sshra.s32 s25, $0x1F;
	s31 =	sshra.s32 s13, $0x1F  }
0x161: {  	s29 =	sshra.s32 s6, $0x4;
	s22 =	sadd.s32 s30, s22;
	s30 =	sshra.s32 s5, $0x4;
	v8 =	vmov s31  }
0x162: {  	vm9 =	vcmask $0x1714;
	v10 =	vsel vm14, s17, v10;
	s19 =	sadd.s32 s21, s19;
	s31 =	sshrl.u32 s5, $0x1F;
	s5 =	sshra.s32 s5, $0x1F;
	v8 =	vsel vm12, s30, v8  }
0x163: {  	v10 =	vsel vm3, s16, v10;
	s16 =	smulhi.u32 $0x2AAAAAAB, s4;
	s4 =	sshra.s32 s4, $0x1F;
	s24 =	sshrl.u32 s1, $0x1F;
	v11 =	vmov s31;
	v8 =	vsel vm13, s5, v8  }
0x164: {  	s21 =	sshrl.u32 s6, $0x1F;
	s6 =	sshra.s32 s6, $0x1F;
	s4 =	smul.u32 $0x2AAAAAAB, s4;
	v61 =	vmov s24;
	v11 =	vnsel vm12, $0x0, v11;
	v8 =	vsel vm2, s29, v8  }
0x165: {  	s11 =	sshrl.u32 s12, $0x1F;
	v12 =	vsel vm2, s26, v61;
	s31 =	smul.u32 $0x2AAAAAAB, s25;
	v11 =	vsel vm2, s21, v11;
	s21 =	sshra.s32 s18, $0x4;
	v8 =	vsel vm5, s6, v8  }
0x166: {  	v62 =	vmov s7;
	s28 =	sshra.s32 s18, $0x1F;
	s1 =	sshra.s32 s1, $0x4;
	s23 =	sshrl.u32 s9, $0x1F;
	v12 =	vsel vm14, s11, v12;
	v8 =	vsel vm14, s21, v8  }
0x167: {  	s2 =	sshra.s32 s2, $0x4;
	v63 =	vmov s1;
	v12 =	vsel vm3, s23, v12;
	s29 =	sadd.s32 s31, s15;
	s31 =	sshra.s32 s19, $0x4;
	v8 =	vsel vm9, s28, v8  }
0x168: {  	s4 =	sadd.s32 s4, s16;
	s16 =	sshra.s32 s19, $0x1F;
	s30 =	sshrl.u32 s18, $0x1F;
	v10 =	vcombine.low v12, v10;
	vm13 =	vcmask $0x1F1C;
	v8 =	vsel vm3, s31, v8  }
0x169: {  	s23 =	sshra.s32 s3, $0x4;
	s25 =	sshrl.u32 s19, $0x1F;
	v12 =	vsel vm2, s2, v62;
	s18 =	sshra.s32 s22, $0x4;
	v11 =	vsel vm14, s30, v11;
	v8 =	vsel vm13, s16, v8  }
0x16a: {  	s0 =	sshra.s32 s0, $0x4;
	v12 =	vsel vm14, s23, v12;
	s19 =	sshra.s32 s22, $0x1F;
	s30 =	sshrl.u32 s22, $0x1F;
	v11 =	vsel vm3, s25, v11;
	v8 =	vsel vm11, s18, v8  }
0x16b: {  	v12 =	vsel vm3, s0, v12;
	s15 =	sshrl.u32 s29, $0x1F;
	s22 =	sshra.s32 s29, $0x4;
	s21 =	sshra.s32 s14, $0x4;
	v11 =	vsel vm11, s30, v11;
	v8 =	vsel vm0, s19, v8  }
0x16c: {  	s24 =	sshra.s32 s12, $0x4;
	s17 =	sshrl.u32 s4, $0x1F;
	s25 =	sshra.s32 s29, $0x1F;
	v13 =	vsel vm2, s21, v63;
	v11 =	vsel vm6, s15, v11;
	v8 =	vsel vm6, s22, v8  }
0x16d: {  	s26 =	sshra.s32 s9, $0x4;
	s28 =	sshra.s32 s4, $0x4;
	v13 =	vsel vm14, s24, v13;
	v11 =	vsel vm4, s17, v11;
	v8 =	vsel vm15, s25, v8  }
0x16e: {  	s29 =	sshrl.u32 s13, $0x1F;
	s30 =	sshra.s32 s4, $0x1F;
	v13 =	vsel vm3, s26, v13;
	vm6 =	vcmask $0x3734;
	v8 =	vsel vm4, s28, v8  }
0x16f: {  	s31 =	sshra.s32 s13, $0x4;
	v12 =	vcombine.low v13, v12;
	v11 =	vsel vm7, s29, v11;
	v8 =	vsel vm6, s30, v8  }
0x170: {  	v10 =	vperm.xlane v10, v3;
	v11 =	vperm.xlane v11, v5;
	v8 =	vsel vm7, s31, v8  }
0x171: {  	v12 =	vperm.xlane v12, v3;
	v8 =	vperm.xlane v8, v5;
	_ =	sdelay $0x1  }
0x172: {  	v10 =	vsel vm8, v11, v10;
	v8 =	vsel vm8, v8, v12  }
0x173: {  	v8 =	vadd.s32 v10, v8  }
0x174: {  	v10 =	vmul.u32 $0xFFFFFFA0, v8  }
0x175: {  	v11 =	vsub.s32 $0x0, v7  }
0x176: {  	vm9 =	vlt.s32 v7, $0x1;
	vm10 =	vne.s32 v10, v11  }
0x177: {  	vm9 =	vmand vm9, vm10  }
0x178: {  	v7 =	vsel vm9, $0xFFFFFFFF, v2  }
0x179: {  	v7 =	vadd.s32 v7, v8  }
0x17a: {  	v7 =	vshll.u32 v7, $0x4  }
0x17b: {  	v7 =	vor.u32 v4, v7;
	_ =	sdelay $0x4  }
0x17c: {  	v8 =	vld.idx.msk [tilespmem:v7+s8+$0x0], $0xffff  }
0x17d: {  	p2 =	sne.s32 s10, $0x1E00  }
.Ltmp3:
0x17e: {  	_ = 	snop;
	(pc) =	sbr.rel @p2 .LBB2_5-.Ltmp3, $3  }
0x17f: {  	_ =	sdelay $0x1  }
0x180: {  	v8 =	vadd.s32 $0x1, v8  }
0x181: {  	s10 =	sadd.s32 $0x100, s10;
	vm10 =	vcmask $0x1714;
	[tilespmem:v7+s8+$0x0] =	vst.idx.msk $0xffff, v8  }
0x182: {  	v7 =	vld [tilespmem:$0x36A0];
	_ =	sdelay $0x4  }
0x183: {  	(v2sf) =	vpush v7, $0xD;
	_ =	sdelay $0x1  }
0x184: {  	(v2sf) =	vpush v7, $0xC;
	_ =	sdelay $0x1  }
0x185: {  	(v2sf) =	vpush v7, $0xE;
	_ =	sdelay $0x1  }
0x186: {  	(v2sf) =	vpush v7, $0xF;
	_ =	sdelay $0x1  }
0x187: {  	(v2sf) =	vpush v7, $0x9;
	_ =	sdelay $0x1  }
0x188: {  	(v2sf) =	vpush v7, $0x8;
	_ =	sdelay $0x1  }
0x189: {  	(v2sf) =	vpush v7, $0xA;
	_ =	sdelay $0x1  }
0x18a: {  	(v2sf) =	vpush v7, $0xB  }
0x18b: {  	(v2sf) =	vpush v7, $0x0;
	s0 =	spop (v2sf)  }
0x18c: {  	(v2sf) =	vpush v7, $0x1;
	s1 =	smulhi.u32 $0x2AAAAAAB, s0;
	s0 =	sshra.s32 s0, $0x1F  }
0x18d: {  	s2 =	spop (v2sf);
	s0 =	smul.u32 $0x2AAAAAAB, s0  }
0x18e: {  	s3 =	smulhi.u32 $0x2AAAAAAB, s2;
	s2 =	sshra.s32 s2, $0x1F  }
0x18f: {  	(v2sf) =	vpush v7, $0x2;
	s4 =	spop (v2sf);
	s5 =	smul.u32 $0x2AAAAAAB, s2  }
0x190: {  	s6 =	smulhi.u32 $0x2AAAAAAB, s4;
	s4 =	sshra.s32 s4, $0x1F  }
0x191: {  	(v2sf) =	vpush v7, $0x3;
	s23 =	spop (v2sf);
	s9 =	smul.u32 $0x2AAAAAAB, s4  }
0x192: {  	(v2sf) =	vpush v7, $0x4;
	s10 =	smulhi.u32 $0x2AAAAAAB, s23;
	s2 =	sshra.s32 s23, $0x1F  }
0x193: {  	(v2sf) =	vpush v7, $0x5;
	s7 =	spop (v2sf);
	s12 =	smul.u32 $0x2AAAAAAB, s2  }
0x194: {  	(v2sf) =	vpush v7, $0x6;
	s13 =	smulhi.u32 $0x2AAAAAAB, s7;
	s25 =	sshra.s32 s7, $0x1F  }
0x195: {  	(v2sf) =	vpush v7, $0x7;
	s24 =	spop (v2sf);
	s15 =	smul.u32 $0x2AAAAAAB, s25  }
0x196: {  	s17 =	smulhi.u32 $0x2AAAAAAB, s24;
	s28 =	sshra.s32 s24, $0x1F  }
0x197: {  	s11 =	spop (v2sf);
	s19 =	smul.u32 $0x2AAAAAAB, s28  }
0x198: {  	s2 =	sadd.s32 s0, s1;
	s22 =	smulhi.u32 $0x2AAAAAAB, s11;
	s29 =	sshra.s32 s11, $0x1F  }
0x199: {  	s26 =	spop (v2sf);
	s0 =	sadd.s32 s12, s10;
	s23 =	smul.u32 $0x2AAAAAAB, s29  }
0x19a: {  	s14 =	spop (v2sf);
	s25 =	smulhi.u32 $0x2AAAAAAB, s26;
	s7 =	sshra.s32 s26, $0x1F  }
0x19b: {  	s13 =	sadd.s32 s15, s13;
	s16 =	spop (v2sf);
	s26 =	smul.u32 $0x2AAAAAAB, s7  }
0x19c: {  	s7 =	sadd.s32 s5, s3;
	s5 =	smulhi.u32 $0x2AAAAAAB, s14;
	s30 =	sshra.s32 s14, $0x1F  }
0x19d: {  	s14 =	sshrl.u32 s2, $0x1F;
	s3 =	sadd.s32 s9, s6;
	s1 =	sadd.s32 s19, s17  }
0x19e: {  	s18 =	spop (v2sf);
	s28 =	sshrl.u32 s7, $0x1F;
	s29 =	smul.u32 $0x2AAAAAAB, s30  }
0x19f: {  	s6 =	smulhi.u32 $0x2AAAAAAB, s16;
	s31 =	sshra.s32 s16, $0x1F;
	s16 =	sshrl.u32 s3, $0x1F  }
0x1a0: {  	s7 =	sshra.s32 s7, $0x4;
	s21 =	spop (v2sf);
	s8 =	smul.u32 $0x2AAAAAAB, s31  }
0x1a1: {  	s15 =	smulhi.u32 $0x2AAAAAAB, s18;
	s10 =	sshra.s32 s18, $0x1F;
	s11 =	spop (v2sf)  }
0x1a2: {  	s18 =	sshrl.u32 s0, $0x1F;
	s17 =	smul.u32 $0x2AAAAAAB, s10;
	s24 =	spop (v2sf)  }
0x1a3: {  	s19 =	smulhi.u32 $0x2AAAAAAB, s21;
	s21 =	sshra.s32 s21, $0x1F;
	s4 =	spop (v2sf)  }
0x1a4: {  	s9 =	sadd.s32 s26, s25;
	s21 =	smul.u32 $0x2AAAAAAB, s21;
	s30 =	spop (v2sf)  }
0x1a5: {  	s10 =	sadd.s32 s23, s22;
	s31 =	smulhi.u32 $0x2AAAAAAB, s30;
	s22 =	sshra.s32 s30, $0x1F  }
0x1a6: {  	s25 =	sshrl.u32 s13, $0x1F;
	s6 =	sadd.s32 s8, s6;
	s8 =	smul.u32 $0x2AAAAAAB, s22  }
0x1a7: {  	s5 =	sadd.s32 s29, s5;
	s26 =	smulhi.u32 $0x2AAAAAAB, s11;
	s11 =	sshra.s32 s11, $0x1F  }
0x1a8: {  	vm0 =	vcmask $0x300;
	vm1 =	vcmask $0xB08;
	v10 =	vmov s28;
	s23 =	sshrl.u32 s10, $0x1F;
	s15 =	sadd.s32 s17, s15;
	s12 =	sadd.s32 s8, s31  }
0x1a9: {  	vm9 =	vcmask $0x704;
	vm2 =	vcmask $0x1310;
	v10 =	vsel vm1, s14, v10;
	s11 =	smul.u32 $0x2AAAAAAB, s11;
	s17 =	sshrl.u32 s9, $0x1F;
	s29 =	sshra.s32 s12, $0x1F  }
0x1aa: {  	vm7 =	vcmask $0x2B28;
	v10 =	vsel vm2, s16, v10;
	s19 =	sadd.s32 s21, s19;
	s21 =	sshra.s32 s15, $0x4;
	s30 =	sshra.s32 s5, $0x4;
	v8 =	vmov s29  }
0x1ab: {  	v62 =	vmov s7;
	v10 =	vsel vm3, s18, v10;
	s22 =	sshrl.u32 s1, $0x1F;
	s31 =	sshrl.u32 s5, $0x1F;
	s5 =	sshra.s32 s5, $0x1F;
	v8 =	vsel vm0, s30, v8  }
0x1ac: {  	s11 =	sadd.s32 s11, s26;
	s28 =	smulhi.u32 $0x2AAAAAAB, s24;
	v12 =	vmov s22;
	v11 =	vmov s31;
	s29 =	sshra.s32 s6, $0x4;
	v8 =	vsel vm9, s5, v8  }
0x1ad: {  	s24 =	sshra.s32 s24, $0x1F;
	s8 =	sshrl.u32 s6, $0x1F;
	v11 =	vnsel vm0, $0x0, v11;
	s6 =	sshra.s32 s6, $0x1F;
	vm0 =	vcmask $0xF0C;
	v8 =	vsel vm1, s29, v8  }
0x1ae: {  	s1 =	sshra.s32 s1, $0x4;
	v12 =	vsel vm1, s25, v12;
	v11 =	vsel vm1, s8, v11;
	s8 =	smulhi.u32 $0x2AAAAAAB, s4;
	s4 =	sshra.s32 s4, $0x1F;
	v8 =	vsel vm0, s6, v8  }
0x1af: {  	s26 =	sshra.s32 s15, $0x1F;
	v13 =	vmov s1;
	v12 =	vsel vm2, s23, v12;
	s30 =	sshrl.u32 s15, $0x1F;
	s4 =	smul.u32 $0x2AAAAAAB, s4;
	v8 =	vsel vm2, s21, v8  }
0x1b0: {  	s18 =	sshra.s32 s13, $0x4;
	s31 =	smul.u32 $0x2AAAAAAB, s24;
	v12 =	vsel vm3, s17, v12;
	v11 =	vsel vm2, s30, v11;
	s30 =	sshra.s32 s19, $0x4;
	v8 =	vsel vm10, s26, v8  }
0x1b1: {  	v13 =	vsel vm1, s18, v13;
	s24 =	sshrl.u32 s19, $0x1F;
	v10 =	vcombine.low v12, v10;
	s4 =	sadd.s32 s4, s8;
	s8 =	sshra.s32 s19, $0x1F;
	v8 =	vsel vm3, s30, v8  }
0x1b2: {  	s2 =	sshra.s32 s2, $0x4;
	s16 =	sshra.s32 s11, $0x4;
	v11 =	vsel vm3, s24, v11;
	s29 =	sshrl.u32 s11, $0x1F;
	vm0 =	vcmask $0x2320;
	v8 =	vsel vm13, s8, v8  }
0x1b3: {  	s22 =	sshra.s32 s10, $0x4;
	s17 =	sshra.s32 s11, $0x1F;
	s28 =	sadd.s32 s31, s28;
	v11 =	vsel vm0, s29, v11;
	v8 =	vsel vm0, s16, v8;
	vm0 =	vcmask $0x2724  }
0x1b4: {  	v13 =	vsel vm2, s22, v13;
	v12 =	vsel vm1, s2, v62;
	s19 =	sshra.s32 s28, $0x4;
	s21 =	sshra.s32 s3, $0x4;
	v8 =	vsel vm0, s17, v8  }
0x1b5: {  	s0 =	sshra.s32 s0, $0x4;
	s23 =	sshra.s32 s28, $0x1F;
	s24 =	sshra.s32 s9, $0x4;
	v10 =	vperm.xlane v10, v3;
	v12 =	vsel vm2, s21, v12;
	v8 =	vsel vm7, s19, v8  }
0x1b6: {  	v63 =	vld [tilespmem:$0x1FFF0];
	s31 =	sshrl.u32 s28, $0x1F;
	v13 =	vsel vm3, s24, v13;
	s25 =	sshra.s32 s4, $0x4;
	v12 =	vsel vm3, s0, v12;
	v8 =	vsel vm15, s23, v8  }
0x1b7: {  	s15 =	sshrl.u32 s4, $0x1F;
	s28 =	sshra.s32 s4, $0x1F;
	v11 =	vsel vm7, s31, v11;
	v12 =	vcombine.low v13, v12;
	v8 =	vsel vm4, s25, v8  }
0x1b8: {  	s29 =	sshra.s32 s12, $0x4;
	s26 =	sshrl.u32 s12, $0x1F;
	v11 =	vsel vm4, s15, v11;
	vm0 =	vcmask $0x3B38;
	v8 =	vsel vm6, s28, v8  }
0x1b9: {  	v12 =	vperm.xlane v12, v3;
	v11 =	vsel vm0, s26, v11;
	v8 =	vsel vm0, s29, v8  }
0x1ba: {  	v11 =	vperm.xlane v11, v5;
	v8 =	vperm.xlane v8, v5  }
0x1bb: {  	vm0 =	vnez.u8 v63  }
0x1bc: {  	v10 =	vsel vm0, v11, v10;
	v8 =	vsel vm0, v8, v12  }
0x1bd: {  	v8 =	vadd.s32 v10, v8  }
0x1be: {  	v10 =	vmul.u32 $0xFFFFFFA0, v8  }
0x1bf: {  	v11 =	vsub.s32 $0x0, v7  }
0x1c0: {  	vm9 =	vlt.s32 v7, $0x1;
	vm10 =	vne.s32 v10, v11  }
0x1c1: {  	vm9 =	vmand vm9, vm10  }
0x1c2: {  	v7 =	vsel vm9, $0xFFFFFFFF, v2  }
0x1c3: {  	v7 =	vadd.s32 v7, v8  }
0x1c4: {  	v7 =	vshll.u32 v7, $0x4  }
0x1c5: {  	v7 =	vor.u32 v4, v7;
	_ =	sdelay $0x1  }
0x1c6: {  	s31 =	sld [smem:$0x7FC];
	_ =	sdelay $0x1  }
0x1c7: {  	s30 =	simm.s32 $0xE250  }
0x1c8: {  	s0 =	sadd.s32 $0x1, s31;
	v8 =	vld.idx.msk [tilespmem:v7+s30+$0x0], $0xffff  }
0x1c9: {  	p2 =	sne.s32 s0, $0xA  }
.Ltmp4:
0x1ca: {  	_ = 	snop;
	(pc) =	sbr.rel @p2 .LBB2_4-.Ltmp4, $3  }
0x1cb: {  	_ =	sdelay $0x1  }
0x1cc: {  	v8 =	vadd.s32 $0x1, v8  }
0x1cd: {  	vm10 =	vcmask $0x1714;
	[tilespmem:v7+s30+$0x0] =	vst.idx.msk $0xffff, v8  }
0x1ce: {  	s2 =	simm.s32 $0x0  }
0x1cf: {  	v7 =	vld [tilespmem:s2+$0xE250];
	_ =	sdelay $0x2  }
0x1d0: {  	v8 =	vld [tilespmem:s2+$0xE900]  }
0x1d1: {  	v10 =	vld [tilespmem:s2+$0xEFB0]  }
0x1d2: {  	(xrf0) =	vadd.scan.msk.s32 $0xffff, v7;
	_ =	sdelay $0x2  }
0x1d3: {  	(xrf0) =	vadd.scan.msk.s32 $0xffff, v8  }
0x1d4: {  	v11 =	vimm.s32 $0x0;
	v12 =	vld [tilespmem:s2+$0xF660];
	(xrf0) =	vadd.scan.msk.s32 $0xffff, v10  }
0x1d5: {  	v11 =	vadd.s32 $0xF, v11  }
0x1d6: {  	v11 =	vand.u32 $0xFFFFFFF0, v11;
	v13, _, _ =	vpop (xrf0)  }
0x1d7: {  	v7 =	vsub.s32 v11, v7;
	v14 =	vperm.xlane v13, v6  }
0x1d8: {  	v13 =	vadd.s32 v13, v7  }
0x1d9: {  	s0 =	simm.s32 $0x10;
	(xrf0) =	vadd.scan.msk.s32 $0xffff, v12;
	v15, _, _ =	vpop (xrf0);
	[tilespmem:s2+$0xE250] =	vst v13;
	v11 =	vadd.s32 v11, v14  }
0x1da: {  	v16, _, _ =	vpop (xrf0);
	v14 =	vperm.xlane v15, v6;
	v7 =	vld [tilespmem:s0+$0xE250];
	v8 =	vsub.s32 v11, v8  }
0x1db: {  	[tilespmem:s2+$0xDBA0] =	vst v13;
	v13 =	vperm.xlane v16, v6;
	v8 =	vadd.s32 v15, v8  }
0x1dc: {  	v11 =	vadd.s32 v11, v14;
	[tilespmem:s2+$0xE900] =	vst v8  }
0x1dd: {  	v10 =	vsub.s32 v11, v10;
	v8 =	vld [tilespmem:s0+$0xE900]  }
0x1de: {  	v10 =	vadd.s32 v16, v10  }
0x1df: {  	v11 =	vadd.s32 v11, v13;
	v13, _, _ =	vpop (xrf0);
	[tilespmem:s2+$0xEFB0] =	vst v10;
	(xrf0) =	vadd.scan.msk.s32 $0xffff, v7  }
0x1e0: {  	v14 =	vsub.s32 v11, v12;
	v12 =	vperm.xlane v13, v6;
	v10 =	vld [tilespmem:s0+$0xEFB0]  }
0x1e1: {  	s4 =	simm.s32 $0x0;
	s1 =	simm.s32 $0x80;
	v13 =	vadd.s32 v13, v14  }
.LBB2_8:
0x1e2: {  	p2 =	sne.s32 s1, $0x1A80;
	(xrf0) =	vadd.scan.msk.s32 $0xffff, v8;
	[tilespmem:s2+$0xF660] =	vst v13;
	v11 =	vadd.s32 v11, v12;
	s3 =	smov.u32 s1;
	s1 =	sadd.s32 $0x40, s1  }
0x1e3: {  	s2 =	smov.u32 s0;
	v11 =	vadd.s32 $0xF, v11;
	v12 =	vld [tilespmem:s0+$0xF660];
	_ =	sdelay $0x1  }
0x1e4: {  	v11 =	vand.u32 $0xFFFFFFF0, v11;
	v13, _, _ =	vpop (xrf0);
	(xrf0) =	vadd.scan.msk.s32 $0xffff, v10  }
0x1e5: {  	v7 =	vsub.s32 v11, v7;
	v15 =	vperm.xlane v13, v6  }
0x1e6: {  	v13 =	vadd.s32 v13, v7  }
0x1e7: {  	s0 =	sshra.s32 s3, $0x2;
	[tilespmem:s2+$0xE250] =	vst v13;
	v11 =	vadd.s32 v11, v15;
	v14, _, _ =	vpop (xrf0);
	(xrf0) =	vadd.scan.msk.s32 $0xffff, v12  }
0x1e8: {  	v7 =	vld [tilespmem:s0+$0xE250];
	[tilespmem:s2+$0xDBA0] =	vst v13;
	v8 =	vsub.s32 v11, v8;
	v15 =	vperm.xlane v14, v6  }
0x1e9: {  	v8 =	vadd.s32 v14, v8  }
0x1ea: {  	[tilespmem:s2+$0xE900] =	vst v8;
	v11 =	vadd.s32 v11, v15;
	v13, _, _ =	vpop (xrf0)  }
.Ltmp5:
0x1eb: {  	v8 =	vld [tilespmem:s0+$0xE900];
	v10 =	vsub.s32 v11, v10;
	v14 =	vperm.xlane v13, v6;
	(pc) =	sbr.rel @p2 .LBB2_8-.Ltmp5, $4  }
0x1ec: {  	v10 =	vadd.s32 v13, v10  }
0x1ed: {  	(xrf0) =	vadd.scan.msk.s32 $0xffff, v7;
	[tilespmem:s2+$0xEFB0] =	vst v10;
	v11 =	vadd.s32 v11, v14;
	v13, _, _ =	vpop (xrf0)  }
0x1ee: {  	v10 =	vld [tilespmem:s0+$0xEFB0];
	v14 =	vsub.s32 v11, v12;
	v12 =	vperm.xlane v13, v6  }
0x1ef: {  	v13 =	vadd.s32 v13, v14  }
0x1f0: {  	(xrf0) =	vadd.scan.msk.s32 $0xffff, v8  }
0x1f1: {  	[tilespmem:s2+$0xF660] =	vst v13  }
0x1f2: {  	v13 =	vld [tilespmem:s0+$0xF660]  }
0x1f3: {  	(xrf0) =	vadd.scan.msk.s32 $0xffff, v10  }
0x1f4: {  	v11 =	vadd.s32 v11, v12  }
0x1f5: {  	v11 =	vadd.s32 $0xF, v11;
	v62, _, _ =	vpop (xrf0)  }
0x1f6: {  	v11 =	vand.u32 $0xFFFFFFF0, v11;
	v15 =	vperm.xlane v62, v6;
	v14, _, _ =	vpop (xrf0)  }
0x1f7: {  	v7 =	vsub.s32 v11, v7;
	(xrf0) =	vadd.scan.msk.s32 $0xffff, v13;
	v16 =	vperm.xlane v14, v6  }
0x1f8: {  	v7 =	vadd.s32 v62, v7;
	v11 =	vadd.s32 v11, v15  }
0x1f9: {  	[tilespmem:s0+$0xE250] =	vst v7;
	v8 =	vsub.s32 v11, v8;
	v17, _, _ =	vpop (xrf0);
	v11 =	vadd.s32 v11, v16  }
0x1fa: {  	[tilespmem:s0+$0xDBA0] =	vst v7;
	v7 =	vadd.s32 v14, v8;
	v63 =	vperm.xlane v17, v6;
	v8 =	vsub.s32 v11, v10;
	_ =	sdelay $0x1  }
0x1fb: {  	v10 =	vadd.s32 v11, v63  }
0x1fc: {  	[tilespmem:s0+$0xE900] =	vst v7;
	v7 =	vadd.s32 v17, v8;
	v8, _, _ =	vpop (xrf0);
	v10 =	vsub.s32 v10, v13  }
0x1fd: {  	[tilespmem:s0+$0xEFB0] =	vst v7;
	v7 =	vadd.s32 v8, v10  }
0x1fe: {  	s6 =	simm.s32 $0x36B0;
	[tilespmem:s0+$0xF660] =	vst v7  }
.LBB2_10:
0x1ff: {  	s0 =	smul.u32 $0x7D0, s4  }
0x200: {  	s1 =	rddreg [dreg:$0x15]  }
0x201: {  	[smem:$0x7FB] =	sst s4;
	s0 =	sadd.s32 s1, s0  }
0x202: {  	s29 =	rddreg [dreg:$0x12];
	s0 =	sshrl.u32 s0, $0x3  }
0x203: {  	s8 =	simm.s32 $0x0;
	s2 =	simm.s32 $0x2710;
	s1 =	sadd.s32 s29, s0  }
0x204: {  	[tilespmem:s2], [sflag:$0x3] =	stream.linear.gather [hbm4b:s1+s8], $0x7D0, $0x38;
	[tilespmem:$0x1F4A0] =	vst v63  }
0x205: {  	_ =	swait.ge [sflag:s20], $0x7D0  }
0x206: {  	[sflag:s20] =	ssyncset.done $0x0;
	s30 =	rddreg [dreg:$0x13]  }
0x207: {  	s31 =	simm.s32 $0x2EE0;
	[sflag:s20] =	ssyncadd.s32 $0xFFFFF830;
	s0 =	sadd.s32 s30, s0  }
0x208: {  	[tilespmem:s31], [sflag:$0x3] =	stream.linear.gather [hbm4b:s0+s8], $0x7D0, $0x38;
	[tilespmem:$0x1F4A0] =	vst v63  }
0x209: {  	_ =	swait.ge [sflag:s20], $0x7D0  }
0x20a: {  	[sflag:s20] =	ssyncset.done $0x0  }
0x20b: {  	[sflag:s20] =	ssyncadd.s32 $0xFFFFF830  }
.LBB2_11:
0x20c: {  	s10 =	sshra.s32 s8, $0x2  }
0x20d: {  	v7 =	vld [tilespmem:s10+$0x2EE0];
	_ =	sdelay $0x4  }
0x20e: {  	(v2sf) =	vpush v7, $0xD;
	_ =	sdelay $0x1  }
0x20f: {  	(v2sf) =	vpush v7, $0xC;
	_ =	sdelay $0x1  }
0x210: {  	(v2sf) =	vpush v7, $0xE;
	_ =	sdelay $0x1  }
0x211: {  	(v2sf) =	vpush v7, $0xF;
	_ =	sdelay $0x1  }
0x212: {  	(v2sf) =	vpush v7, $0x9;
	_ =	sdelay $0x1  }
0x213: {  	(v2sf) =	vpush v7, $0x8;
	_ =	sdelay $0x1  }
0x214: {  	(v2sf) =	vpush v7, $0xA;
	_ =	sdelay $0x1  }
0x215: {  	(v2sf) =	vpush v7, $0xB  }
0x216: {  	s0 =	spop (v2sf)  }
0x217: {  	(v2sf) =	vpush v7, $0x0;
	s1 =	smulhi.u32 $0x2AAAAAAB, s0;
	s0 =	sshra.s32 s0, $0x1F  }
0x218: {  	s2 =	spop (v2sf);
	s0 =	smul.u32 $0x2AAAAAAB, s0  }
0x219: {  	(v2sf) =	vpush v7, $0x1;
	s3 =	smulhi.u32 $0x2AAAAAAB, s2;
	s2 =	sshra.s32 s2, $0x1F  }
0x21a: {  	s4 =	spop (v2sf);
	(v2sf) =	vpush v7, $0x2;
	s2 =	smul.u32 $0x2AAAAAAB, s2  }
0x21b: {  	s5 =	smulhi.u32 $0x2AAAAAAB, s4;
	s4 =	sshra.s32 s4, $0x1F;
	(v2sf) =	vpush v7, $0x3  }
0x21c: {  	s7 =	spop (v2sf);
	s4 =	smul.u32 $0x2AAAAAAB, s4;
	(v2sf) =	vpush v7, $0x4  }
0x21d: {  	s9 =	smulhi.u32 $0x2AAAAAAB, s7;
	s7 =	sshra.s32 s7, $0x1F;
	(v2sf) =	vpush v7, $0x5  }
0x21e: {  	s22 =	spop (v2sf);
	s11 =	smul.u32 $0x2AAAAAAB, s7;
	(v2sf) =	vpush v7, $0x6  }
0x21f: {  	s12 =	smulhi.u32 $0x2AAAAAAB, s22;
	s7 =	sshra.s32 s22, $0x1F;
	(v2sf) =	vpush v7, $0x7  }
0x220: {  	s0 =	sadd.s32 s0, s1;
	s23 =	spop (v2sf);
	s13 =	smul.u32 $0x2AAAAAAB, s7  }
0x221: {  	s1 =	sshrl.u32 s0, $0x1F;
	s14 =	smulhi.u32 $0x2AAAAAAB, s23;
	s15 =	sshra.s32 s23, $0x1F  }
0x222: {  	s0 =	sshra.s32 s0, $0x4;
	s24 =	spop (v2sf);
	s15 =	smul.u32 $0x2AAAAAAB, s15  }
0x223: {  	s7 =	sadd.s32 s2, s3;
	s17 =	smulhi.u32 $0x2AAAAAAB, s24;
	s25 =	sshra.s32 s24, $0x1F  }
0x224: {  	s2 =	sadd.s32 s4, s5;
	s26 =	spop (v2sf);
	s4 =	smul.u32 $0x2AAAAAAB, s25  }
0x225: {  	s16 =	sshrl.u32 s7, $0x1F;
	s18 =	smulhi.u32 $0x2AAAAAAB, s26;
	s19 =	sshra.s32 s26, $0x1F  }
0x226: {  	s3 =	sadd.s32 s11, s9;
	s11 =	smul.u32 $0x2AAAAAAB, s19;
	s28 =	spop (v2sf)  }
0x227: {  	s5 =	sshrl.u32 s2, $0x1F;
	s21 =	smulhi.u32 $0x2AAAAAAB, s28;
	s22 =	sshra.s32 s28, $0x1F  }
0x228: {  	s9 =	sadd.s32 s13, s12;
	s29 =	spop (v2sf);
	s22 =	smul.u32 $0x2AAAAAAB, s22  }
0x229: {  	s23 =	smulhi.u32 $0x2AAAAAAB, s29;
	s12 =	sshra.s32 s29, $0x1F;
	s30 =	spop (v2sf)  }
0x22a: {  	s19 =	sshrl.u32 s3, $0x1F;
	s31 =	smul.u32 $0x2AAAAAAB, s12;
	s24 =	spop (v2sf)  }
0x22b: {  	s25 =	smulhi.u32 $0x2AAAAAAB, s30;
	s13 =	sshra.s32 s30, $0x1F;
	s26 =	spop (v2sf)  }
0x22c: {  	s12 =	sadd.s32 s4, s17;
	s4 =	smul.u32 $0x2AAAAAAB, s13;
	s17 =	spop (v2sf)  }
0x22d: {  	s28 =	smulhi.u32 $0x2AAAAAAB, s24;
	s24 =	sshra.s32 s24, $0x1F;
	s29 =	spop (v2sf)  }
0x22e: {  	s13 =	sadd.s32 s11, s18;
	s11 =	smul.u32 $0x2AAAAAAB, s24;
	s24 =	spop (v2sf)  }
0x22f: {  	s15 =	sadd.s32 s15, s14;
	s30 =	smulhi.u32 $0x2AAAAAAB, s24;
	s18 =	sshra.s32 s24, $0x1F  }
0x230: {  	s21 =	sadd.s32 s22, s21;
	s23 =	sadd.s32 s31, s23;
	s31 =	smul.u32 $0x2AAAAAAB, s18  }
0x231: {  	vm7 =	vcmask $0x300;
	v10 =	vmov s16;
	s22 =	smulhi.u32 $0x2AAAAAAB, s26;
	s26 =	sshra.s32 s26, $0x1F;
	s16 =	sshra.s32 s21, $0x1F  }
0x232: {  	vm2 =	vcmask $0xB08;
	vm13 =	vcmask $0x704;
	vm14 =	vcmask $0x1310;
	s4 =	sadd.s32 s4, s25;
	s26 =	smul.u32 $0x2AAAAAAB, s26;
	s14 =	sadd.s32 s31, s30  }
0x233: {  	vm5 =	vcmask $0xF0C;
	vm6 =	vcmask $0x2320;
	v10 =	vsel vm2, s1, v10;
	s25 =	sshrl.u32 s12, $0x1F;
	s1 =	smulhi.u32 $0x2AAAAAAB, s17;
	s30 =	sshra.s32 s14, $0x1F  }
0x234: {  	vm12 =	vcmask $0x2B28;
	v10 =	vsel vm14, s5, v10;
	s11 =	sadd.s32 s11, s28;
	s28 =	sshrl.u32 s13, $0x1F;
	s31 =	sshra.s32 s21, $0x4;
	v8 =	vmov s30  }
0x235: {  	vm9 =	vcmask $0x1F1C;
	v10 =	vsel vm3, s19, v10;
	s19 =	smulhi.u32 $0x2AAAAAAB, s29;
	s18 =	sshrl.u32 s15, $0x1F;
	s30 =	sshrl.u32 s21, $0x1F;
	v8 =	vsel vm7, s31, v8  }
0x236: {  	s24 =	sshrl.u32 s9, $0x1F;
	s5 =	sshrl.u32 s11, $0x1F;
	v12 =	vmov s18;
	v11 =	vmov s30;
	s30 =	sshra.s32 s23, $0x4;
	v8 =	vsel vm13, s16, v8  }
0x237: {  	vm8 =	vcmask $0x2724;
	v12 =	vsel vm2, s24, v12;
	s24 =	sshra.s32 s11, $0x1F;
	s21 =	sshrl.u32 s23, $0x1F;
	v8 =	vsel vm2, s30, v8;
	s30 =	sshra.s32 s23, $0x1F  }
0x238: {  	vm11 =	vcmask $0x3B38;
	v12 =	vsel vm14, s25, v12;
	s16 =	sshra.s32 s17, $0x1F;
	s23 =	sshra.s32 s29, $0x1F;
	s29 =	sshra.s32 s4, $0x4;
	v8 =	vsel vm5, s30, v8  }
0x239: {  	v12 =	vsel vm3, s28, v12;
	s31 =	sshrl.u32 s4, $0x1F;
	v11 =	vnsel vm7, $0x0, v11;
	s16 =	smul.u32 $0x2AAAAAAB, s16;
	s4 =	sshra.s32 s4, $0x1F;
	v8 =	vsel vm14, s29, v8  }
0x23a: {  	s28 =	sshra.s32 s7, $0x4;
	v10 =	vcombine.low v12, v10;
	s17 =	sshra.s32 s11, $0x4;
	v11 =	vsel vm2, s21, v11;
	s30 =	sadd.s32 s26, s22;
	v8 =	vsel vm10, s4, v8  }
0x23b: {  	v49 =	vmov s28;
	v11 =	vsel vm14, s31, v11;
	s21 =	smul.u32 $0x2AAAAAAB, s23;
	s31 =	sshrl.u32 s30, $0x1F;
	s1 =	sadd.s32 s16, s1;
	v8 =	vsel vm3, s17, v8  }
0x23c: {  	v12 =	vsel vm2, s0, v49;
	v11 =	vsel vm3, s5, v11;
	s26 =	sshra.s32 s30, $0x4;
	s29 =	sshra.s32 s15, $0x4;
	s30 =	sshra.s32 s30, $0x1F;
	v8 =	vsel vm9, s24, v8  }
0x23d: {  	v11 =	vsel vm6, s31, v11;
	s22 =	sshrl.u32 s1, $0x1F;
	s23 =	sadd.s32 s21, s19;
	s31 =	sshra.s32 s9, $0x4;
	v13 =	vmov s29;
	v8 =	vsel vm6, s26, v8  }
0x23e: {  	s7 =	sshra.s32 s1, $0x4;
	s9 =	sshra.s32 s2, $0x4;
	v11 =	vsel vm12, s22, v11;
	s25 =	sshrl.u32 s23, $0x1F;
	v13 =	vsel vm2, s31, v13;
	v8 =	vsel vm8, s30, v8  }
0x23f: {  	s11 =	sshra.s32 s12, $0x4;
	s12 =	sshra.s32 s3, $0x4;
	s1 =	sshra.s32 s1, $0x1F;
	v12 =	vsel vm14, s9, v12;
	v11 =	vsel vm4, s25, v11;
	v8 =	vsel vm12, s7, v8  }
0x240: {  	v50 =	vld [tilespmem:$0x1FFF0];
	s13 =	sshra.s32 s13, $0x4;
	s15 =	sshra.s32 s23, $0x4;
	v13 =	vsel vm14, s11, v13;
	v12 =	vsel vm3, s12, v12;
	v8 =	vsel vm15, s1, v8  }
0x241: {  	s17 =	sshrl.u32 s14, $0x1F;
	s18 =	sshra.s32 s23, $0x1F;
	v13 =	vsel vm3, s13, v13;
	vm8 =	vcmask $0x3734;
	v8 =	vsel vm4, s15, v8  }
0x242: {  	s19 =	sshra.s32 s14, $0x4;
	v11 =	vsel vm11, s17, v11;
	v12 =	vcombine.low v13, v12;
	v8 =	vsel vm8, s18, v8  }
0x243: {  	v10 =	vperm.xlane v10, v3;
	v11 =	vperm.xlane v11, v5;
	v8 =	vsel vm11, s19, v8  }
0x244: {  	v12 =	vperm.xlane v12, v3;
	v8 =	vperm.xlane v8, v5  }
0x245: {  	vm8 =	vnez.u8 v50  }
0x246: {  	v10 =	vsel vm8, v11, v10;
	v8 =	vsel vm8, v8, v12  }
0x247: {  	v8 =	vadd.s32 v10, v8  }
0x248: {  	v10 =	vmul.u32 $0xFFFFFFA0, v8  }
0x249: {  	v11 =	vsub.s32 $0x0, v7  }
0x24a: {  	vm9 =	vlt.s32 v7, $0x1;
	vm10 =	vne.s32 v10, v11  }
0x24b: {  	vm9 =	vmand vm9, vm10  }
0x24c: {  	v10 =	vsel vm9, $0xFFFFFFFF, v2  }
0x24d: {  	v8 =	vadd.s32 v10, v8  }
0x24e: {  	v10 =	vshll.u32 v8, $0x4  }
0x24f: {  	v10 =	vor.u32 v4, v10;
	_ =	sdelay $0x3  }
0x250: {  	s21 =	simm.s32 $0xE250  }
0x251: {  	v11 =	vld.idx.msk [tilespmem:v10+s21+$0x0], $0xffff;
	_ =	sdelay $0x1  }
0x252: {  	v51 =	vld [tilespmem:s10+$0x2710];
	v8 =	vmul.u32 $0xFFFFFFA0, v8;
	_ =	sdelay $0x1  }
0x253: {  	v7 =	vadd.s32 v7, v8  }
0x254: {  	v7 =	vmul.u32 $0x2710, v7  }
0x255: {  	v8 =	vadd.s32 $0x1, v11  }
0x256: {  	v7 =	vadd.s32 v51, v7;
	[tilespmem:v10+s21+$0x0] =	vst.idx.msk $0xffff, v8  }
0x257: {  	[tilespmem:v11+s6+$0x0] =	vst.idx.msk $0xffff, v7  }
0x258: {  	v7 =	vld [tilespmem:s10+$0x2EF0];
	_ =	sdelay $0x4  }
0x259: {  	(v2sf) =	vpush v7, $0xD;
	_ =	sdelay $0x1  }
0x25a: {  	(v2sf) =	vpush v7, $0xC;
	_ =	sdelay $0x1  }
0x25b: {  	(v2sf) =	vpush v7, $0xE;
	_ =	sdelay $0x1  }
0x25c: {  	(v2sf) =	vpush v7, $0xF;
	_ =	sdelay $0x1  }
0x25d: {  	(v2sf) =	vpush v7, $0x9;
	_ =	sdelay $0x1  }
0x25e: {  	(v2sf) =	vpush v7, $0x8;
	_ =	sdelay $0x1  }
0x25f: {  	(v2sf) =	vpush v7, $0xA;
	_ =	sdelay $0x1  }
0x260: {  	(v2sf) =	vpush v7, $0xB  }
0x261: {  	s22 =	spop (v2sf)  }
0x262: {  	(v2sf) =	vpush v7, $0x0;
	s23 =	smulhi.u32 $0x2AAAAAAB, s22;
	s0 =	sshra.s32 s22, $0x1F  }
0x263: {  	s24 =	spop (v2sf);
	s0 =	smul.u32 $0x2AAAAAAB, s0  }
0x264: {  	(v2sf) =	vpush v7, $0x1;
	s25 =	smulhi.u32 $0x2AAAAAAB, s24;
	s2 =	sshra.s32 s24, $0x1F  }
0x265: {  	(v2sf) =	vpush v7, $0x2;
	s30 =	spop (v2sf);
	s2 =	smul.u32 $0x2AAAAAAB, s2  }
0x266: {  	(v2sf) =	vpush v7, $0x3;
	s31 =	smulhi.u32 $0x2AAAAAAB, s30;
	s4 =	sshra.s32 s30, $0x1F  }
0x267: {  	(v2sf) =	vpush v7, $0x4;
	s9 =	spop (v2sf);
	s4 =	smul.u32 $0x2AAAAAAB, s4  }
0x268: {  	(v2sf) =	vpush v7, $0x5;
	s11 =	smulhi.u32 $0x2AAAAAAB, s9;
	s7 =	sshra.s32 s9, $0x1F  }
0x269: {  	(v2sf) =	vpush v7, $0x6;
	s13 =	spop (v2sf);
	s12 =	smul.u32 $0x2AAAAAAB, s7  }
0x26a: {  	(v2sf) =	vpush v7, $0x7;
	s14 =	smulhi.u32 $0x2AAAAAAB, s13;
	s7 =	sshra.s32 s13, $0x1F  }
0x26b: {  	s0 =	sadd.s32 s0, s23;
	s28 =	spop (v2sf);
	s26 =	smul.u32 $0x2AAAAAAB, s7  }
0x26c: {  	s1 =	sshrl.u32 s0, $0x1F;
	s29 =	smulhi.u32 $0x2AAAAAAB, s28;
	s21 =	sshra.s32 s28, $0x1F  }
0x26d: {  	s0 =	sshra.s32 s0, $0x4;
	s22 =	spop (v2sf);
	s15 =	smul.u32 $0x2AAAAAAB, s21  }
0x26e: {  	s7 =	sadd.s32 s2, s25;
	s17 =	smulhi.u32 $0x2AAAAAAB, s22;
	s23 =	sshra.s32 s22, $0x1F  }
0x26f: {  	s2 =	sadd.s32 s4, s31;
	s30 =	spop (v2sf);
	s24 =	smul.u32 $0x2AAAAAAB, s23  }
0x270: {  	s16 =	sshrl.u32 s7, $0x1F;
	s18 =	smulhi.u32 $0x2AAAAAAB, s30;
	s31 =	sshra.s32 s30, $0x1F  }
0x271: {  	s5 =	sshrl.u32 s2, $0x1F;
	s30 =	spop (v2sf);
	s21 =	smul.u32 $0x2AAAAAAB, s31  }
0x272: {  	s3 =	sadd.s32 s12, s11;
	s31 =	smulhi.u32 $0x2AAAAAAB, s30;
	s25 =	sshra.s32 s30, $0x1F  }
0x273: {  	s9 =	sadd.s32 s26, s14;
	s26 =	spop (v2sf);
	s22 =	smul.u32 $0x2AAAAAAB, s25  }
0x274: {  	s23 =	smulhi.u32 $0x2AAAAAAB, s26;
	s12 =	sshra.s32 s26, $0x1F;
	s28 =	spop (v2sf)  }
0x275: {  	s15 =	sadd.s32 s15, s29;
	s14 =	smul.u32 $0x2AAAAAAB, s12;
	s29 =	spop (v2sf)  }
0x276: {  	s19 =	sshrl.u32 s3, $0x1F;
	s25 =	smulhi.u32 $0x2AAAAAAB, s28;
	s26 =	spop (v2sf)  }
0x277: {  	s13 =	sshra.s32 s28, $0x1F;
	s12 =	sadd.s32 s24, s17;
	s17 =	spop (v2sf)  }
0x278: {  	s28 =	smulhi.u32 $0x2AAAAAAB, s29;
	s24 =	sshra.s32 s29, $0x1F;
	s29 =	spop (v2sf)  }
0x279: {  	s4 =	smul.u32 $0x2AAAAAAB, s13;
	s13 =	sadd.s32 s21, s18;
	s30 =	spop (v2sf)  }
0x27a: {  	s21 =	sadd.s32 s22, s31;
	s31 =	smulhi.u32 $0x2AAAAAAB, s30;
	s18 =	sshra.s32 s30, $0x1F  }
0x27b: {  	v10 =	vmov s16;
	s23 =	sadd.s32 s14, s23;
	s16 =	sshra.s32 s21, $0x1F;
	s30 =	smul.u32 $0x2AAAAAAB, s18  }
0x27c: {  	s4 =	sadd.s32 s4, s25;
	s25 =	sshrl.u32 s12, $0x1F;
	s11 =	smul.u32 $0x2AAAAAAB, s24  }
0x27d: {  	s22 =	smulhi.u32 $0x2AAAAAAB, s26;
	s26 =	sshra.s32 s26, $0x1F;
	s14 =	sadd.s32 s30, s31  }
0x27e: {  	v10 =	vsel vm2, s1, v10;
	s26 =	smul.u32 $0x2AAAAAAB, s26;
	s18 =	sshrl.u32 s15, $0x1F;
	s31 =	sshra.s32 s14, $0x1F  }
0x27f: {  	v10 =	vsel vm14, s5, v10;
	s24 =	sshrl.u32 s9, $0x1F;
	s1 =	smulhi.u32 $0x2AAAAAAB, s17;
	v52 =	vmov s18;
	v8 =	vmov s31;
	s31 =	sshra.s32 s21, $0x4  }
0x280: {  	v10 =	vsel vm3, s19, v10;
	s11 =	sadd.s32 s11, s28;
	s28 =	sshrl.u32 s13, $0x1F;
	s30 =	sshrl.u32 s21, $0x1F;
	v12 =	vsel vm2, s24, v52;
	v8 =	vsel vm7, s31, v8  }
0x281: {  	s19 =	smulhi.u32 $0x2AAAAAAB, s29;
	s5 =	sshrl.u32 s11, $0x1F;
	v11 =	vmov s30;
	s30 =	sshra.s32 s23, $0x4;
	v12 =	vsel vm14, s25, v12;
	v8 =	vsel vm13, s16, v8  }
0x282: {  	s21 =	sshrl.u32 s23, $0x1F;
	v12 =	vsel vm3, s28, v12;
	s28 =	sshra.s32 s7, $0x4;
	v8 =	vsel vm2, s30, v8;
	s30 =	sshra.s32 s23, $0x1F  }
0x283: {  	vm0 =	vcmask $0x2724;
	v11 =	vnsel vm7, $0x0, v11;
	s16 =	sshra.s32 s17, $0x1F;
	s23 =	sshra.s32 s29, $0x1F;
	s29 =	sshra.s32 s4, $0x4;
	v8 =	vsel vm5, s30, v8  }
0x284: {  	vm9 =	vcmask $0x1714;
	s31 =	sshrl.u32 s4, $0x1F;
	v11 =	vsel vm2, s21, v11;
	s16 =	smul.u32 $0x2AAAAAAB, s16;
	s4 =	sshra.s32 s4, $0x1F;
	v8 =	vsel vm14, s29, v8  }
0x285: {  	s24 =	sshra.s32 s11, $0x1F;
	v10 =	vcombine.low v12, v10;
	v53 =	vmov s28;
	s17 =	sshra.s32 s11, $0x4;
	s30 =	sadd.s32 s26, s22;
	v8 =	vsel vm9, s4, v8  }
0x286: {  	v11 =	vsel vm14, s31, v11;
	s21 =	smul.u32 $0x2AAAAAAB, s23;
	s31 =	sshrl.u32 s30, $0x1F;
	s1 =	sadd.s32 s16, s1;
	vm9 =	vcmask $0x1F1C;
	v8 =	vsel vm3, s17, v8  }
0x287: {  	v12 =	vsel vm2, s0, v53;
	v11 =	vsel vm3, s5, v11;
	s26 =	sshra.s32 s30, $0x4;
	s29 =	sshra.s32 s15, $0x4;
	s30 =	sshra.s32 s30, $0x1F;
	v8 =	vsel vm9, s24, v8  }
0x288: {  	v11 =	vsel vm6, s31, v11;
	s22 =	sshrl.u32 s1, $0x1F;
	s23 =	sadd.s32 s21, s19;
	s31 =	sshra.s32 s9, $0x4;
	v54 =	vmov s29;
	v8 =	vsel vm6, s26, v8  }
0x289: {  	s7 =	sshra.s32 s1, $0x4;
	s9 =	sshra.s32 s2, $0x4;
	v11 =	vsel vm12, s22, v11;
	s25 =	sshrl.u32 s23, $0x1F;
	v13 =	vsel vm2, s31, v54;
	v8 =	vsel vm0, s30, v8  }
0x28a: {  	s11 =	sshra.s32 s12, $0x4;
	s12 =	sshra.s32 s3, $0x4;
	s1 =	sshra.s32 s1, $0x1F;
	v12 =	vsel vm14, s9, v12;
	v11 =	vsel vm4, s25, v11;
	v8 =	vsel vm12, s7, v8  }
0x28b: {  	s13 =	sshra.s32 s13, $0x4;
	s15 =	sshra.s32 s23, $0x4;
	v13 =	vsel vm14, s11, v13;
	v12 =	vsel vm3, s12, v12;
	v8 =	vsel vm15, s1, v8  }
0x28c: {  	s17 =	sshrl.u32 s14, $0x1F;
	s18 =	sshra.s32 s23, $0x1F;
	vm9 =	vcmask $0x3734;
	v13 =	vsel vm3, s13, v13;
	v8 =	vsel vm4, s15, v8  }
0x28d: {  	s19 =	sshra.s32 s14, $0x4;
	v11 =	vsel vm11, s17, v11;
	v12 =	vcombine.low v13, v12;
	v8 =	vsel vm9, s18, v8  }
0x28e: {  	v10 =	vperm.xlane v10, v3;
	v11 =	vperm.xlane v11, v5;
	v8 =	vsel vm11, s19, v8  }
0x28f: {  	v12 =	vperm.xlane v12, v3;
	v8 =	vperm.xlane v8, v5;
	_ =	sdelay $0x1  }
0x290: {  	v10 =	vsel vm8, v11, v10;
	v8 =	vsel vm8, v8, v12  }
0x291: {  	v8 =	vadd.s32 v10, v8  }
0x292: {  	v10 =	vmul.u32 $0xFFFFFFA0, v8  }
0x293: {  	v11 =	vsub.s32 $0x0, v7  }
0x294: {  	vm9 =	vlt.s32 v7, $0x1;
	vm10 =	vne.s32 v10, v11  }
0x295: {  	vm9 =	vmand vm9, vm10  }
0x296: {  	v10 =	vsel vm9, $0xFFFFFFFF, v2  }
0x297: {  	v8 =	vadd.s32 v10, v8  }
0x298: {  	v10 =	vshll.u32 v8, $0x4  }
0x299: {  	v10 =	vor.u32 v4, v10;
	_ =	sdelay $0x3  }
0x29a: {  	s21 =	simm.s32 $0xE900  }
0x29b: {  	v11 =	vld.idx.msk [tilespmem:v10+s21+$0x0], $0xffff;
	_ =	sdelay $0x1  }
0x29c: {  	v55 =	vld [tilespmem:s10+$0x2720];
	v8 =	vmul.u32 $0xFFFFFFA0, v8;
	_ =	sdelay $0x1  }
0x29d: {  	v7 =	vadd.s32 v7, v8  }
0x29e: {  	v7 =	vmul.u32 $0x2710, v7  }
0x29f: {  	v8 =	vadd.s32 $0x1, v11  }
0x2a0: {  	v7 =	vadd.s32 v55, v7;
	[tilespmem:v10+s21+$0x0] =	vst.idx.msk $0xffff, v8  }
0x2a1: {  	[tilespmem:v11+s6+$0x0] =	vst.idx.msk $0xffff, v7  }
0x2a2: {  	v7 =	vld [tilespmem:s10+$0x2F00];
	_ =	sdelay $0x4  }
0x2a3: {  	(v2sf) =	vpush v7, $0xD;
	_ =	sdelay $0x1  }
0x2a4: {  	(v2sf) =	vpush v7, $0xC;
	_ =	sdelay $0x1  }
0x2a5: {  	(v2sf) =	vpush v7, $0xE;
	_ =	sdelay $0x1  }
0x2a6: {  	(v2sf) =	vpush v7, $0xF;
	_ =	sdelay $0x1  }
0x2a7: {  	(v2sf) =	vpush v7, $0x9;
	_ =	sdelay $0x1  }
0x2a8: {  	(v2sf) =	vpush v7, $0x8;
	_ =	sdelay $0x1  }
0x2a9: {  	(v2sf) =	vpush v7, $0xA;
	_ =	sdelay $0x1  }
0x2aa: {  	(v2sf) =	vpush v7, $0xB  }
0x2ab: {  	s22 =	spop (v2sf)  }
0x2ac: {  	(v2sf) =	vpush v7, $0x0;
	s23 =	smulhi.u32 $0x2AAAAAAB, s22;
	s0 =	sshra.s32 s22, $0x1F  }
0x2ad: {  	s24 =	spop (v2sf);
	s0 =	smul.u32 $0x2AAAAAAB, s0  }
0x2ae: {  	(v2sf) =	vpush v7, $0x1;
	s25 =	smulhi.u32 $0x2AAAAAAB, s24;
	s2 =	sshra.s32 s24, $0x1F  }
0x2af: {  	(v2sf) =	vpush v7, $0x2;
	s30 =	spop (v2sf);
	s2 =	smul.u32 $0x2AAAAAAB, s2  }
0x2b0: {  	(v2sf) =	vpush v7, $0x3;
	s31 =	smulhi.u32 $0x2AAAAAAB, s30;
	s4 =	sshra.s32 s30, $0x1F  }
0x2b1: {  	(v2sf) =	vpush v7, $0x4;
	s9 =	spop (v2sf);
	s4 =	smul.u32 $0x2AAAAAAB, s4  }
0x2b2: {  	(v2sf) =	vpush v7, $0x5;
	s11 =	smulhi.u32 $0x2AAAAAAB, s9;
	s7 =	sshra.s32 s9, $0x1F  }
0x2b3: {  	s13 =	spop (v2sf);
	(v2sf) =	vpush v7, $0x6;
	s12 =	smul.u32 $0x2AAAAAAB, s7  }
0x2b4: {  	s14 =	smulhi.u32 $0x2AAAAAAB, s13;
	s7 =	sshra.s32 s13, $0x1F;
	(v2sf) =	vpush v7, $0x7  }
0x2b5: {  	s0 =	sadd.s32 s0, s23;
	s28 =	spop (v2sf);
	s26 =	smul.u32 $0x2AAAAAAB, s7  }
0x2b6: {  	s1 =	sshrl.u32 s0, $0x1F;
	s29 =	smulhi.u32 $0x2AAAAAAB, s28;
	s21 =	sshra.s32 s28, $0x1F  }
0x2b7: {  	s7 =	sadd.s32 s2, s25;
	s22 =	spop (v2sf);
	s15 =	smul.u32 $0x2AAAAAAB, s21  }
0x2b8: {  	s2 =	sadd.s32 s4, s31;
	s17 =	smulhi.u32 $0x2AAAAAAB, s22;
	s23 =	sshra.s32 s22, $0x1F  }
0x2b9: {  	s16 =	sshrl.u32 s7, $0x1F;
	s30 =	spop (v2sf);
	s24 =	smul.u32 $0x2AAAAAAB, s23  }
0x2ba: {  	s5 =	sshrl.u32 s2, $0x1F;
	s18 =	smulhi.u32 $0x2AAAAAAB, s30;
	s31 =	sshra.s32 s30, $0x1F  }
0x2bb: {  	s3 =	sadd.s32 s12, s11;
	s30 =	spop (v2sf);
	s21 =	smul.u32 $0x2AAAAAAB, s31  }
0x2bc: {  	s19 =	sshrl.u32 s3, $0x1F;
	s31 =	smulhi.u32 $0x2AAAAAAB, s30;
	s25 =	sshra.s32 s30, $0x1F  }
0x2bd: {  	s9 =	sadd.s32 s26, s14;
	s26 =	spop (v2sf);
	s22 =	smul.u32 $0x2AAAAAAB, s25  }
0x2be: {  	s23 =	smulhi.u32 $0x2AAAAAAB, s26;
	s12 =	sshra.s32 s26, $0x1F;
	s28 =	spop (v2sf)  }
0x2bf: {  	s15 =	sadd.s32 s15, s29;
	s14 =	smul.u32 $0x2AAAAAAB, s12;
	s29 =	spop (v2sf)  }
0x2c0: {  	s25 =	smulhi.u32 $0x2AAAAAAB, s28;
	s13 =	sshra.s32 s28, $0x1F;
	s26 =	spop (v2sf)  }
0x2c1: {  	s12 =	sadd.s32 s24, s17;
	s4 =	smul.u32 $0x2AAAAAAB, s13;
	s17 =	spop (v2sf)  }
0x2c2: {  	s28 =	smulhi.u32 $0x2AAAAAAB, s29;
	s24 =	sshra.s32 s29, $0x1F;
	s29 =	spop (v2sf)  }
0x2c3: {  	s13 =	sadd.s32 s21, s18;
	s11 =	smul.u32 $0x2AAAAAAB, s24;
	s30 =	spop (v2sf)  }
0x2c4: {  	s21 =	sadd.s32 s22, s31;
	s31 =	smulhi.u32 $0x2AAAAAAB, s30;
	s18 =	sshra.s32 s30, $0x1F  }
0x2c5: {  	s23 =	sadd.s32 s14, s23;
	s24 =	sshrl.u32 s9, $0x1F;
	s30 =	smul.u32 $0x2AAAAAAB, s18  }
0x2c6: {  	v10 =	vmov s16;
	s22 =	smulhi.u32 $0x2AAAAAAB, s26;
	s26 =	sshra.s32 s26, $0x1F;
	s16 =	sshra.s32 s21, $0x1F  }
0x2c7: {  	s4 =	sadd.s32 s4, s25;
	s26 =	smul.u32 $0x2AAAAAAB, s26;
	s14 =	sadd.s32 s30, s31  }
0x2c8: {  	v10 =	vsel vm2, s1, v10;
	s25 =	sshrl.u32 s12, $0x1F;
	s1 =	smulhi.u32 $0x2AAAAAAB, s17;
	s31 =	sshra.s32 s14, $0x1F  }
0x2c9: {  	v10 =	vsel vm14, s5, v10;
	s11 =	sadd.s32 s11, s28;
	s28 =	sshrl.u32 s13, $0x1F;
	v8 =	vmov s31;
	s31 =	sshra.s32 s21, $0x4  }
0x2ca: {  	v10 =	vsel vm3, s19, v10;
	s19 =	smulhi.u32 $0x2AAAAAAB, s29;
	s18 =	sshrl.u32 s15, $0x1F;
	s30 =	sshrl.u32 s21, $0x1F;
	v8 =	vsel vm7, s31, v8  }
0x2cb: {  	s29 =	sshra.s32 s29, $0x1F;
	s5 =	sshrl.u32 s11, $0x1F;
	v56 =	vmov s18;
	v11 =	vmov s30;
	s30 =	sshra.s32 s23, $0x4;
	v8 =	vsel vm13, s16, v8  }
0x2cc: {  	vm9 =	vcmask $0x1714;
	s22 =	sadd.s32 s26, s22;
	v12 =	vsel vm2, s24, v56;
	s21 =	sshrl.u32 s23, $0x1F;
	s23 =	sshra.s32 s23, $0x1F;
	v8 =	vsel vm2, s30, v8  }
0x2cd: {  	s24 =	sshra.s32 s11, $0x4;
	v12 =	vsel vm14, s25, v12;
	v11 =	vnsel vm7, $0x0, v11;
	s31 =	sshrl.u32 s4, $0x1F;
	s30 =	sshra.s32 s4, $0x4;
	v8 =	vsel vm5, s23, v8  }
0x2ce: {  	v12 =	vsel vm3, s28, v12;
	v11 =	vsel vm2, s21, v11;
	s21 =	smul.u32 $0x2AAAAAAB, s29;
	s16 =	sshra.s32 s17, $0x1F;
	s4 =	sshra.s32 s4, $0x1F;
	v8 =	vsel vm14, s30, v8  }
0x2cf: {  	s29 =	sshra.s32 s11, $0x1F;
	v10 =	vcombine.low v12, v10;
	s11 =	sshra.s32 s7, $0x4;
	v11 =	vsel vm14, s31, v11;
	s16 =	smul.u32 $0x2AAAAAAB, s16;
	v8 =	vsel vm9, s4, v8  }
0x2d0: {  	s0 =	sshra.s32 s0, $0x4;
	s31 =	sshra.s32 s22, $0x4;
	s17 =	sshra.s32 s15, $0x4;
	v57 =	vmov s11;
	vm9 =	vcmask $0x1F1C;
	v8 =	vsel vm3, s24, v8  }
0x2d1: {  	v11 =	vsel vm3, s5, v11;
	v58 =	vmov s17;
	s23 =	sshrl.u32 s22, $0x1F;
	s1 =	sadd.s32 s16, s1;
	s16 =	sadd.s32 s21, s19;
	v8 =	vsel vm9, s29, v8  }
0x2d2: {  	v12 =	vsel vm2, s0, v57;
	v11 =	vsel vm6, s23, v11;
	s19 =	sshra.s32 s22, $0x1F;
	s21 =	sshra.s32 s9, $0x4;
	s23 =	sshra.s32 s2, $0x4;
	v8 =	vsel vm6, s31, v8  }
0x2d3: {  	s25 =	sshra.s32 s3, $0x4;
	s26 =	sshrl.u32 s1, $0x1F;
	s22 =	sshra.s32 s1, $0x4;
	v13 =	vsel vm2, s21, v58;
	v12 =	vsel vm14, s23, v12;
	v8 =	vsel vm0, s19, v8  }
0x2d4: {  	s30 =	sshrl.u32 s16, $0x1F;
	s1 =	sshra.s32 s1, $0x1F;
	v11 =	vsel vm12, s26, v11;
	s24 =	sshra.s32 s12, $0x4;
	v12 =	vsel vm3, s25, v12;
	v8 =	vsel vm12, s22, v8  }
0x2d5: {  	s28 =	sshra.s32 s16, $0x4;
	s26 =	sshra.s32 s13, $0x4;
	v11 =	vsel vm4, s30, v11;
	v13 =	vsel vm14, s24, v13;
	v8 =	vsel vm15, s1, v8  }
0x2d6: {  	s29 =	sshrl.u32 s14, $0x1F;
	s30 =	sshra.s32 s16, $0x1F;
	vm9 =	vcmask $0x3734;
	v13 =	vsel vm3, s26, v13;
	v8 =	vsel vm4, s28, v8  }
0x2d7: {  	v11 =	vsel vm11, s29, v11;
	s31 =	sshra.s32 s14, $0x4;
	v12 =	vcombine.low v13, v12;
	v8 =	vsel vm9, s30, v8  }
0x2d8: {  	v10 =	vperm.xlane v10, v3;
	v11 =	vperm.xlane v11, v5;
	v8 =	vsel vm11, s31, v8  }
0x2d9: {  	v12 =	vperm.xlane v12, v3;
	v8 =	vperm.xlane v8, v5;
	_ =	sdelay $0x1  }
0x2da: {  	v10 =	vsel vm8, v11, v10;
	v8 =	vsel vm8, v8, v12  }
0x2db: {  	v8 =	vadd.s32 v10, v8  }
0x2dc: {  	v10 =	vmul.u32 $0xFFFFFFA0, v8  }
0x2dd: {  	v11 =	vsub.s32 $0x0, v7  }
0x2de: {  	vm9 =	vlt.s32 v7, $0x1;
	vm10 =	vne.s32 v10, v11  }
0x2df: {  	vm9 =	vmand vm9, vm10  }
0x2e0: {  	v10 =	vsel vm9, $0xFFFFFFFF, v2  }
0x2e1: {  	v8 =	vadd.s32 v10, v8  }
0x2e2: {  	v10 =	vshll.u32 v8, $0x4  }
0x2e3: {  	v10 =	vor.u32 v4, v10;
	_ =	sdelay $0x3  }
0x2e4: {  	s1 =	simm.s32 $0xEFB0  }
0x2e5: {  	v11 =	vld.idx.msk [tilespmem:v10+s1+$0x0], $0xffff;
	_ =	sdelay $0x1  }
0x2e6: {  	v59 =	vld [tilespmem:s10+$0x2730];
	v8 =	vmul.u32 $0xFFFFFFA0, v8;
	_ =	sdelay $0x1  }
0x2e7: {  	v7 =	vadd.s32 v7, v8  }
0x2e8: {  	v7 =	vmul.u32 $0x2710, v7  }
0x2e9: {  	v8 =	vadd.s32 $0x1, v11  }
0x2ea: {  	v7 =	vadd.s32 v59, v7;
	[tilespmem:v10+s1+$0x0] =	vst.idx.msk $0xffff, v8  }
0x2eb: {  	[tilespmem:v11+s6+$0x0] =	vst.idx.msk $0xffff, v7  }
0x2ec: {  	v7 =	vld [tilespmem:s10+$0x2F10];
	_ =	sdelay $0x4  }
0x2ed: {  	(v2sf) =	vpush v7, $0xD;
	_ =	sdelay $0x1  }
0x2ee: {  	(v2sf) =	vpush v7, $0xC;
	_ =	sdelay $0x1  }
0x2ef: {  	(v2sf) =	vpush v7, $0xE;
	_ =	sdelay $0x1  }
0x2f0: {  	(v2sf) =	vpush v7, $0xF;
	_ =	sdelay $0x1  }
0x2f1: {  	(v2sf) =	vpush v7, $0x9;
	_ =	sdelay $0x1  }
0x2f2: {  	(v2sf) =	vpush v7, $0x8;
	_ =	sdelay $0x1  }
0x2f3: {  	(v2sf) =	vpush v7, $0xA;
	_ =	sdelay $0x1  }
0x2f4: {  	(v2sf) =	vpush v7, $0xB  }
0x2f5: {  	(v2sf) =	vpush v7, $0x0;
	s2 =	spop (v2sf)  }
0x2f6: {  	s3 =	smulhi.u32 $0x2AAAAAAB, s2;
	s0 =	sshra.s32 s2, $0x1F  }
0x2f7: {  	(v2sf) =	vpush v7, $0x1;
	s5 =	spop (v2sf);
	s0 =	smul.u32 $0x2AAAAAAB, s0  }
0x2f8: {  	s6 =	smulhi.u32 $0x2AAAAAAB, s5;
	s2 =	sshra.s32 s5, $0x1F  }
0x2f9: {  	(v2sf) =	vpush v7, $0x2;
	s15 =	spop (v2sf);
	s16 =	smul.u32 $0x2AAAAAAB, s2  }
0x2fa: {  	s9 =	smulhi.u32 $0x2AAAAAAB, s15;
	s4 =	sshra.s32 s15, $0x1F  }
0x2fb: {  	(v2sf) =	vpush v7, $0x3;
	s23 =	spop (v2sf);
	s11 =	smul.u32 $0x2AAAAAAB, s4  }
0x2fc: {  	(v2sf) =	vpush v7, $0x4;
	s12 =	smulhi.u32 $0x2AAAAAAB, s23;
	s2 =	sshra.s32 s23, $0x1F  }
0x2fd: {  	(v2sf) =	vpush v7, $0x5;
	s24 =	spop (v2sf);
	s14 =	smul.u32 $0x2AAAAAAB, s2  }
0x2fe: {  	(v2sf) =	vpush v7, $0x6;
	s15 =	smulhi.u32 $0x2AAAAAAB, s24;
	s28 =	sshra.s32 s24, $0x1F  }
0x2ff: {  	(v2sf) =	vpush v7, $0x7;
	s25 =	spop (v2sf);
	s17 =	smul.u32 $0x2AAAAAAB, s28  }
0x300: {  	s19 =	smulhi.u32 $0x2AAAAAAB, s25;
	s31 =	sshra.s32 s25, $0x1F  }
0x301: {  	s2 =	sadd.s32 s0, s3;
	s26 =	spop (v2sf);
	s22 =	smul.u32 $0x2AAAAAAB, s31  }
0x302: {  	s3 =	sadd.s32 s11, s9;
	s24 =	smulhi.u32 $0x2AAAAAAB, s26;
	s4 =	sshra.s32 s26, $0x1F  }
0x303: {  	s29 =	spop (v2sf);
	s0 =	sadd.s32 s14, s12;
	s25 =	smul.u32 $0x2AAAAAAB, s4  }
0x304: {  	s30 =	spop (v2sf);
	s28 =	smulhi.u32 $0x2AAAAAAB, s29;
	s7 =	sshra.s32 s29, $0x1F  }
0x305: {  	s14 =	sadd.s32 s17, s15;
	s17 =	sshrl.u32 s0, $0x1F;
	s29 =	smul.u32 $0x2AAAAAAB, s7  }
0x306: {  	s18 =	spop (v2sf);
	s7 =	sadd.s32 s16, s6;
	s5 =	smulhi.u32 $0x2AAAAAAB, s30  }
0x307: {  	s6 =	sshra.s32 s30, $0x1F;
	s16 =	sshrl.u32 s2, $0x1F;
	s1 =	sadd.s32 s22, s19  }
0x308: {  	s2 =	sshra.s32 s2, $0x4;
	s21 =	spop (v2sf);
	s31 =	smul.u32 $0x2AAAAAAB, s6  }
0x309: {  	s30 =	sshrl.u32 s7, $0x1F;
	s11 =	smulhi.u32 $0x2AAAAAAB, s18;
	s9 =	sshra.s32 s18, $0x1F  }
0x30a: {  	s18 =	sshrl.u32 s3, $0x1F;
	s23 =	spop (v2sf);
	s6 =	smul.u32 $0x2AAAAAAB, s9  }
0x30b: {  	s15 =	smulhi.u32 $0x2AAAAAAB, s21;
	s21 =	sshra.s32 s21, $0x1F;
	s13 =	spop (v2sf)  }
0x30c: {  	s12 =	sadd.s32 s25, s24;
	s19 =	smul.u32 $0x2AAAAAAB, s21;
	s26 =	spop (v2sf)  }
0x30d: {  	s21 =	smulhi.u32 $0x2AAAAAAB, s23;
	s25 =	sshra.s32 s23, $0x1F;
	s4 =	spop (v2sf)  }
0x30e: {  	s9 =	sadd.s32 s29, s28;
	s22 =	smul.u32 $0x2AAAAAAB, s25;
	s29 =	spop (v2sf)  }
0x30f: {  	s7 =	sshra.s32 s7, $0x4;
	s24 =	smulhi.u32 $0x2AAAAAAB, s29;
	s23 =	sshra.s32 s29, $0x1F  }
0x310: {  	s5 =	sadd.s32 s31, s5;
	s25 =	sshrl.u32 s14, $0x1F;
	s31 =	smul.u32 $0x2AAAAAAB, s23  }
0x311: {  	s15 =	sadd.s32 s19, s15;
	s19 =	smulhi.u32 $0x2AAAAAAB, s13;
	s13 =	sshra.s32 s13, $0x1F  }
0x312: {  	s6 =	sadd.s32 s6, s11;
	s29 =	smul.u32 $0x2AAAAAAB, s13;
	s13 =	sadd.s32 s31, s24  }
0x313: {  	v10 =	vmov s30;
	s11 =	sshrl.u32 s12, $0x1F;
	s28 =	smulhi.u32 $0x2AAAAAAB, s26;
	s31 =	sshra.s32 s13, $0x1F  }
0x314: {  	v10 =	vsel vm2, s16, v10;
	s26 =	sshra.s32 s26, $0x1F;
	s19 =	sadd.s32 s29, s19;
	s29 =	sshra.s32 s5, $0x4;
	v8 =	vmov s31  }
0x315: {  	vm9 =	vcmask $0x1714;
	v10 =	vsel vm14, s18, v10;
	s21 =	sadd.s32 s22, s21;
	s31 =	sshrl.u32 s5, $0x1F;
	s5 =	sshra.s32 s5, $0x1F;
	v8 =	vsel vm7, s29, v8  }
0x316: {  	v10 =	vsel vm3, s17, v10;
	s22 =	sshrl.u32 s6, $0x1F;
	s17 =	smulhi.u32 $0x2AAAAAAB, s4;
	v11 =	vmov s31;
	s29 =	sshra.s32 s6, $0x4;
	v8 =	vsel vm13, s5, v8  }
0x317: {  	v61 =	vmov s7;
	s4 =	sshra.s32 s4, $0x1F;
	s23 =	sshrl.u32 s1, $0x1F;
	s6 =	sshra.s32 s6, $0x1F;
	v11 =	vnsel vm7, $0x0, v11;
	v8 =	vsel vm2, s29, v8  }
0x318: {  	s4 =	smul.u32 $0x2AAAAAAB, s4;
	s1 =	sshra.s32 s1, $0x4;
	v60 =	vmov s23;
	v11 =	vsel vm2, s22, v11;
	s22 =	sshra.s32 s15, $0x4;
	v8 =	vsel vm5, s6, v8  }
0x319: {  	s30 =	sshrl.u32 s15, $0x1F;
	v62 =	vmov s1;
	v12 =	vsel vm2, s25, v60;
	s31 =	smul.u32 $0x2AAAAAAB, s26;
	s26 =	sshra.s32 s15, $0x1F;
	v8 =	vsel vm14, s22, v8  }
0x31a: {  	s23 =	sshrl.u32 s21, $0x1F;
	s24 =	sshrl.u32 s9, $0x1F;
	v12 =	vsel vm14, s11, v12;
	v11 =	vsel vm14, s30, v11;
	s30 =	sshra.s32 s21, $0x4;
	v8 =	vsel vm9, s26, v8  }
0x31b: {  	s4 =	sadd.s32 s4, s17;
	s17 =	sshra.s32 s19, $0x4;
	v12 =	vsel vm3, s24, v12;
	vm13 =	vcmask $0x1F1C;
	s15 =	sshra.s32 s21, $0x1F;
	v8 =	vsel vm3, s30, v8  }
0x31c: {  	s18 =	sshra.s32 s19, $0x1F;
	v10 =	vcombine.low v12, v10;
	v12 =	vsel vm2, s2, v61;
	s29 =	sshrl.u32 s19, $0x1F;
	s19 =	sshra.s32 s14, $0x4;
	v8 =	vsel vm13, s15, v8  }
0x31d: {  	s28 =	sadd.s32 s31, s28;
	v13 =	vsel vm2, s19, v62;
	v11 =	vsel vm3, s23, v11;
	s22 =	sshra.s32 s3, $0x4;
	v8 =	vsel vm6, s17, v8  }
0x31e: {  	s21 =	sshra.s32 s28, $0x4;
	s23 =	sshra.s32 s12, $0x4;
	v11 =	vsel vm6, s29, v11;
	v12 =	vsel vm14, s22, v12;
	v8 =	vsel vm0, s18, v8  }
0x31f: {  	s0 =	sshra.s32 s0, $0x4;
	s31 =	sshrl.u32 s28, $0x1F;
	s24 =	sshra.s32 s28, $0x1F;
	v13 =	vsel vm14, s23, v13;
	vm14 =	vcmask $0x3734;
	v8 =	vsel vm12, s21, v8  }
0x320: {  	s16 =	sshrl.u32 s4, $0x1F;
	s25 =	sshra.s32 s9, $0x4;
	s26 =	sshra.s32 s4, $0x4;
	v11 =	vsel vm12, s31, v11;
	v12 =	vsel vm3, s0, v12;
	v8 =	vsel vm15, s24, v8  }
0x321: {  	s28 =	sshrl.u32 s13, $0x1F;
	s29 =	sshra.s32 s4, $0x1F;
	v13 =	vsel vm3, s25, v13;
	v11 =	vsel vm4, s16, v11;
	v8 =	vsel vm4, s26, v8  }
0x322: {  	s30 =	sshra.s32 s13, $0x4;
	v12 =	vcombine.low v13, v12;
	v11 =	vsel vm11, s28, v11;
	v8 =	vsel vm14, s29, v8  }
0x323: {  	v10 =	vperm.xlane v10, v3;
	v11 =	vperm.xlane v11, v5;
	v8 =	vsel vm11, s30, v8  }
0x324: {  	v12 =	vperm.xlane v12, v3;
	v8 =	vperm.xlane v8, v5;
	_ =	sdelay $0x1  }
0x325: {  	v10 =	vsel vm8, v11, v10;
	v8 =	vsel vm8, v8, v12  }
0x326: {  	v8 =	vadd.s32 v10, v8  }
0x327: {  	v10 =	vmul.u32 $0xFFFFFFA0, v8  }
0x328: {  	v11 =	vsub.s32 $0x0, v7  }
0x329: {  	vm9 =	vlt.s32 v7, $0x1;
	vm10 =	vne.s32 v10, v11  }
0x32a: {  	vm9 =	vmand vm9, vm10  }
0x32b: {  	v10 =	vsel vm9, $0xFFFFFFFF, v2  }
0x32c: {  	v8 =	vadd.s32 v10, v8  }
0x32d: {  	v10 =	vshll.u32 v8, $0x4  }
0x32e: {  	v10 =	vor.u32 v4, v10;
	_ =	sdelay $0x3  }
0x32f: {  	s31 =	simm.s32 $0xF660  }
0x330: {  	v11 =	vld.idx.msk [tilespmem:v10+s31+$0x0], $0xffff;
	_ =	sdelay $0x1  }
0x331: {  	v63 =	vld [tilespmem:s10+$0x2740];
	v8 =	vmul.u32 $0xFFFFFFA0, v8  }
0x332: {  	p2 =	sne.s32 s8, $0x1E00  }
.Ltmp6:
0x333: {  	v7 =	vadd.s32 v7, v8;
	(pc) =	sbr.rel @p2 .LBB2_11-.Ltmp6, $4  }
0x334: {  	v7 =	vmul.u32 $0x2710, v7  }
0x335: {  	v8 =	vadd.s32 $0x1, v11  }
0x336: {  	s6 =	simm.s32 $0x36B0;
	v7 =	vadd.s32 v63, v7;
	[tilespmem:v10+s31+$0x0] =	vst.idx.msk $0xffff, v8  }
0x337: {  	s8 =	sadd.s32 $0x100, s8;
	vm10 =	vcmask $0x1714;
	[tilespmem:v11+s6+$0x0] =	vst.idx.msk $0xffff, v7  }
0x338: {  	v7 =	vld [tilespmem:$0x36A0];
	_ =	sdelay $0x4  }
0x339: {  	(v2sf) =	vpush v7, $0xD;
	_ =	sdelay $0x1  }
0x33a: {  	(v2sf) =	vpush v7, $0xC;
	_ =	sdelay $0x1  }
0x33b: {  	(v2sf) =	vpush v7, $0xE;
	_ =	sdelay $0x1  }
0x33c: {  	(v2sf) =	vpush v7, $0xF;
	_ =	sdelay $0x1  }
0x33d: {  	(v2sf) =	vpush v7, $0x9;
	_ =	sdelay $0x1  }
0x33e: {  	(v2sf) =	vpush v7, $0x8;
	_ =	sdelay $0x1  }
0x33f: {  	(v2sf) =	vpush v7, $0xA;
	_ =	sdelay $0x1  }
0x340: {  	(v2sf) =	vpush v7, $0xB  }
0x341: {  	(v2sf) =	vpush v7, $0x0;
	s0 =	spop (v2sf)  }
0x342: {  	(v2sf) =	vpush v7, $0x1;
	s1 =	smulhi.u32 $0x2AAAAAAB, s0;
	s0 =	sshra.s32 s0, $0x1F  }
0x343: {  	s2 =	spop (v2sf);
	s0 =	smul.u32 $0x2AAAAAAB, s0  }
0x344: {  	s3 =	smulhi.u32 $0x2AAAAAAB, s2;
	s2 =	sshra.s32 s2, $0x1F  }
0x345: {  	(v2sf) =	vpush v7, $0x2;
	s4 =	spop (v2sf);
	s5 =	smul.u32 $0x2AAAAAAB, s2  }
0x346: {  	s6 =	smulhi.u32 $0x2AAAAAAB, s4;
	s4 =	sshra.s32 s4, $0x1F  }
0x347: {  	(v2sf) =	vpush v7, $0x3;
	s22 =	spop (v2sf);
	s8 =	smul.u32 $0x2AAAAAAB, s4  }
0x348: {  	(v2sf) =	vpush v7, $0x4;
	s9 =	smulhi.u32 $0x2AAAAAAB, s22;
	s2 =	sshra.s32 s22, $0x1F  }
0x349: {  	(v2sf) =	vpush v7, $0x5;
	s7 =	spop (v2sf);
	s11 =	smul.u32 $0x2AAAAAAB, s2  }
0x34a: {  	(v2sf) =	vpush v7, $0x6;
	s12 =	smulhi.u32 $0x2AAAAAAB, s7;
	s24 =	sshra.s32 s7, $0x1F  }
0x34b: {  	(v2sf) =	vpush v7, $0x7;
	s23 =	spop (v2sf);
	s14 =	smul.u32 $0x2AAAAAAB, s24  }
0x34c: {  	s16 =	smulhi.u32 $0x2AAAAAAB, s23;
	s26 =	sshra.s32 s23, $0x1F  }
0x34d: {  	s10 =	spop (v2sf);
	s18 =	smul.u32 $0x2AAAAAAB, s26  }
0x34e: {  	s2 =	sadd.s32 s0, s1;
	s21 =	smulhi.u32 $0x2AAAAAAB, s10;
	s28 =	sshra.s32 s10, $0x1F  }
0x34f: {  	s25 =	spop (v2sf);
	s0 =	sadd.s32 s11, s9;
	s22 =	smul.u32 $0x2AAAAAAB, s28  }
0x350: {  	s13 =	spop (v2sf);
	s24 =	smulhi.u32 $0x2AAAAAAB, s25;
	s7 =	sshra.s32 s25, $0x1F  }
0x351: {  	s12 =	sadd.s32 s14, s12;
	s15 =	spop (v2sf);
	s25 =	smul.u32 $0x2AAAAAAB, s7  }
0x352: {  	s7 =	sadd.s32 s5, s3;
	s5 =	smulhi.u32 $0x2AAAAAAB, s13;
	s29 =	sshra.s32 s13, $0x1F  }
0x353: {  	s13 =	sshrl.u32 s2, $0x1F;
	s3 =	sadd.s32 s8, s6;
	s1 =	sadd.s32 s18, s16  }
0x354: {  	s2 =	sshra.s32 s2, $0x4;
	s17 =	spop (v2sf);
	s28 =	smul.u32 $0x2AAAAAAB, s29  }
0x355: {  	s26 =	sshrl.u32 s7, $0x1F;
	s6 =	smulhi.u32 $0x2AAAAAAB, s15;
	s30 =	sshra.s32 s15, $0x1F  }
0x356: {  	s15 =	sshrl.u32 s3, $0x1F;
	s19 =	spop (v2sf);
	s31 =	smul.u32 $0x2AAAAAAB, s30  }
0x357: {  	s7 =	sshra.s32 s7, $0x4;
	s14 =	smulhi.u32 $0x2AAAAAAB, s17;
	s10 =	spop (v2sf)  }
0x358: {  	s9 =	sshra.s32 s17, $0x1F;
	s17 =	sshrl.u32 s0, $0x1F;
	s23 =	spop (v2sf)  }
0x359: {  	s8 =	sadd.s32 s25, s24;
	s16 =	smul.u32 $0x2AAAAAAB, s9;
	s4 =	spop (v2sf)  }
0x35a: {  	s24 =	sshrl.u32 s12, $0x1F;
	s18 =	smulhi.u32 $0x2AAAAAAB, s19;
	s29 =	spop (v2sf)  }
0x35b: {  	s9 =	sadd.s32 s22, s21;
	s30 =	smulhi.u32 $0x2AAAAAAB, s29;
	s21 =	sshra.s32 s29, $0x1F  }
0x35c: {  	s0 =	sshra.s32 s0, $0x4;
	s6 =	sadd.s32 s31, s6;
	s31 =	smul.u32 $0x2AAAAAAB, s21  }
0x35d: {  	s19 =	sshra.s32 s19, $0x1F;
	s25 =	smulhi.u32 $0x2AAAAAAB, s10;
	s10 =	sshra.s32 s10, $0x1F  }
0x35e: {  	vm0 =	vcmask $0x300;
	vm1 =	vcmask $0xB08;
	v10 =	vmov s26;
	s5 =	sadd.s32 s28, s5;
	s28 =	smul.u32 $0x2AAAAAAB, s10;
	s10 =	sadd.s32 s31, s30  }
0x35f: {  	vm9 =	vcmask $0x704;
	vm2 =	vcmask $0x1310;
	s22 =	sshrl.u32 s8, $0x1F;
	v10 =	vsel vm1, s13, v10;
	s19 =	smul.u32 $0x2AAAAAAB, s19;
	s29 =	sshra.s32 s10, $0x1F  }
0x360: {  	vm6 =	vcmask $0x2B28;
	v10 =	vsel vm2, s15, v10;
	s14 =	sadd.s32 s16, s14;
	s26 =	sshrl.u32 s6, $0x1F;
	s30 =	sshra.s32 s5, $0x4;
	v8 =	vmov s29  }
0x361: {  	v61 =	vmov s7;
	v10 =	vsel vm3, s17, v10;
	s21 =	sshrl.u32 s1, $0x1F;
	s31 =	sshrl.u32 s5, $0x1F;
	s5 =	sshra.s32 s5, $0x1F;
	v8 =	vsel vm0, s30, v8  }
0x362: {  	s16 =	sadd.s32 s28, s25;
	s28 =	smulhi.u32 $0x2AAAAAAB, s23;
	v12 =	vmov s21;
	v11 =	vmov s31;
	s29 =	sshra.s32 s6, $0x4;
	v8 =	vsel vm9, s5, v8  }
0x363: {  	s23 =	sshra.s32 s23, $0x1F;
	s1 =	sshra.s32 s1, $0x4;
	v11 =	vnsel vm0, $0x0, v11;
	s6 =	sshra.s32 s6, $0x1F;
	vm0 =	vcmask $0xF0C;
	v8 =	vsel vm1, s29, v8  }
0x364: {  	s11 =	sshrl.u32 s9, $0x1F;
	v13 =	vmov s1;
	v12 =	vsel vm1, s24, v12;
	s31 =	smul.u32 $0x2AAAAAAB, s23;
	s23 =	sshra.s32 s14, $0x4;
	v8 =	vsel vm0, s6, v8  }
0x365: {  	s18 =	sadd.s32 s19, s18;
	v12 =	vsel vm2, s11, v12;
	s30 =	sshrl.u32 s14, $0x1F;
	v11 =	vsel vm1, s26, v11;
	s26 =	sshra.s32 s14, $0x1F;
	v8 =	vsel vm2, s23, v8  }
0x366: {  	s25 =	sshrl.u32 s18, $0x1F;
	s13 =	sshra.s32 s18, $0x1F;
	v12 =	vsel vm3, s22, v12;
	v11 =	vsel vm2, s30, v11;
	s30 =	sshra.s32 s18, $0x4;
	v8 =	vsel vm10, s26, v8  }
0x367: {  	s19 =	smulhi.u32 $0x2AAAAAAB, s4;
	s4 =	sshra.s32 s4, $0x1F;
	s15 =	sshra.s32 s16, $0x4;
	v10 =	vcombine.low v12, v10;
	v12 =	vsel vm1, s2, v61;
	v8 =	vsel vm3, s30, v8  }
0x368: {  	s17 =	sshra.s32 s16, $0x1F;
	s4 =	smul.u32 $0x2AAAAAAB, s4;
	v11 =	vsel vm3, s25, v11;
	s29 =	sshrl.u32 s16, $0x1F;
	vm0 =	vcmask $0x2320;
	v8 =	vsel vm13, s13, v8  }
0x369: {  	s21 =	sshra.s32 s3, $0x4;
	s28 =	sadd.s32 s31, s28;
	s18 =	sshra.s32 s12, $0x4;
	v11 =	vsel vm0, s29, v11;
	v8 =	vsel vm0, s15, v8;
	vm0 =	vcmask $0x2724  }
0x36a: {  	s4 =	sadd.s32 s4, s19;
	s22 =	sshra.s32 s9, $0x4;
	s19 =	sshra.s32 s28, $0x4;
	v12 =	vsel vm2, s21, v12;
	v13 =	vsel vm1, s18, v13;
	v8 =	vsel vm0, s17, v8  }
0x36b: {  	s24 =	sshra.s32 s8, $0x4;
	v12 =	vsel vm3, s0, v12;
	v13 =	vsel vm2, s22, v13;
	s23 =	sshra.s32 s28, $0x1F;
	v8 =	vsel vm6, s19, v8  }
0x36c: {  	v62 =	vld [tilespmem:$0x1FFF0];
	s31 =	sshrl.u32 s28, $0x1F;
	s25 =	sshra.s32 s4, $0x4;
	v10 =	vperm.xlane v10, v3;
	v13 =	vsel vm3, s24, v13;
	v8 =	vsel vm15, s23, v8  }
0x36d: {  	s14 =	sshrl.u32 s4, $0x1F;
	s28 =	sshra.s32 s4, $0x1F;
	v11 =	vsel vm6, s31, v11;
	v12 =	vcombine.low v13, v12;
	v8 =	vsel vm4, s25, v8  }
0x36e: {  	s29 =	sshra.s32 s10, $0x4;
	s26 =	sshrl.u32 s10, $0x1F;
	v11 =	vsel vm4, s14, v11;
	vm0 =	vcmask $0x3B38;
	v8 =	vsel vm14, s28, v8  }
0x36f: {  	v12 =	vperm.xlane v12, v3;
	v11 =	vsel vm0, s26, v11;
	v8 =	vsel vm0, s29, v8  }
0x370: {  	v11 =	vperm.xlane v11, v5;
	v8 =	vperm.xlane v8, v5  }
0x371: {  	vm0 =	vnez.u8 v62  }
0x372: {  	v10 =	vsel vm0, v11, v10;
	v8 =	vsel vm0, v8, v12  }
0x373: {  	v8 =	vadd.s32 v10, v8  }
0x374: {  	v10 =	vmul.u32 $0xFFFFFFA0, v8  }
0x375: {  	v11 =	vsub.s32 $0x0, v7  }
0x376: {  	vm9 =	vlt.s32 v7, $0x1;
	vm10 =	vne.s32 v10, v11  }
0x377: {  	vm9 =	vmand vm9, vm10  }
0x378: {  	v10 =	vsel vm9, $0xFFFFFFFF, v2  }
0x379: {  	v8 =	vadd.s32 v10, v8  }
0x37a: {  	v10 =	vshll.u32 v8, $0x4  }
0x37b: {  	v10 =	vor.u32 v4, v10;
	_ =	sdelay $0x3  }
0x37c: {  	s31 =	sld [smem:$0x7FB];
	s30 =	simm.s32 $0xE250  }
0x37d: {  	v11 =	vld.idx.msk [tilespmem:v10+s30+$0x0], $0xffff;
	_ =	sdelay $0x1  }
0x37e: {  	v63 =	vld [tilespmem:$0x2ED0];
	s4 =	sadd.s32 $0x1, s31;
	v8 =	vmul.u32 $0xFFFFFFA0, v8  }
0x37f: {  	p2 =	sne.s32 s4, $0xA  }
.Ltmp7:
0x380: {  	v7 =	vadd.s32 v7, v8;
	(pc) =	sbr.rel @p2 .LBB2_10-.Ltmp7, $4  }
0x381: {  	v7 =	vmul.u32 $0x2710, v7  }
0x382: {  	v8 =	vadd.s32 $0x1, v11  }
0x383: {  	s6 =	simm.s32 $0x36B0;
	v7 =	vadd.s32 v63, v7;
	[tilespmem:v10+s30+$0x0] =	vst.idx.msk $0xffff, v8  }
0x384: {  	vm10 =	vcmask $0x1714;
	[tilespmem:v11+s6+$0x0] =	vst.idx.msk $0xffff, v7  }
0x385: {  	s0 =	rddreg [dreg:$0x1a];
	s7 =	simm.s32 $0xFD20;
	s1 =	simm.s32 $0x4  }
0x386: {  	[spmem:s0] =	stream.linear.scatter [tilespmem:s7], [sflag:$0x4], $0x100, $0x38;
	[tilespmem:$0x1F4A0] =	vst v63  }
0x387: {  	_ =	swait.ge [sflag:s1], $0x100  }
0x388: {  	[sflag:s1] =	ssyncset.done $0x0  }
0x389: {  	s28 =	rddreg [dreg:$0x1b];
	[sflag:s1] =	ssyncadd.s32 $0xFFFFFF00  }
0x38a: {  	[spmem:s28] =	stream.linear.scatter [tilespmem:s7], [sflag:$0x3], $0x100, $0x38;
	[tilespmem:$0x1F4A0] =	vst v63  }
0x38b: {  	_ =	swait.ge [sflag:s20], $0x100  }
0x38c: {  	[sflag:s20] =	ssyncset.done $0x0  }
0x38d: {  	s29 =	rddreg [dreg:$0x1c];
	[sflag:s20] =	ssyncadd.s32 $0xFFFFFF00  }
0x38e: {  	[spmem:s29] =	stream.linear.scatter [tilespmem:s7], [sflag:$0x4], $0x100, $0x38;
	[tilespmem:$0x1F4A0] =	vst v63  }
0x38f: {  	_ =	swait.ge [sflag:s1], $0x100  }
0x390: {  	[sflag:s1] =	ssyncset.done $0x0  }
0x391: {  	s31 =	rddreg [dreg:$0x1d];
	[sflag:s1] =	ssyncadd.s32 $0xFFFFFF00  }
0x392: {  	[spmem:s31] =	stream.linear.scatter [tilespmem:s7], [sflag:$0x3], $0x100, $0x38;
	[tilespmem:$0x1F4A0] =	vst v63  }
0x393: {  	_ =	swait.ge [sflag:s20], $0x100  }
0x394: {  	[sflag:s20] =	ssyncset.done $0x0  }
0x395: {  	s0 =	simm.s32 @!p1 $0xFD20;
	s1 =	rddreg [dreg:$0x1e];
	[sflag:s20] =	ssyncadd.s32 $0xFFFFFF00  }
0x396: {  	[spmem:s1] =	stream.linear.scatter @!p1 [tilespmem:s0], [sflag:$0x4], $0x100, $0x38;
	[tilespmem:$0x1F4A0] =	vst v63  }
0x397: {  	s1 =	simm.s32 @!p1 $0x4  }
0x398: {  	_ =	swait.ge @!p1 [sflag:s1], $0x100  }
0x399: {  	[sflag:s1] =	ssyncset.done @!p1 $0x0  }
0x39a: {  	[sflag:s1] =	ssyncadd.s32 @!p1 $0xFFFFFF00;
	s1 =	rddreg [dreg:$0x1f]  }
0x39b: {  	[spmem:s1] =	stream.linear.scatter @!p1 [tilespmem:s0], [sflag:$0x3], $0x100, $0x38;
	[tilespmem:$0x1F4A0] =	vst v63  }
0x39c: {  	s0 =	simm.s32 @!p1 $0x3  }
.Ltmp8:
0x39d: {  	_ =	swait.ge @!p1 [sflag:s0], $0x100;
	(pc) =	sbr.rel .LBB2_14-.Ltmp8, $4  }
0x39e: {  	[sflag:s0] =	ssyncset.done @!p1 $0x0  }
0x39f: {  	[sflag:s0] =	ssyncadd.s32 @!p1 $0xFFFFFF00  }
0x3a0: {  	v7 =	vbroadcast v9, $0x1;
	s30 =	simm.s32 $0x0;
	[bflag:$0x0] =	sbarrier.arrive $0xFFFF  }
0x3a1: {  	v8 =	vbroadcast v9, $0x2;
	v9 =	vbroadcast v9, $0x3;
	s8 =	simm.s32 $0x100;
	vm11 =	vcmask $0x2724;
	s1 =	simm.s32 $0x0;
	s6 =	rddreg [dreg:$0x4]  }
.LBB2_47:
0x3a2: {  	s3 =	smulhi.u32 $0x68DB8BAD, s10  }
0x3a3: {  	s0 =	smul.u32 $0x68DB8BAD, s25  }
0x3a4: {  	s7 =	smulhi.u32 $0x68DB8BAD, s1  }
0x3a5: {  	vm13 =	vmmov vm14;
	s8 =	smul.u32 $0x68DB8BAD, s11;
	s28 =	rddreg [dreg:$0x8];
	vm14 =	vcmask $0x1310  }
0x3a6: {  	s4 =	smul.u32 $0x68DB8BAD, s4;
	s23 =	rddreg [dreg:$0xa];
	s25 =	sshra.s32 s21, $0x1F;
	v22 =	vld.idx.msk [tilespmem:v14+s28+$0x0 ss:$0x1], $0xffff;
	v16 =	vsel vm14, s24, v16  }
0x3a7: {  	s22 =	sshrl.u32 s22, $0x1F;
	v23 =	vld [tilespmem:s28+$0xFF20];
	s2 =	spop (v2sf);
	v16 =	vsel vm3, s31, v16;
	s31 =	smul.u32 $0x68DB8BAD, s25  }
0x3a8: {  	v21 =	vsel vm3, s18, v21;
	s17 =	sshra.s32 s26, $0xC;
	v20 =	vsel vm14, s12, v20;
	s19 =	sshra.s32 s2, $0x1F;
	s2 =	smulhi.u32 $0x68DB8BAD, s2  }
0x3a9: {  	vm0 =	vcmask $0x2B28;
	vm7 =	vcmask $0x3B38;
	v27 =	vld [tilespmem:$0x1FFF0];
	v20 =	vsel vm3, s16, v20;
	s7 =	sadd.s32 s8, s7;
	s1 =	spop (v2sf);
	s16 =	smul.u32 $0x68DB8BAD, s19  }
0x3aa: {  	v18 =	vcombine.low v18, v21;
	v19 =	vsel vm0, s23, v19;
	v17 =	vsel vm7, s17, v17;
	s6 =	spop (v2sf);
	s20 =	sshra.s32 s1, $0x1F;
	s1 =	smulhi.u32 $0x68DB8BAD, s1  }
0x3ab: {  	(v2sf) =	vpush v11, $0xF;
	v19 =	vsel vm4, s22, v19;
	v17 =	vperm.xlane v17, v5;
	s12 =	sshrl.u32 s7, $0x1F;
	s11 =	smulhi.u32 $0x68DB8BAD, s6  }
0x3ac: {  	v16 =	vcombine.low v16, v20;
	v19 =	vsel vm7, s14, v19;
	s9 =	sshra.s32 s6, $0x1F;
	s6 =	sadd.s32 s0, s5;
	s18 =	smul.u32 $0x68DB8BAD, s20;
	v26 =	vsub.f32 v23, v22  }
0x3ad: {  	(v2sf) =	vpush v11, $0x6;
	v18 =	vperm.xlane v18, v3;
	v19 =	vperm.xlane v19, v5;
	s24 =	spop (v2sf);
	s20 =	smulhi.u32 $0x68DB8BAD, s21;
	s0 =	sadd.s32 s4, s13  }
0x3ae: {  	v16 =	vperm.xlane v16, v3;
	vm8 =	vnez.u8 v27;
	s15 =	smul.u32 $0x68DB8BAD, s9;
	s19 =	sshra.s32 s6, $0x1F;
	s14 =	sshra.s32 s24, $0x1F;
	v20 =	vadd.f32 $5.000000000e-01, v26  }
0x3af: {  	(v2sf) =	vpush v11, $0xB;
	s22 =	spop (v2sf);
	s23 =	smulhi.u32 $0x68DB8BAD, s24;
	v18 =	vsel vm8, v19, v18;
	v28 =	vmul.f32 $2.000000030e-01, v22;
	s24 =	sshra.s32 s7, $0xC  }
0x3b0: {  	vm9 =	vge.f32 v22, $0.0e+00;
	s9 =	sadd.s32 s16, s2;
	s17 =	spop (v2sf);
	s5 =	smulhi.u32 $0x68DB8BAD, s22;
	v16 =	vsel vm8, v17, v16;
	v29 =	vtrunc.f32 v20  }
0x3b1: {  	s16 =	sadd.s32 s31, s20;
	s13 =	sadd.s32 s18, s1;
	s14 =	smul.u32 $0x68DB8BAD, s14;
	v16 =	vadd.s32 v18, v16;
	v30 =	vsel vm9, v22, v28;
	v17 =	vcvt.f32.s32 v29  }
0x3b2: {  	s31 =	sshra.s32 s22, $0x1F;
	s1 =	sshra.s32 s17, $0x1F;
	s17 =	smulhi.u32 $0x68DB8BAD, s17;
	v31 =	vmul.u32 $0xFFFFD8F0, v16;
	v18 =	vmul.f32 $1.442695020e+00, v30  }
0x3b3: {  	s7 =	sshra.s32 s7, $0x1F;
	v32 =	vmov s19;
	s4 =	spop (v2sf);
	s19 =	smul.u32 $0x68DB8BAD, s31;
	v17 =	vcvt.s32.f32 v17  }
0x3b4: {  	s8 =	sadd.s32 s15, s11;
	s26 =	spop (v2sf);
	s21 =	smulhi.u32 $0x68DB8BAD, s4;
	v19 =	vadd.s32 v12, v31;
	(erf) = vpow2.f32 v18  }
0x3b5: {  	s15 =	sshra.s32 s0, $0xC;
	vm9 =	vlt.s32 v12, $0x1;
	s1 =	smul.u32 $0x68DB8BAD, s1;
	s29 =	sshra.s32 s26, $0x1F;
	vm10 =	vne.s32 v19, $0x0;
	v17 =	vmax.f32 v17, $1.000000000e+00  }
0x3b6: {  	s25 =	sshra.s32 s16, $0xC;
	s4 =	sshra.s32 s4, $0x1F;
	s2 =	smul.u32 $0x68DB8BAD, s29;
	vm9 =	vmand vm9, vm10;
	(erf) = vrcp.f32 v17  }
0x3b7: {  	vm2 =	vcmask $0x300;
	v16 =	vadd.s32 v10, v16;
	s29 =	smulhi.u32 $0x68DB8BAD, s26;
	s26 =	sshra.s32 s16, $0x1F;
	s16 =	sshrl.u32 s16, $0x1F;
	v33 =	vsel vm9, $0xFFFFFFFF, v2  }
0x3b8: {  	vm1 =	vgt.s32 v12, $0xEA5FF;
	s11 =	sadd.s32 s14, s23;
	s23 =	sshra.s32 s9, $0xC;
	s4 =	smul.u32 $0x68DB8BAD, s4;
	v37 =	vmov s16;
	v34 =	vadd.s32 v33, v16  }
0x3b9: {  	s2 =	sadd.s32 s2, s29;
	s29 =	sshra.s32 s0, $0x1F;
	s0 =	sshrl.u32 s0, $0x1F;
	v18 =	vnsel vm2, $0x0, v37;
	vm9 =	vcmask $0xB08;
	v12 =	vsel vm1, $0x0, v34  }
0x3ba: {  	s19 =	sadd.s32 s19, s5;
	s14 =	sadd.s32 s4, s21;
	s4 =	sadd.s32 s1, s17;
	v46 =	vsel vm9, s0, v18  }
0x3bb: {  	s16 =	sshra.s32 s13, $0xC;
	vm10 =	vcmask $0x704;
	v17 =	vsel vm2, s25, v32;
	v48 =	vsel vm14, s12, v46;
	s12 =	sshrl.u32 s13, $0x1F;
	s20 =	spop (v2sf)  }
0x3bc: {  	v15 =	vadd.s32 $0x2710, v15;
	v35 =	vsel vm10, s26, v17;
	s26 =	sshra.s32 s9, $0x1F;
	s18 =	smulhi.u32 $0x68DB8BAD, s20;
	s20 =	sshra.s32 s20, $0x1F  }
0x3bd: {  	vm0 =	vcmask $0xF0C;
	v39 =	vadd.s32 $0x2710, v19;
	s9 =	sshrl.u32 s9, $0x1F;
	v16 =	vsel vm9, s15, v35;
	s15 =	spop (v2sf);
	s21 =	smul.u32 $0x68DB8BAD, s20;
	v36 =	vpop (erf)  }
0x3be: {  	vm10 =	vlt.s32 v19, $0x0;
	v16 =	vsel vm0, s29, v16;
	s29 =	sshra.s32 s10, $0x1F;
	s17 =	sshra.s32 s15, $0x1F;
	s15 =	smulhi.u32 $0x68DB8BAD, s15;
	v12 =	vld.idx.msk [tilespmem:v12+s30+$0x0], $0xffff;
	v17 =	vadd.f32 $-1.000000000e+00, v36  }
0x3bf: {  	vm2 =	vcmask $0x3330;
	v19 =	vsel vm10, v39, v19;
	s20 =	sshra.s32 s19, $0xC;
	s31 =	spop (v2sf);
	v16 =	vsel vm14, s24, v16;
	s24 =	sshrl.u32 s11, $0x1F;
	v40 =	vpop (erf)  }
0x3c0: {  	vm0 =	vcmask $0x2320;
	v15 =	vsel vm1, v15, v19;
	s11 =	sshra.s32 s11, $0xC;
	s22 =	sshra.s32 s31, $0x1F;
	s25 =	smulhi.u32 $0x68DB8BAD, s31;
	v17 =	vmul.f32 v40, v17  }
0x3c1: {  	v43 =	vmov s20;
	v16 =	vsel vm5, s7, v16;
	s1 =	sadd.s32 s21, s18;
	v38 =	vmov s24;
	s31 =	smul.u32 $0x68DB8BAD, s29;
	s18 =	sshrl.u32 s19, $0x1F  }
0x3c2: {  	v41 =	vmov s11;
	s21 =	sshra.s32 s13, $0x1F;
	s11 =	rddreg [dreg:$0x9];
	s13 =	sshrl.u32 s14, $0x1F;
	v16 =	vsel vm3, s23, v16;
	v17 =	vsel vm1, $0x0, v17  }
0x3c3: {  	[tilespmem:s28+$0x10020] =	vst v15;
	s5 =	smul.u32 $0x68DB8BAD, s22;
	v42 =	vmov s18;
	s22 =	sshrl.u32 s2, $0x1F;
	s2 =	sshra.s32 s2, $0xC;
	v16 =	vsel vm13, s26, v16;
	v12 =	vmul.f32 v17, v12  }
0x3c4: {  	s3 =	sadd.s32 s31, s3;
	v44 =	vsel vm9, s2, v43;
	v45 =	vsel vm9, s22, v42;
	s31 =	sshra.s32 s4, $0xC;
	s4 =	sshrl.u32 s4, $0x1F;
	v16 =	vsel vm0, s16, v16;
	[tilespmem:s28+$0x10220] =	vst v17  }
0x3c5: {  	s5 =	sadd.s32 s5, s25;
	s25 =	sshrl.u32 s3, $0x1F;
	v50 =	vsel vm9, s31, v41;
	v52 =	vsel vm9, s4, v38;
	s16 =	sshra.s32 s14, $0xC;
	v16 =	vsel vm12, s21, v16;
	[tilespmem:s28+$0x10120] =	vst v12  }
0x3c6: {  	s23 =	smul.u32 $0x68DB8BAD, s17;
	s3 =	sshra.s32 s3, $0xC;
	v47 =	vsel vm14, s25, v45;
	s29 =	sshrl.u32 s5, $0x1F;
	v19 =	vsel vm14, s13, v52;
	v18 =	vsel vm14, s16, v50;
	v51 =	vld.idx.msk [tilespmem:v14+s11+$0x0 ss:$0x1], $0xffff  }
0x3c7: {  	s24 =	sshra.s32 s8, $0xC;
	s19 =	sshrl.u32 s1, $0x1F;
	s1 =	sshra.s32 s1, $0xC;
	v15 =	vsel vm14, s3, v44;
	v49 =	vsel vm3, s29, v47;
	vm1 =	vcmask $0x2B28;
	v53 =	vld [tilespmem:s11+$0xFF20]  }
0x3c8: {  	s10 =	sshra.s32 s8, $0x1F;
	s26 =	sadd.s32 s23, s15;
	s20 =	sshra.s32 s5, $0xC;
	v19 =	vsel vm3, s19, v19;
	v18 =	vsel vm3, s1, v18;
	v16 =	vsel vm1, s24, v16  }
0x3c9: {  	s15 =	sshra.s32 s26, $0xC;
	v15 =	vsel vm3, s20, v15;
	v16 =	vsel vm15, s10, v16;
	v12 =	vsel vm3, s9, v48  }
0x3ca: {  	s18 =	sshrl.u32 s8, $0x1F;
	s17 =	sshra.s32 s26, $0x1F;
	v15 =	vcombine.low v15, v18;
	v16 =	vsel vm2, s15, v16;
	v12 =	vsel vm0, s12, v12  }
0x3cb: {  	s22 =	sshra.s32 s6, $0xC;
	s0 =	sshrl.u32 s26, $0x1F;
	v17 =	vcombine.low v49, v19;
	v16 =	vsel vm11, s17, v16;
	v12 =	vsel vm1, s18, v12  }
0x3cc: {  	s21 =	sshrl.u32 s6, $0x1F;
	v16 =	vsel vm7, s22, v16;
	v12 =	vsel vm2, s0, v12;
	v54 =	vsub.f32 v53, v51  }
0x3cd: {  	v15 =	vperm.xlane v15, v3;
	v16 =	vperm.xlane v16, v5;
	v12 =	vsel vm7, s21, v12  }
0x3ce: {  	v17 =	vperm.xlane v17, v3;
	v12 =	vperm.xlane v12, v5;
	v18 =	vadd.f32 $5.000000000e-01, v54  }
0x3cf: {  	v15 =	vsel vm8, v16, v15;
	v55 =	vmul.f32 $2.000000030e-01, v51  }
0x3d0: {  	vm9 =	vge.f32 v51, $0.0e+00;
	v12 =	vsel vm8, v12, v17;
	v56 =	vtrunc.f32 v18  }
0x3d1: {  	v12 =	vadd.s32 v12, v15;
	v14 =	vsel vm9, v51, v55;
	v57 =	vcvt.f32.s32 v56  }
0x3d2: {  	v58 =	vmul.u32 $0xFFFFD8F0, v12;
	v14 =	vmul.f32 $1.442695020e+00, v14  }
0x3d3: {  	v15 =	vcvt.s32.f32 v57  }
0x3d4: {  	v16 =	vadd.s32 v11, v58;
	(erf) = vpow2.f32 v14  }
0x3d5: {  	vm9 =	vlt.s32 v11, $0x1;
	vm10 =	vne.s32 v16, $0x0;
	v59 =	vmax.f32 v15, $1.000000000e+00  }
0x3d6: {  	vm9 =	vmand vm9, vm10;
	(erf) = vrcp.f32 v59  }
0x3d7: {  	v10 =	vadd.s32 v10, v12;
	v60 =	vsel vm9, $0xFFFFFFFF, v2  }
0x3d8: {  	vm9 =	vgt.s32 v11, $0xEA5FF;
	v10 =	vadd.s32 v60, v10  }
0x3d9: {  	v10 =	vsel vm9, $0x0, v10;
	_ =	sdelay $0x3  }
0x3da: {  	v11 =	vpop (erf)  }
0x3db: {  	v10 =	vld.idx.msk [tilespmem:v10+s30+$0x0], $0xffff;
	v11 =	vadd.f32 $-1.000000000e+00, v11  }
0x3dc: {  	v61 =	vpop (erf)  }
0x3dd: {  	v62 =	vadd.s32 $0x2710, v16;
	vm10 =	vlt.s32 v16, $0x0;
	v11 =	vmul.f32 v61, v11  }
0x3de: {  	v13 =	vadd.s32 $0x2710, v13;
	v63 =	vsel vm10, v62, v16  }
0x3df: {  	v12 =	vsel vm9, v13, v63;
	v11 =	vsel vm9, $0x0, v11  }
0x3e0: {  	[tilespmem:s11+$0x10020] =	vst v12;
	v10 =	vmul.f32 v11, v10  }
0x3e1: {  	s8 =	simm.s32 $0x100;
	[tilespmem:s11+$0x10220] =	vst v11  }
0x3e2: {  	s23 =	rddreg [dreg:$0x2];
	s25 =	simm.s32 $0x10120;
	s24 =	simm.s32 $0x10020;
	[tilespmem:s11+$0x10120] =	vst v10  }
0x3e3: {  	[spmem:s23] =	stream.indirect.scatter.add.f32 [tilespmem:s25], [sflag:$0x1], $0x1, s24, s8, $0xb8;
	[tilespmem:$0x1F4A0] =	vst v63  }
0x3e4: {  	s26 =	rddreg [dreg:$0x3];
	s29 =	simm.s32 $0x1;
	s28 =	simm.s32 $0x10220  }
0x3e5: {  	[spmem:s26] =	stream.indirect.scatter.add.f32 [tilespmem:s28], [sflag:$0x2], $0x1, s24, s8, $0xb8;
	[tilespmem:$0x1F4A0] =	vst v63  }
0x3e6: {  	_ =	swait.ge [sflag:s29], $0x100  }
0x3e7: {  	[sflag:s29] =	ssyncset.done $0x0  }
0x3e8: {  	s31 =	simm.s32 $0x2;
	[sflag:s29] =	ssyncadd.s32 $0xFFFFFF00  }
0x3e9: {  	_ =	swait.ge [sflag:s31], $0x100  }
0x3ea: {  	[sflag:s31] =	ssyncset.done $0x0  }
0x3eb: {  	vm6 =	vmmov vm12;
	s20 =	simm.s32 $0x3;
	vm10 =	vmmov vm5;
	[sflag:s31] =	ssyncadd.s32 $0xFFFFFF00  }
.LBB2_48:
0x3ec: {  	s1 =	sld [smem:$0x7F8];
	_ =	sdelay $0x2  }
0x3ed: {  	s1 =	sadd.s32 $0x1, s1  }
0x3ee: {  	p2 =	sne.s32 s1, $0x35  }
.Ltmp9:
0x3ef: {  	_ = 	snop;
	(pc) =	sbr.rel @!p2 .LBB2_49-.Ltmp9, $3  }
0x3f0: {  	_ =	sdelay $0x1  }
0x3f1: {  	[bflag:$0x0] =	sbarrier.arrive $0xFFFF  }
0x3f2: {  	s7 =	simm.s32 $0xFD20;
	vm15 =	vcmask $0x2F2C;
	vm14 =	vcmask $0x3734;
	vm11 =	vmmov vm6;
	s6 =	rddreg [dreg:$0x4]  }
.LBB2_14:
0x3f3: {  	s0 =	rddreg [dreg:$0x16]  }
0x3f4: {  	s0 =	sadd.s32 s0, s1  }
0x3f5: {  	[smem:$0x7F8] =	sst s1;
	s1 =	sshll.u32 s0, $0x4  }
0x3f6: {  	v10 =	vld [tilespmem:s1+$0xDBA0]  }
0x3f7: {  	v11 =	vld [tilespmem:s1+$0xF660];
	_ =	sdelay $0x3  }
0x3f8: {  	(v2sf) =	vpush v10, $0x0  }
0x3f9: {  	(v2sf) =	vpush v11, $0xF;
	_ =	sdelay $0xd  }
0x3fa: {  	s9 =	spop (v2sf)  }
0x3fb: {  	s2 =	spop (v2sf)  }
0x3fc: {  	s1 =	ssub.s32 s2, s9;
	p2 =	sne.s32 s2, s9;
	s2 =	simm.s32 $0x1  }
0x3fd: {  	s3 =	sshra.s32 s1, $0x1F;
	s2 =	simm.s32 @!p2 $0x0  }
0x3fe: {  	s4 =	sand.u32 $0xFF, s1;
	s2 =	sor.u32 s2, s3  }
0x3ff: {  	p3 =	sne.s32 s4, $0x0;
	p6 =	sne.s32 s2, $0x1  }
0x400: {  	s31 =	sshrl.u32 s3, $0x18;
	p2 =	por !p3, !p6  }
0x401: {  	s3 =	simm.s32 $0x1;
	s2 =	sadd.s32 s31, s1;
	p2 =	por !p2, !p2  }
0x402: {  	s2 =	sshra.s32 s2, $0x8;
	s3 =	simm.s32 @!p2 $0x0  }
0x403: {  	[smem:$0x7F9] =	sst s2;
	s2 =	ssub.s32 s2, s3  }
0x404: {  	s10 =	sshll.u32 s2, $0x8  }
0x405: {  	[smem:$0x7FA] =	sst s2;
	s2 =	ssub.s32 s1, s10  }
0x406: {  	p3 =	slt.s32 s2, $0x1  }
.Ltmp10:
0x407: {  	_ = 	snop;
	(pc) =	sbr.rel @p3 .LBB2_18-.Ltmp10, $1  }
0x408: {  	_ =	sdelay $0x3  }
0x409: {  	s2 =	sadd.s32 s10, s9  }
0x40a: {  	s2 =	sadd.s32 $0x36B0, s2  }
0x40b: {  	v12 =	vld [tilespmem:s2+$0x0]  }
0x40c: {  	s3 =	simm.s32 $0x0  }
0x40d: {  	s4 =	sor.u32 s10, s3  }
0x40e: {  	v10 =	vmov s1;
	v11 =	vor.u32 $0xEA600, v4;
	v13 =	vor.u32 s4, v4  }
0x40f: {  	vm9 =	vlt.s32 v13, v10;
	v13 =	vor.u32 s3, v11  }
0x410: {  	s1 =	simm.s32 $0x10420;
	v12 =	vsel vm9, v12, v13  }
0x411: {  	s3 =	sadd.s32 $0x10, s2;
	[tilespmem:s1+$0x0] =	vst v12  }
0x412: {  	s4 =	simm.s32 $0x20;
	s2 =	simm.s32 $0x10;
	v12 =	vld [tilespmem:s3+$0x0]  }
.LBB2_16:
0x413: {  	p4 =	sne.s32 s4, $0xF0  }
0x414: {  	s5 =	sor.u32 s10, s2  }
.Ltmp11:
0x415: {  	v13 =	vor.u32 s5, v4;
	(pc) =	sbr.rel @p4 .LBB2_16-.Ltmp11, $4  }
0x416: {  	vm9 =	vlt.s32 v13, v10;
	v13 =	vor.u32 s2, v11;
	s2 =	smov.u32 s4  }
0x417: {  	s1 =	sadd.s32 $0x10, s1;
	v12 =	vsel vm9, v12, v13  }
0x418: {  	s3 =	sadd.s32 $0x10, s3;
	[tilespmem:s1+$0x0] =	vst v12  }
0x419: {  	s4 =	sadd.s32 $0x10, s4;
	v12 =	vld [tilespmem:s3+$0x0]  }
0x41a: {  	_ = 	snop  }
0x41b: {  	s3 =	sor.u32 s10, s2  }
0x41c: {  	v13 =	vor.u32 s3, v4  }
0x41d: {  	vm9 =	vlt.s32 v13, v10;
	v10 =	vor.u32 s2, v11  }
0x41e: {  	s1 =	sadd.s32 $0x10, s1;
	v10 =	vsel vm9, v12, v10  }
0x41f: {  	[tilespmem:s1+$0x0] =	vst v10  }
.LBB2_18:
0x420: {  	s1 =	sld [smem:$0x7FA];
	_ =	sdelay $0x2  }
0x421: {  	p4 =	slt.s32 s1, $0x1  }
.Ltmp12:
0x422: {  	_ = 	snop;
	(pc) =	sbr.rel @p4 .LBB2_22-.Ltmp12, $3  }
0x423: {  	_ =	sdelay $0x1  }
0x424: {  	s2 =	sadd.s32 $0x36B0, s9  }
0x425: {  	[smem:$0x7F7] =	sst s2;
	p5 =	sne.s32 s1, $0x1;
	s3 =	sadd.s32 $0xFFFFFFFF, s1  }
0x426: {  	s1 =	sadd.s32 $0x36B0, s9  }
0x427: {  	[spmem:s6] =	stream.indirect.scatter [tilespmem:s7], [sflag:$0x3], $0x1, s1, s8, $0xb8;
	[tilespmem:$0x1F4A0] =	vst v63  }
.Ltmp13:
0x428: {  	_ =	swait.ge [sflag:s20], $0x100;
	(pc) =	sbr.rel @!p5 .LBB2_21-.Ltmp13, $2  }
0x429: {  	s2 =	sld [smem:$0x7FA];
	_ =	sdelay $0x2  }
0x42a: {  	[sflag:s20] =	ssyncset.done $0x0;
	s2 =	sadd.s32 $0xFFFFFFFF, s2  }
.LBB2_20:
0x42b: {  	p6 =	sne.s32 s2, $0x1;
	[sflag:s20] =	ssyncadd.s32 $0xFFFFFF00;
	s1 =	sadd.s32 $0x100, s1  }
.Ltmp14:
0x42c: {  	s2 =	sadd.s32 $0xFFFFFFFF, s2;
	(pc) =	sbr.rel @p6 .LBB2_20-.Ltmp14, $4  }
0x42d: {  	_ = 	snop  }
0x42e: {  	[spmem:s6] =	stream.indirect.scatter [tilespmem:s7], [sflag:$0x3], $0x1, s1, s8, $0xb8;
	[tilespmem:$0x1F4A0] =	vst v63  }
0x42f: {  	_ =	swait.ge [sflag:s20], $0x100  }
0x430: {  	[sflag:s20] =	ssyncset.done $0x0  }
.LBB2_21:
0x431: {  	[sflag:s20] =	ssyncadd.s32 $0xFFFFFF00  }
.LBB2_22:
0x432: {  	[smem:$0x7F4] =	sst s3  }
0x433: {  	[smem:$0x7F5] =	sst s10  }
0x434: {  	s1 =	simm.s32 @!p3 $0x100;
	s2 =	simm.s32 @!p3 $0x10420;
	s3 =	simm.s32 @!p3 $0xFD20  }
0x435: {  	[spmem:s6] =	stream.indirect.scatter @!p3 [tilespmem:s3], [sflag:$0x3], $0x1, s2, s1, $0xb8;
	[tilespmem:$0x1F4A0] =	vst v63  }
0x436: {  	[smem:$0x7F6] =	sst s9;
	s1 =	simm.s32 @!p3 $0x3  }
.Ltmp15:
0x437: {  	_ =	swait.ge @!p3 [sflag:s1], $0x100;
	(pc) =	sbr.rel @p4 .LBB2_27-.Ltmp15, $4  }
0x438: {  	[sflag:s1] =	ssyncset.done @!p3 $0x0  }
0x439: {  	s0 =	smul.u32 $0x60, s0;
	[sflag:s1] =	ssyncadd.s32 @!p3 $0xFFFFFF00  }
0x43a: {  	[bflag:$0x0] =	sbarrier.arrive $0xFFFF  }
0x43b: {  	v10 =	vmov s0  }
0x43c: {  	s0 =	sld [smem:$0x7F6];
	_ =	sdelay $0x2  }
0x43d: {  	s2 =	sadd.s32 $0x36B0, s0  }
0x43e: {  	s1 =	simm.s32 $0x0;
	[smem:$0x7F3] =	sst s2  }
.LBB2_24:
0x43f: {  	s31 =	sld [smem:$0x7F3]  }
0x440: {  	s0 =	sshll.u32 s1, $0xA;
	v11 =	vmov s2  }
0x441: {  	[smem:$0x7F0] =	sst s1;
	s0 =	sshra.s32 s0, $0x2  }
0x442: {  	[smem:$0x7F2] =	sst s2;
	s0 =	sadd.s32 s0, s31  }
0x443: {  	s19 =	simm.s32 $0x0;
	[smem:$0x7F1] =	sst s0  }
.LBB2_25:
0x444: {  	s22 =	sshra.s32 s19, $0x2  }
0x445: {  	v12 =	vld.idx.msk [tilespmem:v11+s22+$0x0 ss:$0x1], $0xffff;
	_ =	sdelay $0x4  }
0x446: {  	(v2sf) =	vpush v12, $0xD;
	_ =	sdelay $0x1  }
0x447: {  	(v2sf) =	vpush v12, $0xC;
	_ =	sdelay $0x1  }
0x448: {  	(v2sf) =	vpush v12, $0xE;
	_ =	sdelay $0x1  }
0x449: {  	(v2sf) =	vpush v12, $0xF;
	_ =	sdelay $0x1  }
0x44a: {  	(v2sf) =	vpush v12, $0x9;
	_ =	sdelay $0x1  }
0x44b: {  	(v2sf) =	vpush v12, $0x8;
	_ =	sdelay $0x1  }
0x44c: {  	(v2sf) =	vpush v12, $0xA  }
0x44d: {  	(v2sf) =	vpush v12, $0xB  }
0x44e: {  	(v2sf) =	vpush v12, $0x0  }
0x44f: {  	s0 =	spop (v2sf)  }
0x450: {  	(v2sf) =	vpush v12, $0x1;
	s1 =	smulhi.u32 $0x68DB8BAD, s0;
	s0 =	sshra.s32 s0, $0x1F  }
0x451: {  	s3 =	spop (v2sf);
	s0 =	smul.u32 $0x68DB8BAD, s0  }
0x452: {  	s5 =	smulhi.u32 $0x68DB8BAD, s3;
	s3 =	sshra.s32 s3, $0x1F  }
0x453: {  	s4 =	spop (v2sf);
	s11 =	smul.u32 $0x68DB8BAD, s3  }
0x454: {  	(v2sf) =	vpush v12, $0x2;
	s12 =	smulhi.u32 $0x68DB8BAD, s4;
	s4 =	sshra.s32 s4, $0x1F  }
0x455: {  	(v2sf) =	vpush v12, $0x3;
	s9 =	spop (v2sf);
	s14 =	smul.u32 $0x68DB8BAD, s4  }
0x456: {  	(v2sf) =	vpush v12, $0x4;
	s15 =	smulhi.u32 $0x68DB8BAD, s9;
	s3 =	sshra.s32 s9, $0x1F  }
0x457: {  	(v2sf) =	vpush v12, $0x5;
	s13 =	spop (v2sf);
	s17 =	smul.u32 $0x68DB8BAD, s3  }
0x458: {  	(v2sf) =	vpush v12, $0x6;
	s18 =	smulhi.u32 $0x68DB8BAD, s13;
	s13 =	sshra.s32 s13, $0x1F  }
0x459: {  	(v2sf) =	vpush v12, $0x7;
	s10 =	spop (v2sf);
	s23 =	smul.u32 $0x68DB8BAD, s13  }
0x45a: {  	s3 =	sadd.s32 s0, s1;
	s25 =	smulhi.u32 $0x68DB8BAD, s10;
	s7 =	sshra.s32 s10, $0x1F  }
0x45b: {  	s16 =	spop (v2sf);
	s12 =	sadd.s32 s14, s12;
	s28 =	smul.u32 $0x68DB8BAD, s7  }
0x45c: {  	s20 =	spop (v2sf);
	s30 =	smulhi.u32 $0x68DB8BAD, s16;
	s8 =	sshra.s32 s16, $0x1F  }
0x45d: {  	s0 =	sadd.s32 s17, s15;
	s21 =	spop (v2sf);
	s31 =	smul.u32 $0x68DB8BAD, s8  }
0x45e: {  	s10 =	smulhi.u32 $0x68DB8BAD, s20;
	s13 =	sshra.s32 s20, $0x1F;
	s17 =	sadd.s32 s23, s18  }
0x45f: {  	s23 =	sshrl.u32 s0, $0x1F;
	s24 =	spop (v2sf);
	s8 =	smul.u32 $0x68DB8BAD, s13  }
0x460: {  	s13 =	sadd.s32 s11, s5;
	s5 =	smulhi.u32 $0x68DB8BAD, s21;
	s9 =	sshra.s32 s21, $0x1F  }
0x461: {  	s11 =	sshrl.u32 s3, $0x1F;
	s1 =	sadd.s32 s28, s25;
	s9 =	smul.u32 $0x68DB8BAD, s9  }
0x462: {  	s28 =	sshrl.u32 s17, $0x1F;
	s20 =	smulhi.u32 $0x68DB8BAD, s24;
	s14 =	sshra.s32 s24, $0x1F  }
0x463: {  	s26 =	spop (v2sf);
	s21 =	sshrl.u32 s13, $0x1F;
	s7 =	smul.u32 $0x68DB8BAD, s14  }
0x464: {  	s29 =	spop (v2sf);
	s18 =	smulhi.u32 $0x68DB8BAD, s26;
	s26 =	sshra.s32 s26, $0x1F  }
0x465: {  	s15 =	sadd.s32 s31, s30;
	s16 =	spop (v2sf);
	s25 =	smul.u32 $0x68DB8BAD, s26  }
0x466: {  	s26 =	smulhi.u32 $0x68DB8BAD, s29;
	s31 =	sshra.s32 s29, $0x1F;
	s2 =	spop (v2sf)  }
0x467: {  	s14 =	sadd.s32 s8, s10;
	s8 =	smul.u32 $0x68DB8BAD, s31;
	s4 =	spop (v2sf)  }
0x468: {  	s7 =	sadd.s32 s7, s20;
	s20 =	smulhi.u32 $0x68DB8BAD, s16;
	s29 =	spop (v2sf)  }
0x469: {  	s5 =	sadd.s32 s9, s5;
	s9 =	smulhi.u32 $0x68DB8BAD, s29;
	s10 =	sshra.s32 s29, $0x1F  }
0x46a: {  	vm1 =	vcmask $0xB08;
	s24 =	sshrl.u32 s12, $0x1F;
	v14 =	vmov s21;
	s16 =	sshra.s32 s16, $0x1F;
	s10 =	smul.u32 $0x68DB8BAD, s10  }
0x46b: {  	vm2 =	vcmask $0x1310;
	v14 =	vsel vm1, s11, v14;
	s18 =	sadd.s32 s25, s18;
	s25 =	sshrl.u32 s1, $0x1F;
	s31 =	smul.u32 $0x68DB8BAD, s16  }
0x46c: {  	v14 =	vsel vm2, s24, v14;
	s1 =	sshra.s32 s1, $0xC;
	s8 =	sadd.s32 s8, s26;
	s16 =	sadd.s32 s10, s9  }
0x46d: {  	v14 =	vsel vm3, s23, v14;
	s26 =	sshrl.u32 s14, $0x1F;
	s23 =	sshra.s32 s18, $0xC;
	s10 =	sshra.s32 s16, $0x1F  }
0x46e: {  	vm0 =	vcmask $0x300;
	v16 =	vmov s25;
	s25 =	sshra.s32 s18, $0x1F;
	s20 =	sadd.s32 s31, s20;
	s29 =	sshra.s32 s5, $0xC;
	v13 =	vmov s10  }
0x46f: {  	vm9 =	vcmask $0x704;
	s31 =	sshrl.u32 s5, $0x1F;
	s11 =	smulhi.u32 $0x68DB8BAD, s2;
	s5 =	sshra.s32 s5, $0x1F;
	v13 =	vsel vm0, s29, v13  }
0x470: {  	vm6 =	vcmask $0x2B28;
	s2 =	sshra.s32 s2, $0x1F;
	v15 =	vmov s31;
	s31 =	sshrl.u32 s18, $0x1F;
	s29 =	sshra.s32 s7, $0xC;
	v13 =	vsel vm9, s5, v13  }
0x471: {  	s2 =	smul.u32 $0x68DB8BAD, s2;
	v15 =	vnsel vm0, $0x0, v15;
	s10 =	sshrl.u32 s7, $0x1F;
	s7 =	sshra.s32 s7, $0x1F;
	vm0 =	vcmask $0xF0C;
	v13 =	vsel vm1, s29, v13  }
0x472: {  	v17 =	vmov s1;
	v16 =	vsel vm1, s28, v16;
	s21 =	smulhi.u32 $0x68DB8BAD, s4;
	s18 =	sshra.s32 s17, $0xC;
	s9 =	sshrl.u32 s15, $0x1F;
	v13 =	vsel vm0, s7, v13  }
0x473: {  	s4 =	sshra.s32 s4, $0x1F;
	v17 =	vsel vm1, s18, v17;
	s2 =	sadd.s32 s2, s11;
	s11 =	sshra.s32 s13, $0xC;
	v16 =	vsel vm2, s9, v16;
	v13 =	vsel vm2, s23, v13  }
0x474: {  	s4 =	smul.u32 $0x68DB8BAD, s4;
	v58 =	vmov s11;
	v16 =	vsel vm3, s26, v16;
	s29 =	sshra.s32 s8, $0xC;
	v13 =	vsel vm10, s25, v13  }
0x475: {  	s3 =	sshra.s32 s3, $0xC;
	s24 =	sshrl.u32 s8, $0x1F;
	v15 =	vsel vm1, s10, v15;
	v14 =	vcombine.low v16, v14;
	s8 =	sshra.s32 s8, $0x1F;
	v13 =	vsel vm3, s29, v13  }
0x476: {  	s4 =	sadd.s32 s4, s21;
	s21 =	sshra.s32 s12, $0xC;
	s10 =	sshra.s32 s20, $0xC;
	v16 =	vsel vm1, s3, v58;
	vm0 =	vcmask $0x2320;
	v13 =	vsel vm13, s8, v13  }
0x477: {  	s0 =	sshra.s32 s0, $0xC;
	s13 =	sshra.s32 s20, $0x1F;
	v15 =	vsel vm2, s31, v15;
	v16 =	vsel vm2, s21, v16;
	v13 =	vsel vm0, s10, v13  }
0x478: {  	s28 =	sshrl.u32 s20, $0x1F;
	s20 =	sshra.s32 s2, $0xC;
	v15 =	vsel vm3, s24, v15;
	v16 =	vsel vm3, s0, v16;
	s23 =	sshra.s32 s15, $0xC;
	v13 =	vsel vm11, s13, v13  }
0x479: {  	s24 =	sshra.s32 s2, $0x1F;
	v14 =	vperm.xlane v14, v3;
	v17 =	vsel vm2, s23, v17;
	s25 =	sshra.s32 s14, $0xC;
	v13 =	vsel vm6, s20, v13  }
0x47a: {  	v59 =	vld [tilespmem:$0x1FFF0];
	s26 =	sshra.s32 s4, $0xC;
	s31 =	sshrl.u32 s2, $0x1F;
	v15 =	vsel vm0, s28, v15;
	v17 =	vsel vm3, s25, v17;
	v13 =	vsel vm15, s24, v13  }
0x47b: {  	s9 =	sshrl.u32 s4, $0x1F;
	v15 =	vsel vm6, s31, v15;
	s29 =	sshra.s32 s4, $0x1F;
	v16 =	vcombine.low v17, v16;
	v13 =	vsel vm4, s26, v13  }
0x47c: {  	s28 =	sshrl.u32 s16, $0x1F;
	s31 =	sshra.s32 s16, $0xC;
	v15 =	vsel vm4, s9, v15;
	vm0 =	vcmask $0x3B38;
	v13 =	vsel vm14, s29, v13  }
0x47d: {  	v15 =	vsel vm0, s28, v15;
	v16 =	vperm.xlane v16, v3;
	v13 =	vsel vm0, s31, v13  }
0x47e: {  	v15 =	vperm.xlane v15, v5;
	v13 =	vperm.xlane v13, v5  }
0x47f: {  	vm0 =	vnez.u8 v59  }
0x480: {  	v14 =	vsel vm0, v15, v14;
	v13 =	vsel vm0, v13, v16  }
0x481: {  	v13 =	vadd.s32 v14, v13  }
0x482: {  	v14 =	vmul.u32 $0xFFFFD8F0, v13;
	_ =	sdelay $0x1  }
0x483: {  	vm0 =	vmmov vm13;
	v14 =	vadd.s32 v12, v14  }
0x484: {  	vm13 =	vmmov vm10;
	vm10 =	vlt.s32 v12, $0x1;
	vm9 =	vne.s32 v14, $0x0  }
0x485: {  	v13 =	vadd.s32 v10, v13;
	vm9 =	vmand vm10, vm9  }
0x486: {  	v61 =	vadd.s32 $0x2710, v14;
	v60 =	vsel vm9, $0xFFFFFFFF, v2;
	vm9 =	vlt.s32 v14, $0x0  }
0x487: {  	v14 =	vsel vm9, v61, v14;
	vm9 =	vgt.s32 v12, $0xEA5FF;
	v62 =	vadd.s32 v60, v13  }
0x488: {  	v12 =	vsel vm9, $0x0, v62;
	_ =	sdelay $0x2  }
0x489: {  	s30 =	simm.s32 $0x0  }
0x48a: {  	v63 =	vld.idx.msk [tilespmem:v14+s30+$0x0], $0xffff  }
0x48b: {  	v12 =	vld.idx.msk [tilespmem:v12+s30+$0x0], $0xffff;
	_ =	sdelay $0x4  }
0x48c: {  	v13 =	vmul.f32 v63, v7;
	v12 =	vmul.f32 v12, v8;
	_ =	sdelay $0x1  }
0x48d: {  	p6 =	sne.s32 s19, $0x3C0;
	v12 =	vadd.f32 v12, v13  }
.Ltmp16:
0x48e: {  	_ = 	snop;
	(pc) =	sbr.rel @p6 .LBB2_25-.Ltmp16, $3  }
0x48f: {  	v12 =	vadd.f32 v12, v9;
	_ =	sdelay $0x1  }
0x490: {  	v12 =	vsel vm9, $0x0, v12  }
0x491: {  	s19 =	sadd.s32 $0x40, s19;
	vm10 =	vmmov vm13;
	vm13 =	vmmov vm0;
	[tilespmem:s22+$0x10320] =	vst v12  }
0x492: {  	s1 =	sld [smem:$0x7F1];
	_ =	sdelay $0x1  }
0x493: {  	s8 =	simm.s32 $0x100;
	s0 =	simm.s32 $0x10320;
	s20 =	simm.s32 $0x3  }
0x494: {  	[spmem:s6] =	stream.indirect.scatter.add.f32 [tilespmem:s0], [sflag:$0x3], $0x1, s1, s8, $0xb8;
	[tilespmem:$0x1F4A0] =	vst v63  }
0x495: {  	_ =	swait.ge [sflag:s20], $0x100  }
0x496: {  	s29 =	sld [smem:$0x7F0]  }
0x497: {  	s31 =	sld [smem:$0x7FA];
	_ =	sdelay $0x1  }
0x498: {  	s1 =	sadd.s32 $0x1, s29  }
0x499: {  	p6 =	sne.s32 s1, s31  }
.Ltmp17:
0x49a: {  	_ = 	snop;
	(pc) =	sbr.rel @p6 .LBB2_24-.Ltmp17, $3  }
0x49b: {  	s2 =	sld [smem:$0x7F2];
	_ =	sdelay $0x1  }
0x49c: {  	[sflag:s20] =	ssyncset.done $0x0  }
0x49d: {  	[sflag:s20] =	ssyncadd.s32 $0xFFFFFF00;
	s2 =	sadd.s32 $0x100, s2  }
.LBB2_27:
.Ltmp18:
0x49e: {  	(pc) =	sbr.rel @p3 .LBB2_31-.Ltmp18, $1  }
0x49f: {  	_ =	sdelay $0x3  }
0x4a0: {  	s1 =	simm.s32 $0x0  }
0x4a1: {  	v12 =	vld [tilespmem:s1+$0x10420];
	_ =	sdelay $0x4  }
0x4a2: {  	(v2sf) =	vpush v12, $0x0  }
0x4a3: {  	(v2sf) =	vpush v12, $0x7;
	_ =	sdelay $0x2  }
0x4a4: {  	(v2sf) =	vpush v12, $0x1  }
0x4a5: {  	(v2sf) =	vpush v12, $0x2;
	_ =	sdelay $0x1  }
0x4a6: {  	(v2sf) =	vpush v12, $0xD;
	_ =	sdelay $0x2  }
0x4a7: {  	(v2sf) =	vpush v12, $0x5  }
0x4a8: {  	(v2sf) =	vpush v12, $0x8;
	_ =	sdelay $0x1  }
0x4a9: {  	(v2sf) =	vpush v12, $0x3;
	_ =	sdelay $0x1  }
0x4aa: {  	(v2sf) =	vpush v12, $0xB;
	s8 =	spop (v2sf)  }
0x4ab: {  	(v2sf) =	vpush v12, $0x9;
	s17 =	spop (v2sf);
	s16 =	smulhi.u32 $0x68DB8BAD, s8  }
0x4ac: {  	s8 =	sshra.s32 s8, $0x1F;
	s3 =	smulhi.u32 $0x68DB8BAD, s17  }
0x4ad: {  	(v2sf) =	vpush v12, $0x4;
	s18 =	sshra.s32 s17, $0x1F;
	s8 =	smul.u32 $0x68DB8BAD, s8  }
0x4ae: {  	s5 =	spop (v2sf);
	s6 =	smul.u32 $0x68DB8BAD, s18  }
0x4af: {  	(v2sf) =	vpush v12, $0xC;
	s13 =	spop (v2sf);
	s11 =	smulhi.u32 $0x68DB8BAD, s5  }
0x4b0: {  	(v2sf) =	vpush v12, $0xF;
	s5 =	sshra.s32 s5, $0x1F;
	s30 =	smulhi.u32 $0x68DB8BAD, s13  }
0x4b1: {  	s4 =	spop (v2sf);
	s2 =	smul.u32 $0x68DB8BAD, s5  }
0x4b2: {  	s13 =	sshra.s32 s13, $0x1F;
	s10 =	smulhi.u32 $0x68DB8BAD, s4  }
0x4b3: {  	s7 =	sshra.s32 s4, $0x1F;
	s4 =	smul.u32 $0x68DB8BAD, s13  }
0x4b4: {  	(v2sf) =	vpush v12, $0xA;
	s14 =	spop (v2sf);
	s7 =	smul.u32 $0x68DB8BAD, s7  }
0x4b5: {  	s15 =	spop (v2sf);
	s19 =	smulhi.u32 $0x68DB8BAD, s14  }
0x4b6: {  	s23 =	sshra.s32 s14, $0x1F;
	s22 =	smulhi.u32 $0x68DB8BAD, s15  }
0x4b7: {  	s20 =	simm.s32 $0x10;
	(v2sf) =	vpush v12, $0xE;
	s18 =	spop (v2sf);
	s25 =	smul.u32 $0x68DB8BAD, s23  }
0x4b8: {  	v11 =	vld [tilespmem:s20+$0x10420];
	s15 =	sshra.s32 s15, $0x1F;
	[smem:$0x7DD] =	sst s19;
	s14 =	smulhi.u32 $0x68DB8BAD, s18  }
0x4b9: {  	(v2sf) =	vpush v12, $0x6;
	s19 =	spop (v2sf);
	s26 =	smul.u32 $0x68DB8BAD, s15;
	s18 =	sshra.s32 s18, $0x1F  }
0x4ba: {  	s21 =	simm.s32 $0x10;
	s20 =	spop (v2sf);
	s17 =	smul.u32 $0x68DB8BAD, s18  }
0x4bb: {  	[dreg:$0x6] =	wrdreg s21;
	s24 =	smulhi.u32 $0x68DB8BAD, s20;
	s20 =	sshra.s32 s20, $0x1F  }
0x4bc: {  	s21 =	spop (v2sf);
	s12 =	smul.u32 $0x68DB8BAD, s20  }
0x4bd: {  	(v2sf) =	vpush v11, $0x0;
	[smem:$0x7E0] =	sst s26;
	s28 =	smulhi.u32 $0x68DB8BAD, s21  }
0x4be: {  	[smem:$0x7DF] =	sst s24;
	s24 =	spop (v2sf);
	(v2sf) =	vpush v11, $0x7  }
0x4bf: {  	s23 =	sshra.s32 s21, $0x1F;
	s20 =	smulhi.u32 $0x68DB8BAD, s19;
	s26 =	spop (v2sf);
	(v2sf) =	vpush v11, $0x1  }
0x4c0: {  	s0 =	simm.s32 $0x0;
	s19 =	sshra.s32 s19, $0x1F;
	s15 =	smul.u32 $0x68DB8BAD, s23  }
0x4c1: {  	[dreg:$0x7] =	wrdreg s0;
	s19 =	smul.u32 $0x68DB8BAD, s19;
	(v2sf) =	vpush v11, $0x2  }
0x4c2: {  	s10 =	sadd.s32 s7, s10;
	s7 =	sadd.s32 s2, s11;
	s31 =	smulhi.u32 $0x68DB8BAD, s24  }
0x4c3: {  	s11 =	sadd.s32 s4, s30;
	s1 =	spop (v2sf);
	s21 =	smulhi.u32 $0x68DB8BAD, s26;
	(v2sf) =	vpush v11, $0xD  }
0x4c4: {  	[smem:$0x7DE] =	sst s25;
	s26 =	sshra.s32 s26, $0x1F;
	s5 =	smulhi.u32 $0x68DB8BAD, s1  }
0x4c5: {  	s4 =	sld [smem:$0x7DD];
	s23 =	sshra.s32 s1, $0x1F;
	s1 =	smul.u32 $0x68DB8BAD, s26  }
0x4c6: {  	s29 =	spop (v2sf);
	s13 =	smul.u32 $0x68DB8BAD, s23  }
0x4c7: {  	[smem:$0x7E4] =	sst s20;
	s9 =	smulhi.u32 $0x68DB8BAD, s29;
	(v2sf) =	vpush v11, $0x5  }
0x4c8: {  	s29 =	sshra.s32 s29, $0x1F;
	[smem:$0x7E5] =	sst s21;
	s23 =	spop (v2sf)  }
0x4c9: {  	[smem:$0x7E1] =	sst s5;
	s18 =	smul.u32 $0x68DB8BAD, s29  }
0x4ca: {  	s24 =	sshra.s32 s24, $0x1F;
	s25 =	smulhi.u32 $0x68DB8BAD, s23;
	[smem:$0x7E6] =	sst s1  }
0x4cb: {  	[smem:$0x7E2] =	sst s9;
	s9 =	smul.u32 $0x68DB8BAD, s24  }
0x4cc: {  	s8 =	sadd.s32 s8, s16;
	(v2sf) =	vpush v11, $0x8;
	[smem:$0x7E3] =	sst s18;
	s5 =	spop (v2sf)  }
0x4cd: {  	(v2sf) =	vpush v11, $0x3;
	s24 =	sshra.s32 s23, $0x1F;
	[smem:$0x7E7] =	sst s25;
	s18 =	spop (v2sf)  }
0x4ce: {  	s6 =	sadd.s32 s6, s3;
	s25 =	smul.u32 $0x68DB8BAD, s24;
	s20 =	spop (v2sf)  }
0x4cf: {  	(v2sf) =	vpush v11, $0xB;
	s21 =	sshra.s32 s18, $0x1F;
	s23 =	smulhi.u32 $0x68DB8BAD, s18;
	s18 =	sld [smem:$0x7DE]  }
0x4d0: {  	s17 =	sadd.s32 s17, s14;
	s1 =	spop (v2sf);
	s3 =	smul.u32 $0x68DB8BAD, s21  }
0x4d1: {  	(v2sf) =	vpush v11, $0x9;
	s30 =	smulhi.u32 $0x68DB8BAD, s20;
	s0 =	sshra.s32 s20, $0x1F;
	s20 =	sld [smem:$0x7DF]  }
0x4d2: {  	s16 =	sadd.s32 s15, s28;
	s21 =	sld [smem:$0x7E0];
	s24 =	spop (v2sf)  }
0x4d3: {  	[smem:$0x7E8] =	sst s23;
	s29 =	smulhi.u32 $0x68DB8BAD, s24;
	s26 =	sshra.s32 s24, $0x1F  }
0x4d4: {  	[smem:$0x7E9] =	sst s30;
	s4 =	sadd.s32 s18, s4;
	s24 =	smul.u32 $0x68DB8BAD, s0  }
0x4d5: {  	s30 =	sld [smem:$0x7E1];
	s23 =	smul.u32 $0x68DB8BAD, s26;
	s26 =	sadd.s32 s12, s20  }
0x4d6: {  	s18 =	sadd.s32 s21, s22;
	s22 =	spop (v2sf);
	s21 =	smulhi.u32 $0x68DB8BAD, s1  }
0x4d7: {  	s1 =	sshra.s32 s1, $0x1F;
	s12 =	sld [smem:$0x7E2];
	s20 =	smulhi.u32 $0x68DB8BAD, s22  }
0x4d8: {  	s0 =	sshra.s32 s22, $0x1F;
	s2 =	sadd.s32 s13, s30;
	s13 =	sld [smem:$0x7E3]  }
0x4d9: {  	s14 =	smul.u32 $0x68DB8BAD, s1;
	s30 =	sadd.s32 s9, s31;
	s9 =	sld [smem:$0x7E4]  }
0x4da: {  	s15 =	smul.u32 $0x68DB8BAD, s0;
	s23 =	sadd.s32 s23, s29;
	[smem:$0x7EA] =	sst s2  }
0x4db: {  	s31 =	spop (v2sf);
	s29 =	sshrl.u32 s26, $0x1F;
	[smem:$0x7ED] =	sst s23  }
0x4dc: {  	s1 =	spop (v2sf);
	s0 =	sshra.s32 s31, $0x1F;
	s23 =	sld [smem:$0x7E9]  }
0x4dd: {  	s14 =	sadd.s32 s14, s21;
	s28 =	sadd.s32 s13, s12;
	s13 =	smulhi.u32 $0x68DB8BAD, s5  }
0x4de: {  	s22 =	spop (v2sf);
	s15 =	sadd.s32 s15, s20;
	s12 =	smulhi.u32 $0x68DB8BAD, s31  }
0x4df: {  	[smem:$0x7EB] =	sst s22;
	s19 =	sadd.s32 s19, s9;
	s9 =	smul.u32 $0x68DB8BAD, s0  }
0x4e0: {  	s5 =	sshra.s32 s5, $0x1F;
	s0 =	spop (v2sf);
	s22 =	sld [smem:$0x7E5]  }
0x4e1: {  	s20 =	sshra.s32 s11, $0x1F;
	s31 =	sld [smem:$0x7E6];
	s5 =	smul.u32 $0x68DB8BAD, s5  }
0x4e2: {  	s2 =	smulhi.u32 $0x68DB8BAD, s0;
	s0 =	sshra.s32 s0, $0x1F;
	s23 =	sadd.s32 s24, s23  }
0x4e3: {  	s24 =	sshra.s32 s6, $0x1F;
	s0 =	smul.u32 $0x68DB8BAD, s0;
	s21 =	sadd.s32 s9, s12  }
0x4e4: {  	s12 =	sshra.s32 s4, $0x1F;
	s31 =	sadd.s32 s31, s22;
	s22 =	sld [smem:$0x7E7]  }
0x4e5: {  	v13 =	vmov s24;
	s24 =	sshrl.u32 s11, $0x1F;
	s11 =	sshra.s32 s11, $0xC;
	s9 =	sshra.s32 s26, $0xC  }
0x4e6: {  	(v2sf) =	vpush v11, $0x4;
	s26 =	sshrl.u32 s10, $0x1F;
	s13 =	sadd.s32 s5, s13;
	[smem:$0x7EE] =	sst s21  }
0x4e7: {  	(v2sf) =	vpush v11, $0xC;
	s5 =	sshra.s32 s4, $0xC;
	s25 =	sadd.s32 s25, s22;
	s22 =	sld [smem:$0x7E8]  }
0x4e8: {  	vm12 =	vcmask $0x300;
	(v2sf) =	vpush v11, $0xF;
	s4 =	sshrl.u32 s4, $0x1F;
	s21 =	sshra.s32 s18, $0xC;
	s18 =	sshrl.u32 s18, $0x1F  }
0x4e9: {  	vm1 =	vmmov vm13;
	vm13 =	vcmask $0x704;
	s0 =	sadd.s32 s0, s2;
	s2 =	sshra.s32 s8, $0xC;
	v15 =	vmov s18;
	s18 =	sshra.s32 s6, $0xC  }
0x4ea: {  	vm2 =	vcmask $0xB08;
	(v2sf) =	vpush v11, $0xA;
	v16 =	vmov s21;
	s21 =	sshrl.u32 s6, $0x1F;
	[smem:$0x7EF] =	sst s0;
	s3 =	sadd.s32 s3, s22  }
0x4eb: {  	vm7 =	vmmov vm14;
	vm14 =	vcmask $0xF0C;
	vm0 =	vcmask $0x1310;
	[smem:$0x7EC] =	sst s3;
	s3 =	smulhi.u32 $0x68DB8BAD, s1;
	s1 =	sshra.s32 s1, $0x1F  }
0x4ec: {  	vm5 =	vcmask $0x2B28;
	(v2sf) =	vpush v11, $0xE;
	s0 =	sshra.s32 s8, $0x1F;
	s8 =	sshrl.u32 s8, $0x1F;
	v13 =	vsel vm12, s2, v13;
	s1 =	smul.u32 $0x68DB8BAD, s1  }
0x4ed: {  	vm6 =	vmmov vm4;
	vm8 =	vmmov vm1;
	s2 =	sshra.s32 s10, $0xC;
	s10 =	sshra.s32 s16, $0xC;
	v13 =	vsel vm13, s0, v13;
	s22 =	sshra.s32 s7, $0xC  }
0x4ee: {  	vm9 =	vlt.s32 v12, $0x1;
	v14 =	vmov s8;
	v13 =	vsel vm2, s22, v13;
	s3 =	sadd.s32 s1, s3;
	s1 =	sshrl.u32 s7, $0x1F;
	s7 =	sshra.s32 s7, $0x1F  }
0x4ef: {  	v15 =	vsel vm2, s29, v15;
	s0 =	sshrl.u32 s19, $0x1F;
	v14 =	vnsel vm12, $0x0, v14;
	s29 =	sshrl.u32 s25, $0x1F;
	s22 =	sshra.s32 s17, $0xC;
	v13 =	vsel vm14, s7, v13  }
0x4f0: {  	vm9 =	vmmov vm9;
	s7 =	sshra.s32 s17, $0x1F;
	s17 =	sshrl.u32 s17, $0x1F;
	v14 =	vsel vm2, s1, v14;
	s1 =	sshra.s32 s19, $0xC;
	v13 =	vsel vm0, s11, v13  }
0x4f1: {  	(v2sf) =	vpush v11, $0x6;
	s19 =	sshrl.u32 s30, $0x1F;
	v14 =	vsel vm0, s24, v14;
	v13 =	vsel vm10, s20, v13;
	s20 =	sshra.s32 s30, $0xC;
	s30 =	sld [smem:$0x7EA]  }
0x4f2: {  	v16 =	vsel vm2, s9, v16;
	s9 =	sshra.s32 s25, $0xC;
	s6 =	sld [smem:$0x7EC];
	s11 =	sshra.s32 s28, $0xC;
	v17 =	vmov s19;
	v14 =	vsel vm3, s17, v14  }
0x4f3: {  	s28 =	sshrl.u32 s28, $0x1F;
	s19 =	sshra.s32 s25, $0x1F;
	s17 =	sshra.s32 s16, $0x1F;
	v17 =	vsel vm2, s26, v17;
	v13 =	vsel vm3, s22, v13;
	v18 =	vmov s20  }
0x4f4: {  	s22 =	sshrl.u32 s16, $0x1F;
	v17 =	vsel vm0, s28, v17;
	s28 =	simm.s32 $0x20;
	v13 =	vsel vm1, s7, v13;
	vm1 =	vcmask $0x2320;
	s8 =	sshrl.u32 s30, $0x1F  }
0x4f5: {  	v18 =	vsel vm2, s2, v18;
	s24 =	sshra.s32 s30, $0xC;
	v14 =	vsel vm1, s22, v14;
	s30 =	spop (v2sf);
	v13 =	vsel vm1, s10, v13;
	s22 =	sld [smem:$0x7EB]  }
0x4f6: {  	v18 =	vsel vm0, s11, v18;
	s25 =	spop (v2sf);
	v14 =	vsel vm5, s4, v14;
	v16 =	vsel vm0, s24, v16;
	s4 =	sshra.s32 s31, $0xC;
	s10 =	sshra.s32 s30, $0x1F  }
0x4f7: {  	v15 =	vsel vm0, s8, v15;
	s8 =	sshrl.u32 s31, $0x1F;
	v13 =	vsel vm11, s17, v13;
	s16 =	spop (v2sf);
	v16 =	vsel vm3, s1, v16;
	s2 =	smul.u32 $0x68DB8BAD, s10  }
0x4f8: {  	v15 =	vsel vm3, s0, v15;
	v13 =	vsel vm5, s5, v13;
	v17 =	vsel vm3, s8, v17;
	s8 =	sshra.s32 s25, $0x1F;
	s1 =	smulhi.u32 $0x68DB8BAD, s22;
	s20 =	sshra.s32 s22, $0x1F  }
0x4f9: {  	v18 =	vsel vm3, s4, v18;
	v14 =	vsel vm4, s29, v14;
	s24 =	spop (v2sf);
	s22 =	sshra.s32 s6, $0x1F;
	v19 =	vsel vm15, s12, v13;
	s8 =	smul.u32 $0x68DB8BAD, s8  }
0x4fa: {  	s7 =	sshrl.u32 s23, $0x1F;
	v15 =	vcombine.low v15, v17;
	v16 =	vcombine.low v16, v18;
	s26 =	sshra.s32 s24, $0x1F;
	s17 =	smulhi.u32 $0x68DB8BAD, s24;
	v20 =	vmov s22  }
0x4fb: {  	v13 =	vld [tilespmem:s28+$0x10420];
	s24 =	sshra.s32 s13, $0xC;
	v19 =	vsel vm4, s9, v19;
	s9 =	spop (v2sf);
	vm4 =	vmmov vm11;
	vm11 =	vlt.s32 v11, $0x1;
	s5 =	smul.u32 $0x68DB8BAD, s26  }
0x4fc: {  	s10 =	sshra.s32 s23, $0xC;
	v20 =	vsel vm12, s24, v20;
	s26 =	sshra.s32 s13, $0x1F;
	v19 =	vsel vm7, s19, v19;
	s12 =	smulhi.u32 $0x68DB8BAD, s9;
	vm7 =	vcmask $0x3B38  }
0x4fd: {  	s19 =	sshra.s32 s23, $0x1F;
	s13 =	sshrl.u32 s13, $0x1F;
	s23 =	smulhi.u32 $0x68DB8BAD, s25;
	v15 =	vperm.xlane v15, v3;
	v16 =	vperm.xlane v16, v3;
	v20 =	vsel vm13, s26, v20  }
0x4fe: {  	s4 =	sshra.s32 s15, $0x1F;
	s22 =	sld [smem:$0x7ED];
	s24 =	smulhi.u32 $0x68DB8BAD, s30;
	v19 =	vsel vm7, s18, v19;
	v14 =	vsel vm7, s21, v14;
	v21 =	vmov s13  }
0x4ff: {  	s25 =	sshra.s32 s14, $0xC;
	v20 =	vsel vm2, s10, v20;
	s13 =	sadd.s32 s5, s17;
	v21 =	vnsel vm12, $0x0, v21;
	s5 =	sadd.s32 s8, s23;
	v14 =	vperm.xlane v14, v5  }
0x500: {  	v18 =	vld [tilespmem:$0x1FFF0];
	s9 =	sshra.s32 s9, $0x1F;
	s11 =	sadd.s32 s2, s24;
	v20 =	vsel vm14, s19, v20;
	(v2sf) =	vpush v13, $0x0;
	v21 =	vsel vm2, s7, v21;
	s24 =	sshrl.u32 s5, $0x1F  }
0x501: {  	s26 =	sshra.s32 s14, $0x1F;
	s30 =	smul.u32 $0x68DB8BAD, s9;
	s9 =	sshra.s32 s3, $0x1F;
	v20 =	vsel vm0, s25, v20;
	(v2sf) =	vpush v13, $0x7;
	v22 =	vmov s24  }
0x502: {  	s18 =	smulhi.u32 $0x68DB8BAD, s16;
	s0 =	sshrl.u32 s22, $0x1F;
	s7 =	sshra.s32 s3, $0xC;
	v20 =	vsel vm10, s26, v20;
	(v2sf) =	vpush v13, $0x1;
	vm10 =	vmmov vm9  }
0x503: {  	s10 =	smul.u32 $0x68DB8BAD, s20;
	s2 =	simm.s32 $0xC0;
	s23 =	sshra.s32 s16, $0x1F;
	vm9 =	vmmov vm11;
	v20 =	vsel vm3, s7, v20;
	(v2sf) =	vpush v13, $0x2  }
0x504: {  	s3 =	sshrl.u32 s3, $0x1F;
	vm11 =	vlt.s32 v13, $0x1;
	v17 =	vsel vm8, s9, v20;
	s9 =	sadd.s32 s30, s12;
	s12 =	sshrl.u32 s14, $0x1F;
	(v2sf) =	vpush v13, $0xD  }
0x505: {  	s16 =	smul.u32 $0x68DB8BAD, s23;
	s26 =	sshra.s32 s11, $0xC;
	s14 =	sld [smem:$0x7EE];
	vm8 =	vnez.u8 v18;
	v20 =	vsel vm0, s12, v21;
	(v2sf) =	vpush v13, $0x5  }
0x506: {  	s19 =	sld [smem:$0x7EF];
	s21 =	sshrl.u32 s11, $0x1F;
	s5 =	sshra.s32 s5, $0xC;
	v17 =	vsel vm1, s26, v17;
	v14 =	vsel vm8, v14, v15;
	(v2sf) =	vpush v13, $0x8  }
0x507: {  	s12 =	sadd.s32 s16, s18;
	s18 =	sshra.s32 s22, $0xC;
	v15 =	vperm.xlane v19, v5;
	s22 =	sshra.s32 s11, $0x1F;
	v20 =	vsel vm3, s3, v20;
	(v2sf) =	vpush v13, $0x3  }
0x508: {  	s8 =	sadd.s32 s10, s1;
	s7 =	spop (v2sf);
	v17 =	vsel vm4, s22, v17;
	vm4 =	vmmov vm7;
	s17 =	sshrl.u32 s14, $0x1F;
	(v2sf) =	vpush v13, $0xB  }
0x509: {  	s20 =	sshrl.u32 s19, $0x1F;
	s30 =	sshrl.u32 s15, $0x1F;
	v20 =	vsel vm1, s21, v20;
	s25 =	sshra.s32 s14, $0xC;
	v15 =	vsel vm8, v15, v16;
	v21 =	vmov s17  }
0x50a: {  	s1 =	sshra.s32 s15, $0xC;
	s10 =	sshra.s32 s19, $0xC;
	v23 =	vmov s25;
	s17 =	sshrl.u32 s13, $0x1F;
	v18 =	vsel vm5, s30, v20;
	v21 =	vsel vm2, s20, v21  }
0x50b: {  	s19 =	smulhi.u32 $0x68DB8BAD, s7;
	s3 =	sshra.s32 s7, $0x1F;
	s13 =	sshra.s32 s13, $0xC;
	v19 =	vsel vm2, s10, v23;
	(v2sf) =	vpush v13, $0x9;
	v20 =	vsel vm0, s17, v21  }
0x50c: {  	s26 =	sshra.s32 s12, $0xC;
	s12 =	sshrl.u32 s12, $0x1F;
	s3 =	smul.u32 $0x68DB8BAD, s3;
	(v2sf) =	vpush v13, $0x4;
	v16 =	vsel vm0, s13, v19;
	v19 =	vmov s5  }
0x50d: {  	s21 =	sshrl.u32 s6, $0x1F;
	s25 =	sshrl.u32 s8, $0x1F;
	s8 =	sshra.s32 s8, $0xC;
	v21 =	vsel vm2, s0, v22;
	v22 =	vsel vm5, s1, v17;
	v17 =	vadd.s32 v14, v15  }
0x50e: {  	s20 =	sshra.s32 s9, $0xC;
	s9 =	sshrl.u32 s9, $0x1F;
	s3 =	sadd.s32 s3, s19;
	(v2sf) =	vpush v13, $0xC;
	v16 =	vsel vm3, s8, v16;
	v20 =	vsel vm3, s25, v20  }
0x50f: {  	s13 =	sshra.s32 s6, $0xC;
	s19 =	sshrl.u32 s3, $0x1F;
	v19 =	vsel vm2, s18, v19;
	v21 =	vsel vm0, s9, v21;
	v14 =	vsel vm15, s4, v22;
	s30 =	spop (v2sf)  }
0x510: {  	s24 =	sshra.s32 s3, $0xC;
	v22 =	vmul.u32 $0xFFFFD8F0, v17;
	vm15 =	vmmov vm14;
	vm14 =	vmmov vm13;
	s23 =	smulhi.u32 $0x68DB8BAD, s30;
	s10 =	spop (v2sf)  }
0x511: {  	vm2 =	vmmov vm12;
	(v2sf) =	vpush v13, $0xF;
	v19 =	vsel vm0, s20, v19;
	s15 =	spop (v2sf);
	s17 =	sshra.s32 s10, $0x1F;
	s20 =	smulhi.u32 $0x68DB8BAD, s10  }
0x512: {  	s7 =	sshra.s32 s3, $0x1F;
	v21 =	vsel vm3, s12, v21;
	v14 =	vsel vm6, s24, v14;
	vm0 =	vcmask $0x3734;
	s22 =	spop (v2sf);
	s25 =	smul.u32 $0x68DB8BAD, s17  }
0x513: {  	v19 =	vsel vm3, s26, v19;
	v21 =	vcombine.low v20, v21;
	v20 =	vsel vm6, s19, v18;
	s14 =	sshra.s32 s30, $0x1F;
	s24 =	smulhi.u32 $0x68DB8BAD, s15;
	s26 =	spop (v2sf)  }
0x514: {  	v18 =	vadd.s32 v12, v22;
	v15 =	vcombine.low v16, v19;
	v16 =	vsel vm0, s7, v14;
	s0 =	sshra.s32 s15, $0x1F;
	s31 =	smulhi.u32 $0x68DB8BAD, s22;
	s4 =	spop (v2sf)  }
0x515: {  	vm13 =	vne.s32 v18, $0x0;
	vm0 =	vcmask $0x1714;
	vm12 =	vlt.s32 v18, $0x0;
	s16 =	sshra.s32 s22, $0x1F;
	s5 =	smulhi.u32 $0x68DB8BAD, s26;
	s1 =	spop (v2sf)  }
0x516: {  	v19 =	vadd.s32 $0x2710, v18;
	(v2sf) =	vpush v13, $0xA;
	v16 =	vsel vm7, s13, v16;
	s30 =	sshra.s32 s26, $0x1F;
	s13 =	sadd.s32 s25, s20;
	s29 =	spop (v2sf)  }
0x517: {  	v14 =	vperm.xlane v21, v3;
	vm7 =	vcmask $0x1F1C;
	(v2sf) =	vpush v13, $0xE;
	s26 =	sshra.s32 s4, $0x1F;
	s17 =	smul.u32 $0x68DB8BAD, s30;
	s18 =	spop (v2sf)  }
.LBB2_29:
0x518: {  	s11 =	sshra.s32 s1, $0x1F;
	s3 =	smulhi.u32 $0x68DB8BAD, s18  }
0x519: {  	s20 =	smov.u32 s2;
	s6 =	rddreg [dreg:$0x6];
	s7 =	smul.u32 $0x68DB8BAD, s0  }
0x51a: {  	s19 =	smov.u32 s28;
	s22 =	sadd.s32 $0x40, s2;
	s9 =	smulhi.u32 $0x68DB8BAD, s1  }
0x51b: {  	s12 =	smul.u32 $0x68DB8BAD, s16;
	p6 =	sne.s32 s2, $0x3C0;
	[dreg:$0x6] =	wrdreg s19  }
0x51c: {  	s2 =	smul.u32 $0x68DB8BAD, s26;
	s15 =	smov.u32 s6;
	[dreg:$0xc] =	wrdreg s22  }
0x51d: {  	s22 =	smulhi.u32 $0x68DB8BAD, s4;
	s28 =	sshra.s32 s20, $0x2;
	[dreg:$0x10] =	wrdreg s3  }
0x51e: {  	s11 =	smul.u32 $0x68DB8BAD, s11;
	[dreg:$0xb] =	wrdreg s15;
	s3 =	sadd.s32 s17, s5  }
0x51f: {  	v20 =	vsel vm4, s21, v20;
	vm13 =	vmand vm10, vm13;
	vm10 =	vmmov vm9;
	s5 =	sshra.s32 s29, $0x1F;
	s7 =	sadd.s32 s7, s24;
	s29 =	smulhi.u32 $0x68DB8BAD, s29  }
0x520: {  	vm9 =	vmmov vm11;
	v17 =	vadd.s32 v10, v17;
	v21 =	vsel vm13, $0xFFFFFFFF, v2;
	s24 =	sadd.s32 s12, s31;
	s12 =	simm.s32 $0x0;
	s15 =	smul.u32 $0x68DB8BAD, s14  }
0x521: {  	vm11 =	vgt.s32 v12, $0xEA5FF;
	v12 =	vmovc v11;
	v11 =	vmovc v13;
	v13 =	vsel vm12, v19, v18;
	v17 =	vadd.s32 v21, v17;
	s21 =	sshrl.u32 s3, $0x1F;
	s1 =	sshrl.u32 s7, $0x1F;
	s31 =	sshra.s32 s7, $0xC  }
0x522: {  	v17 =	vsel vm11, $0x0, v17;
	s14 =	sshrl.u32 s24, $0x1F;
	s20 =	sadd.s32 s2, s22;
	s8 =	spop (v2sf)  }
0x523: {  	s22 =	sshra.s32 s24, $0x1F;
	s5 =	smul.u32 $0x68DB8BAD, s5;
	s25 =	spop (v2sf)  }
0x524: {  	s7 =	sshra.s32 s7, $0x1F;
	[dreg:$0xf] =	wrdreg s21;
	s4 =	spop (v2sf)  }
0x525: {  	s21 =	sshra.s32 s18, $0x1F;
	s18 =	sshra.s32 s13, $0x1F;
	s0 =	spop (v2sf)  }
0x526: {  	s2 =	sshra.s32 s20, $0x1F;
	v18 =	vld.idx.msk [tilespmem:v13+s12+$0x0], $0xffff;
	v19 =	vmov s18;
	s18 =	sshra.s32 s20, $0xC;
	s19 =	spop (v2sf);
	(v2sf) =	vpush v11, $0x6  }
0x527: {  	v17 =	vld.idx.msk [tilespmem:v17+s12+$0x0], $0xffff;
	s12 =	sadd.s32 s15, s23;
	s6 =	sshra.s32 s8, $0x1F;
	s8 =	smulhi.u32 $0x68DB8BAD, s8  }
0x528: {  	v13 =	vld [tilespmem:s28+$0x10420];
	s23 =	sshrl.u32 s20, $0x1F;
	s10 =	sshra.s32 s25, $0x1F;
	s6 =	smul.u32 $0x68DB8BAD, s6  }
0x529: {  	s15 =	sshra.s32 s12, $0x1F;
	s20 =	sshra.s32 s12, $0xC;
	s10 =	smul.u32 $0x68DB8BAD, s10  }
0x52a: {  	s30 =	smulhi.u32 $0x68DB8BAD, s0;
	s6 =	sadd.s32 s6, s8;
	s8 =	sadd.s32 s11, s9  }
0x52b: {  	s9 =	sshrl.u32 s12, $0x1F;
	s12 =	smulhi.u32 $0x68DB8BAD, s4;
	s0 =	sshra.s32 s0, $0x1F  }
0x52c: {  	s5 =	sadd.s32 s5, s29;
	v18 =	vmul.f32 v18, v7;
	s26 =	spop (v2sf);
	s0 =	smul.u32 $0x68DB8BAD, s0  }
0x52d: {  	v19 =	vsel vm2, s20, v19;
	s20 =	sshra.s32 s5, $0x1F;
	s17 =	sshra.s32 s4, $0x1F;
	v17 =	vmul.f32 v17, v8;
	(v2sf) =	vpush v13, $0x0;
	s16 =	smulhi.u32 $0x68DB8BAD, s26  }
0x52e: {  	vm12 =	vcmask $0xB08;
	[dreg:$0x11] =	wrdreg s30;
	s30 =	sshra.s32 s19, $0x1F;
	s19 =	smulhi.u32 $0x68DB8BAD, s19;
	(v2sf) =	vpush v13, $0x7  }
0x52f: {  	v19 =	vsel vm14, s15, v19;
	s11 =	sshra.s32 s8, $0xC;
	s8 =	sshrl.u32 s8, $0x1F;
	v17 =	vadd.f32 v17, v18;
	v18 =	vmov s9;
	s9 =	smulhi.u32 $0x68DB8BAD, s25  }
0x530: {  	v19 =	vsel vm12, s31, v19;
	s15 =	sshra.s32 s26, $0x1F;
	s25 =	sshrl.u32 s6, $0x1F;
	s26 =	smul.u32 $0x68DB8BAD, s30;
	(v2sf) =	vpush v13, $0x1  }
0x531: {  	vm13 =	vcmask $0x1310;
	v19 =	vsel vm15, s7, v19;
	s6 =	sshra.s32 s6, $0xC;
	s30 =	sshra.s32 s24, $0xC;
	s24 =	smul.u32 $0x68DB8BAD, s15;
	v18 =	vnsel vm2, $0x0, v18  }
0x532: {  	s15 =	rddreg [dreg:$0x7];
	(v2sf) =	vpush v13, $0x2;
	v19 =	vsel vm13, s30, v19;
	v18 =	vsel vm12, s1, v18;
	s30 =	smul.u32 $0x68DB8BAD, s21;
	s1 =	sadd.s32 s10, s9  }
0x533: {  	s4 =	sadd.s32 s26, s19;
	(v2sf) =	vpush v13, $0xD;
	s19 =	smul.u32 $0x68DB8BAD, s17;
	v19 =	vsel vm0, s22, v19;
	s22 =	sshra.s32 s5, $0xC  }
0x534: {  	v16 =	vperm.xlane v16, v5;
	v15 =	vperm.xlane v15, v3;
	v17 =	vadd.f32 v17, v9;
	s10 =	sshrl.u32 s1, $0x1F;
	s16 =	sadd.s32 s24, s16;
	s5 =	sshrl.u32 s5, $0x1F  }
0x535: {  	v20 =	vperm.xlane v20, v5;
	v19 =	vsel vm3, s22, v19;
	s9 =	sshrl.u32 s4, $0x1F;
	s22 =	sshra.s32 s1, $0xC;
	s26 =	spop (v2sf);
	(v2sf) =	vpush v13, $0x5  }
0x536: {  	v15 =	vsel vm8, v16, v15;
	v17 =	vsel vm11, $0x0, v17;
	s4 =	sshra.s32 s4, $0xC;
	s1 =	sshra.s32 s1, $0x1F;
	s7 =	sadd.s32 s19, s12;
	(v2sf) =	vpush v13, $0x8  }
0x537: {  	v19 =	vsel vm7, s20, v19;
	[tilespmem:s15+$0x10320] =	vst v17;
	s20 =	rddreg [dreg:$0x10];
	v17 =	vsel vm13, s14, v18;
	s14 =	sshra.s32 s3, $0xC;
	s12 =	sshrl.u32 s16, $0x1F;
	(v2sf) =	vpush v13, $0x3  }
0x538: {  	v14 =	vsel vm8, v20, v14;
	v16 =	vmov s8;
	s15 =	sadd.s32 s30, s20;
	s20 =	sshra.s32 s16, $0xC;
	s30 =	rddreg [dreg:$0x11];
	(v2sf) =	vpush v13, $0xB  }
0x539: {  	v20 =	vmov s11;
	v16 =	vsel vm12, s25, v16;
	v17 =	vsel vm3, s5, v17;
	s24 =	sshrl.u32 s7, $0x1F;
	s25 =	sshrl.u32 s15, $0x1F;
	s0 =	sadd.s32 s0, s30  }
0x53a: {  	vm11 =	vlt.s32 v13, $0x1;
	v17 =	vsel vm1, s10, v17;
	v18 =	vmov s24;
	s24 =	rddreg [dreg:$0xf];
	s16 =	sshra.s32 s0, $0xC;
	s3 =	sshrl.u32 s0, $0x1F  }
0x53b: {  	v16 =	vsel vm13, s9, v16;
	v21 =	vsel vm5, s23, v17;
	v17 =	vsel vm12, s6, v20;
	s21 =	smulhi.u32 $0x68DB8BAD, s26;
	s17 =	sshra.s32 s26, $0x1F;
	s26 =	sshra.s32 s15, $0xC  }
0x53c: {  	v19 =	vsel vm1, s22, v19;
	v16 =	vsel vm3, s25, v16;
	v17 =	vsel vm13, s4, v17;
	s15 =	sshra.s32 s7, $0xC;
	s22 =	spop (v2sf);
	s5 =	smul.u32 $0x68DB8BAD, s17  }
0x53d: {  	s7 =	sshra.s32 s13, $0xC;
	v20 =	vmov s15;
	v22 =	vsel vm3, s26, v17;
	v17 =	vsel vm12, s24, v18;
	s23 =	smulhi.u32 $0x68DB8BAD, s22;
	s30 =	spop (v2sf)  }
0x53e: {  	v18 =	vsel vm12, s14, v20;
	v17 =	vsel vm13, s12, v17;
	vm12 =	vcmask $0x2724;
	s14 =	sshra.s32 s22, $0x1F;
	s8 =	sshra.s32 s30, $0x1F;
	s15 =	smulhi.u32 $0x68DB8BAD, s30  }
0x53f: {  	(v2sf) =	vpush v13, $0x9;
	s5 =	sadd.s32 s5, s21;
	s21 =	sshrl.u32 s13, $0x1F;
	v18 =	vsel vm13, s20, v18;
	v19 =	vsel vm12, s1, v19;
	s13 =	spop (v2sf)  }
0x540: {  	v20 =	vsel vm3, s3, v17;
	v17 =	vadd.s32 v14, v15;
	s19 =	smul.u32 $0x68DB8BAD, s8;
	vm12 =	vcmask $0x2F2C;
	s9 =	sshrl.u32 s5, $0x1F;
	s17 =	sshra.s32 s5, $0xC  }
0x541: {  	(v2sf) =	vpush v13, $0x4;
	s25 =	sshra.s32 s5, $0x1F;
	v19 =	vsel vm5, s18, v19;
	s18 =	spop (v2sf);
	v18 =	vsel vm3, s16, v18;
	s24 =	smulhi.u32 $0x68DB8BAD, s13  }
0x542: {  	s0 =	sshra.s32 s13, $0x1F;
	v14 =	vcombine.low v16, v20;
	(v2sf) =	vpush v13, $0xC;
	s20 =	spop (v2sf);
	v15 =	vcombine.low v22, v18;
	s31 =	smulhi.u32 $0x68DB8BAD, s18  }
.Ltmp19:
0x543: {  	s16 =	sshra.s32 s18, $0x1F;
	v16 =	vsel vm12, s2, v19;
	v18 =	vmul.u32 $0xFFFFD8F0, v17;
	vm12 =	vcmask $0x3734;
	s2 =	rddreg [dreg:$0xc];
	(pc) =	sbr.rel @p6 .LBB2_29-.Ltmp19, $4  }
0x544: {  	s13 =	sadd.s32 s19, s15;
	v20 =	vsel vm6, s9, v21;
	(v2sf) =	vpush v13, $0xF;
	s5 =	smulhi.u32 $0x68DB8BAD, s20;
	v16 =	vsel vm6, s17, v16;
	s4 =	spop (v2sf)  }
0x545: {  	s22 =	sshra.s32 s20, $0x1F;
	v14 =	vperm.xlane v14, v3;
	(v2sf) =	vpush v13, $0xA;
	v16 =	vsel vm12, s25, v16;
	s25 =	rddreg [dreg:$0xb];
	s1 =	spop (v2sf)  }
0x546: {  	s17 =	smul.u32 $0x68DB8BAD, s22;
	v18 =	vadd.s32 v12, v18;
	(v2sf) =	vpush v13, $0xE;
	v16 =	vsel vm4, s7, v16;
	s30 =	smov.u32 s25;
	s29 =	spop (v2sf)  }
0x547: {  	vm13 =	vne.s32 v18, $0x0;
	vm12 =	vlt.s32 v18, $0x0;
	v19 =	vadd.s32 $0x2710, v18;
	[dreg:$0x7] =	wrdreg s30;
	s26 =	sshra.s32 s4, $0x1F;
	s18 =	spop (v2sf)  }
0x548: {  	s6 =	smulhi.u32 $0x68DB8BAD, s18  }
0x549: {  	s0 =	smul.u32 $0x68DB8BAD, s0  }
0x54a: {  	s10 =	smulhi.u32 $0x68DB8BAD, s4  }
0x54b: {  	s12 =	smulhi.u32 $0x68DB8BAD, s1  }
0x54c: {  	s15 =	smul.u32 $0x68DB8BAD, s16  }
0x54d: {  	s26 =	smul.u32 $0x68DB8BAD, s26  }
0x54e: {  	s22 =	smulhi.u32 $0x68DB8BAD, s29  }
0x54f: {  	s1 =	sshra.s32 s1, $0x1F;
	s14 =	smul.u32 $0x68DB8BAD, s14  }
0x550: {  	s2 =	sadd.s32 s17, s5;
	s25 =	sshra.s32 s29, $0x1F;
	s1 =	smul.u32 $0x68DB8BAD, s1  }
0x551: {  	s5 =	smul.u32 $0x68DB8BAD, s25;
	s19 =	sadd.s32 s0, s24;
	s15 =	sadd.s32 s15, s31  }
0x552: {  	s0 =	sadd.s32 s26, s10;
	s14 =	sadd.s32 s14, s23;
	s24 =	sshra.s32 s13, $0x1F  }
0x553: {  	s12 =	sadd.s32 s1, s12;
	s25 =	sshra.s32 s14, $0xC;
	s8 =	spop (v2sf)  }
0x554: {  	s26 =	sshra.s32 s14, $0x1F;
	s16 =	smulhi.u32 $0x68DB8BAD, s8;
	s8 =	sshra.s32 s8, $0x1F  }
0x555: {  	v20 =	vsel vm4, s21, v20;
	v16 =	vperm.xlane v16, v5;
	v21 =	vmov s24;
	s5 =	sadd.s32 s5, s22;
	s9 =	spop (v2sf);
	s8 =	smul.u32 $0x68DB8BAD, s8  }
0x556: {  	v15 =	vperm.xlane v15, v3;
	v20 =	vperm.xlane v20, v5;
	s22 =	sshrl.u32 s19, $0x1F;
	v21 =	vsel vm2, s25, v21;
	s11 =	spop (v2sf);
	s25 =	smulhi.u32 $0x68DB8BAD, s9  }
0x557: {  	vm10 =	vmand vm10, vm13;
	v17 =	vadd.s32 v10, v17;
	s24 =	sshra.s32 s19, $0x1F;
	s10 =	sshra.s32 s11, $0x1F;
	s11 =	smulhi.u32 $0x68DB8BAD, s11  }
0x558: {  	v23 =	vsel vm10, $0xFFFFFFFF, v2;
	v15 =	vsel vm8, v16, v15;
	s14 =	sshrl.u32 s14, $0x1F;
	v14 =	vsel vm8, v20, v14;
	s4 =	spop (v2sf);
	s10 =	smul.u32 $0x68DB8BAD, s10  }
0x559: {  	v14 =	vadd.s32 v14, v15;
	v21 =	vsel vm14, s26, v21;
	s26 =	sshra.s32 s15, $0xC;
	(v2sf) =	vpush v13, $0x6;
	s7 =	smulhi.u32 $0x68DB8BAD, s4;
	s3 =	spop (v2sf)  }
0x55a: {  	vm10 =	vgt.s32 v12, $0xEA5FF;
	v17 =	vadd.s32 v23, v17;
	v56 =	vmul.u32 $0xFFFFD8F0, v14;
	s20 =	sshra.s32 s9, $0x1F;
	s4 =	sshra.s32 s4, $0x1F;
	s17 =	smulhi.u32 $0x68DB8BAD, s3  }
0x55b: {  	v18 =	vsel vm12, v19, v18;
	vm9 =	vmmov vm9;
	v17 =	vsel vm10, $0x0, v17;
	s31 =	sshra.s32 s3, $0x1F;
	s3 =	sadd.s32 s8, s16;
	s16 =	smul.u32 $0x68DB8BAD, s20  }
0x55c: {  	v22 =	vmov s14;
	vm14 =	vcmask $0xB08;
	v20 =	vadd.s32 v11, v56;
	s8 =	spop (v2sf);
	s10 =	sadd.s32 s10, s11;
	s29 =	smul.u32 $0x68DB8BAD, s31  }
0x55d: {  	v22 =	vnsel vm2, $0x0, v22;
	v14 =	vadd.s32 v10, v14;
	vm12 =	vne.s32 v20, $0x0;
	s20 =	sshrl.u32 s0, $0x1F;
	s31 =	sshra.s32 s19, $0xC;
	s23 =	smulhi.u32 $0x68DB8BAD, s8  }
0x55e: {  	v22 =	vsel vm14, s22, v22;
	v58 =	vadd.s32 $0x2710, v20;
	vm9 =	vmand vm9, vm12;
	s8 =	sshra.s32 s8, $0x1F;
	s19 =	sshrl.u32 s12, $0x1F;
	s21 =	sshrl.u32 s3, $0x1F  }
0x55f: {  	vm12 =	vlt.s32 v20, $0x0;
	v57 =	vsel vm9, $0xFFFFFFFF, v2;
	vm9 =	vgt.s32 v11, $0xEA5FF;
	s12 =	sshra.s32 s12, $0xC;
	s3 =	sshra.s32 s3, $0xC;
	s8 =	smul.u32 $0x68DB8BAD, s8  }
0x560: {  	v11 =	vadd.s32 v57, v14;
	v14 =	vsel vm12, v58, v20;
	v21 =	vsel vm14, s31, v21;
	s1 =	sadd.s32 s16, s25;
	s31 =	sshra.s32 s5, $0xC;
	s16 =	sshra.s32 s18, $0x1F  }
0x561: {  	v11 =	vsel vm9, $0x0, v11;
	s18 =	sshrl.u32 s15, $0x1F;
	v47 =	vmov s19;
	v24 =	vmov s12;
	s12 =	simm.s32 $0x0;
	s9 =	sadd.s32 s29, s17  }
0x562: {  	v21 =	vsel vm15, s24, v21;
	vm15 =	vcmask $0x1310;
	s29 =	sshra.s32 s15, $0x1F;
	s17 =	sshra.s32 s5, $0x1F;
	s5 =	sshrl.u32 s5, $0x1F;
	v50 =	vsel vm14, s3, v24  }
0x563: {  	s24 =	smul.u32 $0x68DB8BAD, s16;
	v17 =	vld.idx.msk [tilespmem:v17+s12+$0x0], $0xffff;
	v21 =	vsel vm15, s26, v21;
	s8 =	sadd.s32 s8, s23;
	v46 =	vsel vm15, s18, v22;
	v22 =	vsel vm14, s21, v47;
	s23 =	sshrl.u32 s10, $0x1F  }
0x564: {  	s4 =	smul.u32 $0x68DB8BAD, s4;
	s22 =	sshrl.u32 s1, $0x1F;
	v52 =	vld.idx.msk [tilespmem:v18+s12+$0x0], $0xffff;
	s26 =	sshrl.u32 s9, $0x1F;
	v21 =	vsel vm0, s29, v21;
	v12 =	vsel vm3, s5, v46;
	v48 =	vmov s23  }
0x565: {  	s5 =	sadd.s32 s24, s6;
	v22 =	vsel vm15, s26, v22;
	s29 =	sshra.s32 s10, $0xC;
	vm0 =	vcmask $0x2724;
	v21 =	vsel vm3, s31, v21;
	s31 =	sshra.s32 s9, $0xC  }
0x566: {  	v12 =	vsel vm1, s22, v12;
	s9 =	sshrl.u32 s2, $0x1F;
	v51 =	vmov s29;
	s10 =	sshra.s32 s5, $0xC;
	s5 =	sshrl.u32 s5, $0x1F;
	v21 =	vsel vm7, s17, v21  }
0x567: {  	s25 =	sshra.s32 s1, $0xC;
	s2 =	sshra.s32 s2, $0xC;
	v12 =	vsel vm5, s20, v12;
	v23 =	vsel vm14, s9, v48;
	v22 =	vsel vm3, s5, v22  }
0x568: {  	s4 =	sadd.s32 s4, s7;
	s15 =	sshrl.u32 s8, $0x1F;
	v24 =	vsel vm14, s2, v51;
	v49 =	vsel vm1, s25, v21;
	v21 =	vsel vm15, s31, v50;
	s11 =	spop (v2sf)  }
0x569: {  	s16 =	sshra.s32 s8, $0xC;
	v23 =	vsel vm15, s15, v23;
	v17 =	vmul.f32 v17, v8;
	v16 =	vmul.f32 v52, v7;
	s14 =	smulhi.u32 $0x68DB8BAD, s11;
	s3 =	sshra.s32 s11, $0x1F  }
0x56a: {  	s1 =	sshra.s32 s1, $0x1F;
	s18 =	sshrl.u32 s4, $0x1F;
	v53 =	vsel vm15, s16, v24;
	vm1 =	vcmask $0x2F2C;
	v21 =	vsel vm3, s10, v21;
	s3 =	smul.u32 $0x68DB8BAD, s3  }
0x56b: {  	s19 =	sshra.s32 s4, $0xC;
	s17 =	sshra.s32 s0, $0xC;
	v19 =	vsel vm0, s1, v49;
	v55 =	vsel vm3, s18, v23;
	v16 =	vadd.f32 v17, v16  }
0x56c: {  	s0 =	sshra.s32 s0, $0x1F;
	v18 =	vsel vm3, s19, v53;
	v54 =	vsel vm5, s17, v19;
	v19 =	vcombine.low v22, v55;
	s3 =	sadd.s32 s3, s14  }
0x56d: {  	v59 =	vcombine.low v21, v18;
	v15 =	vsel vm1, s0, v54;
	v16 =	vadd.f32 v16, v9;
	s20 =	sshra.s32 s3, $0xC  }
0x56e: {  	vm1 =	vcmask $0x3734;
	v60 =	vperm.xlane v19, v3;
	s21 =	sshrl.u32 s3, $0x1F;
	s23 =	sshra.s32 s3, $0x1F;
	v15 =	vsel vm6, s20, v15  }
0x56f: {  	s24 =	sshra.s32 s13, $0xC;
	s22 =	sshrl.u32 s13, $0x1F;
	s25 =	rddreg [dreg:$0x7];
	v12 =	vsel vm6, s21, v12;
	v16 =	vsel vm10, $0x0, v16;
	v15 =	vsel vm1, s23, v15  }
0x570: {  	v17 =	vperm.xlane v59, v3;
	v12 =	vsel vm4, s22, v12;
	[tilespmem:s25+$0x10320] =	vst v16;
	v15 =	vsel vm4, s24, v15  }
0x571: {  	v12 =	vperm.xlane v12, v5;
	v11 =	vld.idx.msk [tilespmem:v11+s12+$0x0], $0xffff;
	v15 =	vperm.xlane v15, v5  }
0x572: {  	v14 =	vld.idx.msk [tilespmem:v14+s12+$0x0], $0xffff  }
0x573: {  	v12 =	vsel vm8, v12, v60;
	v15 =	vsel vm8, v15, v17  }
0x574: {  	v12 =	vadd.s32 v12, v15  }
0x575: {  	v15 =	vmul.u32 $0xFFFFD8F0, v12  }
0x576: {  	vm10 =	vmmov vm11  }
0x577: {  	v11 =	vmul.f32 v11, v8;
	v14 =	vmul.f32 v14, v7;
	v15 =	vadd.s32 v13, v15  }
0x578: {  	vm10 =	vmmov vm10;
	vm11 =	vne.s32 v15, $0x0  }
0x579: {  	v12 =	vadd.s32 v10, v12;
	v11 =	vadd.f32 v11, v14;
	vm10 =	vmand vm10, vm11  }
0x57a: {  	v62 =	vadd.s32 $0x2710, v15;
	vm11 =	vlt.s32 v15, $0x0;
	v61 =	vsel vm10, $0xFFFFFFFF, v2  }
0x57b: {  	vm10 =	vgt.s32 v13, $0xEA5FF;
	v13 =	vsel vm11, v62, v15;
	v12 =	vadd.s32 v61, v12  }
0x57c: {  	v11 =	vadd.f32 v11, v9;
	v12 =	vsel vm10, $0x0, v12;
	_ =	sdelay $0x1  }
0x57d: {  	s26 =	rddreg [dreg:$0x6];
	v11 =	vsel vm9, $0x0, v11  }
0x57e: {  	[tilespmem:s26+$0x10320] =	vst v11  }
0x57f: {  	v63 =	vld.idx.msk [tilespmem:v13+s12+$0x0], $0xffff  }
0x580: {  	v11 =	vld.idx.msk [tilespmem:v12+s12+$0x0], $0xffff;
	_ =	sdelay $0x4  }
0x581: {  	v12 =	vmul.f32 v63, v7;
	v11 =	vmul.f32 v11, v8;
	_ =	sdelay $0x1  }
0x582: {  	v11 =	vadd.f32 v11, v12;
	_ =	sdelay $0x1  }
0x583: {  	v11 =	vadd.f32 v11, v9;
	_ =	sdelay $0x1  }
0x584: {  	s6 =	rddreg [dreg:$0x4];
	s8 =	simm.s32 $0x100;
	v11 =	vsel vm10, $0x0, v11  }
0x585: {  	s29 =	simm.s32 $0x10320;
	s31 =	simm.s32 $0x10420;
	s20 =	simm.s32 $0x3;
	[tilespmem:s28+$0x10320] =	vst v11  }
0x586: {  	[spmem:s6] =	stream.indirect.scatter.add.f32 [tilespmem:s29], [sflag:$0x3], $0x1, s31, s8, $0xb8;
	[tilespmem:$0x1F4A0] =	vst v63  }
0x587: {  	_ =	swait.ge [sflag:s20], $0x100  }
0x588: {  	vm13 =	vmmov vm7;
	[sflag:s20] =	ssyncset.done $0x0  }
0x589: {  	s30 =	simm.s32 $0x0;
	vm4 =	vmmov vm6;
	vm11 =	vmmov vm0;
	vm10 =	vcmask $0x1714;
	[sflag:s20] =	ssyncadd.s32 $0xFFFFFF00  }
.LBB2_31:
.Ltmp20:
0x58a: {  	(pc) =	sbr.rel @p4 .LBB2_35-.Ltmp20, $4  }
0x58b: {  	_ = 	snop  }
0x58c: {  	[bflag:$0x0] =	sbarrier.arrive $0xFFFF  }
0x58d: {  	s3 =	sld [smem:$0x7F6]  }
0x58e: {  	s4 =	simm.s32 $0xFE20;
	s5 =	sld [smem:$0x7F5]  }
0x58f: {  	_ = 	snop  }
0x590: {  	s1 =	simm.s32 $0x8C80;
	s0 =	sadd.s32 $0x36B0, s3  }
0x591: {  	[tilespmem:s1], [sflag:$0x3] =	stream.indirect.gather [spmem:s6], $0x1, s0, s8, $0xb8;
	[tilespmem:$0x1F4A0] =	vst v63  }
.Ltmp21:
0x592: {  	_ =	swait.ge [sflag:s20], $0x100;
	(pc) =	sbr.rel @!p5 .LBB2_34-.Ltmp21, $2  }
0x593: {  	s2 =	sld [smem:$0x7FA];
	_ =	sdelay $0x2  }
0x594: {  	[sflag:s20] =	ssyncset.done $0x0;
	s2 =	sadd.s32 $0xFFFFFFFF, s2  }
.LBB2_33:
0x595: {  	[sflag:s20] =	ssyncadd.s32 $0xFFFFFF00  }
0x596: {  	s0 =	sadd.s32 $0x100, s0;
	s1 =	sadd.s32 $0x100, s1;
	p6 =	sne.s32 s2, $0x1  }
.Ltmp22:
0x597: {  	s2 =	sadd.s32 $0xFFFFFFFF, s2;
	(pc) =	sbr.rel @p6 .LBB2_33-.Ltmp22, $4  }
0x598: {  	_ = 	snop  }
0x599: {  	[tilespmem:s1], [sflag:$0x3] =	stream.indirect.gather [spmem:s6], $0x1, s0, s8, $0xb8;
	[tilespmem:$0x1F4A0] =	vst v63  }
0x59a: {  	_ =	swait.ge [sflag:s20], $0x100  }
0x59b: {  	[sflag:s20] =	ssyncset.done $0x0  }
.LBB2_34:
0x59c: {  	[sflag:s20] =	ssyncadd.s32 $0xFFFFFF00  }
.LBB2_35:
0x59d: {  	_ =	sdelay $0x1  }
0x59e: {  	s0 =	simm.s32 @!p3 $0x100;
	s2 =	simm.s32 @!p3 $0x10420;
	s1 =	sadd.s32 @!p3 $0x8C80, s5  }
0x59f: {  	[tilespmem:s1], [sflag:$0x3] =	stream.indirect.gather @!p3 [spmem:s6], $0x1, s2, s0, $0xb8;
	[tilespmem:$0x1F4A0] =	vst v63  }
0x5a0: {  	s1 =	simm.s32 @!p3 $0x3  }
.Ltmp23:
0x5a1: {  	_ =	swait.ge @!p3 [sflag:s1], $0x100;
	(pc) =	sbr.rel @p4 .LBB2_39-.Ltmp23, $3  }
0x5a2: {  	[sflag:s1] =	ssyncset.done @!p3 $0x0  }
0x5a3: {  	[sflag:s1] =	ssyncadd.s32 @!p3 $0xFFFFFF00  }
0x5a4: {  	[bflag:$0x0] =	sbarrier.arrive $0xFFFF;
	_ =	sdelay $0x1  }
0x5a5: {  	s3 =	sadd.s32 $0x36B0, s3  }
0x5a6: {  	[spmem:s6] =	stream.indirect.scatter.add.f32 [tilespmem:s4], [sflag:$0x3], $0x1, s3, s8, $0xb8;
	[tilespmem:$0x1F4A0] =	vst v63  }
.Ltmp24:
0x5a7: {  	_ = 	snop;
	(pc) =	sbr.rel @!p5 .LBB2_38-.Ltmp24, $3  }
0x5a8: {  	_ =	swait.ge [sflag:s20], $0x100  }
0x5a9: {  	s5 =	sld [smem:$0x7F4];
	_ =	sdelay $0x1  }
0x5aa: {  	[sflag:s20] =	ssyncset.done $0x0  }
.LBB2_37:
0x5ab: {  	p5 =	sne.s32 s5, $0x1;
	[sflag:s20] =	ssyncadd.s32 $0xFFFFFF00;
	s3 =	sadd.s32 $0x100, s3  }
.Ltmp25:
0x5ac: {  	s5 =	sadd.s32 $0xFFFFFFFF, s5;
	(pc) =	sbr.rel @p5 .LBB2_37-.Ltmp25, $4  }
0x5ad: {  	_ = 	snop  }
0x5ae: {  	[spmem:s6] =	stream.indirect.scatter.add.f32 [tilespmem:s4], [sflag:$0x3], $0x1, s3, s8, $0xb8;
	[tilespmem:$0x1F4A0] =	vst v63  }
0x5af: {  	_ =	swait.ge [sflag:s20], $0x100  }
0x5b0: {  	[sflag:s20] =	ssyncset.done $0x0  }
.LBB2_38:
0x5b1: {  	[sflag:s20] =	ssyncadd.s32 $0xFFFFFF00  }
.LBB2_39:
0x5b2: {  	s3 =	simm.s32 @!p3 $0xFE20  }
0x5b3: {  	[spmem:s6] =	stream.indirect.scatter.add.f32 @!p3 [tilespmem:s3], [sflag:$0x3], $0x1, s2, s0, $0xb8;
	[tilespmem:$0x1F4A0] =	vst v63  }
.Ltmp26:
0x5b4: {  	_ =	swait.ge @!p3 [sflag:s1], $0x100;
	(pc) =	sbr.rel @p4 .LBB2_44-.Ltmp26, $4  }
0x5b5: {  	[sflag:s1] =	ssyncset.done @!p3 $0x0  }
0x5b6: {  	[sflag:s1] =	ssyncadd.s32 @!p3 $0xFFFFFF00  }
0x5b7: {  	[bflag:$0x0] =	sbarrier.arrive $0xFFFF  }
0x5b8: {  	vm6 =	vmmov vm11;
	vm14 =	vmmov vm13  }
0x5b9: {  	s6 =	simm.s32 $0x0;
	s3 =	simm.s32 $0x8C80;
	s4 =	sld [smem:$0x7F7]  }
.LBB2_41:
0x5ba: {  	s1 =	sld [smem:$0x7F7];
	_ =	sdelay $0x1  }
0x5bb: {  	s0 =	sshll.u32 s6, $0x8  }
0x5bc: {  	s31 =	rddreg [dreg:$0x4];
	s2 =	simm.s32 $0xFF20;
	s0 =	sadd.s32 s0, s1  }
0x5bd: {  	v11 =	vmov s4;
	[tilespmem:s2], [sflag:$0x3] =	stream.indirect.gather [spmem:s31], $0x1, s0, s8, $0xb8;
	[tilespmem:$0x1F4A0] =	vst v63  }
0x5be: {  	_ =	swait.ge [sflag:s20], $0x100  }
0x5bf: {  	v12 =	vmov s3;
	[sflag:s20] =	ssyncset.done $0x0;
	[smem:$0x7DB] =	sst s4  }
0x5c0: {  	vm15 =	vcmask $0x2F2C;
	vm11 =	vcmask $0x3734;
	vm7 =	vmmov vm6;
	s2 =	simm.s32 $0x0;
	[smem:$0x7DC] =	sst s3;
	[sflag:s20] =	ssyncadd.s32 $0xFFFFFF00  }
.LBB2_42:
0x5c1: {  	s9 =	sshra.s32 s2, $0x2  }
0x5c2: {  	v13 =	vld.idx.msk [tilespmem:v11+s9+$0x0 ss:$0x1], $0xffff;
	_ =	sdelay $0x4  }
0x5c3: {  	(v2sf) =	vpush v13, $0xD;
	_ =	sdelay $0x1  }
0x5c4: {  	(v2sf) =	vpush v13, $0xC;
	_ =	sdelay $0x1  }
0x5c5: {  	(v2sf) =	vpush v13, $0xE;
	_ =	sdelay $0x1  }
0x5c6: {  	(v2sf) =	vpush v13, $0xF;
	_ =	sdelay $0x1  }
0x5c7: {  	(v2sf) =	vpush v13, $0x9;
	_ =	sdelay $0x1  }
0x5c8: {  	(v2sf) =	vpush v13, $0x8  }
0x5c9: {  	(v2sf) =	vpush v13, $0xA  }
0x5ca: {  	(v2sf) =	vpush v13, $0xB;
	_ =	sdelay $0x1  }
0x5cb: {  	(v2sf) =	vpush v13, $0x0  }
0x5cc: {  	s0 =	spop (v2sf)  }
0x5cd: {  	s1 =	smulhi.u32 $0x68DB8BAD, s0;
	s0 =	sshra.s32 s0, $0x1F  }
0x5ce: {  	(v2sf) =	vpush v13, $0x1;
	s3 =	spop (v2sf);
	s0 =	smul.u32 $0x68DB8BAD, s0  }
0x5cf: {  	s5 =	smulhi.u32 $0x68DB8BAD, s3;
	s3 =	sshra.s32 s3, $0x1F  }
0x5d0: {  	(v2sf) =	vpush v13, $0x2;
	s4 =	spop (v2sf);
	s10 =	smul.u32 $0x68DB8BAD, s3  }
0x5d1: {  	s11 =	smulhi.u32 $0x68DB8BAD, s4;
	s4 =	sshra.s32 s4, $0x1F  }
0x5d2: {  	(v2sf) =	vpush v13, $0x3;
	s26 =	spop (v2sf);
	s14 =	smul.u32 $0x68DB8BAD, s4  }
0x5d3: {  	(v2sf) =	vpush v13, $0x4;
	s15 =	smulhi.u32 $0x68DB8BAD, s26;
	s3 =	sshra.s32 s26, $0x1F  }
0x5d4: {  	(v2sf) =	vpush v13, $0x5;
	s12 =	spop (v2sf);
	s16 =	smul.u32 $0x68DB8BAD, s3  }
0x5d5: {  	(v2sf) =	vpush v13, $0x6;
	s17 =	smulhi.u32 $0x68DB8BAD, s12;
	s29 =	sshra.s32 s12, $0x1F  }
0x5d6: {  	(v2sf) =	vpush v13, $0x7;
	s28 =	spop (v2sf);
	s19 =	smul.u32 $0x68DB8BAD, s29  }
0x5d7: {  	s13 =	spop (v2sf);
	s21 =	smulhi.u32 $0x68DB8BAD, s28;
	s7 =	sshra.s32 s28, $0x1F  }
0x5d8: {  	s3 =	sadd.s32 s0, s1;
	s31 =	spop (v2sf);
	s23 =	smul.u32 $0x68DB8BAD, s7  }
0x5d9: {  	s25 =	smulhi.u32 $0x68DB8BAD, s13;
	s8 =	sshra.s32 s13, $0x1F;
	s13 =	sadd.s32 s10, s5  }
0x5da: {  	s0 =	sadd.s32 s16, s15;
	s18 =	spop (v2sf);
	s28 =	smul.u32 $0x68DB8BAD, s8  }
0x5db: {  	s30 =	smulhi.u32 $0x68DB8BAD, s31;
	s12 =	sshra.s32 s31, $0x1F;
	s31 =	sshrl.u32 s13, $0x1F  }
0x5dc: {  	s16 =	sadd.s32 s19, s17;
	s19 =	sshrl.u32 s0, $0x1F;
	s12 =	smul.u32 $0x68DB8BAD, s12  }
0x5dd: {  	s13 =	sshra.s32 s13, $0xC;
	s20 =	spop (v2sf);
	s5 =	smulhi.u32 $0x68DB8BAD, s18  }
0x5de: {  	s10 =	sshra.s32 s18, $0x1F;
	s18 =	sshrl.u32 s3, $0x1F;
	s1 =	sadd.s32 s23, s21  }
0x5df: {  	s3 =	sshra.s32 s3, $0xC;
	s22 =	spop (v2sf);
	s7 =	smul.u32 $0x68DB8BAD, s10  }
0x5e0: {  	s10 =	sadd.s32 s14, s11;
	s11 =	smulhi.u32 $0x68DB8BAD, s20;
	s14 =	sshra.s32 s20, $0x1F  }
0x5e1: {  	s15 =	sadd.s32 s28, s25;
	s24 =	spop (v2sf);
	s8 =	smul.u32 $0x68DB8BAD, s14  }
0x5e2: {  	s17 =	smulhi.u32 $0x68DB8BAD, s22;
	s22 =	sshra.s32 s22, $0x1F;
	s26 =	spop (v2sf)  }
0x5e3: {  	s20 =	sshrl.u32 s10, $0x1F;
	s21 =	smul.u32 $0x68DB8BAD, s22;
	s29 =	spop (v2sf)  }
0x5e4: {  	s22 =	smulhi.u32 $0x68DB8BAD, s24;
	s24 =	sshra.s32 s24, $0x1F;
	s4 =	spop (v2sf)  }
0x5e5: {  	s14 =	sadd.s32 s12, s30;
	s23 =	smul.u32 $0x68DB8BAD, s24;
	s25 =	spop (v2sf)  }
0x5e6: {  	s5 =	sadd.s32 s7, s5;
	s7 =	smulhi.u32 $0x68DB8BAD, s25;
	s12 =	sshra.s32 s25, $0x1F  }
0x5e7: {  	s24 =	sshrl.u32 s16, $0x1F;
	s8 =	sadd.s32 s8, s11;
	s28 =	smul.u32 $0x68DB8BAD, s12  }
0x5e8: {  	s17 =	sadd.s32 s21, s17;
	s21 =	smulhi.u32 $0x68DB8BAD, s26;
	s26 =	sshra.s32 s26, $0x1F  }
0x5e9: {  	vm2 =	vcmask $0xB08;
	vm0 =	vcmask $0x300;
	v14 =	vmov s31;
	s31 =	sshrl.u32 s5, $0x1F;
	s26 =	smul.u32 $0x68DB8BAD, s26;
	s12 =	sadd.s32 s28, s7  }
0x5ea: {  	vm1 =	vcmask $0x1310;
	vm9 =	vcmask $0x704;
	vm8 =	vcmask $0x2B28;
	s11 =	sadd.s32 s23, s22;
	s22 =	sshrl.u32 s8, $0x1F;
	s28 =	sshra.s32 s12, $0x1F  }
0x5eb: {  	v19 =	vmov s13;
	v14 =	vsel vm2, s18, v14;
	s18 =	smulhi.u32 $0x68DB8BAD, s29;
	s21 =	sadd.s32 s26, s21;
	v15 =	vmov s28;
	s28 =	sshra.s32 s5, $0xC  }
0x5ec: {  	v19 =	vsel vm2, s3, v19;
	v16 =	vmov s31;
	s26 =	sshra.s32 s29, $0x1F;
	s29 =	sshrl.u32 s17, $0x1F;
	s5 =	sshra.s32 s5, $0x1F;
	v15 =	vsel vm0, s28, v15  }
0x5ed: {  	v14 =	vsel vm1, s20, v14;
	v16 =	vnsel vm0, $0x0, v16;
	s20 =	smulhi.u32 $0x68DB8BAD, s4;
	s4 =	sshra.s32 s4, $0x1F;
	s28 =	sshra.s32 s8, $0xC;
	v15 =	vsel vm9, s5, v15  }
0x5ee: {  	v16 =	vsel vm2, s22, v16;
	s25 =	sshrl.u32 s1, $0x1F;
	s31 =	smul.u32 $0x68DB8BAD, s26;
	s8 =	sshra.s32 s8, $0x1F;
	vm0 =	vcmask $0xF0C;
	v15 =	vsel vm2, s28, v15  }
0x5ef: {  	v18 =	vld.idx.msk [tilespmem:v12+s9+$0x0 ss:$0x1], $0xffff;
	s22 =	sshra.s32 s17, $0xC;
	v16 =	vsel vm1, s29, v16;
	s4 =	smul.u32 $0x68DB8BAD, s4;
	s29 =	sshra.s32 s11, $0xC;
	v17 =	vmov s25;
	v15 =	vsel vm0, s8, v15  }
0x5f0: {  	v55 =	vld [tilespmem:s9+$0xFF20];
	v14 =	vsel vm3, s19, v14;
	s1 =	sshra.s32 s1, $0xC;
	s25 =	sshra.s32 s17, $0x1F;
	v17 =	vsel vm2, s24, v17;
	s24 =	sshrl.u32 s11, $0x1F;
	v15 =	vsel vm1, s22, v15  }
0x5f1: {  	v20 =	vmov s1;
	s26 =	sadd.s32 s31, s18;
	s18 =	sshra.s32 s16, $0xC;
	s7 =	sshrl.u32 s15, $0x1F;
	v16 =	vsel vm3, s24, v16;
	v15 =	vsel vm10, s25, v15  }
0x5f2: {  	s23 =	sshrl.u32 s14, $0x1F;
	s11 =	sshra.s32 s11, $0x1F;
	v20 =	vsel vm2, s18, v20;
	v17 =	vsel vm1, s7, v17;
	v15 =	vsel vm3, s29, v15  }
0x5f3: {  	s17 =	sshra.s32 s21, $0xC;
	s4 =	sadd.s32 s4, s20;
	s20 =	sshra.s32 s10, $0xC;
	v17 =	vsel vm3, s23, v17;
	vm0 =	vcmask $0x2320;
	v15 =	vsel vm13, s11, v15  }
0x5f4: {  	s0 =	sshra.s32 s0, $0xC;
	s19 =	sshra.s32 s21, $0x1F;
	v19 =	vsel vm1, s20, v19;
	v14 =	vcombine.low v17, v14;
	v15 =	vsel vm0, s17, v15  }
0x5f5: {  	v19 =	vsel vm3, s0, v19;
	v17 =	vsub.f32 v55, v18;
	s28 =	sshrl.u32 s21, $0x1F;
	s21 =	sshra.s32 s15, $0xC;
	s22 =	sshra.s32 s26, $0xC;
	v15 =	vsel vm7, s19, v15  }
0x5f6: {  	s24 =	sshra.s32 s26, $0x1F;
	s23 =	sshra.s32 s14, $0xC;
	v14 =	vperm.xlane v14, v3;
	v20 =	vsel vm1, s21, v20;
	v15 =	vsel vm8, s22, v15  }
0x5f7: {  	v56 =	vld [tilespmem:$0x1FFF0];
	s31 =	sshrl.u32 s26, $0x1F;
	v16 =	vsel vm0, s28, v16;
	v20 =	vsel vm3, s23, v20;
	s26 =	sshra.s32 s4, $0xC;
	v15 =	vsel vm15, s24, v15  }
0x5f8: {  	v16 =	vsel vm8, s31, v16;
	s25 =	sshrl.u32 s4, $0x1F;
	v19 =	vcombine.low v20, v19;
	s29 =	sshra.s32 s4, $0x1F;
	v15 =	vsel vm4, s26, v15  }
0x5f9: {  	s28 =	sshrl.u32 s12, $0x1F;
	s31 =	sshra.s32 s12, $0xC;
	v16 =	vsel vm4, s25, v16;
	vm0 =	vcmask $0x3B38;
	v15 =	vsel vm11, s29, v15  }
0x5fa: {  	v19 =	vperm.xlane v19, v3;
	v16 =	vsel vm0, s28, v16;
	v15 =	vsel vm0, s31, v15  }
0x5fb: {  	v17 =	vadd.f32 $5.000000000e-01, v17;
	v16 =	vperm.xlane v16, v5;
	v15 =	vperm.xlane v15, v5  }
0x5fc: {  	v57 =	vmul.f32 $2.000000030e-01, v18;
	vm9 =	vge.f32 v18, $0.0e+00;
	vm0 =	vnez.u8 v56  }
0x5fd: {  	v17 =	vtrunc.f32 v17;
	v14 =	vsel vm0, v16, v14;
	v15 =	vsel vm0, v15, v19  }
0x5fe: {  	v17 =	vcvt.f32.s32 v17;
	v16 =	vsel vm9, v18, v57;
	v14 =	vadd.s32 v14, v15  }
0x5ff: {  	v15 =	vmul.f32 $1.442695020e+00, v16;
	v58 =	vmul.u32 $0xFFFFD8F0, v14  }
0x600: {  	v17 =	vcvt.s32.f32 v17  }
0x601: {  	vm13 =	vmmov vm10;
	(erf) = vpow2.f32 v15;
	v15 =	vadd.s32 v13, v58  }
0x602: {  	vm10 =	vlt.s32 v13, $0x1;
	v59 =	vmax.f32 v17, $1.000000000e+00;
	vm9 =	vne.s32 v15, $0x0  }
0x603: {  	(erf) = vrcp.f32 v59;
	vm9 =	vmand vm10, vm9  }
0x604: {  	v14 =	vadd.s32 v10, v14;
	v60 =	vsel vm9, $0xFFFFFFFF, v2  }
0x605: {  	vm9 =	vgt.s32 v13, $0xEA5FF;
	v14 =	vadd.s32 v60, v14  }
0x606: {  	v14 =	vsel vm9, $0x0, v14;
	_ =	sdelay $0x3  }
0x607: {  	s30 =	simm.s32 $0x0;
	v61 =	vpop (erf)  }
0x608: {  	v16 =	vadd.f32 $-1.000000000e+00, v61;
	v14 =	vld.idx.msk [tilespmem:v14+s30+$0x0], $0xffff  }
0x609: {  	v63 =	vadd.s32 $0x2710, v15;
	v62 =	vpop (erf)  }
0x60a: {  	p4 =	sne.s32 s2, $0x3C0;
	vm10 =	vlt.s32 v15, $0x0;
	v13 =	vand.u32 $0x7F, v13;
	v16 =	vmul.f32 v62, v16  }
.Ltmp27:
0x60b: {  	v15 =	vsel vm10, v63, v15;
	v13 =	vadd.s32 $0x2710, v13;
	(pc) =	sbr.rel @p4 .LBB2_42-.Ltmp27, $4  }
0x60c: {  	v13 =	vsel vm9, v13, v15;
	v16 =	vsel vm9, $0x0, v16  }
0x60d: {  	[tilespmem:s9+$0x10020] =	vst v13;
	v14 =	vmul.f32 v16, v14  }
0x60e: {  	[tilespmem:s9+$0x10220] =	vst v16  }
0x60f: {  	s2 =	sadd.s32 $0x40, s2;
	vm10 =	vmmov vm13;
	vm13 =	vmmov vm14;
	[tilespmem:s9+$0x10120] =	vst v14  }
0x610: {  	s0 =	rddreg [dreg:$0x2]  }
0x611: {  	s8 =	simm.s32 $0x100;
	s1 =	simm.s32 $0x10020;
	s2 =	simm.s32 $0x10120  }
0x612: {  	[spmem:s0] =	stream.indirect.scatter.add.f32 [tilespmem:s2], [sflag:$0x1], $0x1, s1, s8, $0xb8;
	[tilespmem:$0x1F4A0] =	vst v63  }
0x613: {  	s25 =	rddreg [dreg:$0x3];
	s26 =	simm.s32 $0x10220;
	s28 =	simm.s32 $0x1  }
0x614: {  	[spmem:s25] =	stream.indirect.scatter.add.f32 [tilespmem:s26], [sflag:$0x2], $0x1, s1, s8, $0xb8;
	[tilespmem:$0x1F4A0] =	vst v63  }
0x615: {  	_ =	swait.ge [sflag:s28], $0x100  }
0x616: {  	[sflag:s28] =	ssyncset.done $0x0  }
0x617: {  	s29 =	simm.s32 $0x2;
	[sflag:s28] =	ssyncadd.s32 $0xFFFFFF00  }
0x618: {  	_ =	swait.ge [sflag:s29], $0x100  }
0x619: {  	s31 =	sld [smem:$0x7FA];
	_ =	sdelay $0x1  }
0x61a: {  	s6 =	sadd.s32 $0x1, s6  }
0x61b: {  	p4 =	sne.s32 s6, s31  }
.Ltmp28:
0x61c: {  	s3 =	sld [smem:$0x7DC];
	(pc) =	sbr.rel @p4 .LBB2_41-.Ltmp28, $3  }
0x61d: {  	s4 =	sld [smem:$0x7DB];
	_ =	sdelay $0x1  }
0x61e: {  	s20 =	simm.s32 $0x3;
	[sflag:s29] =	ssyncset.done $0x0  }
0x61f: {  	[sflag:s29] =	ssyncadd.s32 $0xFFFFFF00;
	s3 =	sadd.s32 $0x100, s3;
	s4 =	sadd.s32 $0x100, s4  }
.LBB2_44:
.Ltmp29:
0x620: {  	(pc) =	sbr.rel @p3 .LBB2_48-.Ltmp29, $1  }
0x621: {  	_ =	sdelay $0x3  }
0x622: {  	s0 =	rddreg [dreg:$0x4];
	s1 =	simm.s32 $0x10420;
	s2 =	simm.s32 $0xFF20  }
0x623: {  	[tilespmem:s2], [sflag:$0x3] =	stream.indirect.gather [spmem:s0], $0x1, s1, s8, $0xb8;
	[tilespmem:$0x1F4A0] =	vst v63  }
0x624: {  	_ =	swait.ge [sflag:s20], $0x100  }
0x625: {  	[sflag:s20] =	ssyncset.done $0x0  }
0x626: {  	s18 =	simm.s32 $0x0;
	[sflag:s20] =	ssyncadd.s32 $0xFFFFFF00  }
0x627: {  	v12 =	vld [tilespmem:s18+$0x10420];
	_ =	sdelay $0x4  }
0x628: {  	(v2sf) =	vpush v12, $0x1;
	_ =	sdelay $0x1  }
0x629: {  	(v2sf) =	vpush v12, $0x0  }
0x62a: {  	(v2sf) =	vpush v12, $0x7;
	_ =	sdelay $0x1  }
0x62b: {  	(v2sf) =	vpush v12, $0x2  }
0x62c: {  	(v2sf) =	vpush v12, $0xA;
	_ =	sdelay $0x1  }
0x62d: {  	(v2sf) =	vpush v12, $0x3  }
0x62e: {  	(v2sf) =	vpush v12, $0x4  }
0x62f: {  	(v2sf) =	vpush v12, $0x5;
	_ =	sdelay $0x2  }
0x630: {  	(v2sf) =	vpush v12, $0xC  }
0x631: {  	s19 =	simm.s32 $0x0;
	s0 =	simm.s32 $0xFFFFFFFF;
	s24 =	sld [smem:$0x7F9]  }
0x632: {  	[dreg:$0x8] =	wrdreg s19;
	s0 =	simm.s32 @!p2 $0x0;
	(v2sf) =	vpush v12, $0x8;
	s20 =	spop (v2sf)  }
0x633: {  	s0 =	sshll.u32 s0, $0xA;
	s5 =	smulhi.u32 $0x68DB8BAD, s20;
	s1 =	sshra.s32 s20, $0x1F  }
0x634: {  	s25 =	sshll.u32 s24, $0xA;
	(v2sf) =	vpush v12, $0xD;
	s4 =	spop (v2sf);
	s1 =	smul.u32 $0x68DB8BAD, s1  }
0x635: {  	s0 =	sadd.s32 s0, s25;
	(v2sf) =	vpush v12, $0xE;
	s21 =	spop (v2sf);
	s17 =	smulhi.u32 $0x68DB8BAD, s4  }
0x636: {  	s0 =	sshra.s32 s0, $0x2;
	(v2sf) =	vpush v12, $0x9;
	s29 =	sshra.s32 s4, $0x1F;
	s22 =	smulhi.u32 $0x68DB8BAD, s21  }
0x637: {  	s3 =	sshra.s32 s21, $0x1F;
	s7 =	spop (v2sf);
	s25 =	smul.u32 $0x68DB8BAD, s29  }
0x638: {  	s6 =	spop (v2sf);
	s9 =	smul.u32 $0x68DB8BAD, s3;
	s23 =	sshra.s32 s7, $0x1F  }
0x639: {  	(v2sf) =	vpush v12, $0xF;
	s7 =	smulhi.u32 $0x68DB8BAD, s7;
	s3 =	sadd.s32 $0x8C80, s0;
	s1 =	sadd.s32 s1, s5  }
0x63a: {  	s10 =	spop (v2sf);
	s12 =	smul.u32 $0x68DB8BAD, s23;
	s17 =	sadd.s32 s25, s17  }
0x63b: {  	s11 =	spop (v2sf);
	s26 =	sshra.s32 s10, $0x1F;
	s10 =	smulhi.u32 $0x68DB8BAD, s10  }
0x63c: {  	s25 =	sshra.s32 s1, $0xC;
	s13 =	spop (v2sf);
	s16 =	smul.u32 $0x68DB8BAD, s26  }
0x63d: {  	s15 =	sshra.s32 s11, $0x1F;
	s14 =	sshra.s32 s13, $0x1F;
	s13 =	smulhi.u32 $0x68DB8BAD, s13  }
0x63e: {  	s8 =	sadd.s32 s9, s22;
	s7 =	sadd.s32 s12, s7;
	s9 =	smul.u32 $0x68DB8BAD, s15  }
0x63f: {  	s15 =	sshra.s32 s8, $0x1F;
	s28 =	spop (v2sf);
	s24 =	sshra.s32 s7, $0xC  }
0x640: {  	s0 =	sshrl.u32 s7, $0x1F;
	s26 =	sshra.s32 s7, $0x1F;
	s14 =	smul.u32 $0x68DB8BAD, s14  }
0x641: {  	s18 =	sshra.s32 s28, $0x1F;
	s19 =	spop (v2sf);
	s20 =	smulhi.u32 $0x68DB8BAD, s28  }
0x642: {  	(v2sf) =	vpush v12, $0x6;
	s16 =	sadd.s32 s16, s10;
	s10 =	smulhi.u32 $0x68DB8BAD, s11;
	s11 =	simm.s32 $0x10  }
0x643: {  	s12 =	spop (v2sf);
	s22 =	smulhi.u32 $0x68DB8BAD, s19;
	s19 =	sshra.s32 s19, $0x1F  }
0x644: {  	(v2sf) =	vpush v12, $0xB;
	s5 =	sadd.s32 s9, s10;
	s10 =	smulhi.u32 $0x68DB8BAD, s12;
	s21 =	spop (v2sf)  }
0x645: {  	v13 =	vmov s15;
	s15 =	sshrl.u32 s16, $0x1F;
	s30 =	spop (v2sf);
	s23 =	smulhi.u32 $0x68DB8BAD, s21  }
0x646: {  	s13 =	sadd.s32 s14, s13;
	s21 =	sshra.s32 s21, $0x1F;
	s4 =	smulhi.u32 $0x68DB8BAD, s30  }
0x647: {  	s7 =	sshra.s32 s12, $0x1F;
	s2 =	sshra.s32 s30, $0x1F;
	s9 =	smul.u32 $0x68DB8BAD, s21  }
0x648: {  	v11 =	vld [tilespmem:s11+$0x10420];
	s30 =	simm.s32 $0x10;
	s28 =	smul.u32 $0x68DB8BAD, s2;
	s29 =	spop (v2sf)  }
0x649: {  	s21 =	sshra.s32 s1, $0x1F;
	[dreg:$0x9] =	wrdreg s30;
	s2 =	smul.u32 $0x68DB8BAD, s18  }
0x64a: {  	s30 =	sshrl.u32 s13, $0x1F;
	s14 =	smulhi.u32 $0x68DB8BAD, s29;
	s12 =	sadd.s32 s9, s23  }
0x64b: {  	[dreg:$0xa] =	wrdreg s30;
	s9 =	sshra.s32 s17, $0x1F;
	s30 =	sshra.s32 s29, $0x1F  }
0x64c: {  	s11 =	sadd.s32 s28, s4;
	s20 =	sadd.s32 s2, s20;
	s28 =	smul.u32 $0x68DB8BAD, s7  }
0x64d: {  	(v2sf) =	vpush v11, $0x1;
	s4 =	sshrl.u32 s1, $0x1F;
	s7 =	smul.u32 $0x68DB8BAD, s19;
	s2 =	sshra.s32 s17, $0xC  }
0x64e: {  	vm2 =	vcmask $0x300;
	vm9 =	vcmask $0x704;
	(v2sf) =	vpush v11, $0x0;
	s23 =	smul.u32 $0x68DB8BAD, s30;
	s1 =	sshra.s32 s13, $0x1F;
	s17 =	sshrl.u32 s17, $0x1F  }
0x64f: {  	vm0 =	vcmask $0xF0C;
	vm1 =	vcmask $0x2320;
	(v2sf) =	vpush v11, $0x7;
	s19 =	simm.s32 $0x80;
	s29 =	sshrl.u32 s11, $0x1F;
	s11 =	sshra.s32 s11, $0xC  }
0x650: {  	vm12 =	vmmov vm6;
	(v2sf) =	vpush v11, $0x2;
	v13 =	vsel vm2, s2, v13;
	s10 =	sadd.s32 s28, s10;
	s18 =	sadd.s32 s7, s22;
	s22 =	sshra.s32 s16, $0xC  }
0x651: {  	(v2sf) =	vpush v11, $0xA;
	s28 =	sshra.s32 s13, $0xC;
	v13 =	vsel vm9, s9, v13;
	s16 =	sshra.s32 s16, $0x1F;
	s7 =	spop (v2sf);
	vm9 =	vcmask $0xB08  }
0x652: {  	vm15 =	vcmask $0x2F2C;
	v15 =	vmov s17;
	s17 =	sadd.s32 s23, s14;
	s14 =	sshrl.u32 s8, $0x1F;
	v13 =	vsel vm9, s25, v13;
	s25 =	smulhi.u32 $0x68DB8BAD, s6  }
0x653: {  	vm11 =	vcmask $0x3734;
	vm5 =	vmmov vm10;
	v14 =	vmov s3;
	s6 =	sshra.s32 s6, $0x1F;
	s9 =	spop (v2sf);
	s13 =	smulhi.u32 $0x68DB8BAD, s7  }
0x654: {  	(v2sf) =	vpush v11, $0x3;
	v13 =	vsel vm0, s21, v13;
	s21 =	sshra.s32 s7, $0x1F;
	s30 =	sshra.s32 s9, $0x1F;
	vm0 =	vcmask $0x1310;
	s9 =	smulhi.u32 $0x68DB8BAD, s9  }
0x655: {  	v15 =	vnsel vm2, $0x0, v15;
	s7 =	sshra.s32 s20, $0xC;
	s20 =	sshrl.u32 s20, $0x1F;
	s6 =	smul.u32 $0x68DB8BAD, s6;
	(v2sf) =	vpush v11, $0x4;
	v13 =	vsel vm0, s24, v13  }
0x656: {  	vm2 =	vcmask $0x2B28;
	s2 =	smul.u32 $0x68DB8BAD, s30;
	s24 =	sshra.s32 s5, $0xC;
	s30 =	sshra.s32 s5, $0x1F;
	(v2sf) =	vpush v11, $0x5;
	v13 =	vsel vm10, s26, v13  }
0x657: {  	v17 =	vmov s20;
	s5 =	sshrl.u32 s5, $0x1F;
	s20 =	sshrl.u32 s12, $0x1F;
	s12 =	sshra.s32 s12, $0xC;
	(v2sf) =	vpush v11, $0xC;
	v13 =	vsel vm3, s22, v13  }
0x658: {  	v19 =	vmov s7;
	s6 =	sadd.s32 s6, s25;
	s25 =	sshrl.u32 s10, $0x1F;
	s22 =	sshra.s32 s18, $0xC;
	(v2sf) =	vpush v11, $0x8;
	v13 =	vsel vm13, s16, v13  }
0x659: {  	s7 =	smul.u32 $0x68DB8BAD, s21;
	s26 =	smov.u32 s8;
	s18 =	sshrl.u32 s18, $0x1F;
	v17 =	vsel vm9, s25, v17;
	v16 =	vmov s22;
	v13 =	vsel vm1, s24, v13  }
0x65a: {  	s23 =	sadd.s32 s2, s9;
	s9 =	sshra.s32 s10, $0xC;
	v18 =	vmov s18;
	s18 =	sshrl.u32 s17, $0x1F;
	v16 =	vsel vm9, s11, v16;
	v13 =	vsel vm6, s30, v13  }
0x65b: {  	s2 =	sshrl.u32 s23, $0x1F;
	s16 =	sshrl.u32 s6, $0x1F;
	s31 =	sshra.s32 s23, $0xC;
	v21 =	vsel vm2, s28, v13;
	v13 =	vsel vm9, s29, v18;
	v18 =	vsel vm9, s4, v15  }
0x65c: {  	s22 =	sadd.s32 s7, s13;
	v15 =	vand.u32 $0x7F, v12;
	v20 =	vsel vm0, s16, v13;
	s16 =	sshra.s32 s17, $0xC;
	v13 =	vand.u32 $0x7F, v11;
	s17 =	spop (v2sf)  }
0x65d: {  	s24 =	sshra.s32 s6, $0xC;
	s30 =	sshra.s32 s22, $0xC;
	v22 =	vsel vm0, s0, v18;
	(v2sf) =	vpush v11, $0xD;
	v18 =	vsel vm3, s2, v20;
	s21 =	spop (v2sf)  }
0x65e: {  	s28 =	sshra.s32 s22, $0x1F;
	v20 =	vsel vm9, s9, v19;
	v19 =	vsel vm15, s1, v21;
	s13 =	smulhi.u32 $0x68DB8BAD, s17;
	v22 =	vsel vm3, s15, v22;
	s29 =	spop (v2sf)  }
0x65f: {  	(v2sf) =	vpush v11, $0xE;
	s4 =	sshra.s32 s17, $0x1F;
	v21 =	vsel vm0, s20, v17;
	v23 =	vsel vm4, s30, v19;
	s25 =	sshra.s32 s29, $0x1F;
	s1 =	spop (v2sf)  }
0x660: {  	v19 =	vsel vm1, s5, v22;
	(v2sf) =	vpush v11, $0x9;
	s5 =	smulhi.u32 $0x68DB8BAD, s29;
	v17 =	vsel vm11, s28, v23;
	s11 =	sshra.s32 s1, $0x1F;
	s10 =	spop (v2sf)  }
.LBB2_46:
0x661: {  	s0 =	smulhi.u32 $0x68DB8BAD, s10  }
0x662: {  	s7 =	smul.u32 $0x68DB8BAD, s25  }
0x663: {  	s1 =	smulhi.u32 $0x68DB8BAD, s1  }
0x664: {  	s11 =	smul.u32 $0x68DB8BAD, s11  }
0x665: {  	vm2 =	vcmask $0x1310;
	s20 =	sshra.s32 s26, $0xC;
	s2 =	rddreg [dreg:$0x9];
	s4 =	smul.u32 $0x68DB8BAD, s4  }
0x666: {  	s22 =	sshrl.u32 s22, $0x1F;
	p2 =	sne.s32 s19, $0x3C0;
	v20 =	vsel vm2, s12, v20;
	s12 =	rddreg [dreg:$0x8]  }
0x667: {  	s23 =	smov.u32 s2;
	s2 =	sshra.s32 s21, $0x1F;
	[dreg:$0xd] =	wrdreg s0  }
0x668: {  	s15 =	spop (v2sf);
	s17 =	smov.u32 s12;
	[dreg:$0x8] =	wrdreg s23  }
0x669: {  	s5 =	sadd.s32 s7, s5;
	s1 =	sadd.s32 s11, s1;
	s4 =	sadd.s32 s4, s13  }
0x66a: {  	s3 =	sshra.s32 s15, $0x1F;
	s0 =	spop (v2sf);
	s9 =	smulhi.u32 $0x68DB8BAD, s15  }
0x66b: {  	v20 =	vsel vm3, s16, v20;
	[dreg:$0xe] =	wrdreg s5;
	s16 =	sshra.s32 s1, $0xC;
	s8 =	smul.u32 $0x68DB8BAD, s3  }
0x66c: {  	(v2sf) =	vpush v11, $0xF;
	s13 =	sshra.s32 s1, $0x1F;
	s3 =	sshrl.u32 s1, $0x1F;
	s1 =	smulhi.u32 $0x68DB8BAD, s21  }
0x66d: {  	v21 =	vsel vm3, s18, v21;
	v23 =	vld [tilespmem:$0x1FFF0];
	v16 =	vsel vm2, s24, v16;
	s5 =	sshra.s32 s5, $0x1F;
	s29 =	spop (v2sf);
	s21 =	smul.u32 $0x68DB8BAD, s2  }
0x66e: {  	v18 =	vcombine.low v18, v21;
	v16 =	vsel vm3, s31, v16;
	v21 =	vld.idx.msk [tilespmem:v14+s17+$0x0 ss:$0x1], $0xffff;
	s26 =	sshra.s32 s0, $0x1F;
	s0 =	smulhi.u32 $0x68DB8BAD, s0;
	s6 =	spop (v2sf)  }
0x66f: {  	vm6 =	vcmask $0x2B28;
	vm0 =	vcmask $0x3B38;
	v16 =	vcombine.low v16, v20;
	v22 =	vld [tilespmem:s17+$0xFF20];
	s23 =	sshra.s32 s29, $0x1F;
	s28 =	smulhi.u32 $0x68DB8BAD, s29;
	s29 =	rddreg [dreg:$0xa]  }
0x670: {  	s24 =	smov.u32 s19;
	v20 =	vmov s5;
	s5 =	smul.u32 $0x68DB8BAD, s23;
	s11 =	spop (v2sf);
	(v2sf) =	vpush v11, $0x6;
	v19 =	vsel vm6, s29, v19  }
0x671: {  	v17 =	vsel vm0, s20, v17;
	s30 =	sshra.s32 s4, $0xC;
	s12 =	sshra.s32 s6, $0x1F;
	s23 =	smul.u32 $0x68DB8BAD, s26;
	v19 =	vsel vm4, s22, v19  }
0x672: {  	v17 =	vperm.xlane v17, v5;
	v16 =	vperm.xlane v16, v3;
	s24 =	smulhi.u32 $0x68DB8BAD, s6;
	s20 =	sadd.s32 s8, s9;
	s29 =	sshra.s32 s19, $0x2;
	v19 =	vsel vm0, s14, v19  }
0x673: {  	v18 =	vperm.xlane v18, v3;
	s2 =	sadd.s32 s21, s1;
	s26 =	spop (v2sf);
	s22 =	sshrl.u32 s4, $0x1F;
	vm0 =	vnez.u8 v23;
	v19 =	vperm.xlane v19, v5  }
0x674: {  	(v2sf) =	vpush v11, $0xB;
	s18 =	smulhi.u32 $0x68DB8BAD, s11;
	s11 =	sshra.s32 s11, $0x1F;
	[dreg:$0x9] =	wrdreg s29;
	v16 =	vsel vm0, v17, v16;
	v17 =	vsub.f32 v22, v21  }
0x675: {  	vm10 =	vlt.s32 v12, $0x1;
	vm7 =	vmmov vm4;
	s1 =	sshra.s32 s2, $0x1F;
	s21 =	sshra.s32 s2, $0xC;
	s2 =	sshrl.u32 s2, $0x1F;
	v18 =	vsel vm0, v19, v18  }
0x676: {  	s14 =	sshra.s32 s26, $0x1F;
	s6 =	spop (v2sf);
	s28 =	sadd.s32 s5, s28;
	v19 =	vmul.f32 $2.000000030e-01, v21;
	v17 =	vadd.f32 $5.000000000e-01, v17;
	v16 =	vadd.s32 v18, v16  }
0x677: {  	vm4 =	vcmask $0x300;
	vm9 =	vge.f32 v21, $0.0e+00;
	s9 =	spop (v2sf);
	s25 =	smulhi.u32 $0x68DB8BAD, s6;
	s6 =	sshra.s32 s6, $0x1F;
	v18 =	vmul.u32 $0xFFFFD8F0, v16  }
0x678: {  	v20 =	vsel vm4, s21, v20;
	s15 =	sshrl.u32 s28, $0x1F;
	s21 =	sshra.s32 s28, $0xC;
	s14 =	smul.u32 $0x68DB8BAD, s14;
	v19 =	vsel vm9, v21, v19;
	v17 =	vtrunc.f32 v17  }
0x679: {  	s28 =	sshra.s32 s28, $0x1F;
	s8 =	sshra.s32 s9, $0x1F;
	s9 =	smulhi.u32 $0x68DB8BAD, s9;
	vm9 =	vgt.s32 v12, $0xEA5FF;
	v17 =	vcvt.f32.s32 v17;
	v18 =	vadd.s32 v12, v18;
	v12 =	vmovc v11;
	v11 =	vld [tilespmem:s29+$0x10420]  }
0x67a: {  	vm13 =	vmmov vm11;
	vm1 =	vcmask $0xB08;
	[dreg:$0xa] =	wrdreg s15;
	s15 =	sshrl.u32 s20, $0x1F;
	s6 =	smul.u32 $0x68DB8BAD, s6  }
0x67b: {  	s7 =	smul.u32 $0x68DB8BAD, s8;
	s8 =	sshra.s32 s4, $0x1F;
	v19 =	vmul.f32 $1.442695020e+00, v19;
	s5 =	spop (v2sf);
	vm11 =	vne.s32 v18, $0x0;
	v17 =	vcvt.s32.f32 v17  }
0x67c: {  	s6 =	sadd.s32 s6, s25;
	s31 =	smulhi.u32 $0x68DB8BAD, s5;
	s4 =	sshra.s32 s5, $0x1F;
	vm10 =	vmand vm10, vm11;
	vm11 =	vmmov vm13;
	vm13 =	vcmask $0x704  }
0x67d: {  	vm0 =	vcmask $0xF0C;
	s7 =	sadd.s32 s7, s9;
	s29 =	sshra.s32 s20, $0xC;
	(erf) = vpow2.f32 v19;
	s5 =	smul.u32 $0x68DB8BAD, s4;
	v19 =	vsel vm13, s1, v20  }
0x67e: {  	s4 =	sadd.s32 s23, s0;
	s1 =	sshra.s32 s20, $0x1F;
	s20 =	smulhi.u32 $0x68DB8BAD, s26;
	v17 =	vmax.f32 v17, $1.000000000e+00;
	v19 =	vsel vm1, s30, v19;
	(v2sf) =	vpush v11, $0x1  }
0x67f: {  	s0 =	sadd.s32 $0x40, s19;
	(erf) = vrcp.f32 v17;
	v17 =	vmov s2;
	s2 =	smul.u32 $0x68DB8BAD, s11;
	s23 =	spop (v2sf);
	(v2sf) =	vpush v11, $0x0  }
0x680: {  	v16 =	vadd.s32 v10, v16;
	s19 =	sshrl.u32 s4, $0x1F;
	s30 =	sshra.s32 s10, $0x1F;
	s5 =	sadd.s32 s5, s31;
	v19 =	vsel vm0, s8, v19;
	(v2sf) =	vpush v11, $0x7  }
0x681: {  	v21 =	vsel vm10, $0xFFFFFFFF, v2;
	v19 =	vsel vm2, s16, v19;
	s16 =	sshrl.u32 s7, $0x1F;
	s7 =	sshra.s32 s7, $0xC;
	s2 =	sadd.s32 s2, s18;
	(v2sf) =	vpush v11, $0x2  }
0x682: {  	vm8 =	vcmask $0x2320;
	v16 =	vadd.s32 v21, v16;
	s18 =	sshrl.u32 s5, $0x1F;
	s26 =	sshra.s32 s23, $0x1F;
	s10 =	smulhi.u32 $0x68DB8BAD, s23;
	(v2sf) =	vpush v11, $0xA  }
0x683: {  	v22 =	vadd.s32 $0x2710, v15;
	v16 =	vsel vm9, $0x0, v16;
	s23 =	smul.u32 $0x68DB8BAD, s12;
	s9 =	spop (v2sf);
	s12 =	sshra.s32 s6, $0xC;
	v19 =	vsel vm5, s13, v19  }
0x684: {  	vm10 =	vlt.s32 v18, $0x0;
	v20 =	vadd.s32 $0x2710, v18;
	s13 =	sshra.s32 s2, $0xC;
	s2 =	sshrl.u32 s2, $0x1F;
	v19 =	vsel vm3, s29, v19;
	s29 =	smul.u32 $0x68DB8BAD, s30  }
0x685: {  	v18 =	vsel vm10, v20, v18;
	v17 =	vnsel vm4, $0x0, v17;
	v20 =	vand.u32 $0x7F, v11;
	s30 =	simm.s32 $0x0;
	s8 =	sadd.s32 s23, s24;
	s24 =	sshra.s32 s9, $0x1F  }
0x686: {  	v24 =	vsel vm9, v22, v18;
	vm4 =	vmmov vm7;
	v17 =	vsel vm1, s22, v17;
	s23 =	sshrl.u32 s6, $0x1F;
	s6 =	sadd.s32 s14, s20;
	s9 =	smulhi.u32 $0x68DB8BAD, s9  }
0x687: {  	v17 =	vsel vm2, s3, v17;
	v62 =	vmov s13;
	v19 =	vsel vm14, s1, v19;
	s20 =	sshra.s32 s4, $0xC;
	s11 =	smul.u32 $0x68DB8BAD, s24;
	v21 =	vpop (erf);
	s25 =	sshra.s32 s8, $0xC  }
0x688: {  	v15 =	vmovc v13;
	v13 =	vmovc v20;
	s8 =	sshrl.u32 s8, $0x1F;
	v23 =	vld.idx.msk [tilespmem:v16+s30+$0x0], $0xffff;
	v16 =	vsel vm8, s20, v19;
	s24 =	sshra.s32 s4, $0x1F;
	v20 =	vmov s25;
	v19 =	vadd.f32 $-1.000000000e+00, v21;
	s25 =	rddreg [dreg:$0xd]  }
0x689: {  	v22 =	vmov s8;
	v25 =	vsel vm12, s24, v16;
	s8 =	smul.u32 $0x68DB8BAD, s26;
	s26 =	rddreg [dreg:$0xe];
	v16 =	vsel vm1, s7, v62;
	s7 =	sshrl.u32 s6, $0x1F;
	v18 =	vpop (erf)  }
0x68a: {  	(v2sf) =	vpush v11, $0x3;
	v21 =	vmov s2;
	s9 =	sadd.s32 s11, s9;
	s2 =	sadd.s32 s29, s25;
	s11 =	sshra.s32 s6, $0xC;
	v18 =	vmul.f32 v18, v19  }
0x68b: {  	v17 =	vsel vm3, s15, v17;
	(v2sf) =	vpush v11, $0x4;
	s14 =	sshrl.u32 s26, $0x1F;
	s24 =	sshra.s32 s2, $0xC;
	s2 =	sshrl.u32 s2, $0x1F;
	v19 =	vsel vm1, s16, v21  }
0x68c: {  	(v2sf) =	vpush v11, $0x5;
	s29 =	sshrl.u32 s9, $0x1F;
	s31 =	sshra.s32 s9, $0xC;
	s22 =	sadd.s32 s8, s10;
	v19 =	vsel vm2, s2, v19;
	v21 =	vsel vm9, $0x0, v18  }
.Ltmp30:
0x68d: {  	(v2sf) =	vpush v11, $0xC;
	s16 =	sshra.s32 s5, $0xC;
	v18 =	vsel vm3, s29, v19;
	v19 =	vmul.f32 v21, v23;
	s25 =	spop (v2sf);
	(pc) =	sbr.rel @p2 .LBB2_46-.Ltmp30, $4  }
0x68e: {  	v63 =	vsel vm6, s21, v25;
	v22 =	vsel vm1, s7, v22;
	(v2sf) =	vpush v11, $0x8;
	s9 =	sshra.s32 s22, $0x1F;
	s29 =	sshra.s32 s22, $0xC;
	[tilespmem:s17+$0x10220] =	vst v21;
	s21 =	spop (v2sf)  }
0x68f: {  	(v2sf) =	vpush v11, $0xD;
	v21 =	vsel vm15, s28, v63;
	[tilespmem:s17+$0x10120] =	vst v19;
	v19 =	vsel vm8, s19, v17;
	s19 =	smov.u32 s0;
	s13 =	smulhi.u32 $0x68DB8BAD, s25;
	s20 =	spop (v2sf)  }
0x690: {  	v20 =	vsel vm1, s11, v20;
	v23 =	vsel vm7, s29, v21;
	(v2sf) =	vpush v11, $0xE;
	s4 =	sshra.s32 s25, $0x1F;
	s25 =	sshra.s32 s20, $0x1F;
	s1 =	spop (v2sf)  }
0x691: {  	[tilespmem:s17+$0x10020] =	vst v24;
	v21 =	vsel vm2, s23, v22;
	v17 =	vsel vm11, s9, v23;
	(v2sf) =	vpush v11, $0x9;
	s5 =	smulhi.u32 $0x68DB8BAD, s20;
	s11 =	sshra.s32 s1, $0x1F;
	s10 =	spop (v2sf)  }
.Ltmp31:
0x692: {  	_ = 	snop;
	(pc) =	sbr.rel .LBB2_47-.Ltmp31, $1  }
0x693: {  	_ =	sdelay $0x3  }
.LBB2_50:
0x694: {  	_ =	sfence.sel $0x180000  }
0x695: {  	[bflag:$0x0] =	sbarrier.arrive $0xFFFF  }
0x696: {  	_ =	strace $0x90000047  }
0x697: {  	[bflag:$0x2] =	sbarrier.arrive $0xFFFF  }
0x698: {  	s0 =	rddreg [dreg:$0x5]  }
0x699: {  	s0 =	sadd.s32 @!p0 $0x100000, s0  }
0x69a: {  	[sflag:s0] =	ssyncadd.tile.s32 @!p0 $0x1;
	_ =	shalt  }
.Lfunc_end2:
_tile_overlayer_lowered:
.L_overlay_start_2:
0x69b: {  	(tag) =	ssettag $0x2  }
0x69c: {  	s0 =	rddreg [dreg:$0x0];
	s2 =	stileid.u32  }
0x69d: {  	s1 =	rddreg [dreg:$0x1];
	p0 =	sne.s32 s2, $0x0  }
0x69e: {  	s3 =	rddreg [dreg:$0x2];
	[bflag:$0x3] =	sbarrier.arrive $0xFFFF;
	s2 =	simm.s32 @!p0 $0x1C03  }
0x69f: {  	[timem:s3], [sflag:s2] =	dma.local @!p0 [hbm:s0], s1  }
0x6a0: {  	s0 =	simm.s32 @!p0 $0x3  }
0x6a1: {  	_ =	swait.ge @!p0 [sflag:s0], s1  }
0x6a2: {  	s1 =	ssub.s32 @!p0 $0x0, s1;
	[sflag:s0] =	ssyncset.done @!p0 $0x0  }
0x6a3: {  	[sflag:s0] =	ssyncadd.s32 @!p0 s1  }
0x6a4: {  	[bflag:$0x3] =	sbarrier.arrive $0xFFFF  }
0x6a5: {  	_ =	shalt  }

</sc_bundles>
